<compile_context>
chip_gen: v7x
topology: tpu7x:2x2x1
jax: 0.10.2.dev20260603
libtpu: 0.0.44.dev20260713+nightly
codegen_flags: <defaults>
</compile_context>

<pallas_src>
import functools

import jax
import jax.numpy as jnp
from jax import lax
from jax.experimental import pallas as pl
from jax.experimental.pallas import tpu as pltpu
from jax.experimental.pallas import tpu_sc as plsc

MAX_GLYPH = 5976
N_GROUPS = 16
GROUP_DIV = 384
HW = 81
P = 84
N_HP_BUCKETS = 32
N_HUNGER = 7
N_COND = 13
D = 512
B = 2048

HP_OFF = MAX_GLYPH
HUNGER_OFF = HP_OFF + 32
COND_OFF = HUNGER_OFF + 8
TAB_ROWS = COND_OFF + B

NW = 32
CH = 48
NPIECE = 4
RPIECE = (B * P) // NPIECE
RPW = RPIECE // NW
NCH = RPW // CH
NBUF = 4


DH = D // 2


def _rn16(x):
    u = lax.bitcast_convert_type(x, jnp.uint32)
    return (u + jnp.uint32(0x7FFF) + ((u >> 16) & jnp.uint32(1))) >> 16


def _pack_pair(x):
    lo = _rn16(x[..., :DH])
    hi = _rn16(x[..., DH:])
    return lax.bitcast_convert_type(lo | (hi << 16), jnp.int32)


def _fuse_body(ent_ref, grp_ref, out_ref):
    k = pl.program_id(0)
    out_ref[...] = _pack_pair(ent_ref[...] + grp_ref[pl.ds(k, 1), :])


def _fuse_table(entity_emb, group_emb):
    return pl.pallas_call(
        _fuse_body,
        grid=(N_GROUPS,),
        in_specs=[
            pl.BlockSpec((GROUP_DIV, D), lambda k: (k, 0)),
            pl.BlockSpec((N_GROUPS, D), lambda k: (0, 0)),
        ],
        out_specs=pl.BlockSpec((GROUP_DIV, DH), lambda k: (k, 0)),
        out_shape=jax.ShapeDtypeStruct((MAX_GLYPH, DH), jnp.int32),
    )(entity_emb, group_emb)


_PREP_BLK = 256


def _prep_body(vic_ref, bl_ref, cond_ref, idx_ref, econd_ref):
    pid = pl.program_id(0)
    hp = bl_ref[:, 10:11]
    maxhp = bl_ref[:, 11:12]
    num = (hp * N_HP_BUCKETS).astype(jnp.float32)
    den = jnp.maximum(maxhp, 1).astype(jnp.float32)
    bucket = jnp.clip(jnp.floor(num / den).astype(jnp.int32), 0, N_HP_BUCKETS - 1)
    hung = lax.rem(bl_ref[:, 21:22], N_HUNGER)
    rowid = pid * _PREP_BLK + lax.broadcasted_iota(jnp.int32, (_PREP_BLK, 1), 0)
    idx_ref[...] = jnp.concatenate(
        [vic_ref[...], HP_OFF + bucket, HUNGER_OFF + hung, COND_OFF + rowid],
        axis=1,
    )
    cond = bl_ref[:, 25:26]
    shifts = lax.broadcasted_iota(jnp.int32, (_PREP_BLK, N_COND), 1)
    bits = ((cond >> shifts) & 1).astype(jnp.float32)
    acc = jnp.zeros((_PREP_BLK, D), jnp.float32)
    for k in range(N_COND):
        acc = acc + bits[:, k : k + 1] * cond_ref[k : k + 1, :]
    econd_ref[...] = _pack_pair(acc)


def _prep(vicinity2d, blstats, cond_emb):
    grid = (B // _PREP_BLK,)
    return pl.pallas_call(
        _prep_body,
        grid=grid,
        in_specs=[
            pl.BlockSpec((_PREP_BLK, HW), lambda k: (k, 0)),
            pl.BlockSpec((_PREP_BLK, 27), lambda k: (k, 0)),
            pl.BlockSpec((N_COND, D), lambda k: (0, 0)),
        ],
        out_specs=[
            pl.BlockSpec((_PREP_BLK, P), lambda k: (k, 0)),
            pl.BlockSpec((_PREP_BLK, DH), lambda k: (k, 0)),
        ],
        out_shape=[
            jax.ShapeDtypeStruct((B, P), jnp.int32),
            jax.ShapeDtypeStruct((B, DH), jnp.int32),
        ],
    )(vicinity2d, blstats, cond_emb)


def _sc_body(
    idx_hbm, table_hbm, out_hbm,
    idx_all, rows, gsems, osems,
):
    c = lax.axis_index("c")
    s = lax.axis_index("s")
    wid = s * 2 + c
    base = wid * RPW
    pltpu.sync_copy(idx_hbm.at[pl.ds(base, RPW)], idx_all)

    def gather(i, b):
        return pltpu.make_async_copy(
            table_hbm.at[idx_all.at[pl.ds(i * CH, CH)]], rows[b], gsems[b]
        )

    def out_copy(i, b):
        return pltpu.make_async_copy(
            rows[b], out_hbm.at[pl.ds(base + i * CH, CH), :], osems[b]
        )

    for b in range(NBUF):
        gather(b, b).start()

    def quad(i4, carry):
        for par in range(NBUF):
            i = i4 * NBUF + par
            gather(i, par).wait()
            out_copy(i, par).start()

            @pl.when(i >= 1)
            def _():
                out_copy(i - 1, (par - 1) % NBUF).wait()

            @pl.when((i >= 1) & (i + NBUF - 1 < NCH))
            def _():
                gather(i + NBUF - 1, (par - 1) % NBUF).start()
        return carry

    lax.fori_loop(0, NCH // NBUF, quad, 0)
    out_copy(NCH - 1, (NCH - 1) % NBUF).wait()


_FBB = 2048


_PBLK = RPIECE // _FBB


def _finish_piece(piece):
    off = piece * _PBLK

    def compute(g_ref, ego_ref, out_ref):
        p = (pl.program_id(0) + off) // (B // _FBB)
        u = lax.bitcast_convert_type(g_ref[...], jnp.uint32)
        a = lax.bitcast_convert_type(u << 16, jnp.float32)
        bh = lax.bitcast_convert_type(u & jnp.uint32(0xFFFF0000), jnp.float32)
        e = ego_ref[pl.ds(p, 1), :]
        out_ref[:, :DH] = a + e[:, :DH]
        out_ref[:, DH:] = bh + e[:, DH:]

    g_spec = pl.BlockSpec((_FBB, DH), lambda k: (k, 0))
    ego_spec = pl.BlockSpec((P, D), lambda k: (0, 0))
    out_spec = pl.BlockSpec((_FBB, D), lambda k: (k + off, 0))
    out_sh = jax.ShapeDtypeStruct((B * P, D), jnp.float32)
    if piece == 0:
        return pl.pallas_call(
            compute,
            grid=(_PBLK,),
            in_specs=[g_spec, ego_spec],
            out_specs=out_spec,
            out_shape=out_sh,
        )

    def body(buf_ref, g_ref, ego_ref, out_ref):
        compute(g_ref, ego_ref, out_ref)

    return pl.pallas_call(
        body,
        grid=(_PBLK,),
        in_specs=[pl.BlockSpec(memory_space=pl.ANY), g_spec, ego_spec],
        out_specs=out_spec,
        out_shape=out_sh,
        input_output_aliases={0: 0},
    )


@functools.cache
def _sc_gather():
    return pl.kernel(
        _sc_body,
        out_type=jax.ShapeDtypeStruct((RPIECE, DH), jnp.int32),
        mesh=plsc.VectorSubcoreMesh(core_axis_name="c", subcore_axis_name="s"),
        scratch_types=[
            pltpu.VMEM((RPW,), jnp.int32),
            [pltpu.VMEM((CH, DH), jnp.int32)] * NBUF,
            [pltpu.SemaphoreType.DMA] * NBUF,
            [pltpu.SemaphoreType.DMA] * NBUF,
        ],
    )


def kernel(vicinity, blstats, entity_emb, group_emb, ego_emb, hp_emb, hunger_emb, cond_emb):
    vic2d = vicinity.reshape(B, HW).astype(jnp.int32)
    fused = _fuse_table(entity_emb, group_emb)
    idx, e_cond = _prep(vic2d, blstats, cond_emb)
    small = jnp.concatenate(
        [hp_emb, hunger_emb, jnp.zeros((1, D), jnp.float32)], axis=0
    )
    lo = lax.bitcast_convert_type(small[:, :DH].astype(jnp.bfloat16), jnp.uint16)
    hi = lax.bitcast_convert_type(small[:, DH:].astype(jnp.bfloat16), jnp.uint16)
    small_p = lax.bitcast_convert_type(
        lo.astype(jnp.uint32) | (hi.astype(jnp.uint32) << 16), jnp.int32
    )
    table = jnp.concatenate([fused, small_p, e_cond], axis=0)
    ego_ext = jnp.concatenate(
        [ego_emb.reshape(HW, D), jnp.zeros((P - HW, D), jnp.float32)], axis=0
    )
    idx_pm = idx.T.reshape(B * P)
    gs = [
        _sc_gather()(lax.slice_in_dim(idx_pm, k * RPIECE, (k + 1) * RPIECE), table)
        for k in range(NPIECE)
    ]
    buf = _finish_piece(0)(gs[0], ego_ext)
    for k in range(1, NPIECE):
        buf = _finish_piece(k)(buf, gs[k], ego_ext)
    return buf.reshape(P, B, D).transpose(1, 0, 2)

# --- scband reference (transcript-rebuilt; emitter-appended) ---
"""Pipeline reference for scband-obs-embedding-46969762349577 (READ-ONLY COPY).

The authoritative reference and input builder live on the scoring server;
editing this copy changes nothing except your own understanding.
"""

import jax, jax.numpy as jnp
import numpy as np

MAX_GLYPH = 5976
N_GROUPS = 16
GROUP_DIV = 384
H = 9
W = 9
N_HP_BUCKETS = 32
N_HUNGER = 7
N_COND = 13
D = 512
B = 2048


def setup_inputs(seed: int = 0) -> dict:
    key = jax.random.key(seed)
    ks = jax.random.split(key, 8)
    vicinity = jax.random.randint(ks[0], (B, H, W), 0, MAX_GLYPH, dtype=jnp.int64) if jax.config.jax_enable_x64 else jax.random.randint(ks[0], (B, H, W), 0, MAX_GLYPH).astype(jnp.int32)
    blstats = jax.random.randint(ks[1], (B, 27), 0, 1024).astype(jnp.int32)
    scale = 0.02
    entity_emb = jax.random.normal(ks[2], (MAX_GLYPH, D), dtype=jnp.float32) * scale
    group_emb = jax.random.normal(ks[3], (N_GROUPS, D), dtype=jnp.float32) * scale
    ego_emb = jax.random.normal(ks[4], (H, W, D), dtype=jnp.float32) * scale
    hp_emb = jax.random.normal(ks[5], (N_HP_BUCKETS, D), dtype=jnp.float32) * scale
    hunger_emb = jax.random.normal(ks[6], (N_HUNGER, D), dtype=jnp.float32) * scale
    cond_emb = jax.random.normal(ks[7], (N_COND, D), dtype=jnp.float32) * scale
    return {
        'vicinity': vicinity,
        'blstats': blstats,
        'entity_emb': entity_emb,
        'group_emb': group_emb,
        'ego_emb': ego_emb,
        'hp_emb': hp_emb,
        'hunger_emb': hunger_emb,
        'cond_emb': cond_emb,
    }


def reference(vicinity, blstats, entity_emb, group_emb, ego_emb, hp_emb, hunger_emb, cond_emb):
    # --- vicinity branch: GlyphEmbedding (additive entity + group) + ego positional ---
    g = jnp.take(entity_emb, vicinity, axis=0) + jnp.take(group_emb, vicinity // GROUP_DIV, axis=0)
    g = g + ego_emb  # EgoCentricEmbedding: broadcast learned [H, W, D]
    # Rearrange '... H W F -> ... (H W) F'
    g = g.reshape(g.shape[:-3] + (H * W, D))
    # --- blstats branch: hp, hunger, condition embedders, stacked at dim=-2 ---
    hp = blstats[..., 10]
    maxhp = blstats[..., 11]
    bucket = jnp.clip((hp * N_HP_BUCKETS) // jnp.maximum(maxhp, 1), 0, N_HP_BUCKETS - 1)
    e_hp = jnp.take(hp_emb, bucket, axis=0)
    e_hunger = jnp.take(hunger_emb, blstats[..., 21] % N_HUNGER, axis=0)
    cond = blstats[..., 25]
    bits = ((cond[..., None] >> jnp.arange(N_COND)) & 1).astype(jnp.float32)
    e_cond = bits @ cond_emb
    bl = jnp.stack([e_hp, e_hunger, e_cond], axis=-2)
    # --- outer ModuleDict joins branches along dim=-2 ---
    out = jnp.concatenate([g, bl], axis=-2)  # [B, H*W + 3, D]
    return out

if __name__ == "__main__":
    import jax
    _d = setup_inputs()
    print(jax.jit(kernel)(*tuple(_d.values())))

</pallas_src>

<mosaic_0001>
#map = affine_map<(d0, d1) -> (0)>
#map1 = affine_map<(d0, d1) -> (0, 0)>
module attributes {stable_mosaic.version = 14 : i64} {
  func.func @_sc_body(%arg0: i32, %arg1: i32, %arg2: memref<43008xi32, #tpu.memory_space<hbm>>, %arg3: memref<8064x256xi32, #tpu.memory_space<hbm>>, %arg4: memref<43008x256xi32, #tpu.memory_space<hbm>>, %arg5: memref<1344xi32, #tpu.memory_space<vmem>>, %arg6: memref<48x256xi32, #tpu.memory_space<vmem>>, %arg7: memref<48x256xi32, #tpu.memory_space<vmem>>, %arg8: memref<48x256xi32, #tpu.memory_space<vmem>>, %arg9: memref<48x256xi32, #tpu.memory_space<vmem>>, %arg10: memref<!tpu.dma_semaphore, #tpu.memory_space<semaphore_mem>>, %arg11: memref<!tpu.dma_semaphore, #tpu.memory_space<semaphore_mem>>, %arg12: memref<!tpu.dma_semaphore, #tpu.memory_space<semaphore_mem>>, %arg13: memref<!tpu.dma_semaphore, #tpu.memory_space<semaphore_mem>>, %arg14: memref<!tpu.dma_semaphore, #tpu.memory_space<semaphore_mem>>, %arg15: memref<!tpu.dma_semaphore, #tpu.memory_space<semaphore_mem>>, %arg16: memref<!tpu.dma_semaphore, #tpu.memory_space<semaphore_mem>>, %arg17: memref<!tpu.dma_semaphore, #tpu.memory_space<semaphore_mem>>) attributes {dimension_semantics = [#tpu.dimension_semantics<core_parallel>, #tpu.dimension_semantics<subcore_parallel>], iteration_bounds = array<i64: 2, 16>, scalar_prefetch = 0 : i64, scratch_operands = 13 : i64, tpu.core_type = #tpu.core_type<sc_vector_subcore>, window_params = [{transform_indices = #map}, {transform_indices = #map1}, {transform_indices = #map1}]} {
    %mul3A = arith.constant 2 : i32
    %mul3A_0 = arith.muli %arg1, %mul3A : i32
    %add3A = arith.addi %mul3A_0, %arg0 : i32
    %mul3A_1 = arith.constant 1344 : i32
    %mul3A_2 = arith.muli %add3A, %mul3A_1 : i32
    "tpu.region"() ({
      %run_scoped3A = tpu.sem_alloc : memref<!tpu.dma_semaphore, #tpu.memory_space<semaphore_mem>>
      %dma_start3A_32 = tpu.memref_slice %arg2[%mul3A_2] : memref<43008xi32, #tpu.memory_space<hbm>> -> memref<1344xi32, #tpu.memory_space<hbm>>
      %dma_start3A_33 = tpu.memref_slice %arg2[%mul3A_2] : memref<43008xi32, #tpu.memory_space<hbm>> -> memref<1344xi32, #tpu.memory_space<hbm>>
      tpu.enqueue_dma source(%dma_start3A_33 : memref<1344xi32, #tpu.memory_space<hbm>>) target(%arg5 : memref<1344xi32, #tpu.memory_space<vmem>>) target_semaphore(%run_scoped3A : memref<!tpu.dma_semaphore, #tpu.memory_space<semaphore_mem>>)
      %dma_wait3A_34 = tpu.memref_slice %arg2[%mul3A_2] : memref<43008xi32, #tpu.memory_space<hbm>> -> memref<1344xi32, #tpu.memory_space<hbm>>
      %dma_wait3A_35 = tpu.memref_slice %arg2[%mul3A_2] : memref<43008xi32, #tpu.memory_space<hbm>> -> memref<1344xi32, #tpu.memory_space<hbm>>
      tpu.wait_dma2 semaphore(%run_scoped3A : memref<!tpu.dma_semaphore, #tpu.memory_space<semaphore_mem>>) src(%dma_wait3A_35 : memref<1344xi32, #tpu.memory_space<hbm>>) dst(%arg5 : memref<1344xi32, #tpu.memory_space<vmem>>)
      tpu.yield
    }) : () -> ()
    %dma_start3A = arith.constant 0 : i32
    %dma_start3A_3 = tpu.memref_slice %arg5[%dma_start3A] : memref<1344xi32, #tpu.memory_space<vmem>> -> memref<48xi32, #tpu.memory_space<vmem>>
    %dma_start3A_4 = arith.constant 0 : i32
    %dma_start3A_5 = arith.constant 0 : i32
    %dma_start3A_6 = tpu.memref_slice %arg3[%dma_start3A_4, %dma_start3A_5] : memref<8064x256xi32, #tpu.memory_space<hbm>> -> memref<8064x256xi32, #tpu.memory_space<hbm>>
    tpu.enqueue_indirect_dma source(%dma_start3A_6 : memref<8064x256xi32, #tpu.memory_space<hbm>>) target(%arg6 : memref<48x256xi32, #tpu.memory_space<vmem>>) offsets(%dma_start3A_3 : memref<48xi32, #tpu.memory_space<vmem>>) semaphore(%arg10 : memref<!tpu.dma_semaphore, #tpu.memory_space<semaphore_mem>>)
    %dma_start3A_7 = arith.constant 48 : i32
    %dma_start3A_8 = tpu.memref_slice %arg5[%dma_start3A_7] : memref<1344xi32, #tpu.memory_space<vmem>> -> memref<48xi32, #tpu.memory_space<vmem>>
    %dma_start3A_9 = arith.constant 0 : i32
    %dma_start3A_10 = arith.constant 0 : i32
    %dma_start3A_11 = tpu.memref_slice %arg3[%dma_start3A_9, %dma_start3A_10] : memref<8064x256xi32, #tpu.memory_space<hbm>> -> memref<8064x256xi32, #tpu.memory_space<hbm>>
    tpu.enqueue_indirect_dma source(%dma_start3A_11 : memref<8064x256xi32, #tpu.memory_space<hbm>>) target(%arg7 : memref<48x256xi32, #tpu.memory_space<vmem>>) offsets(%dma_start3A_8 : memref<48xi32, #tpu.memory_space<vmem>>) semaphore(%arg11 : memref<!tpu.dma_semaphore, #tpu.memory_space<semaphore_mem>>)
    %dma_start3A_12 = arith.constant 96 : i32
    %dma_start3A_13 = tpu.memref_slice %arg5[%dma_start3A_12] : memref<1344xi32, #tpu.memory_space<vmem>> -> memref<48xi32, #tpu.memory_space<vmem>>
    %dma_start3A_14 = arith.constant 0 : i32
    %dma_start3A_15 = arith.constant 0 : i32
    %dma_start3A_16 = tpu.memref_slice %arg3[%dma_start3A_14, %dma_start3A_15] : memref<8064x256xi32, #tpu.memory_space<hbm>> -> memref<8064x256xi32, #tpu.memory_space<hbm>>
    tpu.enqueue_indirect_dma source(%dma_start3A_16 : memref<8064x256xi32, #tpu.memory_space<hbm>>) target(%arg8 : memref<48x256xi32, #tpu.memory_space<vmem>>) offsets(%dma_start3A_13 : memref<48xi32, #tpu.memory_space<vmem>>) semaphore(%arg12 : memref<!tpu.dma_semaphore, #tpu.memory_space<semaphore_mem>>)
    %dma_start3A_17 = arith.constant 144 : i32
    %dma_start3A_18 = tpu.memref_slice %arg5[%dma_start3A_17] : memref<1344xi32, #tpu.memory_space<vmem>> -> memref<48xi32, #tpu.memory_space<vmem>>
    %dma_start3A_19 = arith.constant 0 : i32
    %dma_start3A_20 = arith.constant 0 : i32
    %dma_start3A_21 = tpu.memref_slice %arg3[%dma_start3A_19, %dma_start3A_20] : memref<8064x256xi32, #tpu.memory_space<hbm>> -> memref<8064x256xi32, #tpu.memory_space<hbm>>
    tpu.enqueue_indirect_dma source(%dma_start3A_21 : memref<8064x256xi32, #tpu.memory_space<hbm>>) target(%arg9 : memref<48x256xi32, #tpu.memory_space<vmem>>) offsets(%dma_start3A_18 : memref<48xi32, #tpu.memory_space<vmem>>) semaphore(%arg13 : memref<!tpu.dma_semaphore, #tpu.memory_space<semaphore_mem>>)
    %scan3A = arith.constant 0 : i32
    %scan3A_22 = arith.constant 0 : i32
    %scan3A_23 = arith.constant 7 : i32
    %scan3A_24 = arith.addi %scan3A_22, %scan3A_23 : i32
    %scan3A_25 = arith.constant 1 : i32
    scf.for %scan3A_32 = %scan3A_22 to %scan3A_24 step %scan3A_25  : i32 {
      %mul3A_33 = arith.constant 4 : i32
      %mul3A_34 = arith.muli %scan3A_32, %mul3A_33 : i32
      %add3A_35 = arith.constant 0 : i32
      %add3A_36 = arith.addi %mul3A_34, %add3A_35 : i32
      %mul3A_37 = arith.constant 48 : i32
      %mul3A_38 = arith.muli %add3A_36, %mul3A_37 : i32
      %dma_wait3A_39 = tpu.memref_slice %arg5[%mul3A_38] : memref<1344xi32, #tpu.memory_space<vmem>> -> memref<48xi32, #tpu.memory_space<vmem>>
      %dma_wait3A_40 = arith.constant 0 : i32
      %dma_wait3A_41 = arith.constant 0 : i32
      %dma_wait3A_42 = tpu.memref_slice %arg3[%dma_wait3A_40, %dma_wait3A_41] : memref<8064x256xi32, #tpu.memory_space<hbm>> -> memref<8064x256xi32, #tpu.memory_space<hbm>>
      tpu.wait_indirect_dma semaphore(%arg10 : memref<!tpu.dma_semaphore, #tpu.memory_space<semaphore_mem>>) src(%dma_wait3A_42 : memref<8064x256xi32, #tpu.memory_space<hbm>>) dst(%arg6 : memref<48x256xi32, #tpu.memory_space<vmem>>)
      %mul3A_43 = arith.constant 48 : i32
      %mul3A_44 = arith.muli %add3A_36, %mul3A_43 : i32
      %add3A_45 = arith.addi %mul3A_2, %mul3A_44 : i32
      %dma_start3A_46 = arith.constant 0 : i32
      %dma_start3A_47 = tpu.memref_slice %arg4[%add3A_45, %dma_start3A_46] : memref<43008x256xi32, #tpu.memory_space<hbm>> -> memref<48x256xi32, #tpu.memory_space<hbm>>
      %dma_start3A_48 = arith.constant 0 : i32
      %dma_start3A_49 = tpu.memref_slice %arg4[%add3A_45, %dma_start3A_48] : memref<43008x256xi32, #tpu.memory_space<hbm>> -> memref<48x256xi32, #tpu.memory_space<hbm>>
      tpu.enqueue_dma source(%arg6 : memref<48x256xi32, #tpu.memory_space<vmem>>) target(%dma_start3A_49 : memref<48x256xi32, #tpu.memory_space<hbm>>) target_semaphore(%arg14 : memref<!tpu.dma_semaphore, #tpu.memory_space<semaphore_mem>>)
      %ge3A = arith.constant 1 : i32
      %ge3A_50 = arith.cmpi sge, %add3A_36, %ge3A : i32
      %convert_element_type3A = arith.extui %ge3A_50 : i1 to i32
      %cond3A = arith.constant 0 : i32
      %cond3A_51 = arith.cmpi ne, %convert_element_type3A, %cond3A : i32
      scf.if %cond3A_51 {
        %sub3A_163 = arith.constant 1 : i32
        %sub3A_164 = arith.subi %add3A_36, %sub3A_163 : i32
        %mul3A_165 = arith.constant 48 : i32
        %mul3A_166 = arith.muli %sub3A_164, %mul3A_165 : i32
        %add3A_167 = arith.addi %mul3A_2, %mul3A_166 : i32
        %dma_wait3A_168 = arith.constant 0 : i32
        %dma_wait3A_169 = tpu.memref_slice %arg4[%add3A_167, %dma_wait3A_168] : memref<43008x256xi32, #tpu.memory_space<hbm>> -> memref<48x256xi32, #tpu.memory_space<hbm>>
        %dma_wait3A_170 = arith.constant 0 : i32
        %dma_wait3A_171 = tpu.memref_slice %arg4[%add3A_167, %dma_wait3A_170] : memref<43008x256xi32, #tpu.memory_space<hbm>> -> memref<48x256xi32, #tpu.memory_space<hbm>>
        tpu.wait_dma2 semaphore(%arg17 : memref<!tpu.dma_semaphore, #tpu.memory_space<semaphore_mem>>) src(%arg9 : memref<48x256xi32, #tpu.memory_space<vmem>>) dst(%dma_wait3A_171 : memref<48x256xi32, #tpu.memory_space<hbm>>)
      } else {
      }
      %ge3A_52 = arith.constant 1 : i32
      %ge3A_53 = arith.cmpi sge, %add3A_36, %ge3A_52 : i32
      %add3A_54 = arith.constant 4 : i32
      %add3A_55 = arith.addi %add3A_36, %add3A_54 : i32
      %sub3A = arith.constant 1 : i32
      %sub3A_56 = arith.subi %add3A_55, %sub3A : i32
      %lt3A = arith.constant 28 : i32
      %lt3A_57 = arith.cmpi slt, %sub3A_56, %lt3A : i32
      %and3A = arith.andi %ge3A_53, %lt3A_57 : i1
      %convert_element_type3A_58 = arith.extui %and3A : i1 to i32
      %cond3A_59 = arith.constant 0 : i32
      %cond3A_60 = arith.cmpi ne, %convert_element_type3A_58, %cond3A_59 : i32
      scf.if %cond3A_60 {
        %add3A_163 = arith.constant 4 : i32
        %add3A_164 = arith.addi %add3A_36, %add3A_163 : i32
        %sub3A_165 = arith.constant 1 : i32
        %sub3A_166 = arith.subi %add3A_164, %sub3A_165 : i32
        %mul3A_167 = arith.constant 48 : i32
        %mul3A_168 = arith.muli %sub3A_166, %mul3A_167 : i32
        %dma_start3A_169 = tpu.memref_slice %arg5[%mul3A_168] : memref<1344xi32, #tpu.memory_space<vmem>> -> memref<48xi32, #tpu.memory_space<vmem>>
        %dma_start3A_170 = arith.constant 0 : i32
        %dma_start3A_171 = arith.constant 0 : i32
        %dma_start3A_172 = tpu.memref_slice %arg3[%dma_start3A_170, %dma_start3A_171] : memref<8064x256xi32, #tpu.memory_space<hbm>> -> memref<8064x256xi32, #tpu.memory_space<hbm>>
        tpu.enqueue_indirect_dma source(%dma_start3A_172 : memref<8064x256xi32, #tpu.memory_space<hbm>>) target(%arg9 : memref<48x256xi32, #tpu.memory_space<vmem>>) offsets(%dma_start3A_169 : memref<48xi32, #tpu.memory_space<vmem>>) semaphore(%arg13 : memref<!tpu.dma_semaphore, #tpu.memory_space<semaphore_mem>>)
      } else {
      }
      %mul3A_61 = arith.constant 4 : i32
      %mul3A_62 = arith.muli %scan3A_32, %mul3A_61 : i32
      %add3A_63 = arith.constant 1 : i32
      %add3A_64 = arith.addi %mul3A_62, %add3A_63 : i32
      %mul3A_65 = arith.constant 48 : i32
      %mul3A_66 = arith.muli %add3A_64, %mul3A_65 : i32
      %dma_wait3A_67 = tpu.memref_slice %arg5[%mul3A_66] : memref<1344xi32, #tpu.memory_space<vmem>> -> memref<48xi32, #tpu.memory_space<vmem>>
      %dma_wait3A_68 = arith.constant 0 : i32
      %dma_wait3A_69 = arith.constant 0 : i32
      %dma_wait3A_70 = tpu.memref_slice %arg3[%dma_wait3A_68, %dma_wait3A_69] : memref<8064x256xi32, #tpu.memory_space<hbm>> -> memref<8064x256xi32, #tpu.memory_space<hbm>>
      tpu.wait_indirect_dma semaphore(%arg11 : memref<!tpu.dma_semaphore, #tpu.memory_space<semaphore_mem>>) src(%dma_wait3A_70 : memref<8064x256xi32, #tpu.memory_space<hbm>>) dst(%arg7 : memref<48x256xi32, #tpu.memory_space<vmem>>)
      %mul3A_71 = arith.constant 48 : i32
      %mul3A_72 = arith.muli %add3A_64, %mul3A_71 : i32
      %add3A_73 = arith.addi %mul3A_2, %mul3A_72 : i32
      %dma_start3A_74 = arith.constant 0 : i32
      %dma_start3A_75 = tpu.memref_slice %arg4[%add3A_73, %dma_start3A_74] : memref<43008x256xi32, #tpu.memory_space<hbm>> -> memref<48x256xi32, #tpu.memory_space<hbm>>
      %dma_start3A_76 = arith.constant 0 : i32
      %dma_start3A_77 = tpu.memref_slice %arg4[%add3A_73, %dma_start3A_76] : memref<43008x256xi32, #tpu.memory_space<hbm>> -> memref<48x256xi32, #tpu.memory_space<hbm>>
      tpu.enqueue_dma source(%arg7 : memref<48x256xi32, #tpu.memory_space<vmem>>) target(%dma_start3A_77 : memref<48x256xi32, #tpu.memory_space<hbm>>) target_semaphore(%arg15 : memref<!tpu.dma_semaphore, #tpu.memory_space<semaphore_mem>>)
      %ge3A_78 = arith.constant 1 : i32
      %ge3A_79 = arith.cmpi sge, %add3A_64, %ge3A_78 : i32
      %convert_element_type3A_80 = arith.extui %ge3A_79 : i1 to i32
      %cond3A_81 = arith.constant 0 : i32
      %cond3A_82 = arith.cmpi ne, %convert_element_type3A_80, %cond3A_81 : i32
      scf.if %cond3A_82 {
        %sub3A_163 = arith.constant 1 : i32
        %sub3A_164 = arith.subi %add3A_64, %sub3A_163 : i32
        %mul3A_165 = arith.constant 48 : i32
        %mul3A_166 = arith.muli %sub3A_164, %mul3A_165 : i32
        %add3A_167 = arith.addi %mul3A_2, %mul3A_166 : i32
        %dma_wait3A_168 = arith.constant 0 : i32
        %dma_wait3A_169 = tpu.memref_slice %arg4[%add3A_167, %dma_wait3A_168] : memref<43008x256xi32, #tpu.memory_space<hbm>> -> memref<48x256xi32, #tpu.memory_space<hbm>>
        %dma_wait3A_170 = arith.constant 0 : i32
        %dma_wait3A_171 = tpu.memref_slice %arg4[%add3A_167, %dma_wait3A_170] : memref<43008x256xi32, #tpu.memory_space<hbm>> -> memref<48x256xi32, #tpu.memory_space<hbm>>
        tpu.wait_dma2 semaphore(%arg14 : memref<!tpu.dma_semaphore, #tpu.memory_space<semaphore_mem>>) src(%arg6 : memref<48x256xi32, #tpu.memory_space<vmem>>) dst(%dma_wait3A_171 : memref<48x256xi32, #tpu.memory_space<hbm>>)
      } else {
      }
      %ge3A_83 = arith.constant 1 : i32
      %ge3A_84 = arith.cmpi sge, %add3A_64, %ge3A_83 : i32
      %add3A_85 = arith.constant 4 : i32
      %add3A_86 = arith.addi %add3A_64, %add3A_85 : i32
      %sub3A_87 = arith.constant 1 : i32
      %sub3A_88 = arith.subi %add3A_86, %sub3A_87 : i32
      %lt3A_89 = arith.constant 28 : i32
      %lt3A_90 = arith.cmpi slt, %sub3A_88, %lt3A_89 : i32
      %and3A_91 = arith.andi %ge3A_84, %lt3A_90 : i1
      %convert_element_type3A_92 = arith.extui %and3A_91 : i1 to i32
      %cond3A_93 = arith.constant 0 : i32
      %cond3A_94 = arith.cmpi ne, %convert_element_type3A_92, %cond3A_93 : i32
      scf.if %cond3A_94 {
        %add3A_163 = arith.constant 4 : i32
        %add3A_164 = arith.addi %add3A_64, %add3A_163 : i32
        %sub3A_165 = arith.constant 1 : i32
        %sub3A_166 = arith.subi %add3A_164, %sub3A_165 : i32
        %mul3A_167 = arith.constant 48 : i32
        %mul3A_168 = arith.muli %sub3A_166, %mul3A_167 : i32
        %dma_start3A_169 = tpu.memref_slice %arg5[%mul3A_168] : memref<1344xi32, #tpu.memory_space<vmem>> -> memref<48xi32, #tpu.memory_space<vmem>>
        %dma_start3A_170 = arith.constant 0 : i32
        %dma_start3A_171 = arith.constant 0 : i32
        %dma_start3A_172 = tpu.memref_slice %arg3[%dma_start3A_170, %dma_start3A_171] : memref<8064x256xi32, #tpu.memory_space<hbm>> -> memref<8064x256xi32, #tpu.memory_space<hbm>>
        tpu.enqueue_indirect_dma source(%dma_start3A_172 : memref<8064x256xi32, #tpu.memory_space<hbm>>) target(%arg6 : memref<48x256xi32, #tpu.memory_space<vmem>>) offsets(%dma_start3A_169 : memref<48xi32, #tpu.memory_space<vmem>>) semaphore(%arg10 : memref<!tpu.dma_semaphore, #tpu.memory_space<semaphore_mem>>)
      } else {
      }
      %mul3A_95 = arith.constant 4 : i32
      %mul3A_96 = arith.muli %scan3A_32, %mul3A_95 : i32
      %add3A_97 = arith.constant 2 : i32
      %add3A_98 = arith.addi %mul3A_96, %add3A_97 : i32
      %mul3A_99 = arith.constant 48 : i32
      %mul3A_100 = arith.muli %add3A_98, %mul3A_99 : i32
      %dma_wait3A_101 = tpu.memref_slice %arg5[%mul3A_100] : memref<1344xi32, #tpu.memory_space<vmem>> -> memref<48xi32, #tpu.memory_space<vmem>>
      %dma_wait3A_102 = arith.constant 0 : i32
      %dma_wait3A_103 = arith.constant 0 : i32
      %dma_wait3A_104 = tpu.memref_slice %arg3[%dma_wait3A_102, %dma_wait3A_103] : memref<8064x256xi32, #tpu.memory_space<hbm>> -> memref<8064x256xi32, #tpu.memory_space<hbm>>
      tpu.wait_indirect_dma semaphore(%arg12 : memref<!tpu.dma_semaphore, #tpu.memory_space<semaphore_mem>>) src(%dma_wait3A_104 : memref<8064x256xi32, #tpu.memory_space<hbm>>) dst(%arg8 : memref<48x256xi32, #tpu.memory_space<vmem>>)
      %mul3A_105 = arith.constant 48 : i32
      %mul3A_106 = arith.muli %add3A_98, %mul3A_105 : i32
      %add3A_107 = arith.addi %mul3A_2, %mul3A_106 : i32
      %dma_start3A_108 = arith.constant 0 : i32
      %dma_start3A_109 = tpu.memref_slice %arg4[%add3A_107, %dma_start3A_108] : memref<43008x256xi32, #tpu.memory_space<hbm>> -> memref<48x256xi32, #tpu.memory_space<hbm>>
      %dma_start3A_110 = arith.constant 0 : i32
      %dma_start3A_111 = tpu.memref_slice %arg4[%add3A_107, %dma_start3A_110] : memref<43008x256xi32, #tpu.memory_space<hbm>> -> memref<48x256xi32, #tpu.memory_space<hbm>>
      tpu.enqueue_dma source(%arg8 : memref<48x256xi32, #tpu.memory_space<vmem>>) target(%dma_start3A_111 : memref<48x256xi32, #tpu.memory_space<hbm>>) target_semaphore(%arg16 : memref<!tpu.dma_semaphore, #tpu.memory_space<semaphore_mem>>)
      %ge3A_112 = arith.constant 1 : i32
      %ge3A_113 = arith.cmpi sge, %add3A_98, %ge3A_112 : i32
      %convert_element_type3A_114 = arith.extui %ge3A_113 : i1 to i32
      %cond3A_115 = arith.constant 0 : i32
      %cond3A_116 = arith.cmpi ne, %convert_element_type3A_114, %cond3A_115 : i32
      scf.if %cond3A_116 {
        %sub3A_163 = arith.constant 1 : i32
        %sub3A_164 = arith.subi %add3A_98, %sub3A_163 : i32
        %mul3A_165 = arith.constant 48 : i32
        %mul3A_166 = arith.muli %sub3A_164, %mul3A_165 : i32
        %add3A_167 = arith.addi %mul3A_2, %mul3A_166 : i32
        %dma_wait3A_168 = arith.constant 0 : i32
        %dma_wait3A_169 = tpu.memref_slice %arg4[%add3A_167, %dma_wait3A_168] : memref<43008x256xi32, #tpu.memory_space<hbm>> -> memref<48x256xi32, #tpu.memory_space<hbm>>
        %dma_wait3A_170 = arith.constant 0 : i32
        %dma_wait3A_171 = tpu.memref_slice %arg4[%add3A_167, %dma_wait3A_170] : memref<43008x256xi32, #tpu.memory_space<hbm>> -> memref<48x256xi32, #tpu.memory_space<hbm>>
        tpu.wait_dma2 semaphore(%arg15 : memref<!tpu.dma_semaphore, #tpu.memory_space<semaphore_mem>>) src(%arg7 : memref<48x256xi32, #tpu.memory_space<vmem>>) dst(%dma_wait3A_171 : memref<48x256xi32, #tpu.memory_space<hbm>>)
      } else {
      }
      %ge3A_117 = arith.constant 1 : i32
      %ge3A_118 = arith.cmpi sge, %add3A_98, %ge3A_117 : i32
      %add3A_119 = arith.constant 4 : i32
      %add3A_120 = arith.addi %add3A_98, %add3A_119 : i32
      %sub3A_121 = arith.constant 1 : i32
      %sub3A_122 = arith.subi %add3A_120, %sub3A_121 : i32
      %lt3A_123 = arith.constant 28 : i32
      %lt3A_124 = arith.cmpi slt, %sub3A_122, %lt3A_123 : i32
      %and3A_125 = arith.andi %ge3A_118, %lt3A_124 : i1
      %convert_element_type3A_126 = arith.extui %and3A_125 : i1 to i32
      %cond3A_127 = arith.constant 0 : i32
      %cond3A_128 = arith.cmpi ne, %convert_element_type3A_126, %cond3A_127 : i32
      scf.if %cond3A_128 {
        %add3A_163 = arith.constant 4 : i32
        %add3A_164 = arith.addi %add3A_98, %add3A_163 : i32
        %sub3A_165 = arith.constant 1 : i32
        %sub3A_166 = arith.subi %add3A_164, %sub3A_165 : i32
        %mul3A_167 = arith.constant 48 : i32
        %mul3A_168 = arith.muli %sub3A_166, %mul3A_167 : i32
        %dma_start3A_169 = tpu.memref_slice %arg5[%mul3A_168] : memref<1344xi32, #tpu.memory_space<vmem>> -> memref<48xi32, #tpu.memory_space<vmem>>
        %dma_start3A_170 = arith.constant 0 : i32
        %dma_start3A_171 = arith.constant 0 : i32
        %dma_start3A_172 = tpu.memref_slice %arg3[%dma_start3A_170, %dma_start3A_171] : memref<8064x256xi32, #tpu.memory_space<hbm>> -> memref<8064x256xi32, #tpu.memory_space<hbm>>
        tpu.enqueue_indirect_dma source(%dma_start3A_172 : memref<8064x256xi32, #tpu.memory_space<hbm>>) target(%arg7 : memref<48x256xi32, #tpu.memory_space<vmem>>) offsets(%dma_start3A_169 : memref<48xi32, #tpu.memory_space<vmem>>) semaphore(%arg11 : memref<!tpu.dma_semaphore, #tpu.memory_space<semaphore_mem>>)
      } else {
      }
      %mul3A_129 = arith.constant 4 : i32
      %mul3A_130 = arith.muli %scan3A_32, %mul3A_129 : i32
      %add3A_131 = arith.constant 3 : i32
      %add3A_132 = arith.addi %mul3A_130, %add3A_131 : i32
      %mul3A_133 = arith.constant 48 : i32
      %mul3A_134 = arith.muli %add3A_132, %mul3A_133 : i32
      %dma_wait3A_135 = tpu.memref_slice %arg5[%mul3A_134] : memref<1344xi32, #tpu.memory_space<vmem>> -> memref<48xi32, #tpu.memory_space<vmem>>
      %dma_wait3A_136 = arith.constant 0 : i32
      %dma_wait3A_137 = arith.constant 0 : i32
      %dma_wait3A_138 = tpu.memref_slice %arg3[%dma_wait3A_136, %dma_wait3A_137] : memref<8064x256xi32, #tpu.memory_space<hbm>> -> memref<8064x256xi32, #tpu.memory_space<hbm>>
      tpu.wait_indirect_dma semaphore(%arg13 : memref<!tpu.dma_semaphore, #tpu.memory_space<semaphore_mem>>) src(%dma_wait3A_138 : memref<8064x256xi32, #tpu.memory_space<hbm>>) dst(%arg9 : memref<48x256xi32, #tpu.memory_space<vmem>>)
      %mul3A_139 = arith.constant 48 : i32
      %mul3A_140 = arith.muli %add3A_132, %mul3A_139 : i32
      %add3A_141 = arith.addi %mul3A_2, %mul3A_140 : i32
      %dma_start3A_142 = arith.constant 0 : i32
      %dma_start3A_143 = tpu.memref_slice %arg4[%add3A_141, %dma_start3A_142] : memref<43008x256xi32, #tpu.memory_space<hbm>> -> memref<48x256xi32, #tpu.memory_space<hbm>>
      %dma_start3A_144 = arith.constant 0 : i32
      %dma_start3A_145 = tpu.memref_slice %arg4[%add3A_141, %dma_start3A_144] : memref<43008x256xi32, #tpu.memory_space<hbm>> -> memref<48x256xi32, #tpu.memory_space<hbm>>
      tpu.enqueue_dma source(%arg9 : memref<48x256xi32, #tpu.memory_space<vmem>>) target(%dma_start3A_145 : memref<48x256xi32, #tpu.memory_space<hbm>>) target_semaphore(%arg17 : memref<!tpu.dma_semaphore, #tpu.memory_space<semaphore_mem>>)
      %ge3A_146 = arith.constant 1 : i32
      %ge3A_147 = arith.cmpi sge, %add3A_132, %ge3A_146 : i32
      %convert_element_type3A_148 = arith.extui %ge3A_147 : i1 to i32
      %cond3A_149 = arith.constant 0 : i32
      %cond3A_150 = arith.cmpi ne, %convert_element_type3A_148, %cond3A_149 : i32
      scf.if %cond3A_150 {
        %sub3A_163 = arith.constant 1 : i32
        %sub3A_164 = arith.subi %add3A_132, %sub3A_163 : i32
        %mul3A_165 = arith.constant 48 : i32
        %mul3A_166 = arith.muli %sub3A_164, %mul3A_165 : i32
        %add3A_167 = arith.addi %mul3A_2, %mul3A_166 : i32
        %dma_wait3A_168 = arith.constant 0 : i32
        %dma_wait3A_169 = tpu.memref_slice %arg4[%add3A_167, %dma_wait3A_168] : memref<43008x256xi32, #tpu.memory_space<hbm>> -> memref<48x256xi32, #tpu.memory_space<hbm>>
        %dma_wait3A_170 = arith.constant 0 : i32
        %dma_wait3A_171 = tpu.memref_slice %arg4[%add3A_167, %dma_wait3A_170] : memref<43008x256xi32, #tpu.memory_space<hbm>> -> memref<48x256xi32, #tpu.memory_space<hbm>>
        tpu.wait_dma2 semaphore(%arg16 : memref<!tpu.dma_semaphore, #tpu.memory_space<semaphore_mem>>) src(%arg8 : memref<48x256xi32, #tpu.memory_space<vmem>>) dst(%dma_wait3A_171 : memref<48x256xi32, #tpu.memory_space<hbm>>)
      } else {
      }
      %ge3A_151 = arith.constant 1 : i32
      %ge3A_152 = arith.cmpi sge, %add3A_132, %ge3A_151 : i32
      %add3A_153 = arith.constant 4 : i32
      %add3A_154 = arith.addi %add3A_132, %add3A_153 : i32
      %sub3A_155 = arith.constant 1 : i32
      %sub3A_156 = arith.subi %add3A_154, %sub3A_155 : i32
      %lt3A_157 = arith.constant 28 : i32
      %lt3A_158 = arith.cmpi slt, %sub3A_156, %lt3A_157 : i32
      %and3A_159 = arith.andi %ge3A_152, %lt3A_158 : i1
      %convert_element_type3A_160 = arith.extui %and3A_159 : i1 to i32
      %cond3A_161 = arith.constant 0 : i32
      %cond3A_162 = arith.cmpi ne, %convert_element_type3A_160, %cond3A_161 : i32
      scf.if %cond3A_162 {
        %add3A_163 = arith.constant 4 : i32
        %add3A_164 = arith.addi %add3A_132, %add3A_163 : i32
        %sub3A_165 = arith.constant 1 : i32
        %sub3A_166 = arith.subi %add3A_164, %sub3A_165 : i32
        %mul3A_167 = arith.constant 48 : i32
        %mul3A_168 = arith.muli %sub3A_166, %mul3A_167 : i32
        %dma_start3A_169 = tpu.memref_slice %arg5[%mul3A_168] : memref<1344xi32, #tpu.memory_space<vmem>> -> memref<48xi32, #tpu.memory_space<vmem>>
        %dma_start3A_170 = arith.constant 0 : i32
        %dma_start3A_171 = arith.constant 0 : i32
        %dma_start3A_172 = tpu.memref_slice %arg3[%dma_start3A_170, %dma_start3A_171] : memref<8064x256xi32, #tpu.memory_space<hbm>> -> memref<8064x256xi32, #tpu.memory_space<hbm>>
        tpu.enqueue_indirect_dma source(%dma_start3A_172 : memref<8064x256xi32, #tpu.memory_space<hbm>>) target(%arg8 : memref<48x256xi32, #tpu.memory_space<vmem>>) offsets(%dma_start3A_169 : memref<48xi32, #tpu.memory_space<vmem>>) semaphore(%arg12 : memref<!tpu.dma_semaphore, #tpu.memory_space<semaphore_mem>>)
      } else {
      }
    }
    %scan3A_26 = arith.constant 7 : i32
    %add3A_27 = arith.constant 1296 : i32
    %add3A_28 = arith.addi %mul3A_2, %add3A_27 : i32
    %dma_wait3A = arith.constant 0 : i32
    %dma_wait3A_29 = tpu.memref_slice %arg4[%add3A_28, %dma_wait3A] : memref<43008x256xi32, #tpu.memory_space<hbm>> -> memref<48x256xi32, #tpu.memory_space<hbm>>
    %dma_wait3A_30 = arith.constant 0 : i32
    %dma_wait3A_31 = tpu.memref_slice %arg4[%add3A_28, %dma_wait3A_30] : memref<43008x256xi32, #tpu.memory_space<hbm>> -> memref<48x256xi32, #tpu.memory_space<hbm>>
    tpu.wait_dma2 semaphore(%arg17 : memref<!tpu.dma_semaphore, #tpu.memory_space<semaphore_mem>>) src(%arg9 : memref<48x256xi32, #tpu.memory_space<vmem>>) dst(%dma_wait3A_31 : memref<48x256xi32, #tpu.memory_space<hbm>>)
    return
  }
}

#map = affine_map<(d0, d1) -> (0)>
#map1 = affine_map<(d0, d1) -> (0, 0)>
module attributes {stable_mosaic.version = 14 : i64} {
  func.func @_sc_body(%arg0: i32, %arg1: i32, %arg2: memref<43008xi32, #tpu.memory_space<hbm>>, %arg3: memref<8064x256xi32, #tpu.memory_space<hbm>>, %arg4: memref<43008x256xi32, #tpu.memory_space<hbm>>, %arg5: memref<1344xi32, #tpu.memory_space<vmem>>, %arg6: memref<48x256xi32, #tpu.memory_space<vmem>>, %arg7: memref<48x256xi32, #tpu.memory_space<vmem>>, %arg8: memref<48x256xi32, #tpu.memory_space<vmem>>, %arg9: memref<48x256xi32, #tpu.memory_space<vmem>>, %arg10: memref<!tpu.dma_semaphore, #tpu.memory_space<semaphore_mem>>, %arg11: memref<!tpu.dma_semaphore, #tpu.memory_space<semaphore_mem>>, %arg12: memref<!tpu.dma_semaphore, #tpu.memory_space<semaphore_mem>>, %arg13: memref<!tpu.dma_semaphore, #tpu.memory_space<semaphore_mem>>, %arg14: memref<!tpu.dma_semaphore, #tpu.memory_space<semaphore_mem>>, %arg15: memref<!tpu.dma_semaphore, #tpu.memory_space<semaphore_mem>>, %arg16: memref<!tpu.dma_semaphore, #tpu.memory_space<semaphore_mem>>, %arg17: memref<!tpu.dma_semaphore, #tpu.memory_space<semaphore_mem>>) attributes {dimension_semantics = [#tpu.dimension_semantics<core_parallel>, #tpu.dimension_semantics<subcore_parallel>], iteration_bounds = array<i64: 2, 16>, scalar_prefetch = 0 : i64, scratch_operands = 13 : i64, tpu.core_type = #tpu.core_type<sc_vector_subcore>, window_params = [{transform_indices = #map}, {transform_indices = #map1}, {transform_indices = #map1}]} {
    %mul3A = arith.constant 2 : i32
    %mul3A_0 = arith.muli %arg1, %mul3A : i32
    %add3A = arith.addi %mul3A_0, %arg0 : i32
    %mul3A_1 = arith.constant 1344 : i32
    %mul3A_2 = arith.muli %add3A, %mul3A_1 : i32
    "tpu.region"() ({
      %run_scoped3A = tpu.sem_alloc : memref<!tpu.dma_semaphore, #tpu.memory_space<semaphore_mem>>
      %dma_start3A_32 = tpu.memref_slice %arg2[%mul3A_2] : memref<43008xi32, #tpu.memory_space<hbm>> -> memref<1344xi32, #tpu.memory_space<hbm>>
      %dma_start3A_33 = tpu.memref_slice %arg2[%mul3A_2] : memref<43008xi32, #tpu.memory_space<hbm>> -> memref<1344xi32, #tpu.memory_space<hbm>>
      tpu.enqueue_dma source(%dma_start3A_33 : memref<1344xi32, #tpu.memory_space<hbm>>) target(%arg5 : memref<1344xi32, #tpu.memory_space<vmem>>) target_semaphore(%run_scoped3A : memref<!tpu.dma_semaphore, #tpu.memory_space<semaphore_mem>>)
      %dma_wait3A_34 = tpu.memref_slice %arg2[%mul3A_2] : memref<43008xi32, #tpu.memory_space<hbm>> -> memref<1344xi32, #tpu.memory_space<hbm>>
      %dma_wait3A_35 = tpu.memref_slice %arg2[%mul3A_2] : memref<43008xi32, #tpu.memory_space<hbm>> -> memref<1344xi32, #tpu.memory_space<hbm>>
      tpu.wait_dma2 semaphore(%run_scoped3A : memref<!tpu.dma_semaphore, #tpu.memory_space<semaphore_mem>>) src(%dma_wait3A_35 : memref<1344xi32, #tpu.memory_space<hbm>>) dst(%arg5 : memref<1344xi32, #tpu.memory_space<vmem>>)
      tpu.yield
    }) : () -> ()
    %dma_start3A = arith.constant 0 : i32
    %dma_start3A_3 = tpu.memref_slice %arg5[%dma_start3A] : memref<1344xi32, #tpu.memory_space<vmem>> -> memref<48xi32, #tpu.memory_space<vmem>>
    %dma_start3A_4 = arith.constant 0 : i32
    %dma_start3A_5 = arith.constant 0 : i32
    %dma_start3A_6 = tpu.memref_slice %arg3[%dma_start3A_4, %dma_start3A_5] : memref<8064x256xi32, #tpu.memory_space<hbm>> -> memref<8064x256xi32, #tpu.memory_space<hbm>>
    tpu.enqueue_indirect_dma source(%dma_start3A_6 : memref<8064x256xi32, #tpu.memory_space<hbm>>) target(%arg6 : memref<48x256xi32, #tpu.memory_space<vmem>>) offsets(%dma_start3A_3 : memref<48xi32, #tpu.memory_space<vmem>>) semaphore(%arg10 : memref<!tpu.dma_semaphore, #tpu.memory_space<semaphore_mem>>)
    %dma_start3A_7 = arith.constant 48 : i32
    %dma_start3A_8 = tpu.memref_slice %arg5[%dma_start3A_7] : memref<1344xi32, #tpu.memory_space<vmem>> -> memref<48xi32, #tpu.memory_space<vmem>>
    %dma_start3A_9 = arith.constant 0 : i32
    %dma_start3A_10 = arith.constant 0 : i32
    %dma_start3A_11 = tpu.memref_slice %arg3[%dma_start3A_9, %dma_start3A_10] : memref<8064x256xi32, #tpu.memory_space<hbm>> -> memref<8064x256xi32, #tpu.memory_space<hbm>>
    tpu.enqueue_indirect_dma source(%dma_start3A_11 : memref<8064x256xi32, #tpu.memory_space<hbm>>) target(%arg7 : memref<48x256xi32, #tpu.memory_space<vmem>>) offsets(%dma_start3A_8 : memref<48xi32, #tpu.memory_space<vmem>>) semaphore(%arg11 : memref<!tpu.dma_semaphore, #tpu.memory_space<semaphore_mem>>)
    %dma_start3A_12 = arith.constant 96 : i32
    %dma_start3A_13 = tpu.memref_slice %arg5[%dma_start3A_12] : memref<1344xi32, #tpu.memory_space<vmem>> -> memref<48xi32, #tpu.memory_space<vmem>>
    %dma_start3A_14 = arith.constant 0 : i32
    %dma_start3A_15 = arith.constant 0 : i32
    %dma_start3A_16 = tpu.memref_slice %arg3[%dma_start3A_14, %dma_start3A_15] : memref<8064x256xi32, #tpu.memory_space<hbm>> -> memref<8064x256xi32, #tpu.memory_space<hbm>>
    tpu.enqueue_indirect_dma source(%dma_start3A_16 : memref<8064x256xi32, #tpu.memory_space<hbm>>) target(%arg8 : memref<48x256xi32, #tpu.memory_space<vmem>>) offsets(%dma_start3A_13 : memref<48xi32, #tpu.memory_space<vmem>>) semaphore(%arg12 : memref<!tpu.dma_semaphore, #tpu.memory_space<semaphore_mem>>)
    %dma_start3A_17 = arith.constant 144 : i32
    %dma_start3A_18 = tpu.memref_slice %arg5[%dma_start3A_17] : memref<1344xi32, #tpu.memory_space<vmem>> -> memref<48xi32, #tpu.memory_space<vmem>>
    %dma_start3A_19 = arith.constant 0 : i32
    %dma_start3A_20 = arith.constant 0 : i32
    %dma_start3A_21 = tpu.memref_slice %arg3[%dma_start3A_19, %dma_start3A_20] : memref<8064x256xi32, #tpu.memory_space<hbm>> -> memref<8064x256xi32, #tpu.memory_space<hbm>>
    tpu.enqueue_indirect_dma source(%dma_start3A_21 : memref<8064x256xi32, #tpu.memory_space<hbm>>) target(%arg9 : memref<48x256xi32, #tpu.memory_space<vmem>>) offsets(%dma_start3A_18 : memref<48xi32, #tpu.memory_space<vmem>>) semaphore(%arg13 : memref<!tpu.dma_semaphore, #tpu.memory_space<semaphore_mem>>)
    %scan3A = arith.constant 0 : i32
    %scan3A_22 = arith.constant 0 : i32
    %scan3A_23 = arith.constant 7 : i32
    %scan3A_24 = arith.addi %scan3A_22, %scan3A_23 : i32
    %scan3A_25 = arith.constant 1 : i32
    scf.for %scan3A_32 = %scan3A_22 to %scan3A_24 step %scan3A_25  : i32 {
      %mul3A_33 = arith.constant 4 : i32
      %mul3A_34 = arith.muli %scan3A_32, %mul3A_33 : i32
      %add3A_35 = arith.constant 0 : i32
      %add3A_36 = arith.addi %mul3A_34, %add3A_35 : i32
      %mul3A_37 = arith.constant 48 : i32
      %mul3A_38 = arith.muli %add3A_36, %mul3A_37 : i32
      %dma_wait3A_39 = tpu.memref_slice %arg5[%mul3A_38] : memref<1344xi32, #tpu.memory_space<vmem>> -> memref<48xi32, #tpu.memory_space<vmem>>
      %dma_wait3A_40 = arith.constant 0 : i32
      %dma_wait3A_41 = arith.constant 0 : i32
      %dma_wait3A_42 = tpu.memref_slice %arg3[%dma_wait3A_40, %dma_wait3A_41] : memref<8064x256xi32, #tpu.memory_space<hbm>> -> memref<8064x256xi32, #tpu.memory_space<hbm>>
      tpu.wait_indirect_dma semaphore(%arg10 : memref<!tpu.dma_semaphore, #tpu.memory_space<semaphore_mem>>) src(%dma_wait3A_42 : memref<8064x256xi32, #tpu.memory_space<hbm>>) dst(%arg6 : memref<48x256xi32, #tpu.memory_space<vmem>>)
      %mul3A_43 = arith.constant 48 : i32
      %mul3A_44 = arith.muli %add3A_36, %mul3A_43 : i32
      %add3A_45 = arith.addi %mul3A_2, %mul3A_44 : i32
      %dma_start3A_46 = arith.constant 0 : i32
      %dma_start3A_47 = tpu.memref_slice %arg4[%add3A_45, %dma_start3A_46] : memref<43008x256xi32, #tpu.memory_space<hbm>> -> memref<48x256xi32, #tpu.memory_space<hbm>>
      %dma_start3A_48 = arith.constant 0 : i32
      %dma_start3A_49 = tpu.memref_slice %arg4[%add3A_45, %dma_start3A_48] : memref<43008x256xi32, #tpu.memory_space<hbm>> -> memref<48x256xi32, #tpu.memory_space<hbm>>
      tpu.enqueue_dma source(%arg6 : memref<48x256xi32, #tpu.memory_space<vmem>>) target(%dma_start3A_49 : memref<48x256xi32, #tpu.memory_space<hbm>>) target_semaphore(%arg14 : memref<!tpu.dma_semaphore, #tpu.memory_space<semaphore_mem>>)
      %ge3A = arith.constant 1 : i32
      %ge3A_50 = arith.cmpi sge, %add3A_36, %ge3A : i32
      %convert_element_type3A = arith.extui %ge3A_50 : i1 to i32
      %cond3A = arith.constant 0 : i32
      %cond3A_51 = arith.cmpi ne, %convert_element_type3A, %cond3A : i32
      scf.if %cond3A_51 {
        %sub3A_163 = arith.constant 1 : i32
        %sub3A_164 = arith.subi %add3A_36, %sub3A_163 : i32
        %mul3A_165 = arith.constant 48 : i32
        %mul3A_166 = arith.muli %sub3A_164, %mul3A_165 : i32
        %add3A_167 = arith.addi %mul3A_2, %mul3A_166 : i32
        %dma_wait3A_168 = arith.constant 0 : i32
        %dma_wait3A_169 = tpu.memref_slice %arg4[%add3A_167, %dma_wait3A_168] : memref<43008x256xi32, #tpu.memory_space<hbm>> -> memref<48x256xi32, #tpu.memory_space<hbm>>
        %dma_wait3A_170 = arith.constant 0 : i32
        %dma_wait3A_171 = tpu.memref_slice %arg4[%add3A_167, %dma_wait3A_170] : memref<43008x256xi32, #tpu.memory_space<hbm>> -> memref<48x256xi32, #tpu.memory_space<hbm>>
        tpu.wait_dma2 semaphore(%arg17 : memref<!tpu.dma_semaphore, #tpu.memory_space<semaphore_mem>>) src(%arg9 : memref<48x256xi32, #tpu.memory_space<vmem>>) dst(%dma_wait3A_171 : memref<48x256xi32, #tpu.memory_space<hbm>>)
      } else {
      }
      %ge3A_52 = arith.constant 1 : i32
      %ge3A_53 = arith.cmpi sge, %add3A_36, %ge3A_52 : i32
      %add3A_54 = arith.constant 4 : i32
      %add3A_55 = arith.addi %add3A_36, %add3A_54 : i32
      %sub3A = arith.constant 1 : i32
      %sub3A_56 = arith.subi %add3A_55, %sub3A : i32
      %lt3A = arith.constant 28 : i32
      %lt3A_57 = arith.cmpi slt, %sub3A_56, %lt3A : i32
      %and3A = arith.andi %ge3A_53, %lt3A_57 : i1
      %convert_element_type3A_58 = arith.extui %and3A : i1 to i32
      %cond3A_59 = arith.constant 0 : i32
      %cond3A_60 = arith.cmpi ne, %convert_element_type3A_58, %cond3A_59 : i32
      scf.if %cond3A_60 {
        %add3A_163 = arith.constant 4 : i32
        %add3A_164 = arith.addi %add3A_36, %add3A_163 : i32
        %sub3A_165 = arith.constant 1 : i32
        %sub3A_166 = arith.subi %add3A_164, %sub3A_165 : i32
        %mul3A_167 = arith.constant 48 : i32
        %mul3A_168 = arith.muli %sub3A_166, %mul3A_167 : i32
        %dma_start3A_169 = tpu.memref_slice %arg5[%mul3A_168] : memref<1344xi32, #tpu.memory_space<vmem>> -> memref<48xi32, #tpu.memory_space<vmem>>
        %dma_start3A_170 = arith.constant 0 : i32
        %dma_start3A_171 = arith.constant 0 : i32
        %dma_start3A_172 = tpu.memref_slice %arg3[%dma_start3A_170, %dma_start3A_171] : memref<8064x256xi32, #tpu.memory_space<hbm>> -> memref<8064x256xi32, #tpu.memory_space<hbm>>
        tpu.enqueue_indirect_dma source(%dma_start3A_172 : memref<8064x256xi32, #tpu.memory_space<hbm>>) target(%arg9 : memref<48x256xi32, #tpu.memory_space<vmem>>) offsets(%dma_start3A_169 : memref<48xi32, #tpu.memory_space<vmem>>) semaphore(%arg13 : memref<!tpu.dma_semaphore, #tpu.memory_space<semaphore_mem>>)
      } else {
      }
      %mul3A_61 = arith.constant 4 : i32
      %mul3A_62 = arith.muli %scan3A_32, %mul3A_61 : i32
      %add3A_63 = arith.constant 1 : i32
      %add3A_64 = arith.addi %mul3A_62, %add3A_63 : i32
      %mul3A_65 = arith.constant 48 : i32
      %mul3A_66 = arith.muli %add3A_64, %mul3A_65 : i32
      %dma_wait3A_67 = tpu.memref_slice %arg5[%mul3A_66] : memref<1344xi32, #tpu.memory_space<vmem>> -> memref<48xi32, #tpu.memory_space<vmem>>
      %dma_wait3A_68 = arith.constant 0 : i32
      %dma_wait3A_69 = arith.constant 0 : i32
      %dma_wait3A_70 = tpu.memref_slice %arg3[%dma_wait3A_68, %dma_wait3A_69] : memref<8064x256xi32, #tpu.memory_space<hbm>> -> memref<8064x256xi32, #tpu.memory_space<hbm>>
      tpu.wait_indirect_dma semaphore(%arg11 : memref<!tpu.dma_semaphore, #tpu.memory_space<semaphore_mem>>) src(%dma_wait3A_70 : memref<8064x256xi32, #tpu.memory_space<hbm>>) dst(%arg7 : memref<48x256xi32, #tpu.memory_space<vmem>>)
      %mul3A_71 = arith.constant 48 : i32
      %mul3A_72 = arith.muli %add3A_64, %mul3A_71 : i32
      %add3A_73 = arith.addi %mul3A_2, %mul3A_72 : i32
      %dma_start3A_74 = arith.constant 0 : i32
      %dma_start3A_75 = tpu.memref_slice %arg4[%add3A_73, %dma_start3A_74] : memref<43008x256xi32, #tpu.memory_space<hbm>> -> memref<48x256xi32, #tpu.memory_space<hbm>>
      %dma_start3A_76 = arith.constant 0 : i32
      %dma_start3A_77 = tpu.memref_slice %arg4[%add3A_73, %dma_start3A_76] : memref<43008x256xi32, #tpu.memory_space<hbm>> -> memref<48x256xi32, #tpu.memory_space<hbm>>
      tpu.enqueue_dma source(%arg7 : memref<48x256xi32, #tpu.memory_space<vmem>>) target(%dma_start3A_77 : memref<48x256xi32, #tpu.memory_space<hbm>>) target_semaphore(%arg15 : memref<!tpu.dma_semaphore, #tpu.memory_space<semaphore_mem>>)
      %ge3A_78 = arith.constant 1 : i32
      %ge3A_79 = arith.cmpi sge, %add3A_64, %ge3A_78 : i32
      %convert_element_type3A_80 = arith.extui %ge3A_79 : i1 to i32
      %cond3A_81 = arith.constant 0 : i32
      %cond3A_82 = arith.cmpi ne, %convert_element_type3A_80, %cond3A_81 : i32
      scf.if %cond3A_82 {
        %sub3A_163 = arith.constant 1 : i32
        %sub3A_164 = arith.subi %add3A_64, %sub3A_163 : i32
        %mul3A_165 = arith.constant 48 : i32
        %mul3A_166 = arith.muli %sub3A_164, %mul3A_165 : i32
        %add3A_167 = arith.addi %mul3A_2, %mul3A_166 : i32
        %dma_wait3A_168 = arith.constant 0 : i32
        %dma_wait3A_169 = tpu.memref_slice %arg4[%add3A_167, %dma_wait3A_168] : memref<43008x256xi32, #tpu.memory_space<hbm>> -> memref<48x256xi32, #tpu.memory_space<hbm>>
        %dma_wait3A_170 = arith.constant 0 : i32
        %dma_wait3A_171 = tpu.memref_slice %arg4[%add3A_167, %dma_wait3A_170] : memref<43008x256xi32, #tpu.memory_space<hbm>> -> memref<48x256xi32, #tpu.memory_space<hbm>>
        tpu.wait_dma2 semaphore(%arg14 : memref<!tpu.dma_semaphore, #tpu.memory_space<semaphore_mem>>) src(%arg6 : memref<48x256xi32, #tpu.memory_space<vmem>>) dst(%dma_wait3A_171 : memref<48x256xi32, #tpu.memory_space<hbm>>)
      } else {
      }
      %ge3A_83 = arith.constant 1 : i32
      %ge3A_84 = arith.cmpi sge, %add3A_64, %ge3A_83 : i32
      %add3A_85 = arith.constant 4 : i32
      %add3A_86 = arith.addi %add3A_64, %add3A_85 : i32
      %sub3A_87 = arith.constant 1 : i32
      %sub3A_88 = arith.subi %add3A_86, %sub3A_87 : i32
      %lt3A_89 = arith.constant 28 : i32
      %lt3A_90 = arith.cmpi slt, %sub3A_88, %lt3A_89 : i32
      %and3A_91 = arith.andi %ge3A_84, %lt3A_90 : i1
      %convert_element_type3A_92 = arith.extui %and3A_91 : i1 to i32
      %cond3A_93 = arith.constant 0 : i32
      %cond3A_94 = arith.cmpi ne, %convert_element_type3A_92, %cond3A_93 : i32
      scf.if %cond3A_94 {
        %add3A_163 = arith.constant 4 : i32
        %add3A_164 = arith.addi %add3A_64, %add3A_163 : i32
        %sub3A_165 = arith.constant 1 : i32
        %sub3A_166 = arith.subi %add3A_164, %sub3A_165 : i32
        %mul3A_167 = arith.constant 48 : i32
        %mul3A_168 = arith.muli %sub3A_166, %mul3A_167 : i32
        %dma_start3A_169 = tpu.memref_slice %arg5[%mul3A_168] : memref<1344xi32, #tpu.memory_space<vmem>> -> memref<48xi32, #tpu.memory_space<vmem>>
        %dma_start3A_170 = arith.constant 0 : i32
        %dma_start3A_171 = arith.constant 0 : i32
        %dma_start3A_172 = tpu.memref_slice %arg3[%dma_start3A_170, %dma_start3A_171] : memref<8064x256xi32, #tpu.memory_space<hbm>> -> memref<8064x256xi32, #tpu.memory_space<hbm>>
        tpu.enqueue_indirect_dma source(%dma_start3A_172 : memref<8064x256xi32, #tpu.memory_space<hbm>>) target(%arg6 : memref<48x256xi32, #tpu.memory_space<vmem>>) offsets(%dma_start3A_169 : memref<48xi32, #tpu.memory_space<vmem>>) semaphore(%arg10 : memref<!tpu.dma_semaphore, #tpu.memory_space<semaphore_mem>>)
      } else {
      }
      %mul3A_95 = arith.constant 4 : i32
      %mul3A_96 = arith.muli %scan3A_32, %mul3A_95 : i32
      %add3A_97 = arith.constant 2 : i32
      %add3A_98 = arith.addi %mul3A_96, %add3A_97 : i32
      %mul3A_99 = arith.constant 48 : i32
      %mul3A_100 = arith.muli %add3A_98, %mul3A_99 : i32
      %dma_wait3A_101 = tpu.memref_slice %arg5[%mul3A_100] : memref<1344xi32, #tpu.memory_space<vmem>> -> memref<48xi32, #tpu.memory_space<vmem>>
      %dma_wait3A_102 = arith.constant 0 : i32
      %dma_wait3A_103 = arith.constant 0 : i32
      %dma_wait3A_104 = tpu.memref_slice %arg3[%dma_wait3A_102, %dma_wait3A_103] : memref<8064x256xi32, #tpu.memory_space<hbm>> -> memref<8064x256xi32, #tpu.memory_space<hbm>>
      tpu.wait_indirect_dma semaphore(%arg12 : memref<!tpu.dma_semaphore, #tpu.memory_space<semaphore_mem>>) src(%dma_wait3A_104 : memref<8064x256xi32, #tpu.memory_space<hbm>>) dst(%arg8 : memref<48x256xi32, #tpu.memory_space<vmem>>)
      %mul3A_105 = arith.constant 48 : i32
      %mul3A_106 = arith.muli %add3A_98, %mul3A_105 : i32
      %add3A_107 = arith.addi %mul3A_2, %mul3A_106 : i32
      %dma_start3A_108 = arith.constant 0 : i32
      %dma_start3A_109 = tpu.memref_slice %arg4[%add3A_107, %dma_start3A_108] : memref<43008x256xi32, #tpu.memory_space<hbm>> -> memref<48x256xi32, #tpu.memory_space<hbm>>
      %dma_start3A_110 = arith.constant 0 : i32
      %dma_start3A_111 = tpu.memref_slice %arg4[%add3A_107, %dma_start3A_110] : memref<43008x256xi32, #tpu.memory_space<hbm>> -> memref<48x256xi32, #tpu.memory_space<hbm>>
      tpu.enqueue_dma source(%arg8 : memref<48x256xi32, #tpu.memory_space<vmem>>) target(%dma_start3A_111 : memref<48x256xi32, #tpu.memory_space<hbm>>) target_semaphore(%arg16 : memref<!tpu.dma_semaphore, #tpu.memory_space<semaphore_mem>>)
      %ge3A_112 = arith.constant 1 : i32
      %ge3A_113 = arith.cmpi sge, %add3A_98, %ge3A_112 : i32
      %convert_element_type3A_114 = arith.extui %ge3A_113 : i1 to i32
      %cond3A_115 = arith.constant 0 : i32
      %cond3A_116 = arith.cmpi ne, %convert_element_type3A_114, %cond3A_115 : i32
      scf.if %cond3A_116 {
        %sub3A_163 = arith.constant 1 : i32
        %sub3A_164 = arith.subi %add3A_98, %sub3A_163 : i32
        %mul3A_165 = arith.constant 48 : i32
        %mul3A_166 = arith.muli %sub3A_164, %mul3A_165 : i32
        %add3A_167 = arith.addi %mul3A_2, %mul3A_166 : i32
        %dma_wait3A_168 = arith.constant 0 : i32
        %dma_wait3A_169 = tpu.memref_slice %arg4[%add3A_167, %dma_wait3A_168] : memref<43008x256xi32, #tpu.memory_space<hbm>> -> memref<48x256xi32, #tpu.memory_space<hbm>>
        %dma_wait3A_170 = arith.constant 0 : i32
        %dma_wait3A_171 = tpu.memref_slice %arg4[%add3A_167, %dma_wait3A_170] : memref<43008x256xi32, #tpu.memory_space<hbm>> -> memref<48x256xi32, #tpu.memory_space<hbm>>
        tpu.wait_dma2 semaphore(%arg15 : memref<!tpu.dma_semaphore, #tpu.memory_space<semaphore_mem>>) src(%arg7 : memref<48x256xi32, #tpu.memory_space<vmem>>) dst(%dma_wait3A_171 : memref<48x256xi32, #tpu.memory_space<hbm>>)
      } else {
      }
      %ge3A_117 = arith.constant 1 : i32
      %ge3A_118 = arith.cmpi sge, %add3A_98, %ge3A_117 : i32
      %add3A_119 = arith.constant 4 : i32
      %add3A_120 = arith.addi %add3A_98, %add3A_119 : i32
      %sub3A_121 = arith.constant 1 : i32
      %sub3A_122 = arith.subi %add3A_120, %sub3A_121 : i32
      %lt3A_123 = arith.constant 28 : i32
      %lt3A_124 = arith.cmpi slt, %sub3A_122, %lt3A_123 : i32
      %and3A_125 = arith.andi %ge3A_118, %lt3A_124 : i1
      %convert_element_type3A_126 = arith.extui %and3A_125 : i1 to i32
      %cond3A_127 = arith.constant 0 : i32
      %cond3A_128 = arith.cmpi ne, %convert_element_type3A_126, %cond3A_127 : i32
      scf.if %cond3A_128 {
        %add3A_163 = arith.constant 4 : i32
        %add3A_164 = arith.addi %add3A_98, %add3A_163 : i32
        %sub3A_165 = arith.constant 1 : i32
        %sub3A_166 = arith.subi %add3A_164, %sub3A_165 : i32
        %mul3A_167 = arith.constant 48 : i32
        %mul3A_168 = arith.muli %sub3A_166, %mul3A_167 : i32
        %dma_start3A_169 = tpu.memref_slice %arg5[%mul3A_168] : memref<1344xi32, #tpu.memory_space<vmem>> -> memref<48xi32, #tpu.memory_space<vmem>>
        %dma_start3A_170 = arith.constant 0 : i32
        %dma_start3A_171 = arith.constant 0 : i32
        %dma_start3A_172 = tpu.memref_slice %arg3[%dma_start3A_170, %dma_start3A_171] : memref<8064x256xi32, #tpu.memory_space<hbm>> -> memref<8064x256xi32, #tpu.memory_space<hbm>>
        tpu.enqueue_indirect_dma source(%dma_start3A_172 : memref<8064x256xi32, #tpu.memory_space<hbm>>) target(%arg7 : memref<48x256xi32, #tpu.memory_space<vmem>>) offsets(%dma_start3A_169 : memref<48xi32, #tpu.memory_space<vmem>>) semaphore(%arg11 : memref<!tpu.dma_semaphore, #tpu.memory_space<semaphore_mem>>)
      } else {
      }
      %mul3A_129 = arith.constant 4 : i32
      %mul3A_130 = arith.muli %scan3A_32, %mul3A_129 : i32
      %add3A_131 = arith.constant 3 : i32
      %add3A_132 = arith.addi %mul3A_130, %add3A_131 : i32
      %mul3A_133 = arith.constant 48 : i32
      %mul3A_134 = arith.muli %add3A_132, %mul3A_133 : i32
      %dma_wait3A_135 = tpu.memref_slice %arg5[%mul3A_134] : memref<1344xi32, #tpu.memory_space<vmem>> -> memref<48xi32, #tpu.memory_space<vmem>>
      %dma_wait3A_136 = arith.constant 0 : i32
      %dma_wait3A_137 = arith.constant 0 : i32
      %dma_wait3A_138 = tpu.memref_slice %arg3[%dma_wait3A_136, %dma_wait3A_137] : memref<8064x256xi32, #tpu.memory_space<hbm>> -> memref<8064x256xi32, #tpu.memory_space<hbm>>
      tpu.wait_indirect_dma semaphore(%arg13 : memref<!tpu.dma_semaphore, #tpu.memory_space<semaphore_mem>>) src(%dma_wait3A_138 : memref<8064x256xi32, #tpu.memory_space<hbm>>) dst(%arg9 : memref<48x256xi32, #tpu.memory_space<vmem>>)
      %mul3A_139 = arith.constant 48 : i32
      %mul3A_140 = arith.muli %add3A_132, %mul3A_139 : i32
      %add3A_141 = arith.addi %mul3A_2, %mul3A_140 : i32
      %dma_start3A_142 = arith.constant 0 : i32
      %dma_start3A_143 = tpu.memref_slice %arg4[%add3A_141, %dma_start3A_142] : memref<43008x256xi32, #tpu.memory_space<hbm>> -> memref<48x256xi32, #tpu.memory_space<hbm>>
      %dma_start3A_144 = arith.constant 0 : i32
      %dma_start3A_145 = tpu.memref_slice %arg4[%add3A_141, %dma_start3A_144] : memref<43008x256xi32, #tpu.memory_space<hbm>> -> memref<48x256xi32, #tpu.memory_space<hbm>>
      tpu.enqueue_dma source(%arg9 : memref<48x256xi32, #tpu.memory_space<vmem>>) target(%dma_start3A_145 : memref<48x256xi32, #tpu.memory_space<hbm>>) target_semaphore(%arg17 : memref<!tpu.dma_semaphore, #tpu.memory_space<semaphore_mem>>)
      %ge3A_146 = arith.constant 1 : i32
      %ge3A_147 = arith.cmpi sge, %add3A_132, %ge3A_146 : i32
      %convert_element_type3A_148 = arith.extui %ge3A_147 : i1 to i32
      %cond3A_149 = arith.constant 0 : i32
      %cond3A_150 = arith.cmpi ne, %convert_element_type3A_148, %cond3A_149 : i32
      scf.if %cond3A_150 {
        %sub3A_163 = arith.constant 1 : i32
        %sub3A_164 = arith.subi %add3A_132, %sub3A_163 : i32
        %mul3A_165 = arith.constant 48 : i32
        %mul3A_166 = arith.muli %sub3A_164, %mul3A_165 : i32
        %add3A_167 = arith.addi %mul3A_2, %mul3A_166 : i32
        %dma_wait3A_168 = arith.constant 0 : i32
        %dma_wait3A_169 = tpu.memref_slice %arg4[%add3A_167, %dma_wait3A_168] : memref<43008x256xi32, #tpu.memory_space<hbm>> -> memref<48x256xi32, #tpu.memory_space<hbm>>
        %dma_wait3A_170 = arith.constant 0 : i32
        %dma_wait3A_171 = tpu.memref_slice %arg4[%add3A_167, %dma_wait3A_170] : memref<43008x256xi32, #tpu.memory_space<hbm>> -> memref<48x256xi32, #tpu.memory_space<hbm>>
        tpu.wait_dma2 semaphore(%arg16 : memref<!tpu.dma_semaphore, #tpu.memory_space<semaphore_mem>>) src(%arg8 : memref<48x256xi32, #tpu.memory_space<vmem>>) dst(%dma_wait3A_171 : memref<48x256xi32, #tpu.memory_space<hbm>>)
      } else {
      }
      %ge3A_151 = arith.constant 1 : i32
      %ge3A_152 = arith.cmpi sge, %add3A_132, %ge3A_151 : i32
      %add3A_153 = arith.constant 4 : i32
      %add3A_154 = arith.addi %add3A_132, %add3A_153 : i32
      %sub3A_155 = arith.constant 1 : i32
      %sub3A_156 = arith.subi %add3A_154, %sub3A_155 : i32
      %lt3A_157 = arith.constant 28 : i32
      %lt3A_158 = arith.cmpi slt, %sub3A_156, %lt3A_157 : i32
      %and3A_159 = arith.andi %ge3A_152, %lt3A_158 : i1
      %convert_element_type3A_160 = arith.extui %and3A_159 : i1 to i32
      %cond3A_161 = arith.constant 0 : i32
      %cond3A_162 = arith.cmpi ne, %convert_element_type3A_160, %cond3A_161 : i32
      scf.if %cond3A_162 {
        %add3A_163 = arith.constant 4 : i32
        %add3A_164 = arith.addi %add3A_132, %add3A_163 : i32
        %sub3A_165 = arith.constant 1 : i32
        %sub3A_166 = arith.subi %add3A_164, %sub3A_165 : i32
        %mul3A_167 = arith.constant 48 : i32
        %mul3A_168 = arith.muli %sub3A_166, %mul3A_167 : i32
        %dma_start3A_169 = tpu.memref_slice %arg5[%mul3A_168] : memref<1344xi32, #tpu.memory_space<vmem>> -> memref<48xi32, #tpu.memory_space<vmem>>
        %dma_start3A_170 = arith.constant 0 : i32
        %dma_start3A_171 = arith.constant 0 : i32
        %dma_start3A_172 = tpu.memref_slice %arg3[%dma_start3A_170, %dma_start3A_171] : memref<8064x256xi32, #tpu.memory_space<hbm>> -> memref<8064x256xi32, #tpu.memory_space<hbm>>
        tpu.enqueue_indirect_dma source(%dma_start3A_172 : memref<8064x256xi32, #tpu.memory_space<hbm>>) target(%arg8 : memref<48x256xi32, #tpu.memory_space<vmem>>) offsets(%dma_start3A_169 : memref<48xi32, #tpu.memory_space<vmem>>) semaphore(%arg12 : memref<!tpu.dma_semaphore, #tpu.memory_space<semaphore_mem>>)
      } else {
      }
    }
    %scan3A_26 = arith.constant 7 : i32
    %add3A_27 = arith.constant 1296 : i32
    %add3A_28 = arith.addi %mul3A_2, %add3A_27 : i32
    %dma_wait3A = arith.constant 0 : i32
    %dma_wait3A_29 = tpu.memref_slice %arg4[%add3A_28, %dma_wait3A] : memref<43008x256xi32, #tpu.memory_space<hbm>> -> memref<48x256xi32, #tpu.memory_space<hbm>>
    %dma_wait3A_30 = arith.constant 0 : i32
    %dma_wait3A_31 = tpu.memref_slice %arg4[%add3A_28, %dma_wait3A_30] : memref<43008x256xi32, #tpu.memory_space<hbm>> -> memref<48x256xi32, #tpu.memory_space<hbm>>
    tpu.wait_dma2 semaphore(%arg17 : memref<!tpu.dma_semaphore, #tpu.memory_space<semaphore_mem>>) src(%arg9 : memref<48x256xi32, #tpu.memory_space<vmem>>) dst(%dma_wait3A_31 : memref<48x256xi32, #tpu.memory_space<hbm>>)
    return
  }
}

#map = affine_map<(d0, d1) -> (0)>
#map1 = affine_map<(d0, d1) -> (0, 0)>
module attributes {stable_mosaic.version = 14 : i64} {
  func.func @_sc_body(%arg0: i32, %arg1: i32, %arg2: memref<43008xi32, #tpu.memory_space<hbm>>, %arg3: memref<8064x256xi32, #tpu.memory_space<hbm>>, %arg4: memref<43008x256xi32, #tpu.memory_space<hbm>>, %arg5: memref<1344xi32, #tpu.memory_space<vmem>>, %arg6: memref<48x256xi32, #tpu.memory_space<vmem>>, %arg7: memref<48x256xi32, #tpu.memory_space<vmem>>, %arg8: memref<48x256xi32, #tpu.memory_space<vmem>>, %arg9: memref<48x256xi32, #tpu.memory_space<vmem>>, %arg10: memref<!tpu.dma_semaphore, #tpu.memory_space<semaphore_mem>>, %arg11: memref<!tpu.dma_semaphore, #tpu.memory_space<semaphore_mem>>, %arg12: memref<!tpu.dma_semaphore, #tpu.memory_space<semaphore_mem>>, %arg13: memref<!tpu.dma_semaphore, #tpu.memory_space<semaphore_mem>>, %arg14: memref<!tpu.dma_semaphore, #tpu.memory_space<semaphore_mem>>, %arg15: memref<!tpu.dma_semaphore, #tpu.memory_space<semaphore_mem>>, %arg16: memref<!tpu.dma_semaphore, #tpu.memory_space<semaphore_mem>>, %arg17: memref<!tpu.dma_semaphore, #tpu.memory_space<semaphore_mem>>) attributes {dimension_semantics = [#tpu.dimension_semantics<core_parallel>, #tpu.dimension_semantics<subcore_parallel>], iteration_bounds = array<i64: 2, 16>, scalar_prefetch = 0 : i64, scratch_operands = 13 : i64, tpu.core_type = #tpu.core_type<sc_vector_subcore>, window_params = [{transform_indices = #map}, {transform_indices = #map1}, {transform_indices = #map1}]} {
    %mul3A = arith.constant 2 : i32
    %mul3A_0 = arith.muli %arg1, %mul3A : i32
    %add3A = arith.addi %mul3A_0, %arg0 : i32
    %mul3A_1 = arith.constant 1344 : i32
    %mul3A_2 = arith.muli %add3A, %mul3A_1 : i32
    "tpu.region"() ({
      %run_scoped3A = tpu.sem_alloc : memref<!tpu.dma_semaphore, #tpu.memory_space<semaphore_mem>>
      %dma_start3A_32 = tpu.memref_slice %arg2[%mul3A_2] : memref<43008xi32, #tpu.memory_space<hbm>> -> memref<1344xi32, #tpu.memory_space<hbm>>
      %dma_start3A_33 = tpu.memref_slice %arg2[%mul3A_2] : memref<43008xi32, #tpu.memory_space<hbm>> -> memref<1344xi32, #tpu.memory_space<hbm>>
      tpu.enqueue_dma source(%dma_start3A_33 : memref<1344xi32, #tpu.memory_space<hbm>>) target(%arg5 : memref<1344xi32, #tpu.memory_space<vmem>>) target_semaphore(%run_scoped3A : memref<!tpu.dma_semaphore, #tpu.memory_space<semaphore_mem>>)
      %dma_wait3A_34 = tpu.memref_slice %arg2[%mul3A_2] : memref<43008xi32, #tpu.memory_space<hbm>> -> memref<1344xi32, #tpu.memory_space<hbm>>
      %dma_wait3A_35 = tpu.memref_slice %arg2[%mul3A_2] : memref<43008xi32, #tpu.memory_space<hbm>> -> memref<1344xi32, #tpu.memory_space<hbm>>
      tpu.wait_dma2 semaphore(%run_scoped3A : memref<!tpu.dma_semaphore, #tpu.memory_space<semaphore_mem>>) src(%dma_wait3A_35 : memref<1344xi32, #tpu.memory_space<hbm>>) dst(%arg5 : memref<1344xi32, #tpu.memory_space<vmem>>)
      tpu.yield
    }) : () -> ()
    %dma_start3A = arith.constant 0 : i32
    %dma_start3A_3 = tpu.memref_slice %arg5[%dma_start3A] : memref<1344xi32, #tpu.memory_space<vmem>> -> memref<48xi32, #tpu.memory_space<vmem>>
    %dma_start3A_4 = arith.constant 0 : i32
    %dma_start3A_5 = arith.constant 0 : i32
    %dma_start3A_6 = tpu.memref_slice %arg3[%dma_start3A_4, %dma_start3A_5] : memref<8064x256xi32, #tpu.memory_space<hbm>> -> memref<8064x256xi32, #tpu.memory_space<hbm>>
    tpu.enqueue_indirect_dma source(%dma_start3A_6 : memref<8064x256xi32, #tpu.memory_space<hbm>>) target(%arg6 : memref<48x256xi32, #tpu.memory_space<vmem>>) offsets(%dma_start3A_3 : memref<48xi32, #tpu.memory_space<vmem>>) semaphore(%arg10 : memref<!tpu.dma_semaphore, #tpu.memory_space<semaphore_mem>>)
    %dma_start3A_7 = arith.constant 48 : i32
    %dma_start3A_8 = tpu.memref_slice %arg5[%dma_start3A_7] : memref<1344xi32, #tpu.memory_space<vmem>> -> memref<48xi32, #tpu.memory_space<vmem>>
    %dma_start3A_9 = arith.constant 0 : i32
    %dma_start3A_10 = arith.constant 0 : i32
    %dma_start3A_11 = tpu.memref_slice %arg3[%dma_start3A_9, %dma_start3A_10] : memref<8064x256xi32, #tpu.memory_space<hbm>> -> memref<8064x256xi32, #tpu.memory_space<hbm>>
    tpu.enqueue_indirect_dma source(%dma_start3A_11 : memref<8064x256xi32, #tpu.memory_space<hbm>>) target(%arg7 : memref<48x256xi32, #tpu.memory_space<vmem>>) offsets(%dma_start3A_8 : memref<48xi32, #tpu.memory_space<vmem>>) semaphore(%arg11 : memref<!tpu.dma_semaphore, #tpu.memory_space<semaphore_mem>>)
    %dma_start3A_12 = arith.constant 96 : i32
    %dma_start3A_13 = tpu.memref_slice %arg5[%dma_start3A_12] : memref<1344xi32, #tpu.memory_space<vmem>> -> memref<48xi32, #tpu.memory_space<vmem>>
    %dma_start3A_14 = arith.constant 0 : i32
    %dma_start3A_15 = arith.constant 0 : i32
    %dma_start3A_16 = tpu.memref_slice %arg3[%dma_start3A_14, %dma_start3A_15] : memref<8064x256xi32, #tpu.memory_space<hbm>> -> memref<8064x256xi32, #tpu.memory_space<hbm>>
    tpu.enqueue_indirect_dma source(%dma_start3A_16 : memref<8064x256xi32, #tpu.memory_space<hbm>>) target(%arg8 : memref<48x256xi32, #tpu.memory_space<vmem>>) offsets(%dma_start3A_13 : memref<48xi32, #tpu.memory_space<vmem>>) semaphore(%arg12 : memref<!tpu.dma_semaphore, #tpu.memory_space<semaphore_mem>>)
    %dma_start3A_17 = arith.constant 144 : i32
    %dma_start3A_18 = tpu.memref_slice %arg5[%dma_start3A_17] : memref<1344xi32, #tpu.memory_space<vmem>> -> memref<48xi32, #tpu.memory_space<vmem>>
    %dma_start3A_19 = arith.constant 0 : i32
    %dma_start3A_20 = arith.constant 0 : i32
    %dma_start3A_21 = tpu.memref_slice %arg3[%dma_start3A_19, %dma_start3A_20] : memref<8064x256xi32, #tpu.memory_space<hbm>> -> memref<8064x256xi32, #tpu.memory_space<hbm>>
    tpu.enqueue_indirect_dma source(%dma_start3A_21 : memref<8064x256xi32, #tpu.memory_space<hbm>>) target(%arg9 : memref<48x256xi32, #tpu.memory_space<vmem>>) offsets(%dma_start3A_18 : memref<48xi32, #tpu.memory_space<vmem>>) semaphore(%arg13 : memref<!tpu.dma_semaphore, #tpu.memory_space<semaphore_mem>>)
    %scan3A = arith.constant 0 : i32
    %scan3A_22 = arith.constant 0 : i32
    %scan3A_23 = arith.constant 7 : i32
    %scan3A_24 = arith.addi %scan3A_22, %scan3A_23 : i32
    %scan3A_25 = arith.constant 1 : i32
    scf.for %scan3A_32 = %scan3A_22 to %scan3A_24 step %scan3A_25  : i32 {
      %mul3A_33 = arith.constant 4 : i32
      %mul3A_34 = arith.muli %scan3A_32, %mul3A_33 : i32
      %add3A_35 = arith.constant 0 : i32
      %add3A_36 = arith.addi %mul3A_34, %add3A_35 : i32
      %mul3A_37 = arith.constant 48 : i32
      %mul3A_38 = arith.muli %add3A_36, %mul3A_37 : i32
      %dma_wait3A_39 = tpu.memref_slice %arg5[%mul3A_38] : memref<1344xi32, #tpu.memory_space<vmem>> -> memref<48xi32, #tpu.memory_space<vmem>>
      %dma_wait3A_40 = arith.constant 0 : i32
      %dma_wait3A_41 = arith.constant 0 : i32
      %dma_wait3A_42 = tpu.memref_slice %arg3[%dma_wait3A_40, %dma_wait3A_41] : memref<8064x256xi32, #tpu.memory_space<hbm>> -> memref<8064x256xi32, #tpu.memory_space<hbm>>
      tpu.wait_indirect_dma semaphore(%arg10 : memref<!tpu.dma_semaphore, #tpu.memory_space<semaphore_mem>>) src(%dma_wait3A_42 : memref<8064x256xi32, #tpu.memory_space<hbm>>) dst(%arg6 : memref<48x256xi32, #tpu.memory_space<vmem>>)
      %mul3A_43 = arith.constant 48 : i32
      %mul3A_44 = arith.muli %add3A_36, %mul3A_43 : i32
      %add3A_45 = arith.addi %mul3A_2, %mul3A_44 : i32
      %dma_start3A_46 = arith.constant 0 : i32
      %dma_start3A_47 = tpu.memref_slice %arg4[%add3A_45, %dma_start3A_46] : memref<43008x256xi32, #tpu.memory_space<hbm>> -> memref<48x256xi32, #tpu.memory_space<hbm>>
      %dma_start3A_48 = arith.constant 0 : i32
      %dma_start3A_49 = tpu.memref_slice %arg4[%add3A_45, %dma_start3A_48] : memref<43008x256xi32, #tpu.memory_space<hbm>> -> memref<48x256xi32, #tpu.memory_space<hbm>>
      tpu.enqueue_dma source(%arg6 : memref<48x256xi32, #tpu.memory_space<vmem>>) target(%dma_start3A_49 : memref<48x256xi32, #tpu.memory_space<hbm>>) target_semaphore(%arg14 : memref<!tpu.dma_semaphore, #tpu.memory_space<semaphore_mem>>)
      %ge3A = arith.constant 1 : i32
      %ge3A_50 = arith.cmpi sge, %add3A_36, %ge3A : i32
      %convert_element_type3A = arith.extui %ge3A_50 : i1 to i32
      %cond3A = arith.constant 0 : i32
      %cond3A_51 = arith.cmpi ne, %convert_element_type3A, %cond3A : i32
      scf.if %cond3A_51 {
        %sub3A_163 = arith.constant 1 : i32
        %sub3A_164 = arith.subi %add3A_36, %sub3A_163 : i32
        %mul3A_165 = arith.constant 48 : i32
        %mul3A_166 = arith.muli %sub3A_164, %mul3A_165 : i32
        %add3A_167 = arith.addi %mul3A_2, %mul3A_166 : i32
        %dma_wait3A_168 = arith.constant 0 : i32
        %dma_wait3A_169 = tpu.memref_slice %arg4[%add3A_167, %dma_wait3A_168] : memref<43008x256xi32, #tpu.memory_space<hbm>> -> memref<48x256xi32, #tpu.memory_space<hbm>>
        %dma_wait3A_170 = arith.constant 0 : i32
        %dma_wait3A_171 = tpu.memref_slice %arg4[%add3A_167, %dma_wait3A_170] : memref<43008x256xi32, #tpu.memory_space<hbm>> -> memref<48x256xi32, #tpu.memory_space<hbm>>
        tpu.wait_dma2 semaphore(%arg17 : memref<!tpu.dma_semaphore, #tpu.memory_space<semaphore_mem>>) src(%arg9 : memref<48x256xi32, #tpu.memory_space<vmem>>) dst(%dma_wait3A_171 : memref<48x256xi32, #tpu.memory_space<hbm>>)
      } else {
      }
      %ge3A_52 = arith.constant 1 : i32
      %ge3A_53 = arith.cmpi sge, %add3A_36, %ge3A_52 : i32
      %add3A_54 = arith.constant 4 : i32
      %add3A_55 = arith.addi %add3A_36, %add3A_54 : i32
      %sub3A = arith.constant 1 : i32
      %sub3A_56 = arith.subi %add3A_55, %sub3A : i32
      %lt3A = arith.constant 28 : i32
      %lt3A_57 = arith.cmpi slt, %sub3A_56, %lt3A : i32
      %and3A = arith.andi %ge3A_53, %lt3A_57 : i1
      %convert_element_type3A_58 = arith.extui %and3A : i1 to i32
      %cond3A_59 = arith.constant 0 : i32
      %cond3A_60 = arith.cmpi ne, %convert_element_type3A_58, %cond3A_59 : i32
      scf.if %cond3A_60 {
        %add3A_163 = arith.constant 4 : i32
        %add3A_164 = arith.addi %add3A_36, %add3A_163 : i32
        %sub3A_165 = arith.constant 1 : i32
        %sub3A_166 = arith.subi %add3A_164, %sub3A_165 : i32
        %mul3A_167 = arith.constant 48 : i32
        %mul3A_168 = arith.muli %sub3A_166, %mul3A_167 : i32
        %dma_start3A_169 = tpu.memref_slice %arg5[%mul3A_168] : memref<1344xi32, #tpu.memory_space<vmem>> -> memref<48xi32, #tpu.memory_space<vmem>>
        %dma_start3A_170 = arith.constant 0 : i32
        %dma_start3A_171 = arith.constant 0 : i32
        %dma_start3A_172 = tpu.memref_slice %arg3[%dma_start3A_170, %dma_start3A_171] : memref<8064x256xi32, #tpu.memory_space<hbm>> -> memref<8064x256xi32, #tpu.memory_space<hbm>>
        tpu.enqueue_indirect_dma source(%dma_start3A_172 : memref<8064x256xi32, #tpu.memory_space<hbm>>) target(%arg9 : memref<48x256xi32, #tpu.memory_space<vmem>>) offsets(%dma_start3A_169 : memref<48xi32, #tpu.memory_space<vmem>>) semaphore(%arg13 : memref<!tpu.dma_semaphore, #tpu.memory_space<semaphore_mem>>)
      } else {
      }
      %mul3A_61 = arith.constant 4 : i32
      %mul3A_62 = arith.muli %scan3A_32, %mul3A_61 : i32
      %add3A_63 = arith.constant 1 : i32
      %add3A_64 = arith.addi %mul3A_62, %add3A_63 : i32
      %mul3A_65 = arith.constant 48 : i32
      %mul3A_66 = arith.muli %add3A_64, %mul3A_65 : i32
      %dma_wait3A_67 = tpu.memref_slice %arg5[%mul3A_66] : memref<1344xi32, #tpu.memory_space<vmem>> -> memref<48xi32, #tpu.memory_space<vmem>>
      %dma_wait3A_68 = arith.constant 0 : i32
      %dma_wait3A_69 = arith.constant 0 : i32
      %dma_wait3A_70 = tpu.memref_slice %arg3[%dma_wait3A_68, %dma_wait3A_69] : memref<8064x256xi32, #tpu.memory_space<hbm>> -> memref<8064x256xi32, #tpu.memory_space<hbm>>
      tpu.wait_indirect_dma semaphore(%arg11 : memref<!tpu.dma_semaphore, #tpu.memory_space<semaphore_mem>>) src(%dma_wait3A_70 : memref<8064x256xi32, #tpu.memory_space<hbm>>) dst(%arg7 : memref<48x256xi32, #tpu.memory_space<vmem>>)
      %mul3A_71 = arith.constant 48 : i32
      %mul3A_72 = arith.muli %add3A_64, %mul3A_71 : i32
      %add3A_73 = arith.addi %mul3A_2, %mul3A_72 : i32
      %dma_start3A_74 = arith.constant 0 : i32
      %dma_start3A_75 = tpu.memref_slice %arg4[%add3A_73, %dma_start3A_74] : memref<43008x256xi32, #tpu.memory_space<hbm>> -> memref<48x256xi32, #tpu.memory_space<hbm>>
      %dma_start3A_76 = arith.constant 0 : i32
      %dma_start3A_77 = tpu.memref_slice %arg4[%add3A_73, %dma_start3A_76] : memref<43008x256xi32, #tpu.memory_space<hbm>> -> memref<48x256xi32, #tpu.memory_space<hbm>>
      tpu.enqueue_dma source(%arg7 : memref<48x256xi32, #tpu.memory_space<vmem>>) target(%dma_start3A_77 : memref<48x256xi32, #tpu.memory_space<hbm>>) target_semaphore(%arg15 : memref<!tpu.dma_semaphore, #tpu.memory_space<semaphore_mem>>)
      %ge3A_78 = arith.constant 1 : i32
      %ge3A_79 = arith.cmpi sge, %add3A_64, %ge3A_78 : i32
      %convert_element_type3A_80 = arith.extui %ge3A_79 : i1 to i32
      %cond3A_81 = arith.constant 0 : i32
      %cond3A_82 = arith.cmpi ne, %convert_element_type3A_80, %cond3A_81 : i32
      scf.if %cond3A_82 {
        %sub3A_163 = arith.constant 1 : i32
        %sub3A_164 = arith.subi %add3A_64, %sub3A_163 : i32
        %mul3A_165 = arith.constant 48 : i32
        %mul3A_166 = arith.muli %sub3A_164, %mul3A_165 : i32
        %add3A_167 = arith.addi %mul3A_2, %mul3A_166 : i32
        %dma_wait3A_168 = arith.constant 0 : i32
        %dma_wait3A_169 = tpu.memref_slice %arg4[%add3A_167, %dma_wait3A_168] : memref<43008x256xi32, #tpu.memory_space<hbm>> -> memref<48x256xi32, #tpu.memory_space<hbm>>
        %dma_wait3A_170 = arith.constant 0 : i32
        %dma_wait3A_171 = tpu.memref_slice %arg4[%add3A_167, %dma_wait3A_170] : memref<43008x256xi32, #tpu.memory_space<hbm>> -> memref<48x256xi32, #tpu.memory_space<hbm>>
        tpu.wait_dma2 semaphore(%arg14 : memref<!tpu.dma_semaphore, #tpu.memory_space<semaphore_mem>>) src(%arg6 : memref<48x256xi32, #tpu.memory_space<vmem>>) dst(%dma_wait3A_171 : memref<48x256xi32, #tpu.memory_space<hbm>>)
      } else {
      }
      %ge3A_83 = arith.constant 1 : i32
      %ge3A_84 = arith.cmpi sge, %add3A_64, %ge3A_83 : i32
      %add3A_85 = arith.constant 4 : i32
      %add3A_86 = arith.addi %add3A_64, %add3A_85 : i32
      %sub3A_87 = arith.constant 1 : i32
      %sub3A_88 = arith.subi %add3A_86, %sub3A_87 : i32
      %lt3A_89 = arith.constant 28 : i32
      %lt3A_90 = arith.cmpi slt, %sub3A_88, %lt3A_89 : i32
      %and3A_91 = arith.andi %ge3A_84, %lt3A_90 : i1
      %convert_element_type3A_92 = arith.extui %and3A_91 : i1 to i32
      %cond3A_93 = arith.constant 0 : i32
      %cond3A_94 = arith.cmpi ne, %convert_element_type3A_92, %cond3A_93 : i32
      scf.if %cond3A_94 {
        %add3A_163 = arith.constant 4 : i32
        %add3A_164 = arith.addi %add3A_64, %add3A_163 : i32
        %sub3A_165 = arith.constant 1 : i32
        %sub3A_166 = arith.subi %add3A_164, %sub3A_165 : i32
        %mul3A_167 = arith.constant 48 : i32
        %mul3A_168 = arith.muli %sub3A_166, %mul3A_167 : i32
        %dma_start3A_169 = tpu.memref_slice %arg5[%mul3A_168] : memref<1344xi32, #tpu.memory_space<vmem>> -> memref<48xi32, #tpu.memory_space<vmem>>
        %dma_start3A_170 = arith.constant 0 : i32
        %dma_start3A_171 = arith.constant 0 : i32
        %dma_start3A_172 = tpu.memref_slice %arg3[%dma_start3A_170, %dma_start3A_171] : memref<8064x256xi32, #tpu.memory_space<hbm>> -> memref<8064x256xi32, #tpu.memory_space<hbm>>
        tpu.enqueue_indirect_dma source(%dma_start3A_172 : memref<8064x256xi32, #tpu.memory_space<hbm>>) target(%arg6 : memref<48x256xi32, #tpu.memory_space<vmem>>) offsets(%dma_start3A_169 : memref<48xi32, #tpu.memory_space<vmem>>) semaphore(%arg10 : memref<!tpu.dma_semaphore, #tpu.memory_space<semaphore_mem>>)
      } else {
      }
      %mul3A_95 = arith.constant 4 : i32
      %mul3A_96 = arith.muli %scan3A_32, %mul3A_95 : i32
      %add3A_97 = arith.constant 2 : i32
      %add3A_98 = arith.addi %mul3A_96, %add3A_97 : i32
      %mul3A_99 = arith.constant 48 : i32
      %mul3A_100 = arith.muli %add3A_98, %mul3A_99 : i32
      %dma_wait3A_101 = tpu.memref_slice %arg5[%mul3A_100] : memref<1344xi32, #tpu.memory_space<vmem>> -> memref<48xi32, #tpu.memory_space<vmem>>
      %dma_wait3A_102 = arith.constant 0 : i32
      %dma_wait3A_103 = arith.constant 0 : i32
      %dma_wait3A_104 = tpu.memref_slice %arg3[%dma_wait3A_102, %dma_wait3A_103] : memref<8064x256xi32, #tpu.memory_space<hbm>> -> memref<8064x256xi32, #tpu.memory_space<hbm>>
      tpu.wait_indirect_dma semaphore(%arg12 : memref<!tpu.dma_semaphore, #tpu.memory_space<semaphore_mem>>) src(%dma_wait3A_104 : memref<8064x256xi32, #tpu.memory_space<hbm>>) dst(%arg8 : memref<48x256xi32, #tpu.memory_space<vmem>>)
      %mul3A_105 = arith.constant 48 : i32
      %mul3A_106 = arith.muli %add3A_98, %mul3A_105 : i32
      %add3A_107 = arith.addi %mul3A_2, %mul3A_106 : i32
      %dma_start3A_108 = arith.constant 0 : i32
      %dma_start3A_109 = tpu.memref_slice %arg4[%add3A_107, %dma_start3A_108] : memref<43008x256xi32, #tpu.memory_space<hbm>> -> memref<48x256xi32, #tpu.memory_space<hbm>>
      %dma_start3A_110 = arith.constant 0 : i32
      %dma_start3A_111 = tpu.memref_slice %arg4[%add3A_107, %dma_start3A_110] : memref<43008x256xi32, #tpu.memory_space<hbm>> -> memref<48x256xi32, #tpu.memory_space<hbm>>
      tpu.enqueue_dma source(%arg8 : memref<48x256xi32, #tpu.memory_space<vmem>>) target(%dma_start3A_111 : memref<48x256xi32, #tpu.memory_space<hbm>>) target_semaphore(%arg16 : memref<!tpu.dma_semaphore, #tpu.memory_space<semaphore_mem>>)
      %ge3A_112 = arith.constant 1 : i32
      %ge3A_113 = arith.cmpi sge, %add3A_98, %ge3A_112 : i32
      %convert_element_type3A_114 = arith.extui %ge3A_113 : i1 to i32
      %cond3A_115 = arith.constant 0 : i32
      %cond3A_116 = arith.cmpi ne, %convert_element_type3A_114, %cond3A_115 : i32
      scf.if %cond3A_116 {
        %sub3A_163 = arith.constant 1 : i32
        %sub3A_164 = arith.subi %add3A_98, %sub3A_163 : i32
        %mul3A_165 = arith.constant 48 : i32
        %mul3A_166 = arith.muli %sub3A_164, %mul3A_165 : i32
        %add3A_167 = arith.addi %mul3A_2, %mul3A_166 : i32
        %dma_wait3A_168 = arith.constant 0 : i32
        %dma_wait3A_169 = tpu.memref_slice %arg4[%add3A_167, %dma_wait3A_168] : memref<43008x256xi32, #tpu.memory_space<hbm>> -> memref<48x256xi32, #tpu.memory_space<hbm>>
        %dma_wait3A_170 = arith.constant 0 : i32
        %dma_wait3A_171 = tpu.memref_slice %arg4[%add3A_167, %dma_wait3A_170] : memref<43008x256xi32, #tpu.memory_space<hbm>> -> memref<48x256xi32, #tpu.memory_space<hbm>>
        tpu.wait_dma2 semaphore(%arg15 : memref<!tpu.dma_semaphore, #tpu.memory_space<semaphore_mem>>) src(%arg7 : memref<48x256xi32, #tpu.memory_space<vmem>>) dst(%dma_wait3A_171 : memref<48x256xi32, #tpu.memory_space<hbm>>)
      } else {
      }
      %ge3A_117 = arith.constant 1 : i32
      %ge3A_118 = arith.cmpi sge, %add3A_98, %ge3A_117 : i32
      %add3A_119 = arith.constant 4 : i32
      %add3A_120 = arith.addi %add3A_98, %add3A_119 : i32
      %sub3A_121 = arith.constant 1 : i32
      %sub3A_122 = arith.subi %add3A_120, %sub3A_121 : i32
      %lt3A_123 = arith.constant 28 : i32
      %lt3A_124 = arith.cmpi slt, %sub3A_122, %lt3A_123 : i32
      %and3A_125 = arith.andi %ge3A_118, %lt3A_124 : i1
      %convert_element_type3A_126 = arith.extui %and3A_125 : i1 to i32
      %cond3A_127 = arith.constant 0 : i32
      %cond3A_128 = arith.cmpi ne, %convert_element_type3A_126, %cond3A_127 : i32
      scf.if %cond3A_128 {
        %add3A_163 = arith.constant 4 : i32
        %add3A_164 = arith.addi %add3A_98, %add3A_163 : i32
        %sub3A_165 = arith.constant 1 : i32
        %sub3A_166 = arith.subi %add3A_164, %sub3A_165 : i32
        %mul3A_167 = arith.constant 48 : i32
        %mul3A_168 = arith.muli %sub3A_166, %mul3A_167 : i32
        %dma_start3A_169 = tpu.memref_slice %arg5[%mul3A_168] : memref<1344xi32, #tpu.memory_space<vmem>> -> memref<48xi32, #tpu.memory_space<vmem>>
        %dma_start3A_170 = arith.constant 0 : i32
        %dma_start3A_171 = arith.constant 0 : i32
        %dma_start3A_172 = tpu.memref_slice %arg3[%dma_start3A_170, %dma_start3A_171] : memref<8064x256xi32, #tpu.memory_space<hbm>> -> memref<8064x256xi32, #tpu.memory_space<hbm>>
        tpu.enqueue_indirect_dma source(%dma_start3A_172 : memref<8064x256xi32, #tpu.memory_space<hbm>>) target(%arg7 : memref<48x256xi32, #tpu.memory_space<vmem>>) offsets(%dma_start3A_169 : memref<48xi32, #tpu.memory_space<vmem>>) semaphore(%arg11 : memref<!tpu.dma_semaphore, #tpu.memory_space<semaphore_mem>>)
      } else {
      }
      %mul3A_129 = arith.constant 4 : i32
      %mul3A_130 = arith.muli %scan3A_32, %mul3A_129 : i32
      %add3A_131 = arith.constant 3 : i32
      %add3A_132 = arith.addi %mul3A_130, %add3A_131 : i32
      %mul3A_133 = arith.constant 48 : i32
      %mul3A_134 = arith.muli %add3A_132, %mul3A_133 : i32
      %dma_wait3A_135 = tpu.memref_slice %arg5[%mul3A_134] : memref<1344xi32, #tpu.memory_space<vmem>> -> memref<48xi32, #tpu.memory_space<vmem>>
      %dma_wait3A_136 = arith.constant 0 : i32
      %dma_wait3A_137 = arith.constant 0 : i32
      %dma_wait3A_138 = tpu.memref_slice %arg3[%dma_wait3A_136, %dma_wait3A_137] : memref<8064x256xi32, #tpu.memory_space<hbm>> -> memref<8064x256xi32, #tpu.memory_space<hbm>>
      tpu.wait_indirect_dma semaphore(%arg13 : memref<!tpu.dma_semaphore, #tpu.memory_space<semaphore_mem>>) src(%dma_wait3A_138 : memref<8064x256xi32, #tpu.memory_space<hbm>>) dst(%arg9 : memref<48x256xi32, #tpu.memory_space<vmem>>)
      %mul3A_139 = arith.constant 48 : i32
      %mul3A_140 = arith.muli %add3A_132, %mul3A_139 : i32
      %add3A_141 = arith.addi %mul3A_2, %mul3A_140 : i32
      %dma_start3A_142 = arith.constant 0 : i32
      %dma_start3A_143 = tpu.memref_slice %arg4[%add3A_141, %dma_start3A_142] : memref<43008x256xi32, #tpu.memory_space<hbm>> -> memref<48x256xi32, #tpu.memory_space<hbm>>
      %dma_start3A_144 = arith.constant 0 : i32
      %dma_start3A_145 = tpu.memref_slice %arg4[%add3A_141, %dma_start3A_144] : memref<43008x256xi32, #tpu.memory_space<hbm>> -> memref<48x256xi32, #tpu.memory_space<hbm>>
      tpu.enqueue_dma source(%arg9 : memref<48x256xi32, #tpu.memory_space<vmem>>) target(%dma_start3A_145 : memref<48x256xi32, #tpu.memory_space<hbm>>) target_semaphore(%arg17 : memref<!tpu.dma_semaphore, #tpu.memory_space<semaphore_mem>>)
      %ge3A_146 = arith.constant 1 : i32
      %ge3A_147 = arith.cmpi sge, %add3A_132, %ge3A_146 : i32
      %convert_element_type3A_148 = arith.extui %ge3A_147 : i1 to i32
      %cond3A_149 = arith.constant 0 : i32
      %cond3A_150 = arith.cmpi ne, %convert_element_type3A_148, %cond3A_149 : i32
      scf.if %cond3A_150 {
        %sub3A_163 = arith.constant 1 : i32
        %sub3A_164 = arith.subi %add3A_132, %sub3A_163 : i32
        %mul3A_165 = arith.constant 48 : i32
        %mul3A_166 = arith.muli %sub3A_164, %mul3A_165 : i32
        %add3A_167 = arith.addi %mul3A_2, %mul3A_166 : i32
        %dma_wait3A_168 = arith.constant 0 : i32
        %dma_wait3A_169 = tpu.memref_slice %arg4[%add3A_167, %dma_wait3A_168] : memref<43008x256xi32, #tpu.memory_space<hbm>> -> memref<48x256xi32, #tpu.memory_space<hbm>>
        %dma_wait3A_170 = arith.constant 0 : i32
        %dma_wait3A_171 = tpu.memref_slice %arg4[%add3A_167, %dma_wait3A_170] : memref<43008x256xi32, #tpu.memory_space<hbm>> -> memref<48x256xi32, #tpu.memory_space<hbm>>
        tpu.wait_dma2 semaphore(%arg16 : memref<!tpu.dma_semaphore, #tpu.memory_space<semaphore_mem>>) src(%arg8 : memref<48x256xi32, #tpu.memory_space<vmem>>) dst(%dma_wait3A_171 : memref<48x256xi32, #tpu.memory_space<hbm>>)
      } else {
      }
      %ge3A_151 = arith.constant 1 : i32
      %ge3A_152 = arith.cmpi sge, %add3A_132, %ge3A_151 : i32
      %add3A_153 = arith.constant 4 : i32
      %add3A_154 = arith.addi %add3A_132, %add3A_153 : i32
      %sub3A_155 = arith.constant 1 : i32
      %sub3A_156 = arith.subi %add3A_154, %sub3A_155 : i32
      %lt3A_157 = arith.constant 28 : i32
      %lt3A_158 = arith.cmpi slt, %sub3A_156, %lt3A_157 : i32
      %and3A_159 = arith.andi %ge3A_152, %lt3A_158 : i1
      %convert_element_type3A_160 = arith.extui %and3A_159 : i1 to i32
      %cond3A_161 = arith.constant 0 : i32
      %cond3A_162 = arith.cmpi ne, %convert_element_type3A_160, %cond3A_161 : i32
      scf.if %cond3A_162 {
        %add3A_163 = arith.constant 4 : i32
        %add3A_164 = arith.addi %add3A_132, %add3A_163 : i32
        %sub3A_165 = arith.constant 1 : i32
        %sub3A_166 = arith.subi %add3A_164, %sub3A_165 : i32
        %mul3A_167 = arith.constant 48 : i32
        %mul3A_168 = arith.muli %sub3A_166, %mul3A_167 : i32
        %dma_start3A_169 = tpu.memref_slice %arg5[%mul3A_168] : memref<1344xi32, #tpu.memory_space<vmem>> -> memref<48xi32, #tpu.memory_space<vmem>>
        %dma_start3A_170 = arith.constant 0 : i32
        %dma_start3A_171 = arith.constant 0 : i32
        %dma_start3A_172 = tpu.memref_slice %arg3[%dma_start3A_170, %dma_start3A_171] : memref<8064x256xi32, #tpu.memory_space<hbm>> -> memref<8064x256xi32, #tpu.memory_space<hbm>>
        tpu.enqueue_indirect_dma source(%dma_start3A_172 : memref<8064x256xi32, #tpu.memory_space<hbm>>) target(%arg8 : memref<48x256xi32, #tpu.memory_space<vmem>>) offsets(%dma_start3A_169 : memref<48xi32, #tpu.memory_space<vmem>>) semaphore(%arg12 : memref<!tpu.dma_semaphore, #tpu.memory_space<semaphore_mem>>)
      } else {
      }
    }
    %scan3A_26 = arith.constant 7 : i32
    %add3A_27 = arith.constant 1296 : i32
    %add3A_28 = arith.addi %mul3A_2, %add3A_27 : i32
    %dma_wait3A = arith.constant 0 : i32
    %dma_wait3A_29 = tpu.memref_slice %arg4[%add3A_28, %dma_wait3A] : memref<43008x256xi32, #tpu.memory_space<hbm>> -> memref<48x256xi32, #tpu.memory_space<hbm>>
    %dma_wait3A_30 = arith.constant 0 : i32
    %dma_wait3A_31 = tpu.memref_slice %arg4[%add3A_28, %dma_wait3A_30] : memref<43008x256xi32, #tpu.memory_space<hbm>> -> memref<48x256xi32, #tpu.memory_space<hbm>>
    tpu.wait_dma2 semaphore(%arg17 : memref<!tpu.dma_semaphore, #tpu.memory_space<semaphore_mem>>) src(%arg9 : memref<48x256xi32, #tpu.memory_space<vmem>>) dst(%dma_wait3A_31 : memref<48x256xi32, #tpu.memory_space<hbm>>)
    return
  }
}

#map = affine_map<(d0, d1) -> (0)>
#map1 = affine_map<(d0, d1) -> (0, 0)>
module attributes {stable_mosaic.version = 14 : i64} {
  func.func @_sc_body(%arg0: i32, %arg1: i32, %arg2: memref<43008xi32, #tpu.memory_space<hbm>>, %arg3: memref<8064x256xi32, #tpu.memory_space<hbm>>, %arg4: memref<43008x256xi32, #tpu.memory_space<hbm>>, %arg5: memref<1344xi32, #tpu.memory_space<vmem>>, %arg6: memref<48x256xi32, #tpu.memory_space<vmem>>, %arg7: memref<48x256xi32, #tpu.memory_space<vmem>>, %arg8: memref<48x256xi32, #tpu.memory_space<vmem>>, %arg9: memref<48x256xi32, #tpu.memory_space<vmem>>, %arg10: memref<!tpu.dma_semaphore, #tpu.memory_space<semaphore_mem>>, %arg11: memref<!tpu.dma_semaphore, #tpu.memory_space<semaphore_mem>>, %arg12: memref<!tpu.dma_semaphore, #tpu.memory_space<semaphore_mem>>, %arg13: memref<!tpu.dma_semaphore, #tpu.memory_space<semaphore_mem>>, %arg14: memref<!tpu.dma_semaphore, #tpu.memory_space<semaphore_mem>>, %arg15: memref<!tpu.dma_semaphore, #tpu.memory_space<semaphore_mem>>, %arg16: memref<!tpu.dma_semaphore, #tpu.memory_space<semaphore_mem>>, %arg17: memref<!tpu.dma_semaphore, #tpu.memory_space<semaphore_mem>>) attributes {dimension_semantics = [#tpu.dimension_semantics<core_parallel>, #tpu.dimension_semantics<subcore_parallel>], iteration_bounds = array<i64: 2, 16>, scalar_prefetch = 0 : i64, scratch_operands = 13 : i64, tpu.core_type = #tpu.core_type<sc_vector_subcore>, window_params = [{transform_indices = #map}, {transform_indices = #map1}, {transform_indices = #map1}]} {
    %mul3A = arith.constant 2 : i32
    %mul3A_0 = arith.muli %arg1, %mul3A : i32
    %add3A = arith.addi %mul3A_0, %arg0 : i32
    %mul3A_1 = arith.constant 1344 : i32
    %mul3A_2 = arith.muli %add3A, %mul3A_1 : i32
    "tpu.region"() ({
      %run_scoped3A = tpu.sem_alloc : memref<!tpu.dma_semaphore, #tpu.memory_space<semaphore_mem>>
      %dma_start3A_32 = tpu.memref_slice %arg2[%mul3A_2] : memref<43008xi32, #tpu.memory_space<hbm>> -> memref<1344xi32, #tpu.memory_space<hbm>>
      %dma_start3A_33 = tpu.memref_slice %arg2[%mul3A_2] : memref<43008xi32, #tpu.memory_space<hbm>> -> memref<1344xi32, #tpu.memory_space<hbm>>
      tpu.enqueue_dma source(%dma_start3A_33 : memref<1344xi32, #tpu.memory_space<hbm>>) target(%arg5 : memref<1344xi32, #tpu.memory_space<vmem>>) target_semaphore(%run_scoped3A : memref<!tpu.dma_semaphore, #tpu.memory_space<semaphore_mem>>)
      %dma_wait3A_34 = tpu.memref_slice %arg2[%mul3A_2] : memref<43008xi32, #tpu.memory_space<hbm>> -> memref<1344xi32, #tpu.memory_space<hbm>>
      %dma_wait3A_35 = tpu.memref_slice %arg2[%mul3A_2] : memref<43008xi32, #tpu.memory_space<hbm>> -> memref<1344xi32, #tpu.memory_space<hbm>>
      tpu.wait_dma2 semaphore(%run_scoped3A : memref<!tpu.dma_semaphore, #tpu.memory_space<semaphore_mem>>) src(%dma_wait3A_35 : memref<1344xi32, #tpu.memory_space<hbm>>) dst(%arg5 : memref<1344xi32, #tpu.memory_space<vmem>>)
      tpu.yield
    }) : () -> ()
    %dma_start3A = arith.constant 0 : i32
    %dma_start3A_3 = tpu.memref_slice %arg5[%dma_start3A] : memref<1344xi32, #tpu.memory_space<vmem>> -> memref<48xi32, #tpu.memory_space<vmem>>
    %dma_start3A_4 = arith.constant 0 : i32
    %dma_start3A_5 = arith.constant 0 : i32
    %dma_start3A_6 = tpu.memref_slice %arg3[%dma_start3A_4, %dma_start3A_5] : memref<8064x256xi32, #tpu.memory_space<hbm>> -> memref<8064x256xi32, #tpu.memory_space<hbm>>
    tpu.enqueue_indirect_dma source(%dma_start3A_6 : memref<8064x256xi32, #tpu.memory_space<hbm>>) target(%arg6 : memref<48x256xi32, #tpu.memory_space<vmem>>) offsets(%dma_start3A_3 : memref<48xi32, #tpu.memory_space<vmem>>) semaphore(%arg10 : memref<!tpu.dma_semaphore, #tpu.memory_space<semaphore_mem>>)
    %dma_start3A_7 = arith.constant 48 : i32
    %dma_start3A_8 = tpu.memref_slice %arg5[%dma_start3A_7] : memref<1344xi32, #tpu.memory_space<vmem>> -> memref<48xi32, #tpu.memory_space<vmem>>
    %dma_start3A_9 = arith.constant 0 : i32
    %dma_start3A_10 = arith.constant 0 : i32
    %dma_start3A_11 = tpu.memref_slice %arg3[%dma_start3A_9, %dma_start3A_10] : memref<8064x256xi32, #tpu.memory_space<hbm>> -> memref<8064x256xi32, #tpu.memory_space<hbm>>
    tpu.enqueue_indirect_dma source(%dma_start3A_11 : memref<8064x256xi32, #tpu.memory_space<hbm>>) target(%arg7 : memref<48x256xi32, #tpu.memory_space<vmem>>) offsets(%dma_start3A_8 : memref<48xi32, #tpu.memory_space<vmem>>) semaphore(%arg11 : memref<!tpu.dma_semaphore, #tpu.memory_space<semaphore_mem>>)
    %dma_start3A_12 = arith.constant 96 : i32
    %dma_start3A_13 = tpu.memref_slice %arg5[%dma_start3A_12] : memref<1344xi32, #tpu.memory_space<vmem>> -> memref<48xi32, #tpu.memory_space<vmem>>
    %dma_start3A_14 = arith.constant 0 : i32
    %dma_start3A_15 = arith.constant 0 : i32
    %dma_start3A_16 = tpu.memref_slice %arg3[%dma_start3A_14, %dma_start3A_15] : memref<8064x256xi32, #tpu.memory_space<hbm>> -> memref<8064x256xi32, #tpu.memory_space<hbm>>
    tpu.enqueue_indirect_dma source(%dma_start3A_16 : memref<8064x256xi32, #tpu.memory_space<hbm>>) target(%arg8 : memref<48x256xi32, #tpu.memory_space<vmem>>) offsets(%dma_start3A_13 : memref<48xi32, #tpu.memory_space<vmem>>) semaphore(%arg12 : memref<!tpu.dma_semaphore, #tpu.memory_space<semaphore_mem>>)
    %dma_start3A_17 = arith.constant 144 : i32
    %dma_start3A_18 = tpu.memref_slice %arg5[%dma_start3A_17] : memref<1344xi32, #tpu.memory_space<vmem>> -> memref<48xi32, #tpu.memory_space<vmem>>
    %dma_start3A_19 = arith.constant 0 : i32
    %dma_start3A_20 = arith.constant 0 : i32
    %dma_start3A_21 = tpu.memref_slice %arg3[%dma_start3A_19, %dma_start3A_20] : memref<8064x256xi32, #tpu.memory_space<hbm>> -> memref<8064x256xi32, #tpu.memory_space<hbm>>
    tpu.enqueue_indirect_dma source(%dma_start3A_21 : memref<8064x256xi32, #tpu.memory_space<hbm>>) target(%arg9 : memref<48x256xi32, #tpu.memory_space<vmem>>) offsets(%dma_start3A_18 : memref<48xi32, #tpu.memory_space<vmem>>) semaphore(%arg13 : memref<!tpu.dma_semaphore, #tpu.memory_space<semaphore_mem>>)
    %scan3A = arith.constant 0 : i32
    %scan3A_22 = arith.constant 0 : i32
    %scan3A_23 = arith.constant 7 : i32
    %scan3A_24 = arith.addi %scan3A_22, %scan3A_23 : i32
    %scan3A_25 = arith.constant 1 : i32
    scf.for %scan3A_32 = %scan3A_22 to %scan3A_24 step %scan3A_25  : i32 {
      %mul3A_33 = arith.constant 4 : i32
      %mul3A_34 = arith.muli %scan3A_32, %mul3A_33 : i32
      %add3A_35 = arith.constant 0 : i32
      %add3A_36 = arith.addi %mul3A_34, %add3A_35 : i32
      %mul3A_37 = arith.constant 48 : i32
      %mul3A_38 = arith.muli %add3A_36, %mul3A_37 : i32
      %dma_wait3A_39 = tpu.memref_slice %arg5[%mul3A_38] : memref<1344xi32, #tpu.memory_space<vmem>> -> memref<48xi32, #tpu.memory_space<vmem>>
      %dma_wait3A_40 = arith.constant 0 : i32
      %dma_wait3A_41 = arith.constant 0 : i32
      %dma_wait3A_42 = tpu.memref_slice %arg3[%dma_wait3A_40, %dma_wait3A_41] : memref<8064x256xi32, #tpu.memory_space<hbm>> -> memref<8064x256xi32, #tpu.memory_space<hbm>>
      tpu.wait_indirect_dma semaphore(%arg10 : memref<!tpu.dma_semaphore, #tpu.memory_space<semaphore_mem>>) src(%dma_wait3A_42 : memref<8064x256xi32, #tpu.memory_space<hbm>>) dst(%arg6 : memref<48x256xi32, #tpu.memory_space<vmem>>)
      %mul3A_43 = arith.constant 48 : i32
      %mul3A_44 = arith.muli %add3A_36, %mul3A_43 : i32
      %add3A_45 = arith.addi %mul3A_2, %mul3A_44 : i32
      %dma_start3A_46 = arith.constant 0 : i32
      %dma_start3A_47 = tpu.memref_slice %arg4[%add3A_45, %dma_start3A_46] : memref<43008x256xi32, #tpu.memory_space<hbm>> -> memref<48x256xi32, #tpu.memory_space<hbm>>
      %dma_start3A_48 = arith.constant 0 : i32
      %dma_start3A_49 = tpu.memref_slice %arg4[%add3A_45, %dma_start3A_48] : memref<43008x256xi32, #tpu.memory_space<hbm>> -> memref<48x256xi32, #tpu.memory_space<hbm>>
      tpu.enqueue_dma source(%arg6 : memref<48x256xi32, #tpu.memory_space<vmem>>) target(%dma_start3A_49 : memref<48x256xi32, #tpu.memory_space<hbm>>) target_semaphore(%arg14 : memref<!tpu.dma_semaphore, #tpu.memory_space<semaphore_mem>>)
      %ge3A = arith.constant 1 : i32
      %ge3A_50 = arith.cmpi sge, %add3A_36, %ge3A : i32
      %convert_element_type3A = arith.extui %ge3A_50 : i1 to i32
      %cond3A = arith.constant 0 : i32
      %cond3A_51 = arith.cmpi ne, %convert_element_type3A, %cond3A : i32
      scf.if %cond3A_51 {
        %sub3A_163 = arith.constant 1 : i32
        %sub3A_164 = arith.subi %add3A_36, %sub3A_163 : i32
        %mul3A_165 = arith.constant 48 : i32
        %mul3A_166 = arith.muli %sub3A_164, %mul3A_165 : i32
        %add3A_167 = arith.addi %mul3A_2, %mul3A_166 : i32
        %dma_wait3A_168 = arith.constant 0 : i32
        %dma_wait3A_169 = tpu.memref_slice %arg4[%add3A_167, %dma_wait3A_168] : memref<43008x256xi32, #tpu.memory_space<hbm>> -> memref<48x256xi32, #tpu.memory_space<hbm>>
        %dma_wait3A_170 = arith.constant 0 : i32
        %dma_wait3A_171 = tpu.memref_slice %arg4[%add3A_167, %dma_wait3A_170] : memref<43008x256xi32, #tpu.memory_space<hbm>> -> memref<48x256xi32, #tpu.memory_space<hbm>>
        tpu.wait_dma2 semaphore(%arg17 : memref<!tpu.dma_semaphore, #tpu.memory_space<semaphore_mem>>) src(%arg9 : memref<48x256xi32, #tpu.memory_space<vmem>>) dst(%dma_wait3A_171 : memref<48x256xi32, #tpu.memory_space<hbm>>)
      } else {
      }
      %ge3A_52 = arith.constant 1 : i32
      %ge3A_53 = arith.cmpi sge, %add3A_36, %ge3A_52 : i32
      %add3A_54 = arith.constant 4 : i32
      %add3A_55 = arith.addi %add3A_36, %add3A_54 : i32
      %sub3A = arith.constant 1 : i32
      %sub3A_56 = arith.subi %add3A_55, %sub3A : i32
      %lt3A = arith.constant 28 : i32
      %lt3A_57 = arith.cmpi slt, %sub3A_56, %lt3A : i32
      %and3A = arith.andi %ge3A_53, %lt3A_57 : i1
      %convert_element_type3A_58 = arith.extui %and3A : i1 to i32
      %cond3A_59 = arith.constant 0 : i32
      %cond3A_60 = arith.cmpi ne, %convert_element_type3A_58, %cond3A_59 : i32
      scf.if %cond3A_60 {
        %add3A_163 = arith.constant 4 : i32
        %add3A_164 = arith.addi %add3A_36, %add3A_163 : i32
        %sub3A_165 = arith.constant 1 : i32
        %sub3A_166 = arith.subi %add3A_164, %sub3A_165 : i32
        %mul3A_167 = arith.constant 48 : i32
        %mul3A_168 = arith.muli %sub3A_166, %mul3A_167 : i32
        %dma_start3A_169 = tpu.memref_slice %arg5[%mul3A_168] : memref<1344xi32, #tpu.memory_space<vmem>> -> memref<48xi32, #tpu.memory_space<vmem>>
        %dma_start3A_170 = arith.constant 0 : i32
        %dma_start3A_171 = arith.constant 0 : i32
        %dma_start3A_172 = tpu.memref_slice %arg3[%dma_start3A_170, %dma_start3A_171] : memref<8064x256xi32, #tpu.memory_space<hbm>> -> memref<8064x256xi32, #tpu.memory_space<hbm>>
        tpu.enqueue_indirect_dma source(%dma_start3A_172 : memref<8064x256xi32, #tpu.memory_space<hbm>>) target(%arg9 : memref<48x256xi32, #tpu.memory_space<vmem>>) offsets(%dma_start3A_169 : memref<48xi32, #tpu.memory_space<vmem>>) semaphore(%arg13 : memref<!tpu.dma_semaphore, #tpu.memory_space<semaphore_mem>>)
      } else {
      }
      %mul3A_61 = arith.constant 4 : i32
      %mul3A_62 = arith.muli %scan3A_32, %mul3A_61 : i32
      %add3A_63 = arith.constant 1 : i32
      %add3A_64 = arith.addi %mul3A_62, %add3A_63 : i32
      %mul3A_65 = arith.constant 48 : i32
      %mul3A_66 = arith.muli %add3A_64, %mul3A_65 : i32
      %dma_wait3A_67 = tpu.memref_slice %arg5[%mul3A_66] : memref<1344xi32, #tpu.memory_space<vmem>> -> memref<48xi32, #tpu.memory_space<vmem>>
      %dma_wait3A_68 = arith.constant 0 : i32
      %dma_wait3A_69 = arith.constant 0 : i32
      %dma_wait3A_70 = tpu.memref_slice %arg3[%dma_wait3A_68, %dma_wait3A_69] : memref<8064x256xi32, #tpu.memory_space<hbm>> -> memref<8064x256xi32, #tpu.memory_space<hbm>>
      tpu.wait_indirect_dma semaphore(%arg11 : memref<!tpu.dma_semaphore, #tpu.memory_space<semaphore_mem>>) src(%dma_wait3A_70 : memref<8064x256xi32, #tpu.memory_space<hbm>>) dst(%arg7 : memref<48x256xi32, #tpu.memory_space<vmem>>)
      %mul3A_71 = arith.constant 48 : i32
      %mul3A_72 = arith.muli %add3A_64, %mul3A_71 : i32
      %add3A_73 = arith.addi %mul3A_2, %mul3A_72 : i32
      %dma_start3A_74 = arith.constant 0 : i32
      %dma_start3A_75 = tpu.memref_slice %arg4[%add3A_73, %dma_start3A_74] : memref<43008x256xi32, #tpu.memory_space<hbm>> -> memref<48x256xi32, #tpu.memory_space<hbm>>
      %dma_start3A_76 = arith.constant 0 : i32
      %dma_start3A_77 = tpu.memref_slice %arg4[%add3A_73, %dma_start3A_76] : memref<43008x256xi32, #tpu.memory_space<hbm>> -> memref<48x256xi32, #tpu.memory_space<hbm>>
      tpu.enqueue_dma source(%arg7 : memref<48x256xi32, #tpu.memory_space<vmem>>) target(%dma_start3A_77 : memref<48x256xi32, #tpu.memory_space<hbm>>) target_semaphore(%arg15 : memref<!tpu.dma_semaphore, #tpu.memory_space<semaphore_mem>>)
      %ge3A_78 = arith.constant 1 : i32
      %ge3A_79 = arith.cmpi sge, %add3A_64, %ge3A_78 : i32
      %convert_element_type3A_80 = arith.extui %ge3A_79 : i1 to i32
      %cond3A_81 = arith.constant 0 : i32
      %cond3A_82 = arith.cmpi ne, %convert_element_type3A_80, %cond3A_81 : i32
      scf.if %cond3A_82 {
        %sub3A_163 = arith.constant 1 : i32
        %sub3A_164 = arith.subi %add3A_64, %sub3A_163 : i32
        %mul3A_165 = arith.constant 48 : i32
        %mul3A_166 = arith.muli %sub3A_164, %mul3A_165 : i32
        %add3A_167 = arith.addi %mul3A_2, %mul3A_166 : i32
        %dma_wait3A_168 = arith.constant 0 : i32
        %dma_wait3A_169 = tpu.memref_slice %arg4[%add3A_167, %dma_wait3A_168] : memref<43008x256xi32, #tpu.memory_space<hbm>> -> memref<48x256xi32, #tpu.memory_space<hbm>>
        %dma_wait3A_170 = arith.constant 0 : i32
        %dma_wait3A_171 = tpu.memref_slice %arg4[%add3A_167, %dma_wait3A_170] : memref<43008x256xi32, #tpu.memory_space<hbm>> -> memref<48x256xi32, #tpu.memory_space<hbm>>
        tpu.wait_dma2 semaphore(%arg14 : memref<!tpu.dma_semaphore, #tpu.memory_space<semaphore_mem>>) src(%arg6 : memref<48x256xi32, #tpu.memory_space<vmem>>) dst(%dma_wait3A_171 : memref<48x256xi32, #tpu.memory_space<hbm>>)
      } else {
      }
      %ge3A_83 = arith.constant 1 : i32
      %ge3A_84 = arith.cmpi sge, %add3A_64, %ge3A_83 : i32
      %add3A_85 = arith.constant 4 : i32
      %add3A_86 = arith.addi %add3A_64, %add3A_85 : i32
      %sub3A_87 = arith.constant 1 : i32
      %sub3A_88 = arith.subi %add3A_86, %sub3A_87 : i32
      %lt3A_89 = arith.constant 28 : i32
      %lt3A_90 = arith.cmpi slt, %sub3A_88, %lt3A_89 : i32
      %and3A_91 = arith.andi %ge3A_84, %lt3A_90 : i1
      %convert_element_type3A_92 = arith.extui %and3A_91 : i1 to i32
      %cond3A_93 = arith.constant 0 : i32
      %cond3A_94 = arith.cmpi ne, %convert_element_type3A_92, %cond3A_93 : i32
      scf.if %cond3A_94 {
        %add3A_163 = arith.constant 4 : i32
        %add3A_164 = arith.addi %add3A_64, %add3A_163 : i32
        %sub3A_165 = arith.constant 1 : i32
        %sub3A_166 = arith.subi %add3A_164, %sub3A_165 : i32
        %mul3A_167 = arith.constant 48 : i32
        %mul3A_168 = arith.muli %sub3A_166, %mul3A_167 : i32
        %dma_start3A_169 = tpu.memref_slice %arg5[%mul3A_168] : memref<1344xi32, #tpu.memory_space<vmem>> -> memref<48xi32, #tpu.memory_space<vmem>>
        %dma_start3A_170 = arith.constant 0 : i32
        %dma_start3A_171 = arith.constant 0 : i32
        %dma_start3A_172 = tpu.memref_slice %arg3[%dma_start3A_170, %dma_start3A_171] : memref<8064x256xi32, #tpu.memory_space<hbm>> -> memref<8064x256xi32, #tpu.memory_space<hbm>>
        tpu.enqueue_indirect_dma source(%dma_start3A_172 : memref<8064x256xi32, #tpu.memory_space<hbm>>) target(%arg6 : memref<48x256xi32, #tpu.memory_space<vmem>>) offsets(%dma_start3A_169 : memref<48xi32, #tpu.memory_space<vmem>>) semaphore(%arg10 : memref<!tpu.dma_semaphore, #tpu.memory_space<semaphore_mem>>)
      } else {
      }
      %mul3A_95 = arith.constant 4 : i32
      %mul3A_96 = arith.muli %scan3A_32, %mul3A_95 : i32
      %add3A_97 = arith.constant 2 : i32
      %add3A_98 = arith.addi %mul3A_96, %add3A_97 : i32
      %mul3A_99 = arith.constant 48 : i32
      %mul3A_100 = arith.muli %add3A_98, %mul3A_99 : i32
      %dma_wait3A_101 = tpu.memref_slice %arg5[%mul3A_100] : memref<1344xi32, #tpu.memory_space<vmem>> -> memref<48xi32, #tpu.memory_space<vmem>>
      %dma_wait3A_102 = arith.constant 0 : i32
      %dma_wait3A_103 = arith.constant 0 : i32
      %dma_wait3A_104 = tpu.memref_slice %arg3[%dma_wait3A_102, %dma_wait3A_103] : memref<8064x256xi32, #tpu.memory_space<hbm>> -> memref<8064x256xi32, #tpu.memory_space<hbm>>
      tpu.wait_indirect_dma semaphore(%arg12 : memref<!tpu.dma_semaphore, #tpu.memory_space<semaphore_mem>>) src(%dma_wait3A_104 : memref<8064x256xi32, #tpu.memory_space<hbm>>) dst(%arg8 : memref<48x256xi32, #tpu.memory_space<vmem>>)
      %mul3A_105 = arith.constant 48 : i32
      %mul3A_106 = arith.muli %add3A_98, %mul3A_105 : i32
      %add3A_107 = arith.addi %mul3A_2, %mul3A_106 : i32
      %dma_start3A_108 = arith.constant 0 : i32
      %dma_start3A_109 = tpu.memref_slice %arg4[%add3A_107, %dma_start3A_108] : memref<43008x256xi32, #tpu.memory_space<hbm>> -> memref<48x256xi32, #tpu.memory_space<hbm>>
      %dma_start3A_110 = arith.constant 0 : i32
      %dma_start3A_111 = tpu.memref_slice %arg4[%add3A_107, %dma_start3A_110] : memref<43008x256xi32, #tpu.memory_space<hbm>> -> memref<48x256xi32, #tpu.memory_space<hbm>>
      tpu.enqueue_dma source(%arg8 : memref<48x256xi32, #tpu.memory_space<vmem>>) target(%dma_start3A_111 : memref<48x256xi32, #tpu.memory_space<hbm>>) target_semaphore(%arg16 : memref<!tpu.dma_semaphore, #tpu.memory_space<semaphore_mem>>)
      %ge3A_112 = arith.constant 1 : i32
      %ge3A_113 = arith.cmpi sge, %add3A_98, %ge3A_112 : i32
      %convert_element_type3A_114 = arith.extui %ge3A_113 : i1 to i32
      %cond3A_115 = arith.constant 0 : i32
      %cond3A_116 = arith.cmpi ne, %convert_element_type3A_114, %cond3A_115 : i32
      scf.if %cond3A_116 {
        %sub3A_163 = arith.constant 1 : i32
        %sub3A_164 = arith.subi %add3A_98, %sub3A_163 : i32
        %mul3A_165 = arith.constant 48 : i32
        %mul3A_166 = arith.muli %sub3A_164, %mul3A_165 : i32
        %add3A_167 = arith.addi %mul3A_2, %mul3A_166 : i32
        %dma_wait3A_168 = arith.constant 0 : i32
        %dma_wait3A_169 = tpu.memref_slice %arg4[%add3A_167, %dma_wait3A_168] : memref<43008x256xi32, #tpu.memory_space<hbm>> -> memref<48x256xi32, #tpu.memory_space<hbm>>
        %dma_wait3A_170 = arith.constant 0 : i32
        %dma_wait3A_171 = tpu.memref_slice %arg4[%add3A_167, %dma_wait3A_170] : memref<43008x256xi32, #tpu.memory_space<hbm>> -> memref<48x256xi32, #tpu.memory_space<hbm>>
        tpu.wait_dma2 semaphore(%arg15 : memref<!tpu.dma_semaphore, #tpu.memory_space<semaphore_mem>>) src(%arg7 : memref<48x256xi32, #tpu.memory_space<vmem>>) dst(%dma_wait3A_171 : memref<48x256xi32, #tpu.memory_space<hbm>>)
      } else {
      }
      %ge3A_117 = arith.constant 1 : i32
      %ge3A_118 = arith.cmpi sge, %add3A_98, %ge3A_117 : i32
      %add3A_119 = arith.constant 4 : i32
      %add3A_120 = arith.addi %add3A_98, %add3A_119 : i32
      %sub3A_121 = arith.constant 1 : i32
      %sub3A_122 = arith.subi %add3A_120, %sub3A_121 : i32
      %lt3A_123 = arith.constant 28 : i32
      %lt3A_124 = arith.cmpi slt, %sub3A_122, %lt3A_123 : i32
      %and3A_125 = arith.andi %ge3A_118, %lt3A_124 : i1
      %convert_element_type3A_126 = arith.extui %and3A_125 : i1 to i32
      %cond3A_127 = arith.constant 0 : i32
      %cond3A_128 = arith.cmpi ne, %convert_element_type3A_126, %cond3A_127 : i32
      scf.if %cond3A_128 {
        %add3A_163 = arith.constant 4 : i32
        %add3A_164 = arith.addi %add3A_98, %add3A_163 : i32
        %sub3A_165 = arith.constant 1 : i32
        %sub3A_166 = arith.subi %add3A_164, %sub3A_165 : i32
        %mul3A_167 = arith.constant 48 : i32
        %mul3A_168 = arith.muli %sub3A_166, %mul3A_167 : i32
        %dma_start3A_169 = tpu.memref_slice %arg5[%mul3A_168] : memref<1344xi32, #tpu.memory_space<vmem>> -> memref<48xi32, #tpu.memory_space<vmem>>
        %dma_start3A_170 = arith.constant 0 : i32
        %dma_start3A_171 = arith.constant 0 : i32
        %dma_start3A_172 = tpu.memref_slice %arg3[%dma_start3A_170, %dma_start3A_171] : memref<8064x256xi32, #tpu.memory_space<hbm>> -> memref<8064x256xi32, #tpu.memory_space<hbm>>
        tpu.enqueue_indirect_dma source(%dma_start3A_172 : memref<8064x256xi32, #tpu.memory_space<hbm>>) target(%arg7 : memref<48x256xi32, #tpu.memory_space<vmem>>) offsets(%dma_start3A_169 : memref<48xi32, #tpu.memory_space<vmem>>) semaphore(%arg11 : memref<!tpu.dma_semaphore, #tpu.memory_space<semaphore_mem>>)
      } else {
      }
      %mul3A_129 = arith.constant 4 : i32
      %mul3A_130 = arith.muli %scan3A_32, %mul3A_129 : i32
      %add3A_131 = arith.constant 3 : i32
      %add3A_132 = arith.addi %mul3A_130, %add3A_131 : i32
      %mul3A_133 = arith.constant 48 : i32
      %mul3A_134 = arith.muli %add3A_132, %mul3A_133 : i32
      %dma_wait3A_135 = tpu.memref_slice %arg5[%mul3A_134] : memref<1344xi32, #tpu.memory_space<vmem>> -> memref<48xi32, #tpu.memory_space<vmem>>
      %dma_wait3A_136 = arith.constant 0 : i32
      %dma_wait3A_137 = arith.constant 0 : i32
      %dma_wait3A_138 = tpu.memref_slice %arg3[%dma_wait3A_136, %dma_wait3A_137] : memref<8064x256xi32, #tpu.memory_space<hbm>> -> memref<8064x256xi32, #tpu.memory_space<hbm>>
      tpu.wait_indirect_dma semaphore(%arg13 : memref<!tpu.dma_semaphore, #tpu.memory_space<semaphore_mem>>) src(%dma_wait3A_138 : memref<8064x256xi32, #tpu.memory_space<hbm>>) dst(%arg9 : memref<48x256xi32, #tpu.memory_space<vmem>>)
      %mul3A_139 = arith.constant 48 : i32
      %mul3A_140 = arith.muli %add3A_132, %mul3A_139 : i32
      %add3A_141 = arith.addi %mul3A_2, %mul3A_140 : i32
      %dma_start3A_142 = arith.constant 0 : i32
      %dma_start3A_143 = tpu.memref_slice %arg4[%add3A_141, %dma_start3A_142] : memref<43008x256xi32, #tpu.memory_space<hbm>> -> memref<48x256xi32, #tpu.memory_space<hbm>>
      %dma_start3A_144 = arith.constant 0 : i32
      %dma_start3A_145 = tpu.memref_slice %arg4[%add3A_141, %dma_start3A_144] : memref<43008x256xi32, #tpu.memory_space<hbm>> -> memref<48x256xi32, #tpu.memory_space<hbm>>
      tpu.enqueue_dma source(%arg9 : memref<48x256xi32, #tpu.memory_space<vmem>>) target(%dma_start3A_145 : memref<48x256xi32, #tpu.memory_space<hbm>>) target_semaphore(%arg17 : memref<!tpu.dma_semaphore, #tpu.memory_space<semaphore_mem>>)
      %ge3A_146 = arith.constant 1 : i32
      %ge3A_147 = arith.cmpi sge, %add3A_132, %ge3A_146 : i32
      %convert_element_type3A_148 = arith.extui %ge3A_147 : i1 to i32
      %cond3A_149 = arith.constant 0 : i32
      %cond3A_150 = arith.cmpi ne, %convert_element_type3A_148, %cond3A_149 : i32
      scf.if %cond3A_150 {
        %sub3A_163 = arith.constant 1 : i32
        %sub3A_164 = arith.subi %add3A_132, %sub3A_163 : i32
        %mul3A_165 = arith.constant 48 : i32
        %mul3A_166 = arith.muli %sub3A_164, %mul3A_165 : i32
        %add3A_167 = arith.addi %mul3A_2, %mul3A_166 : i32
        %dma_wait3A_168 = arith.constant 0 : i32
        %dma_wait3A_169 = tpu.memref_slice %arg4[%add3A_167, %dma_wait3A_168] : memref<43008x256xi32, #tpu.memory_space<hbm>> -> memref<48x256xi32, #tpu.memory_space<hbm>>
        %dma_wait3A_170 = arith.constant 0 : i32
        %dma_wait3A_171 = tpu.memref_slice %arg4[%add3A_167, %dma_wait3A_170] : memref<43008x256xi32, #tpu.memory_space<hbm>> -> memref<48x256xi32, #tpu.memory_space<hbm>>
        tpu.wait_dma2 semaphore(%arg16 : memref<!tpu.dma_semaphore, #tpu.memory_space<semaphore_mem>>) src(%arg8 : memref<48x256xi32, #tpu.memory_space<vmem>>) dst(%dma_wait3A_171 : memref<48x256xi32, #tpu.memory_space<hbm>>)
      } else {
      }
      %ge3A_151 = arith.constant 1 : i32
      %ge3A_152 = arith.cmpi sge, %add3A_132, %ge3A_151 : i32
      %add3A_153 = arith.constant 4 : i32
      %add3A_154 = arith.addi %add3A_132, %add3A_153 : i32
      %sub3A_155 = arith.constant 1 : i32
      %sub3A_156 = arith.subi %add3A_154, %sub3A_155 : i32
      %lt3A_157 = arith.constant 28 : i32
      %lt3A_158 = arith.cmpi slt, %sub3A_156, %lt3A_157 : i32
      %and3A_159 = arith.andi %ge3A_152, %lt3A_158 : i1
      %convert_element_type3A_160 = arith.extui %and3A_159 : i1 to i32
      %cond3A_161 = arith.constant 0 : i32
      %cond3A_162 = arith.cmpi ne, %convert_element_type3A_160, %cond3A_161 : i32
      scf.if %cond3A_162 {
        %add3A_163 = arith.constant 4 : i32
        %add3A_164 = arith.addi %add3A_132, %add3A_163 : i32
        %sub3A_165 = arith.constant 1 : i32
        %sub3A_166 = arith.subi %add3A_164, %sub3A_165 : i32
        %mul3A_167 = arith.constant 48 : i32
        %mul3A_168 = arith.muli %sub3A_166, %mul3A_167 : i32
        %dma_start3A_169 = tpu.memref_slice %arg5[%mul3A_168] : memref<1344xi32, #tpu.memory_space<vmem>> -> memref<48xi32, #tpu.memory_space<vmem>>
        %dma_start3A_170 = arith.constant 0 : i32
        %dma_start3A_171 = arith.constant 0 : i32
        %dma_start3A_172 = tpu.memref_slice %arg3[%dma_start3A_170, %dma_start3A_171] : memref<8064x256xi32, #tpu.memory_space<hbm>> -> memref<8064x256xi32, #tpu.memory_space<hbm>>
        tpu.enqueue_indirect_dma source(%dma_start3A_172 : memref<8064x256xi32, #tpu.memory_space<hbm>>) target(%arg8 : memref<48x256xi32, #tpu.memory_space<vmem>>) offsets(%dma_start3A_169 : memref<48xi32, #tpu.memory_space<vmem>>) semaphore(%arg12 : memref<!tpu.dma_semaphore, #tpu.memory_space<semaphore_mem>>)
      } else {
      }
    }
    %scan3A_26 = arith.constant 7 : i32
    %add3A_27 = arith.constant 1296 : i32
    %add3A_28 = arith.addi %mul3A_2, %add3A_27 : i32
    %dma_wait3A = arith.constant 0 : i32
    %dma_wait3A_29 = tpu.memref_slice %arg4[%add3A_28, %dma_wait3A] : memref<43008x256xi32, #tpu.memory_space<hbm>> -> memref<48x256xi32, #tpu.memory_space<hbm>>
    %dma_wait3A_30 = arith.constant 0 : i32
    %dma_wait3A_31 = tpu.memref_slice %arg4[%add3A_28, %dma_wait3A_30] : memref<43008x256xi32, #tpu.memory_space<hbm>> -> memref<48x256xi32, #tpu.memory_space<hbm>>
    tpu.wait_dma2 semaphore(%arg17 : memref<!tpu.dma_semaphore, #tpu.memory_space<semaphore_mem>>) src(%arg9 : memref<48x256xi32, #tpu.memory_space<vmem>>) dst(%dma_wait3A_31 : memref<48x256xi32, #tpu.memory_space<hbm>>)
    return
  }
}

module attributes {stable_mosaic.version = 14 : i64} {
  func.func @_prep_body(%arg0: i32, %arg1: memref<256x81xi32, #tpu.memory_space<vmem>>, %arg2: memref<256x27xi32, #tpu.memory_space<vmem>>, %arg3: memref<13x512xf32, #tpu.memory_space<vmem>>, %arg4: memref<256x84xi32, #tpu.memory_space<vmem>>, %arg5: memref<256x256xi32, #tpu.memory_space<vmem>>) attributes {dimension_semantics = [#tpu.dimension_semantics<arbitrary>], iteration_bounds = array<i64: 8>, scalar_prefetch = 0 : i64, scratch_operands = 0 : i64, tpu.core_type = #tpu.core_type<tc>, window_params = [{transform_indices = @transform_0, window_bounds = array<i64: 256, 81>}, {transform_indices = @transform_1, window_bounds = array<i64: 256, 27>}, {pipeline_mode = #tpu.pipeline_mode<synchronous>, transform_indices = @transform_2, window_bounds = array<i64: 13, 512>}, {transform_indices = @transform_3, window_bounds = array<i64: 256, 84>}, {transform_indices = @transform_4, window_bounds = array<i64: 256, 256>}]} {
    %get3A = arith.constant 0 : index
    %get3A_0 = arith.constant 10 : index
    %get3A_1 = vector.load %arg2[%get3A, %get3A_0] : memref<256x27xi32, #tpu.memory_space<vmem>>, vector<256x1xi32>
    %get3A_2 = arith.constant 0 : index
    %get3A_3 = arith.constant 11 : index
    %get3A_4 = vector.load %arg2[%get3A_2, %get3A_3] : memref<256x27xi32, #tpu.memory_space<vmem>>, vector<256x1xi32>
    %mul3A = arith.constant 32 : i32
    %mul3A_5 = vector.broadcast %mul3A : i32 to vector<256x1xi32>
    %mul3A_6 = arith.muli %get3A_1, %mul3A_5 : vector<256x1xi32>
    %convert_element_type3A = arith.sitofp %mul3A_6 : vector<256x1xi32> to vector<256x1xf32>
    %max3A = arith.constant 1 : i32
    %max3A_7 = vector.broadcast %max3A : i32 to vector<256x1xi32>
    %max3A_8 = arith.maxsi %get3A_4, %max3A_7 : vector<256x1xi32>
    %convert_element_type3A_9 = arith.sitofp %max3A_8 : vector<256x1xi32> to vector<256x1xf32>
    %div3A = arith.divf %convert_element_type3A, %convert_element_type3A_9 : vector<256x1xf32>
    %floor3A = math.floor %div3A : vector<256x1xf32>
    %convert_element_type3A_10 = arith.fptosi %floor3A : vector<256x1xf32> to vector<256x1xi32>
    %jit3A = arith.constant 0 : i32
    %jit3A_11 = arith.constant 31 : i32
    %max3A_12 = vector.broadcast %jit3A : i32 to vector<256x1xi32>
    %max3A_13 = arith.maxsi %max3A_12, %convert_element_type3A_10 : vector<256x1xi32>
    %min3A = vector.broadcast %jit3A_11 : i32 to vector<256x1xi32>
    %min3A_14 = arith.minsi %min3A, %max3A_13 : vector<256x1xi32>
    %get3A_15 = arith.constant 0 : index
    %get3A_16 = arith.constant 21 : index
    %get3A_17 = vector.load %arg2[%get3A_15, %get3A_16] : memref<256x27xi32, #tpu.memory_space<vmem>>, vector<256x1xi32>
    %rem3A = arith.constant 7 : i32
    %rem3A_18 = vector.broadcast %rem3A : i32 to vector<256x1xi32>
    %rem3A_19 = arith.remsi %get3A_17, %rem3A_18 : vector<256x1xi32>
    %mul3A_20 = arith.constant 256 : i32
    %mul3A_21 = arith.muli %arg0, %mul3A_20 : i32
    %iota3A = tpu.iota {dimensions = array<i32: 0>} : vector<256x1xi32>
    %add3A = vector.broadcast %mul3A_21 : i32 to vector<256x1xi32>
    %add3A_22 = arith.addi %add3A, %iota3A : vector<256x1xi32>
    %get3A_23 = arith.constant 0 : index
    %get3A_24 = arith.constant 0 : index
    %get3A_25 = vector.load %arg1[%get3A_23, %get3A_24] : memref<256x81xi32, #tpu.memory_space<vmem>>, vector<256x81xi32>
    %add3A_26 = arith.constant 5976 : i32
    %add3A_27 = vector.broadcast %add3A_26 : i32 to vector<256x1xi32>
    %add3A_28 = arith.addi %add3A_27, %min3A_14 : vector<256x1xi32>
    %add3A_29 = arith.constant 6008 : i32
    %add3A_30 = vector.broadcast %add3A_29 : i32 to vector<256x1xi32>
    %add3A_31 = arith.addi %add3A_30, %rem3A_19 : vector<256x1xi32>
    %add3A_32 = arith.constant 6016 : i32
    %add3A_33 = vector.broadcast %add3A_32 : i32 to vector<256x1xi32>
    %add3A_34 = arith.addi %add3A_33, %add3A_22 : vector<256x1xi32>
    %concatenate3A = tpu.concatenate %get3A_25, %add3A_28, %add3A_31, %add3A_34 in 1 : vector<256x81xi32>, vector<256x1xi32>, vector<256x1xi32>, vector<256x1xi32> -> vector<256x84xi32>
    %swap3A = arith.constant 0 : index
    %swap3A_35 = arith.constant 0 : index
    %swap3A_36 = vector.load %arg4[%swap3A, %swap3A_35] : memref<256x84xi32, #tpu.memory_space<vmem>>, vector<256x84xi32>
    tpu.vector_store %arg4[%swap3A, %swap3A_35], %concatenate3A {strides = array<i32>} : memref<256x84xi32, #tpu.memory_space<vmem>>, vector<256x84xi32>,
    %get3A_37 = arith.constant 0 : index
    %get3A_38 = arith.constant 25 : index
    %get3A_39 = vector.load %arg2[%get3A_37, %get3A_38] : memref<256x27xi32, #tpu.memory_space<vmem>>, vector<256x1xi32>
    %iota3A_40 = tpu.iota {dimensions = array<i32: 1>} : vector<256x13xi32>
    %shift_right_arithmetic3A = vector.broadcast %get3A_39 : vector<256x1xi32> to vector<256x13xi32>
    %shift_right_arithmetic3A_41 = arith.shrsi %shift_right_arithmetic3A, %iota3A_40 : vector<256x13xi32>
    %and3A = arith.constant 1 : i32
    %and3A_42 = vector.broadcast %and3A : i32 to vector<256x13xi32>
    %and3A_43 = arith.andi %shift_right_arithmetic3A_41, %and3A_42 : vector<256x13xi32>
    %convert_element_type3A_44 = arith.sitofp %and3A_43 : vector<256x13xi32> to vector<256x13xf32>
    %broadcast_in_dim3A = arith.constant 0.000000e+00 : f32
    %broadcast_in_dim3A_45 = vector.broadcast %broadcast_in_dim3A : f32 to vector<256x512xf32>
    %slice3A = vector.extract_strided_slice %convert_element_type3A_44 {offsets = [0, 0], sizes = [256, 1], strides = [1, 1]} : vector<256x13xf32> to vector<256x1xf32>
    %get3A_46 = arith.constant 0 : index
    %get3A_47 = arith.constant 0 : index
    %get3A_48 = vector.load %arg3[%get3A_46, %get3A_47] : memref<13x512xf32, #tpu.memory_space<vmem>>, vector<1x512xf32>
    %mul3A_49 = vector.broadcast %slice3A : vector<256x1xf32> to vector<256x512xf32>
    %mul3A_50 = vector.broadcast %get3A_48 : vector<1x512xf32> to vector<256x512xf32>
    %mul3A_51 = arith.mulf %mul3A_49, %mul3A_50 : vector<256x512xf32>
    %add3A_52 = arith.addf %broadcast_in_dim3A_45, %mul3A_51 : vector<256x512xf32>
    %slice3A_53 = vector.extract_strided_slice %convert_element_type3A_44 {offsets = [0, 1], sizes = [256, 1], strides = [1, 1]} : vector<256x13xf32> to vector<256x1xf32>
    %get3A_54 = arith.constant 1 : index
    %get3A_55 = arith.constant 0 : index
    %get3A_56 = vector.load %arg3[%get3A_54, %get3A_55] : memref<13x512xf32, #tpu.memory_space<vmem>>, vector<1x512xf32>
    %mul3A_57 = vector.broadcast %slice3A_53 : vector<256x1xf32> to vector<256x512xf32>
    %mul3A_58 = vector.broadcast %get3A_56 : vector<1x512xf32> to vector<256x512xf32>
    %mul3A_59 = arith.mulf %mul3A_57, %mul3A_58 : vector<256x512xf32>
    %add3A_60 = arith.addf %add3A_52, %mul3A_59 : vector<256x512xf32>
    %slice3A_61 = vector.extract_strided_slice %convert_element_type3A_44 {offsets = [0, 2], sizes = [256, 1], strides = [1, 1]} : vector<256x13xf32> to vector<256x1xf32>
    %get3A_62 = arith.constant 2 : index
    %get3A_63 = arith.constant 0 : index
    %get3A_64 = vector.load %arg3[%get3A_62, %get3A_63] : memref<13x512xf32, #tpu.memory_space<vmem>>, vector<1x512xf32>
    %mul3A_65 = vector.broadcast %slice3A_61 : vector<256x1xf32> to vector<256x512xf32>
    %mul3A_66 = vector.broadcast %get3A_64 : vector<1x512xf32> to vector<256x512xf32>
    %mul3A_67 = arith.mulf %mul3A_65, %mul3A_66 : vector<256x512xf32>
    %add3A_68 = arith.addf %add3A_60, %mul3A_67 : vector<256x512xf32>
    %slice3A_69 = vector.extract_strided_slice %convert_element_type3A_44 {offsets = [0, 3], sizes = [256, 1], strides = [1, 1]} : vector<256x13xf32> to vector<256x1xf32>
    %get3A_70 = arith.constant 3 : index
    %get3A_71 = arith.constant 0 : index
    %get3A_72 = vector.load %arg3[%get3A_70, %get3A_71] : memref<13x512xf32, #tpu.memory_space<vmem>>, vector<1x512xf32>
    %mul3A_73 = vector.broadcast %slice3A_69 : vector<256x1xf32> to vector<256x512xf32>
    %mul3A_74 = vector.broadcast %get3A_72 : vector<1x512xf32> to vector<256x512xf32>
    %mul3A_75 = arith.mulf %mul3A_73, %mul3A_74 : vector<256x512xf32>
    %add3A_76 = arith.addf %add3A_68, %mul3A_75 : vector<256x512xf32>
    %slice3A_77 = vector.extract_strided_slice %convert_element_type3A_44 {offsets = [0, 4], sizes = [256, 1], strides = [1, 1]} : vector<256x13xf32> to vector<256x1xf32>
    %get3A_78 = arith.constant 4 : index
    %get3A_79 = arith.constant 0 : index
    %get3A_80 = vector.load %arg3[%get3A_78, %get3A_79] : memref<13x512xf32, #tpu.memory_space<vmem>>, vector<1x512xf32>
    %mul3A_81 = vector.broadcast %slice3A_77 : vector<256x1xf32> to vector<256x512xf32>
    %mul3A_82 = vector.broadcast %get3A_80 : vector<1x512xf32> to vector<256x512xf32>
    %mul3A_83 = arith.mulf %mul3A_81, %mul3A_82 : vector<256x512xf32>
    %add3A_84 = arith.addf %add3A_76, %mul3A_83 : vector<256x512xf32>
    %slice3A_85 = vector.extract_strided_slice %convert_element_type3A_44 {offsets = [0, 5], sizes = [256, 1], strides = [1, 1]} : vector<256x13xf32> to vector<256x1xf32>
    %get3A_86 = arith.constant 5 : index
    %get3A_87 = arith.constant 0 : index
    %get3A_88 = vector.load %arg3[%get3A_86, %get3A_87] : memref<13x512xf32, #tpu.memory_space<vmem>>, vector<1x512xf32>
    %mul3A_89 = vector.broadcast %slice3A_85 : vector<256x1xf32> to vector<256x512xf32>
    %mul3A_90 = vector.broadcast %get3A_88 : vector<1x512xf32> to vector<256x512xf32>
    %mul3A_91 = arith.mulf %mul3A_89, %mul3A_90 : vector<256x512xf32>
    %add3A_92 = arith.addf %add3A_84, %mul3A_91 : vector<256x512xf32>
    %slice3A_93 = vector.extract_strided_slice %convert_element_type3A_44 {offsets = [0, 6], sizes = [256, 1], strides = [1, 1]} : vector<256x13xf32> to vector<256x1xf32>
    %get3A_94 = arith.constant 6 : index
    %get3A_95 = arith.constant 0 : index
    %get3A_96 = vector.load %arg3[%get3A_94, %get3A_95] : memref<13x512xf32, #tpu.memory_space<vmem>>, vector<1x512xf32>
    %mul3A_97 = vector.broadcast %slice3A_93 : vector<256x1xf32> to vector<256x512xf32>
    %mul3A_98 = vector.broadcast %get3A_96 : vector<1x512xf32> to vector<256x512xf32>
    %mul3A_99 = arith.mulf %mul3A_97, %mul3A_98 : vector<256x512xf32>
    %add3A_100 = arith.addf %add3A_92, %mul3A_99 : vector<256x512xf32>
    %slice3A_101 = vector.extract_strided_slice %convert_element_type3A_44 {offsets = [0, 7], sizes = [256, 1], strides = [1, 1]} : vector<256x13xf32> to vector<256x1xf32>
    %get3A_102 = arith.constant 7 : index
    %get3A_103 = arith.constant 0 : index
    %get3A_104 = vector.load %arg3[%get3A_102, %get3A_103] : memref<13x512xf32, #tpu.memory_space<vmem>>, vector<1x512xf32>
    %mul3A_105 = vector.broadcast %slice3A_101 : vector<256x1xf32> to vector<256x512xf32>
    %mul3A_106 = vector.broadcast %get3A_104 : vector<1x512xf32> to vector<256x512xf32>
    %mul3A_107 = arith.mulf %mul3A_105, %mul3A_106 : vector<256x512xf32>
    %add3A_108 = arith.addf %add3A_100, %mul3A_107 : vector<256x512xf32>
    %slice3A_109 = vector.extract_strided_slice %convert_element_type3A_44 {offsets = [0, 8], sizes = [256, 1], strides = [1, 1]} : vector<256x13xf32> to vector<256x1xf32>
    %get3A_110 = arith.constant 8 : index
    %get3A_111 = arith.constant 0 : index
    %get3A_112 = vector.load %arg3[%get3A_110, %get3A_111] : memref<13x512xf32, #tpu.memory_space<vmem>>, vector<1x512xf32>
    %mul3A_113 = vector.broadcast %slice3A_109 : vector<256x1xf32> to vector<256x512xf32>
    %mul3A_114 = vector.broadcast %get3A_112 : vector<1x512xf32> to vector<256x512xf32>
    %mul3A_115 = arith.mulf %mul3A_113, %mul3A_114 : vector<256x512xf32>
    %add3A_116 = arith.addf %add3A_108, %mul3A_115 : vector<256x512xf32>
    %slice3A_117 = vector.extract_strided_slice %convert_element_type3A_44 {offsets = [0, 9], sizes = [256, 1], strides = [1, 1]} : vector<256x13xf32> to vector<256x1xf32>
    %get3A_118 = arith.constant 9 : index
    %get3A_119 = arith.constant 0 : index
    %get3A_120 = vector.load %arg3[%get3A_118, %get3A_119] : memref<13x512xf32, #tpu.memory_space<vmem>>, vector<1x512xf32>
    %mul3A_121 = vector.broadcast %slice3A_117 : vector<256x1xf32> to vector<256x512xf32>
    %mul3A_122 = vector.broadcast %get3A_120 : vector<1x512xf32> to vector<256x512xf32>
    %mul3A_123 = arith.mulf %mul3A_121, %mul3A_122 : vector<256x512xf32>
    %add3A_124 = arith.addf %add3A_116, %mul3A_123 : vector<256x512xf32>
    %slice3A_125 = vector.extract_strided_slice %convert_element_type3A_44 {offsets = [0, 10], sizes = [256, 1], strides = [1, 1]} : vector<256x13xf32> to vector<256x1xf32>
    %get3A_126 = arith.constant 10 : index
    %get3A_127 = arith.constant 0 : index
    %get3A_128 = vector.load %arg3[%get3A_126, %get3A_127] : memref<13x512xf32, #tpu.memory_space<vmem>>, vector<1x512xf32>
    %mul3A_129 = vector.broadcast %slice3A_125 : vector<256x1xf32> to vector<256x512xf32>
    %mul3A_130 = vector.broadcast %get3A_128 : vector<1x512xf32> to vector<256x512xf32>
    %mul3A_131 = arith.mulf %mul3A_129, %mul3A_130 : vector<256x512xf32>
    %add3A_132 = arith.addf %add3A_124, %mul3A_131 : vector<256x512xf32>
    %slice3A_133 = vector.extract_strided_slice %convert_element_type3A_44 {offsets = [0, 11], sizes = [256, 1], strides = [1, 1]} : vector<256x13xf32> to vector<256x1xf32>
    %get3A_134 = arith.constant 11 : index
    %get3A_135 = arith.constant 0 : index
    %get3A_136 = vector.load %arg3[%get3A_134, %get3A_135] : memref<13x512xf32, #tpu.memory_space<vmem>>, vector<1x512xf32>
    %mul3A_137 = vector.broadcast %slice3A_133 : vector<256x1xf32> to vector<256x512xf32>
    %mul3A_138 = vector.broadcast %get3A_136 : vector<1x512xf32> to vector<256x512xf32>
    %mul3A_139 = arith.mulf %mul3A_137, %mul3A_138 : vector<256x512xf32>
    %add3A_140 = arith.addf %add3A_132, %mul3A_139 : vector<256x512xf32>
    %slice3A_141 = vector.extract_strided_slice %convert_element_type3A_44 {offsets = [0, 12], sizes = [256, 1], strides = [1, 1]} : vector<256x13xf32> to vector<256x1xf32>
    %get3A_142 = arith.constant 12 : index
    %get3A_143 = arith.constant 0 : index
    %get3A_144 = vector.load %arg3[%get3A_142, %get3A_143] : memref<13x512xf32, #tpu.memory_space<vmem>>, vector<1x512xf32>
    %mul3A_145 = vector.broadcast %slice3A_141 : vector<256x1xf32> to vector<256x512xf32>
    %mul3A_146 = vector.broadcast %get3A_144 : vector<1x512xf32> to vector<256x512xf32>
    %mul3A_147 = arith.mulf %mul3A_145, %mul3A_146 : vector<256x512xf32>
    %add3A_148 = arith.addf %add3A_140, %mul3A_147 : vector<256x512xf32>
    %slice3A_149 = vector.extract_strided_slice %add3A_148 {offsets = [0, 0], sizes = [256, 256], strides = [1, 1]} : vector<256x512xf32> to vector<256x256xf32>
    %bitcast_convert_type3A = tpu.bitcast %slice3A_149 : vector<256x256xf32> -> vector<256x256xi32>
    %add3A_150 = arith.constant 32767 : i32
    %add3A_151 = vector.broadcast %add3A_150 : i32 to vector<256x256xi32>
    %add3A_152 = arith.addi %bitcast_convert_type3A, %add3A_151 : vector<256x256xi32>
    %shift_right_logical3A = arith.constant 16 : i32
    %shift_right_logical3A_153 = vector.broadcast %shift_right_logical3A : i32 to vector<256x256xi32>
    %shift_right_logical3A_154 = arith.shrui %bitcast_convert_type3A, %shift_right_logical3A_153 : vector<256x256xi32>
    %and3A_155 = arith.constant 1 : i32
    %and3A_156 = vector.broadcast %and3A_155 : i32 to vector<256x256xi32>
    %and3A_157 = arith.andi %shift_right_logical3A_154, %and3A_156 : vector<256x256xi32>
    %add3A_158 = arith.addi %add3A_152, %and3A_157 : vector<256x256xi32>
    %shift_right_logical3A_159 = arith.constant 16 : i32
    %shift_right_logical3A_160 = vector.broadcast %shift_right_logical3A_159 : i32 to vector<256x256xi32>
    %shift_right_logical3A_161 = arith.shrui %add3A_158, %shift_right_logical3A_160 : vector<256x256xi32>
    %slice3A_162 = vector.extract_strided_slice %add3A_148 {offsets = [0, 256], sizes = [256, 256], strides = [1, 1]} : vector<256x512xf32> to vector<256x256xf32>
    %bitcast_convert_type3A_163 = tpu.bitcast %slice3A_162 : vector<256x256xf32> -> vector<256x256xi32>
    %add3A_164 = arith.constant 32767 : i32
    %add3A_165 = vector.broadcast %add3A_164 : i32 to vector<256x256xi32>
    %add3A_166 = arith.addi %bitcast_convert_type3A_163, %add3A_165 : vector<256x256xi32>
    %shift_right_logical3A_167 = arith.constant 16 : i32
    %shift_right_logical3A_168 = vector.broadcast %shift_right_logical3A_167 : i32 to vector<256x256xi32>
    %shift_right_logical3A_169 = arith.shrui %bitcast_convert_type3A_163, %shift_right_logical3A_168 : vector<256x256xi32>
    %and3A_170 = arith.constant 1 : i32
    %and3A_171 = vector.broadcast %and3A_170 : i32 to vector<256x256xi32>
    %and3A_172 = arith.andi %shift_right_logical3A_169, %and3A_171 : vector<256x256xi32>
    %add3A_173 = arith.addi %add3A_166, %and3A_172 : vector<256x256xi32>
    %shift_right_logical3A_174 = arith.constant 16 : i32
    %shift_right_logical3A_175 = vector.broadcast %shift_right_logical3A_174 : i32 to vector<256x256xi32>
    %shift_right_logical3A_176 = arith.shrui %add3A_173, %shift_right_logical3A_175 : vector<256x256xi32>
    %shift_left3A = arith.constant 16 : i32
    %shift_left3A_177 = vector.broadcast %shift_left3A : i32 to vector<256x256xi32>
    %shift_left3A_178 = arith.shli %shift_right_logical3A_176, %shift_left3A_177 : vector<256x256xi32>
    %or3A = arith.ori %shift_right_logical3A_161, %shift_left3A_178 : vector<256x256xi32>
    %bitcast_convert_type3A_179 = tpu.bitcast %or3A : vector<256x256xi32> -> vector<256x256xi32>
    %swap3A_180 = arith.constant 0 : index
    %swap3A_181 = arith.constant 0 : index
    %swap3A_182 = vector.load %arg5[%swap3A_180, %swap3A_181] : memref<256x256xi32, #tpu.memory_space<vmem>>, vector<256x256xi32>
    tpu.vector_store %arg5[%swap3A_180, %swap3A_181], %bitcast_convert_type3A_179 {strides = array<i32>} : memref<256x256xi32, #tpu.memory_space<vmem>>, vector<256x256xi32>,
    return
  }
  func.func @transform_0(%arg0: i32) -> (i32, i32) {
    %c0_i32 = arith.constant 0 : i32
    %c0_i32_0 = arith.constant 0 : i32
    return %arg0, %c0_i32 : i32, i32
  }
  func.func @transform_1(%arg0: i32) -> (i32, i32) {
    %c0_i32 = arith.constant 0 : i32
    %c0_i32_0 = arith.constant 0 : i32
    return %arg0, %c0_i32 : i32, i32
  }
  func.func @transform_2(%arg0: i32) -> (i32, i32) {
    %c0_i32 = arith.constant 0 : i32
    %c0_i32_0 = arith.constant 0 : i32
    %c0_i32_1 = arith.constant 0 : i32
    return %c0_i32, %c0_i32_0 : i32, i32
  }
  func.func @transform_3(%arg0: i32) -> (i32, i32) {
    %c0_i32 = arith.constant 0 : i32
    %c0_i32_0 = arith.constant 0 : i32
    return %arg0, %c0_i32 : i32, i32
  }
  func.func @transform_4(%arg0: i32) -> (i32, i32) {
    %c0_i32 = arith.constant 0 : i32
    %c0_i32_0 = arith.constant 0 : i32
    return %arg0, %c0_i32 : i32, i32
  }
}

module attributes {stable_mosaic.version = 14 : i64} {
  func.func @_fuse_body(%arg0: i32, %arg1: memref<384x512xf32, #tpu.memory_space<vmem>>, %arg2: memref<16x512xf32, #tpu.memory_space<vmem>>, %arg3: memref<384x256xi32, #tpu.memory_space<vmem>>) attributes {dimension_semantics = [#tpu.dimension_semantics<arbitrary>], iteration_bounds = array<i64: 16>, scalar_prefetch = 0 : i64, scratch_operands = 0 : i64, tpu.core_type = #tpu.core_type<tc>, window_params = [{transform_indices = @transform_0, window_bounds = array<i64: 384, 512>}, {pipeline_mode = #tpu.pipeline_mode<synchronous>, transform_indices = @transform_1, window_bounds = array<i64: 16, 512>}, {transform_indices = @transform_2, window_bounds = array<i64: 384, 256>}]} {
    %get3A = arith.constant 0 : index
    %get3A_0 = arith.constant 0 : index
    %get3A_1 = vector.load %arg1[%get3A, %get3A_0] : memref<384x512xf32, #tpu.memory_space<vmem>>, vector<384x512xf32>
    %get3A_2 = arith.index_cast %arg0 : i32 to index
    %get3A_3 = arith.constant 0 : index
    %get3A_4 = vector.load %arg2[%get3A_2, %get3A_3] : memref<16x512xf32, #tpu.memory_space<vmem>>, vector<1x512xf32>
    %add3A = vector.broadcast %get3A_4 : vector<1x512xf32> to vector<384x512xf32>
    %add3A_5 = arith.addf %get3A_1, %add3A : vector<384x512xf32>
    %slice3A = vector.extract_strided_slice %add3A_5 {offsets = [0, 0], sizes = [384, 256], strides = [1, 1]} : vector<384x512xf32> to vector<384x256xf32>
    %bitcast_convert_type3A = tpu.bitcast %slice3A : vector<384x256xf32> -> vector<384x256xi32>
    %add3A_6 = arith.constant 32767 : i32
    %add3A_7 = vector.broadcast %add3A_6 : i32 to vector<384x256xi32>
    %add3A_8 = arith.addi %bitcast_convert_type3A, %add3A_7 : vector<384x256xi32>
    %shift_right_logical3A = arith.constant 16 : i32
    %shift_right_logical3A_9 = vector.broadcast %shift_right_logical3A : i32 to vector<384x256xi32>
    %shift_right_logical3A_10 = arith.shrui %bitcast_convert_type3A, %shift_right_logical3A_9 : vector<384x256xi32>
    %and3A = arith.constant 1 : i32
    %and3A_11 = vector.broadcast %and3A : i32 to vector<384x256xi32>
    %and3A_12 = arith.andi %shift_right_logical3A_10, %and3A_11 : vector<384x256xi32>
    %add3A_13 = arith.addi %add3A_8, %and3A_12 : vector<384x256xi32>
    %shift_right_logical3A_14 = arith.constant 16 : i32
    %shift_right_logical3A_15 = vector.broadcast %shift_right_logical3A_14 : i32 to vector<384x256xi32>
    %shift_right_logical3A_16 = arith.shrui %add3A_13, %shift_right_logical3A_15 : vector<384x256xi32>
    %slice3A_17 = vector.extract_strided_slice %add3A_5 {offsets = [0, 256], sizes = [384, 256], strides = [1, 1]} : vector<384x512xf32> to vector<384x256xf32>
    %bitcast_convert_type3A_18 = tpu.bitcast %slice3A_17 : vector<384x256xf32> -> vector<384x256xi32>
    %add3A_19 = arith.constant 32767 : i32
    %add3A_20 = vector.broadcast %add3A_19 : i32 to vector<384x256xi32>
    %add3A_21 = arith.addi %bitcast_convert_type3A_18, %add3A_20 : vector<384x256xi32>
    %shift_right_logical3A_22 = arith.constant 16 : i32
    %shift_right_logical3A_23 = vector.broadcast %shift_right_logical3A_22 : i32 to vector<384x256xi32>
    %shift_right_logical3A_24 = arith.shrui %bitcast_convert_type3A_18, %shift_right_logical3A_23 : vector<384x256xi32>
    %and3A_25 = arith.constant 1 : i32
    %and3A_26 = vector.broadcast %and3A_25 : i32 to vector<384x256xi32>
    %and3A_27 = arith.andi %shift_right_logical3A_24, %and3A_26 : vector<384x256xi32>
    %add3A_28 = arith.addi %add3A_21, %and3A_27 : vector<384x256xi32>
    %shift_right_logical3A_29 = arith.constant 16 : i32
    %shift_right_logical3A_30 = vector.broadcast %shift_right_logical3A_29 : i32 to vector<384x256xi32>
    %shift_right_logical3A_31 = arith.shrui %add3A_28, %shift_right_logical3A_30 : vector<384x256xi32>
    %shift_left3A = arith.constant 16 : i32
    %shift_left3A_32 = vector.broadcast %shift_left3A : i32 to vector<384x256xi32>
    %shift_left3A_33 = arith.shli %shift_right_logical3A_31, %shift_left3A_32 : vector<384x256xi32>
    %or3A = arith.ori %shift_right_logical3A_16, %shift_left3A_33 : vector<384x256xi32>
    %bitcast_convert_type3A_34 = tpu.bitcast %or3A : vector<384x256xi32> -> vector<384x256xi32>
    %swap3A = arith.constant 0 : index
    %swap3A_35 = arith.constant 0 : index
    %swap3A_36 = vector.load %arg3[%swap3A, %swap3A_35] : memref<384x256xi32, #tpu.memory_space<vmem>>, vector<384x256xi32>
    tpu.vector_store %arg3[%swap3A, %swap3A_35], %bitcast_convert_type3A_34 {strides = array<i32>} : memref<384x256xi32, #tpu.memory_space<vmem>>, vector<384x256xi32>,
    return
  }
  func.func @transform_0(%arg0: i32) -> (i32, i32) {
    %c0_i32 = arith.constant 0 : i32
    %c0_i32_0 = arith.constant 0 : i32
    return %arg0, %c0_i32 : i32, i32
  }
  func.func @transform_1(%arg0: i32) -> (i32, i32) {
    %c0_i32 = arith.constant 0 : i32
    %c0_i32_0 = arith.constant 0 : i32
    %c0_i32_1 = arith.constant 0 : i32
    return %c0_i32, %c0_i32_0 : i32, i32
  }
  func.func @transform_2(%arg0: i32) -> (i32, i32) {
    %c0_i32 = arith.constant 0 : i32
    %c0_i32_0 = arith.constant 0 : i32
    return %arg0, %c0_i32 : i32, i32
  }
}

module attributes {stable_mosaic.version = 14 : i64} {
  func.func @body(%arg0: i32, %arg1: memref<172032x512xf32, #tpu.memory_space<any>>, %arg2: memref<2048x256xi32, #tpu.memory_space<vmem>>, %arg3: memref<84x512xf32, #tpu.memory_space<vmem>>, %arg4: memref<2048x512xf32, #tpu.memory_space<vmem>>) attributes {dimension_semantics = [#tpu.dimension_semantics<arbitrary>], iteration_bounds = array<i64: 21>, scalar_prefetch = 0 : i64, scratch_operands = 0 : i64, tpu.core_type = #tpu.core_type<tc>, window_params = [{}, {transform_indices = @transform_1, window_bounds = array<i64: 2048, 256>}, {pipeline_mode = #tpu.pipeline_mode<synchronous>, transform_indices = @transform_2, window_bounds = array<i64: 84, 512>}, {transform_indices = @transform_3, window_bounds = array<i64: 2048, 512>}]} {
    %add3A = arith.constant 21 : i32
    %add3A_0 = arith.addi %arg0, %add3A : i32
    %jit3A = arith.constant 1 : i32
    %div3A = arith.divsi %add3A_0, %jit3A : i32
    %sign3A = arith.constant 0 : i32
    %sign3A_1 = arith.cmpi sgt, %add3A_0, %sign3A : i32
    %sign3A_2 = arith.extui %sign3A_1 : i1 to i32
    %sign3A_3 = arith.constant 0 : i32
    %sign3A_4 = arith.cmpi slt, %add3A_0, %sign3A_3 : i32
    %sign3A_5 = arith.extui %sign3A_4 : i1 to i32
    %sign3A_6 = arith.subi %sign3A_2, %sign3A_5 : i32
    %sign3A_7 = arith.constant 0 : i32
    %sign3A_8 = arith.cmpi sgt, %jit3A, %sign3A_7 : i32
    %sign3A_9 = arith.extui %sign3A_8 : i1 to i32
    %sign3A_10 = arith.constant 0 : i32
    %sign3A_11 = arith.cmpi slt, %jit3A, %sign3A_10 : i32
    %sign3A_12 = arith.extui %sign3A_11 : i1 to i32
    %sign3A_13 = arith.subi %sign3A_9, %sign3A_12 : i32
    %ne3A = arith.cmpi ne, %sign3A_6, %sign3A_13 : i32
    %rem3A = arith.remsi %add3A_0, %jit3A : i32
    %ne3A_14 = arith.constant 0 : i32
    %ne3A_15 = arith.cmpi ne, %rem3A, %ne3A_14 : i32
    %and3A = arith.andi %ne3A, %ne3A_15 : i1
    %sub3A = arith.constant 1 : i32
    %sub3A_16 = arith.subi %div3A, %sub3A : i32
    %select_n3A = arith.select %and3A, %sub3A_16, %div3A : i32
    %get3A = arith.constant 0 : index
    %get3A_17 = arith.constant 0 : index
    %get3A_18 = vector.load %arg2[%get3A, %get3A_17] : memref<2048x256xi32, #tpu.memory_space<vmem>>, vector<2048x256xi32>
    %bitcast_convert_type3A = tpu.bitcast %get3A_18 : vector<2048x256xi32> -> vector<2048x256xi32>
    %shift_left3A = arith.constant 16 : i32
    %shift_left3A_19 = vector.broadcast %shift_left3A : i32 to vector<2048x256xi32>
    %shift_left3A_20 = arith.shli %bitcast_convert_type3A, %shift_left3A_19 : vector<2048x256xi32>
    %bitcast_convert_type3A_21 = tpu.bitcast %shift_left3A_20 : vector<2048x256xi32> -> vector<2048x256xf32>
    %and3A_22 = arith.constant -65536 : i32
    %and3A_23 = vector.broadcast %and3A_22 : i32 to vector<2048x256xi32>
    %and3A_24 = arith.andi %bitcast_convert_type3A, %and3A_23 : vector<2048x256xi32>
    %bitcast_convert_type3A_25 = tpu.bitcast %and3A_24 : vector<2048x256xi32> -> vector<2048x256xf32>
    %get3A_26 = arith.index_cast %select_n3A : i32 to index
    %get3A_27 = arith.constant 0 : index
    %get3A_28 = vector.load %arg3[%get3A_26, %get3A_27] : memref<84x512xf32, #tpu.memory_space<vmem>>, vector<1x512xf32>
    %slice3A = vector.extract_strided_slice %get3A_28 {offsets = [0, 0], sizes = [1, 256], strides = [1, 1]} : vector<1x512xf32> to vector<1x256xf32>
    %add3A_29 = vector.broadcast %slice3A : vector<1x256xf32> to vector<2048x256xf32>
    %add3A_30 = arith.addf %bitcast_convert_type3A_21, %add3A_29 : vector<2048x256xf32>
    %swap3A = arith.constant 0 : index
    %swap3A_31 = arith.constant 0 : index
    %swap3A_32 = vector.load %arg4[%swap3A, %swap3A_31] : memref<2048x512xf32, #tpu.memory_space<vmem>>, vector<2048x256xf32>
    tpu.vector_store %arg4[%swap3A, %swap3A_31], %add3A_30 {strides = array<i32>} : memref<2048x512xf32, #tpu.memory_space<vmem>>, vector<2048x256xf32>,
    %slice3A_33 = vector.extract_strided_slice %get3A_28 {offsets = [0, 256], sizes = [1, 256], strides = [1, 1]} : vector<1x512xf32> to vector<1x256xf32>
    %add3A_34 = vector.broadcast %slice3A_33 : vector<1x256xf32> to vector<2048x256xf32>
    %add3A_35 = arith.addf %bitcast_convert_type3A_25, %add3A_34 : vector<2048x256xf32>
    %swap3A_36 = arith.constant 0 : index
    %swap3A_37 = arith.constant 256 : index
    %swap3A_38 = vector.load %arg4[%swap3A_36, %swap3A_37] : memref<2048x512xf32, #tpu.memory_space<vmem>>, vector<2048x256xf32>
    tpu.vector_store %arg4[%swap3A_36, %swap3A_37], %add3A_35 {strides = array<i32>} : memref<2048x512xf32, #tpu.memory_space<vmem>>, vector<2048x256xf32>,
    return
  }
  func.func @transform_1(%arg0: i32) -> (i32, i32) {
    %c0_i32 = arith.constant 0 : i32
    %c0_i32_0 = arith.constant 0 : i32
    return %arg0, %c0_i32 : i32, i32
  }
  func.func @transform_2(%arg0: i32) -> (i32, i32) {
    %c0_i32 = arith.constant 0 : i32
    %c0_i32_0 = arith.constant 0 : i32
    %c0_i32_1 = arith.constant 0 : i32
    return %c0_i32, %c0_i32_0 : i32, i32
  }
  func.func @transform_3(%arg0: i32) -> (i32, i32) {
    %add3A = arith.constant 21 : i32
    %add3A_0 = arith.addi %arg0, %add3A : i32
    %c0_i32 = arith.constant 0 : i32
    %c0_i32_1 = arith.constant 0 : i32
    return %add3A_0, %c0_i32 : i32, i32
  }
}

module attributes {stable_mosaic.version = 14 : i64} {
  func.func @compute(%arg0: i32, %arg1: memref<2048x256xi32, #tpu.memory_space<vmem>>, %arg2: memref<84x512xf32, #tpu.memory_space<vmem>>, %arg3: memref<2048x512xf32, #tpu.memory_space<vmem>>) attributes {dimension_semantics = [#tpu.dimension_semantics<arbitrary>], iteration_bounds = array<i64: 21>, scalar_prefetch = 0 : i64, scratch_operands = 0 : i64, tpu.core_type = #tpu.core_type<tc>, window_params = [{transform_indices = @transform_0, window_bounds = array<i64: 2048, 256>}, {pipeline_mode = #tpu.pipeline_mode<synchronous>, transform_indices = @transform_1, window_bounds = array<i64: 84, 512>}, {transform_indices = @transform_2, window_bounds = array<i64: 2048, 512>}]} {
    %add3A = arith.constant 0 : i32
    %add3A_0 = arith.addi %arg0, %add3A : i32
    %jit3A = arith.constant 1 : i32
    %div3A = arith.divsi %add3A_0, %jit3A : i32
    %sign3A = arith.constant 0 : i32
    %sign3A_1 = arith.cmpi sgt, %add3A_0, %sign3A : i32
    %sign3A_2 = arith.extui %sign3A_1 : i1 to i32
    %sign3A_3 = arith.constant 0 : i32
    %sign3A_4 = arith.cmpi slt, %add3A_0, %sign3A_3 : i32
    %sign3A_5 = arith.extui %sign3A_4 : i1 to i32
    %sign3A_6 = arith.subi %sign3A_2, %sign3A_5 : i32
    %sign3A_7 = arith.constant 0 : i32
    %sign3A_8 = arith.cmpi sgt, %jit3A, %sign3A_7 : i32
    %sign3A_9 = arith.extui %sign3A_8 : i1 to i32
    %sign3A_10 = arith.constant 0 : i32
    %sign3A_11 = arith.cmpi slt, %jit3A, %sign3A_10 : i32
    %sign3A_12 = arith.extui %sign3A_11 : i1 to i32
    %sign3A_13 = arith.subi %sign3A_9, %sign3A_12 : i32
    %ne3A = arith.cmpi ne, %sign3A_6, %sign3A_13 : i32
    %rem3A = arith.remsi %add3A_0, %jit3A : i32
    %ne3A_14 = arith.constant 0 : i32
    %ne3A_15 = arith.cmpi ne, %rem3A, %ne3A_14 : i32
    %and3A = arith.andi %ne3A, %ne3A_15 : i1
    %sub3A = arith.constant 1 : i32
    %sub3A_16 = arith.subi %div3A, %sub3A : i32
    %select_n3A = arith.select %and3A, %sub3A_16, %div3A : i32
    %get3A = arith.constant 0 : index
    %get3A_17 = arith.constant 0 : index
    %get3A_18 = vector.load %arg1[%get3A, %get3A_17] : memref<2048x256xi32, #tpu.memory_space<vmem>>, vector<2048x256xi32>
    %bitcast_convert_type3A = tpu.bitcast %get3A_18 : vector<2048x256xi32> -> vector<2048x256xi32>
    %shift_left3A = arith.constant 16 : i32
    %shift_left3A_19 = vector.broadcast %shift_left3A : i32 to vector<2048x256xi32>
    %shift_left3A_20 = arith.shli %bitcast_convert_type3A, %shift_left3A_19 : vector<2048x256xi32>
    %bitcast_convert_type3A_21 = tpu.bitcast %shift_left3A_20 : vector<2048x256xi32> -> vector<2048x256xf32>
    %and3A_22 = arith.constant -65536 : i32
    %and3A_23 = vector.broadcast %and3A_22 : i32 to vector<2048x256xi32>
    %and3A_24 = arith.andi %bitcast_convert_type3A, %and3A_23 : vector<2048x256xi32>
    %bitcast_convert_type3A_25 = tpu.bitcast %and3A_24 : vector<2048x256xi32> -> vector<2048x256xf32>
    %get3A_26 = arith.index_cast %select_n3A : i32 to index
    %get3A_27 = arith.constant 0 : index
    %get3A_28 = vector.load %arg2[%get3A_26, %get3A_27] : memref<84x512xf32, #tpu.memory_space<vmem>>, vector<1x512xf32>
    %slice3A = vector.extract_strided_slice %get3A_28 {offsets = [0, 0], sizes = [1, 256], strides = [1, 1]} : vector<1x512xf32> to vector<1x256xf32>
    %add3A_29 = vector.broadcast %slice3A : vector<1x256xf32> to vector<2048x256xf32>
    %add3A_30 = arith.addf %bitcast_convert_type3A_21, %add3A_29 : vector<2048x256xf32>
    %swap3A = arith.constant 0 : index
    %swap3A_31 = arith.constant 0 : index
    %swap3A_32 = vector.load %arg3[%swap3A, %swap3A_31] : memref<2048x512xf32, #tpu.memory_space<vmem>>, vector<2048x256xf32>
    tpu.vector_store %arg3[%swap3A, %swap3A_31], %add3A_30 {strides = array<i32>} : memref<2048x512xf32, #tpu.memory_space<vmem>>, vector<2048x256xf32>,
    %slice3A_33 = vector.extract_strided_slice %get3A_28 {offsets = [0, 256], sizes = [1, 256], strides = [1, 1]} : vector<1x512xf32> to vector<1x256xf32>
    %add3A_34 = vector.broadcast %slice3A_33 : vector<1x256xf32> to vector<2048x256xf32>
    %add3A_35 = arith.addf %bitcast_convert_type3A_25, %add3A_34 : vector<2048x256xf32>
    %swap3A_36 = arith.constant 0 : index
    %swap3A_37 = arith.constant 256 : index
    %swap3A_38 = vector.load %arg3[%swap3A_36, %swap3A_37] : memref<2048x512xf32, #tpu.memory_space<vmem>>, vector<2048x256xf32>
    tpu.vector_store %arg3[%swap3A_36, %swap3A_37], %add3A_35 {strides = array<i32>} : memref<2048x512xf32, #tpu.memory_space<vmem>>, vector<2048x256xf32>,
    return
  }
  func.func @transform_0(%arg0: i32) -> (i32, i32) {
    %c0_i32 = arith.constant 0 : i32
    %c0_i32_0 = arith.constant 0 : i32
    return %arg0, %c0_i32 : i32, i32
  }
  func.func @transform_1(%arg0: i32) -> (i32, i32) {
    %c0_i32 = arith.constant 0 : i32
    %c0_i32_0 = arith.constant 0 : i32
    %c0_i32_1 = arith.constant 0 : i32
    return %c0_i32, %c0_i32_0 : i32, i32
  }
  func.func @transform_2(%arg0: i32) -> (i32, i32) {
    %add3A = arith.constant 0 : i32
    %add3A_0 = arith.addi %arg0, %add3A : i32
    %c0_i32 = arith.constant 0 : i32
    %c0_i32_1 = arith.constant 0 : i32
    return %add3A_0, %c0_i32 : i32, i32
  }
}

module attributes {stable_mosaic.version = 14 : i64} {
  func.func @body(%arg0: i32, %arg1: memref<172032x512xf32, #tpu.memory_space<any>>, %arg2: memref<2048x256xi32, #tpu.memory_space<vmem>>, %arg3: memref<84x512xf32, #tpu.memory_space<vmem>>, %arg4: memref<2048x512xf32, #tpu.memory_space<vmem>>) attributes {dimension_semantics = [#tpu.dimension_semantics<arbitrary>], iteration_bounds = array<i64: 21>, scalar_prefetch = 0 : i64, scratch_operands = 0 : i64, tpu.core_type = #tpu.core_type<tc>, window_params = [{}, {transform_indices = @transform_1, window_bounds = array<i64: 2048, 256>}, {pipeline_mode = #tpu.pipeline_mode<synchronous>, transform_indices = @transform_2, window_bounds = array<i64: 84, 512>}, {transform_indices = @transform_3, window_bounds = array<i64: 2048, 512>}]} {
    %add3A = arith.constant 42 : i32
    %add3A_0 = arith.addi %arg0, %add3A : i32
    %jit3A = arith.constant 1 : i32
    %div3A = arith.divsi %add3A_0, %jit3A : i32
    %sign3A = arith.constant 0 : i32
    %sign3A_1 = arith.cmpi sgt, %add3A_0, %sign3A : i32
    %sign3A_2 = arith.extui %sign3A_1 : i1 to i32
    %sign3A_3 = arith.constant 0 : i32
    %sign3A_4 = arith.cmpi slt, %add3A_0, %sign3A_3 : i32
    %sign3A_5 = arith.extui %sign3A_4 : i1 to i32
    %sign3A_6 = arith.subi %sign3A_2, %sign3A_5 : i32
    %sign3A_7 = arith.constant 0 : i32
    %sign3A_8 = arith.cmpi sgt, %jit3A, %sign3A_7 : i32
    %sign3A_9 = arith.extui %sign3A_8 : i1 to i32
    %sign3A_10 = arith.constant 0 : i32
    %sign3A_11 = arith.cmpi slt, %jit3A, %sign3A_10 : i32
    %sign3A_12 = arith.extui %sign3A_11 : i1 to i32
    %sign3A_13 = arith.subi %sign3A_9, %sign3A_12 : i32
    %ne3A = arith.cmpi ne, %sign3A_6, %sign3A_13 : i32
    %rem3A = arith.remsi %add3A_0, %jit3A : i32
    %ne3A_14 = arith.constant 0 : i32
    %ne3A_15 = arith.cmpi ne, %rem3A, %ne3A_14 : i32
    %and3A = arith.andi %ne3A, %ne3A_15 : i1
    %sub3A = arith.constant 1 : i32
    %sub3A_16 = arith.subi %div3A, %sub3A : i32
    %select_n3A = arith.select %and3A, %sub3A_16, %div3A : i32
    %get3A = arith.constant 0 : index
    %get3A_17 = arith.constant 0 : index
    %get3A_18 = vector.load %arg2[%get3A, %get3A_17] : memref<2048x256xi32, #tpu.memory_space<vmem>>, vector<2048x256xi32>
    %bitcast_convert_type3A = tpu.bitcast %get3A_18 : vector<2048x256xi32> -> vector<2048x256xi32>
    %shift_left3A = arith.constant 16 : i32
    %shift_left3A_19 = vector.broadcast %shift_left3A : i32 to vector<2048x256xi32>
    %shift_left3A_20 = arith.shli %bitcast_convert_type3A, %shift_left3A_19 : vector<2048x256xi32>
    %bitcast_convert_type3A_21 = tpu.bitcast %shift_left3A_20 : vector<2048x256xi32> -> vector<2048x256xf32>
    %and3A_22 = arith.constant -65536 : i32
    %and3A_23 = vector.broadcast %and3A_22 : i32 to vector<2048x256xi32>
    %and3A_24 = arith.andi %bitcast_convert_type3A, %and3A_23 : vector<2048x256xi32>
    %bitcast_convert_type3A_25 = tpu.bitcast %and3A_24 : vector<2048x256xi32> -> vector<2048x256xf32>
    %get3A_26 = arith.index_cast %select_n3A : i32 to index
    %get3A_27 = arith.constant 0 : index
    %get3A_28 = vector.load %arg3[%get3A_26, %get3A_27] : memref<84x512xf32, #tpu.memory_space<vmem>>, vector<1x512xf32>
    %slice3A = vector.extract_strided_slice %get3A_28 {offsets = [0, 0], sizes = [1, 256], strides = [1, 1]} : vector<1x512xf32> to vector<1x256xf32>
    %add3A_29 = vector.broadcast %slice3A : vector<1x256xf32> to vector<2048x256xf32>
    %add3A_30 = arith.addf %bitcast_convert_type3A_21, %add3A_29 : vector<2048x256xf32>
    %swap3A = arith.constant 0 : index
    %swap3A_31 = arith.constant 0 : index
    %swap3A_32 = vector.load %arg4[%swap3A, %swap3A_31] : memref<2048x512xf32, #tpu.memory_space<vmem>>, vector<2048x256xf32>
    tpu.vector_store %arg4[%swap3A, %swap3A_31], %add3A_30 {strides = array<i32>} : memref<2048x512xf32, #tpu.memory_space<vmem>>, vector<2048x256xf32>,
    %slice3A_33 = vector.extract_strided_slice %get3A_28 {offsets = [0, 256], sizes = [1, 256], strides = [1, 1]} : vector<1x512xf32> to vector<1x256xf32>
    %add3A_34 = vector.broadcast %slice3A_33 : vector<1x256xf32> to vector<2048x256xf32>
    %add3A_35 = arith.addf %bitcast_convert_type3A_25, %add3A_34 : vector<2048x256xf32>
    %swap3A_36 = arith.constant 0 : index
    %swap3A_37 = arith.constant 256 : index
    %swap3A_38 = vector.load %arg4[%swap3A_36, %swap3A_37] : memref<2048x512xf32, #tpu.memory_space<vmem>>, vector<2048x256xf32>
    tpu.vector_store %arg4[%swap3A_36, %swap3A_37], %add3A_35 {strides = array<i32>} : memref<2048x512xf32, #tpu.memory_space<vmem>>, vector<2048x256xf32>,
    return
  }
  func.func @transform_1(%arg0: i32) -> (i32, i32) {
    %c0_i32 = arith.constant 0 : i32
    %c0_i32_0 = arith.constant 0 : i32
    return %arg0, %c0_i32 : i32, i32
  }
  func.func @transform_2(%arg0: i32) -> (i32, i32) {
    %c0_i32 = arith.constant 0 : i32
    %c0_i32_0 = arith.constant 0 : i32
    %c0_i32_1 = arith.constant 0 : i32
    return %c0_i32, %c0_i32_0 : i32, i32
  }
  func.func @transform_3(%arg0: i32) -> (i32, i32) {
    %add3A = arith.constant 42 : i32
    %add3A_0 = arith.addi %arg0, %add3A : i32
    %c0_i32 = arith.constant 0 : i32
    %c0_i32_1 = arith.constant 0 : i32
    return %add3A_0, %c0_i32 : i32, i32
  }
}

module attributes {stable_mosaic.version = 14 : i64} {
  func.func @body(%arg0: i32, %arg1: memref<172032x512xf32, #tpu.memory_space<any>>, %arg2: memref<2048x256xi32, #tpu.memory_space<vmem>>, %arg3: memref<84x512xf32, #tpu.memory_space<vmem>>, %arg4: memref<2048x512xf32, #tpu.memory_space<vmem>>) attributes {dimension_semantics = [#tpu.dimension_semantics<arbitrary>], iteration_bounds = array<i64: 21>, scalar_prefetch = 0 : i64, scratch_operands = 0 : i64, tpu.core_type = #tpu.core_type<tc>, window_params = [{}, {transform_indices = @transform_1, window_bounds = array<i64: 2048, 256>}, {pipeline_mode = #tpu.pipeline_mode<synchronous>, transform_indices = @transform_2, window_bounds = array<i64: 84, 512>}, {transform_indices = @transform_3, window_bounds = array<i64: 2048, 512>}]} {
    %add3A = arith.constant 63 : i32
    %add3A_0 = arith.addi %arg0, %add3A : i32
    %jit3A = arith.constant 1 : i32
    %div3A = arith.divsi %add3A_0, %jit3A : i32
    %sign3A = arith.constant 0 : i32
    %sign3A_1 = arith.cmpi sgt, %add3A_0, %sign3A : i32
    %sign3A_2 = arith.extui %sign3A_1 : i1 to i32
    %sign3A_3 = arith.constant 0 : i32
    %sign3A_4 = arith.cmpi slt, %add3A_0, %sign3A_3 : i32
    %sign3A_5 = arith.extui %sign3A_4 : i1 to i32
    %sign3A_6 = arith.subi %sign3A_2, %sign3A_5 : i32
    %sign3A_7 = arith.constant 0 : i32
    %sign3A_8 = arith.cmpi sgt, %jit3A, %sign3A_7 : i32
    %sign3A_9 = arith.extui %sign3A_8 : i1 to i32
    %sign3A_10 = arith.constant 0 : i32
    %sign3A_11 = arith.cmpi slt, %jit3A, %sign3A_10 : i32
    %sign3A_12 = arith.extui %sign3A_11 : i1 to i32
    %sign3A_13 = arith.subi %sign3A_9, %sign3A_12 : i32
    %ne3A = arith.cmpi ne, %sign3A_6, %sign3A_13 : i32
    %rem3A = arith.remsi %add3A_0, %jit3A : i32
    %ne3A_14 = arith.constant 0 : i32
    %ne3A_15 = arith.cmpi ne, %rem3A, %ne3A_14 : i32
    %and3A = arith.andi %ne3A, %ne3A_15 : i1
    %sub3A = arith.constant 1 : i32
    %sub3A_16 = arith.subi %div3A, %sub3A : i32
    %select_n3A = arith.select %and3A, %sub3A_16, %div3A : i32
    %get3A = arith.constant 0 : index
    %get3A_17 = arith.constant 0 : index
    %get3A_18 = vector.load %arg2[%get3A, %get3A_17] : memref<2048x256xi32, #tpu.memory_space<vmem>>, vector<2048x256xi32>
    %bitcast_convert_type3A = tpu.bitcast %get3A_18 : vector<2048x256xi32> -> vector<2048x256xi32>
    %shift_left3A = arith.constant 16 : i32
    %shift_left3A_19 = vector.broadcast %shift_left3A : i32 to vector<2048x256xi32>
    %shift_left3A_20 = arith.shli %bitcast_convert_type3A, %shift_left3A_19 : vector<2048x256xi32>
    %bitcast_convert_type3A_21 = tpu.bitcast %shift_left3A_20 : vector<2048x256xi32> -> vector<2048x256xf32>
    %and3A_22 = arith.constant -65536 : i32
    %and3A_23 = vector.broadcast %and3A_22 : i32 to vector<2048x256xi32>
    %and3A_24 = arith.andi %bitcast_convert_type3A, %and3A_23 : vector<2048x256xi32>
    %bitcast_convert_type3A_25 = tpu.bitcast %and3A_24 : vector<2048x256xi32> -> vector<2048x256xf32>
    %get3A_26 = arith.index_cast %select_n3A : i32 to index
    %get3A_27 = arith.constant 0 : index
    %get3A_28 = vector.load %arg3[%get3A_26, %get3A_27] : memref<84x512xf32, #tpu.memory_space<vmem>>, vector<1x512xf32>
    %slice3A = vector.extract_strided_slice %get3A_28 {offsets = [0, 0], sizes = [1, 256], strides = [1, 1]} : vector<1x512xf32> to vector<1x256xf32>
    %add3A_29 = vector.broadcast %slice3A : vector<1x256xf32> to vector<2048x256xf32>
    %add3A_30 = arith.addf %bitcast_convert_type3A_21, %add3A_29 : vector<2048x256xf32>
    %swap3A = arith.constant 0 : index
    %swap3A_31 = arith.constant 0 : index
    %swap3A_32 = vector.load %arg4[%swap3A, %swap3A_31] : memref<2048x512xf32, #tpu.memory_space<vmem>>, vector<2048x256xf32>
    tpu.vector_store %arg4[%swap3A, %swap3A_31], %add3A_30 {strides = array<i32>} : memref<2048x512xf32, #tpu.memory_space<vmem>>, vector<2048x256xf32>,
    %slice3A_33 = vector.extract_strided_slice %get3A_28 {offsets = [0, 256], sizes = [1, 256], strides = [1, 1]} : vector<1x512xf32> to vector<1x256xf32>
    %add3A_34 = vector.broadcast %slice3A_33 : vector<1x256xf32> to vector<2048x256xf32>
    %add3A_35 = arith.addf %bitcast_convert_type3A_25, %add3A_34 : vector<2048x256xf32>
    %swap3A_36 = arith.constant 0 : index
    %swap3A_37 = arith.constant 256 : index
    %swap3A_38 = vector.load %arg4[%swap3A_36, %swap3A_37] : memref<2048x512xf32, #tpu.memory_space<vmem>>, vector<2048x256xf32>
    tpu.vector_store %arg4[%swap3A_36, %swap3A_37], %add3A_35 {strides = array<i32>} : memref<2048x512xf32, #tpu.memory_space<vmem>>, vector<2048x256xf32>,
    return
  }
  func.func @transform_1(%arg0: i32) -> (i32, i32) {
    %c0_i32 = arith.constant 0 : i32
    %c0_i32_0 = arith.constant 0 : i32
    return %arg0, %c0_i32 : i32, i32
  }
  func.func @transform_2(%arg0: i32) -> (i32, i32) {
    %c0_i32 = arith.constant 0 : i32
    %c0_i32_0 = arith.constant 0 : i32
    %c0_i32_1 = arith.constant 0 : i32
    return %c0_i32, %c0_i32_0 : i32, i32
  }
  func.func @transform_3(%arg0: i32) -> (i32, i32) {
    %add3A = arith.constant 63 : i32
    %add3A_0 = arith.addi %arg0, %add3A : i32
    %c0_i32 = arith.constant 0 : i32
    %c0_i32_1 = arith.constant 0 : i32
    return %add3A_0, %c0_i32 : i32, i32
  }
}

</mosaic_0001>

<sc_bundles>
// kernel: kernel.12.cloned.1.call-start
scs
__scs_entry_jumppad:
0x0: {  	(pc) =	sbr.rel $0x88, $3  }
0x1: {  	(tag) =	ssettag $0x0;
	lr =	simm.s32 $0x1  }
0x2: {  	[smem:$0x3F99] =	sst lr;
	_ =	strace $0xD0000000  }
0x3: {  	_ = 	snop  }
0x4: {  	_ = 	snop  }
0x5: {  	_ = 	snop  }
0x6: {  	_ = 	snop  }
0x7: {  	_ = 	snop  }
__scs_overlays_trampoline_lowered:
0x8: {  	[smem:$0x3FA8] =	sst s0  }
0x9: {  	[smem:$0x3FA9] =	sst s1  }
0xa: {  	[smem:$0x3FAA] =	sst s2  }
0xb: {  	[smem:$0x3FAB] =	sst s3  }
0xc: {  	[smem:$0x3FAC] =	sst s4  }
0xd: {  	[smem:$0x3FAD] =	sst s5  }
0xe: {  	[smem:$0x3FAE] =	sst s6  }
0xf: {  	[smem:$0x3FAF] =	sst s7  }
0x10: {  	[smem:$0x3FB0] =	sst s8  }
0x11: {  	[smem:$0x3FB1] =	sst s9;
	s0 =	simm.s32 @!p0 $0x0  }
0x12: {  	s1 =	sld [smem:$0x3F97];
	s0 =	simm.s32 @p0 $0x1  }
0x13: {  	[smem:$0x3FB2] =	sst s0;
	s0 =	simm.s32 @!p1 $0x0  }
0x14: {  	s2 =	sld [smem:$0x3F96];
	s0 =	simm.s32 @p1 $0x1  }
0x15: {  	[smem:$0x3FB3] =	sst s0;
	s0 =	simm.s32 @!p2 $0x0  }
0x16: {  	s3 =	sld [smem:$0x3FDB];
	s0 =	simm.s32 @p2 $0x1  }
0x17: {  	s4 =	simm.s32 $0x1BF5;
	[smem:$0x3FB5] =	sst s0  }
0x18: {  	s0 =	sld [smem:$0x3F98];
	_ =	swait.ge [sflag:s4], $0x0  }
0x19: {  	s7 =	sld [smem:$0x3F99]  }
0x1a: {  	s8 =	sadd.s32 $0xFFFFE003, lr  }
0x1b: {  	s9 =	sadd.s32 $0xFFFFFEF7, lr;
	s5 =	simm.s32 $0xFFFFFFFF;
	p2 =	slt.u32 s8, $0xFFFFF086  }
0x1c: {  	p1 =	slt.u32 s9, $0xF7A;
	s5 =	simm.s32 @!p2 $0x0  }
0x1d: {  	s5 =	simm.s32 @p1 $0x1;
	p0 =	seq.s32 s7, s2  }
0x1e: {  	s7 =	smul.u32 @!p0 $0xF7A, s2;
	p2 =	seq.s32 @!p0 s5, $0x0  }
0x1f: {  	s9 =	smul.u32 $0xF7A, s1;
	s8 =	simm.s32 @!p0 $0x1BF5;
	p2 =	por !p2, p0  }
0x20: {  	[sflag:s8] =	ssyncset.s32 @!p0 $0xFFFFF086;
	s6 =	sadd.s32 @!p0 s3, s7;
	s7 =	simm.s32 @!p0 $0x108  }
0x21: {  	s3 =	sadd.s32 s3, s9;
	s6 =	sadd.s32 @!p0 $0x88, s6;
	s7 =	simm.s32 @p2 $0x1082  }
0x22: {  	[simem:s7], [sflag:s8] =	dma.local @!p0 [hbm:s6], $0xF7A  }
0x23: {  	s9 =	sor.u32 $0xD0000000, s2;
	s6 =	simm.s32 $0x108;
	_ =	swait.ge @!p0 [sflag:s8], $0x0  }
0x24: {  	s3 =	sadd.s32 $0x88, s3;
	s6 =	simm.s32 @!p1 $0x1082;
	[sflag:s4] =	ssyncset.s32 $0xFFFFF086  }
0x25: {  	[simem:s6], [sflag:s4] =	dma.local [hbm:s3], $0xF7A  }
0x26: {  	[smem:$0x3F99] =	sst s1;
	(tag) =	ssettag s2;
	_ =	strace s9  }
0x27: {  	s1 =	sld [smem:$0x3FA9]  }
0x28: {  	s2 =	sld [smem:$0x3FAA]  }
0x29: {  	s4 =	sld [smem:$0x3FAC]  }
0x2a: {  	p0 =	seq.s32 s5, $0x0;
	s5 =	sld [smem:$0x3FAD]  }
0x2b: {  	s6 =	sld [smem:$0x3FAE]  }
0x2c: {  	s7 =	sld [smem:$0x3FAF]  }
0x2d: {  	s3 =	simm.s32 $0x108;
	s8 =	sld [smem:$0x3FB0]  }
0x2e: {  	s3 =	simm.s32 @!p0 $0x1082;
	s9 =	sld [smem:$0x3FB1]  }
0x2f: {  	lr =	sadd.s32 s0, s3;
	s0 =	sld [smem:$0x3FA8]  }
0x30: {  	s3 =	sld [smem:$0x3FAB]  }
0x31: {  	[smem:$0x3FB4] =	sst s10  }
0x32: {  	s10 =	sld [smem:$0x3FB2];
	_ =	sdelay $0x3  }
0x33: {  	p0 =	seq.s32 s10, $0x1;
	s10 =	sld [smem:$0x3FB4];
	_ =	sdelay $0x3  }
0x34: {  	[smem:$0x3FB4] =	sst s10  }
0x35: {  	s10 =	sld [smem:$0x3FB3];
	_ =	sdelay $0x3  }
0x36: {  	p1 =	seq.s32 s10, $0x1;
	s10 =	sld [smem:$0x3FB4];
	_ =	sdelay $0x3  }
0x37: {  	[smem:$0x3FB4] =	sst s10  }
0x38: {  	s10 =	sld [smem:$0x3FB5]  }
0x39: {  	_ = 	snop;
	(pc) =	sbr.ind lr, $3  }
0x3a: {  	_ = 	snop  }
0x3b: {  	_ = 	snop  }
0x3c: {  	p2 =	seq.s32 s10, $0x1;
	s10 =	sld [smem:$0x3FB4]  }
0x3d: {  	_ =	shalt  }
0x3e: {  	_ =	shalt  }
0x3f: {  	_ =	shalt  }
0x40: {  	_ =	shalt  }
0x41: {  	_ =	shalt  }
0x42: {  	_ =	shalt  }
0x43: {  	_ =	shalt  }
0x44: {  	_ =	shalt  }
0x45: {  	_ =	shalt  }
0x46: {  	_ =	shalt  }
0x47: {  	_ =	shalt  }
0x48: {  	_ =	shalt  }
0x49: {  	_ =	shalt  }
0x4a: {  	_ =	shalt  }
0x4b: {  	_ =	shalt  }
0x4c: {  	_ =	shalt  }
0x4d: {  	_ =	shalt  }
0x4e: {  	_ =	shalt  }
0x4f: {  	_ =	shalt  }
0x50: {  	_ =	shalt  }
0x51: {  	_ =	shalt  }
0x52: {  	_ =	shalt  }
0x53: {  	_ =	shalt  }
0x54: {  	_ =	shalt  }
0x55: {  	_ =	shalt  }
0x56: {  	_ =	shalt  }
0x57: {  	_ =	shalt  }
0x58: {  	_ =	shalt  }
0x59: {  	_ =	shalt  }
0x5a: {  	_ =	shalt  }
0x5b: {  	_ =	shalt  }
0x5c: {  	_ =	shalt  }
0x5d: {  	_ =	shalt  }
0x5e: {  	_ =	shalt  }
0x5f: {  	_ =	shalt  }
0x60: {  	_ =	shalt  }
0x61: {  	_ =	shalt  }
0x62: {  	_ =	shalt  }
0x63: {  	_ =	shalt  }
0x64: {  	_ =	shalt  }
0x65: {  	_ =	shalt  }
0x66: {  	_ =	shalt  }
0x67: {  	_ =	shalt  }
0x68: {  	_ =	shalt  }
0x69: {  	_ =	shalt  }
0x6a: {  	_ =	shalt  }
0x6b: {  	_ =	shalt  }
0x6c: {  	_ =	shalt  }
0x6d: {  	_ =	shalt  }
0x6e: {  	_ =	shalt  }
0x6f: {  	_ =	shalt  }
0x70: {  	_ =	shalt  }
0x71: {  	_ =	shalt  }
0x72: {  	_ =	shalt  }
0x73: {  	_ =	shalt  }
0x74: {  	_ =	shalt  }
0x75: {  	_ =	shalt  }
0x76: {  	_ =	shalt  }
0x77: {  	_ =	shalt  }
0x78: {  	_ =	shalt  }
0x79: {  	_ =	shalt  }
0x7a: {  	_ =	shalt  }
0x7b: {  	_ =	shalt  }
0x7c: {  	_ =	shalt  }
0x7d: {  	_ =	shalt  }
0x7e: {  	_ =	shalt  }
0x7f: {  	_ =	shalt  }
0x80: {  	_ =	shalt  }
0x81: {  	_ =	shalt  }
0x82: {  	_ =	shalt  }
0x83: {  	_ =	shalt  }
0x84: {  	_ =	shalt  }
0x85: {  	_ =	shalt  }
0x86: {  	_ =	shalt  }
0x87: {  	_ =	shalt  }
.Lfunc_end0:
.L_simem_size_0:
called_computation_lowered:
.L_overlay_start_0:
0x88: {  	s2 =	sld [smem:$0x3FD9]  }
0x89: {  	s3 =	sld [smem:$0x3FFE];
	_ =	sdelay $0x1  }
0x8a: {  	s1 =	srdreg.scid  }
0x8b: {  	s0 =	sand.u32 $0x1, s1  }
0x8c: {  	s17 =	sshll.u32 s0, $0xA;
	s2 =	sadd.s32 s3, s2  }
0x8d: {  	s2 =	sadd.s32 s2, s17  }
0x8e: {  	[smem:$0x3FC0] =	sst s2  }
0x8f: {  	_ = 	snop  }
0x90: {  	s2 =	sld [smem:$0x3FD0];
	(tm) =	ssettm $0x1  }
0x91: {  	s18 =	sld [smem:$0x3FFB];
	_ =	sdelay $0x3  }
0x92: {  	_ =	strace s18  }
0x93: {  	s3 =	sld [smem:$0x3FFC];
	_ =	sdelay $0x3  }
0x94: {  	_ =	strace s3  }
0x95: {  	s3 =	sld [smem:$0x3FFD];
	_ =	sdelay $0x3  }
0x96: {  	_ =	strace s3  }
0x97: {  	_ =	strace $0x8FFFFFFF  }
0x98: {  	s19 =	sld [smem:$0x3FDB];
	_ =	sdelay $0x1  }
0x99: {  	s4 =	simm.s32 $_scs_section_size  }
0x9a: {  	s5 =	simm.s32 $_size__tile_overlayer_lowered;
	s6 =	simm.s32 $_tile_overlayer_lowered  }
0x9b: {  	s22 =	simm.s32 $0x1BFF;
	s21 =	sshll.u32 s6, $0x1;
	s3 =	sadd.s32 s4, s19  }
0x9c: {  	s7 =	simm.s32 $0x0;
	s20 =	sshll.u32 s5, $0x1;
	s5 =	sadd.s32 s21, s3  }
0x9d: {  	[timem:s7], [sflag:s22] =	dma.local [hbm:s5], s20  }
0x9e: {  	_ =	swait.ge [sflag:s22], s20  }
0x9f: {  	s4 =	ssub.s32 $0x0, s20;
	[sflag:s22] =	ssyncset.done $0x0  }
0xa0: {  	[sflag:s22] =	ssyncadd.s32 s4;
	_ =	sdelay $0x1  }
0xa1: {  	s23 =	simm.s32 $0x1B8B  }
0xa2: {  	_ =	swait.ge [sflag:s23], $0x1  }
0xa3: {  	[sflag:s23] =	ssyncset.done $0x0  }
0xa4: {  	s25 =	simm.s32 $0x1B8E;
	s24 =	sld [smem:$0x3FFE];
	[sflag:s23] =	ssyncadd.s32 $0xFFFFFFFF  }
0xa5: {  	s26 =	simm.s32 $execute0_lowered;
	[smem:$0x3FD2] =	sst s25  }
0xa6: {  	s5 =	sshll.u32 s26, $0x1;
	_ =	strace $0x80000046;
	[dreg:$0x1] =	wrdreg $0xFFFFFFFF  }
0xa7: {  	s28 =	simm.s32 $_size_execute0_lowered;
	s3 =	sadd.s32 s3, s5;
	[dreg:$0x0] =	wrdreg $0x0  }
0xa8: {  	s5 =	sshll.u32 s28, $0x1;
	[dreg:$0x2] =	wrdreg s3  }
0xa9: {  	[dreg:$0x3] =	wrdreg s5  }
0xaa: {  	[dreg:$0x4] =	wrdreg $0xC0  }
0xab: {  	_ =	task [dreg:s7], $0x5FFFF  }
0xac: {  	[dreg:$0x1] =	wrdreg $0xFFFFFFFF  }
0xad: {  	[dreg:$0x0] =	wrdreg $0x60  }
0xae: {  	[dreg:$0x2] =	wrdreg s2  }
0xaf: {  	[dreg:$0x3] =	wrdreg s24  }
0xb0: {  	[dreg:$0x4] =	wrdreg $0x9  }
0xb1: {  	_ =	task.clear_ibuf [dreg:s7], $0x5FFFF;
	_ =	strace $0x90000046  }
0xb2: {  	s29 =	simm.s32 $0x9;
	_ =	strace $0x80000048  }
0xb3: {  	_ =	swait.ge [sflag:s29], $0x1  }
0xb4: {  	[sflag:s29] =	ssyncadd.s32 $0xFFFFFFFF  }
0xb5: {  	_ =	strace $0x90000048  }
0xb6: {  	_ =	sfence  }
0xb7: {  	s30 =	sld [smem:$0x0];
	_ =	sdelay $0x2  }
0xb8: {  	s31 =	sshll.u32 s1, $0xD;
	s1 =	sshrl.u32 s1, $0x2  }
0xb9: {  	s3 =	sand.u32 $0x4000, s31;
	s1 =	sadd.s32 s1, s30  }
0xba: {  	s0 =	sor.u32 s3, s0;
	s1 =	sshll.u32 s1, $0x11  }
0xbb: {  	s0 =	sor.u32 s1, s0  }
0xbc: {  	s0 =	sadd.s32 $0x8F2B, s0  }
0xbd: {  	[sflag:s0] =	ssyncadd.remote.s32 $0x1  }
0xbe: {  	_ =	sfence.sel $0xFFFF  }
0xbf: {  	[dreg:$0x0] =	wrdreg $0xFFFFFFFF;
	(pc) =	sbr.abs _section_cstart, $3  }
0xc0: {  	[dreg:$0x1] =	wrdreg $0xFFFFFFFF  }
0xc1: {  	_ =	task.clear_ibuf [dreg:s7], $0x2FFFF;
	_ =	strace $0x9FFFFFFF  }
0xc2: {  	(tm) =	ssettm $0x7FFFFFFF  }
0xc3: {  	_ =	shalt  }
tec
execute0_lowered:
.L_overlay_start_1:
0x0: {  	(tag) =	ssettag $0x1  }
0x1: {  	s0 =	rddreg [dreg:$0x0]  }
0x2: {  	s1 =	rddreg [dreg:$0x1]  }
0x3: {  	s3 =	srdreg.scid;
	s7 =	stileid.u32;
	s2 =	simm.s32 $0x0  }
0x4: {  	s16 =	simm.s32 $0x3580;
	s22 =	simm.s32 $0x6580;
	s23 =	simm.s32 $0x6D80  }
0x5: {  	s24 =	simm.s32 $0x7580;
	s25 =	simm.s32 $0x7D80;
	s28 =	simm.s32 $0x8D80  }
0x6: {  	s29 =	simm.s32 $0x9580;
	s12 =	simm.s32 $0x1;
	s13 =	simm.s32 $0x2  }
0x7: {  	s14 =	simm.s32 $0x5;
	s15 =	simm.s32 $0x3;
	s17 =	simm.s32 $0x6  }
0x8: {  	s18 =	simm.s32 $0x4;
	s19 =	simm.s32 $0x7;
	s20 =	simm.s32 $0x8  }
0x9: {  	s21 =	simm.s32 $0x0;
	s6 =	sand.u32 $0x1, s3;
	s26 =	sshll.u32 s7, $0x1  }
0xa: {  	[smem:$0x7FF] =	sst s2;
	s7 =	smul.u32 $0x15000, s7;
	s4 =	sor.u32 s6, s26  }
0xb: {  	s3 =	sadd.s32 $0x1C00, s1;
	s5 =	sadd.s32 $0x40C00, s1;
	s4 =	smul.u32 $0x540, s4  }
.Ltmp0:
0xc: {  	_ =	strace $0x80000047;
	s30 =	ssub.s32 $0x2, s6;
	(pc) =	sbr.rel .LBB2_1-.Ltmp0, $4  }
0xd: {  	s10 =	smul.u32 $0xA800, s6;
	s26 =	simm.s32 $0x8580;
	s8 =	sshrl.u32 s30, $0x1  }
0xe: {  	v2 =	vlaneseq.u32;
	s31 =	sadd.s32 s7, s5;
	s1 =	ssub.s32 s30, s8;
	s9 =	sshrl.u32 s4, $0x3  }
0xf: {  	vm0 =	vmmov $0xffff;
	v1 =	vshrl.u32 v2, $0x3;
	s8 =	sadd.s32 s10, s31;
	s10 =	simm.s32 $0x580;
	s0 =	sadd.s32 s0, s9  }
0x10: {  	v0 =	vand.u32 $0x7, v2;
	v2 =	vor.u32 $0x8, v2;
	v1 =	vmul.u32 $0x8, v1;
	s7 =	smax.u32 s1, $0x1;
	s9 =	simm.s32 $0x9;
	[dreg:$0x3] =	wrdreg s0  }
.LBB2_4:
0x11: {  	s21 =	sadd.s32 $0x1, s21  }
0x12: {  	p0 =	sne.s32 s21, s7  }
.Ltmp1:
0x13: {  	_ = 	snop;
	(pc) =	sbr.rel @!p0 .LBB2_5-.Ltmp1, $4  }
0x14: {  	_ = 	snop  }
0x15: {  	_ =	swait.ge [sflag:s20], $0x3000  }
0x16: {  	[sflag:s20] =	ssyncset.done $0x0  }
0x17: {  	[sflag:s20] =	ssyncadd.s32 $0xFFFFD000  }
.LBB2_1:
0x18: {  	s0 =	rddreg [dreg:$0x3]  }
0x19: {  	[tilespmem:s2], [sflag:$0x9] =	stream.linear.gather [hbm4b:s0+s2], $0x540, $0x38;
	[tilespmem:$0xC580] =	vst v63  }
0x1a: {  	_ =	swait.ge [sflag:s9], $0x540  }
0x1b: {  	[sflag:s9] =	ssyncset.done $0x0  }
0x1c: {  	[sflag:s9] =	ssyncadd.s32 $0xFFFFFAC0  }
0x1d: {  	v3 =	vld [tilespmem:$0x0];
	_ =	sdelay $0x4  }
0x1e: {  	v4 =	vshll.u32 v3, $0x1  }
0x1f: {  	v3 =	vand.u32 $0x7, v3;
	v4 =	vand.u32 $0xFFFFFFF0, v4  }
0x20: {  	v3 =	vor.u32 v3, v4  }
0x21: {  	v4 =	vperm.xlane v3, v0;
	_ =	sdelay $0x1  }
0x22: {  	v3 =	vperm.xlane v3, v2;
	v4 =	vadd.s32 v1, v4;
	_ =	sdelay $0x1  }
0x23: {  	v3 =	vadd.s32 v1, v3;
	_ =	sdelay $0x2  }
0x24: {  	[tilespmem:s10], [sflag:$0x1] =	stream.indirect_vreg.gather [hbm4b:s3+s2], $0x80, v4, vm0, $0xb8;
	[tilespmem:$0xC580] =	vst v63  }
0x25: {  	s1 =	simm.s32 $0xD80  }
0x26: {  	[tilespmem:s1], [sflag:$0x1] =	stream.indirect_vreg.gather [hbm4b:s3+s2], $0x80, v3, vm0, $0xb8;
	[tilespmem:$0xC580] =	vst v63  }
0x27: {  	v3 =	vld [tilespmem:$0x10];
	_ =	sdelay $0x4  }
0x28: {  	v53 =	vshll.u32 v3, $0x1  }
0x29: {  	v3 =	vand.u32 $0x7, v3;
	v4 =	vand.u32 $0xFFFFFFF0, v53  }
0x2a: {  	v3 =	vor.u32 v3, v4  }
0x2b: {  	v4 =	vperm.xlane v3, v0;
	_ =	sdelay $0x1  }
0x2c: {  	v3 =	vperm.xlane v3, v2;
	v4 =	vadd.s32 v1, v4;
	_ =	sdelay $0x1  }
0x2d: {  	v3 =	vadd.s32 v1, v3;
	_ =	sdelay $0x1  }
0x2e: {  	s6 =	simm.s32 $0x1580  }
0x2f: {  	[tilespmem:s6], [sflag:$0x1] =	stream.indirect_vreg.gather [hbm4b:s3+s2], $0x80, v4, vm0, $0xb8;
	[tilespmem:$0xC580] =	vst v63  }
0x30: {  	s11 =	simm.s32 $0x1D80  }
0x31: {  	[tilespmem:s11], [sflag:$0x1] =	stream.indirect_vreg.gather [hbm4b:s3+s2], $0x80, v3, vm0, $0xb8;
	[tilespmem:$0xC580] =	vst v63  }
0x32: {  	v3 =	vld [tilespmem:$0x20];
	_ =	sdelay $0x4  }
0x33: {  	v54 =	vshll.u32 v3, $0x1  }
0x34: {  	v3 =	vand.u32 $0x7, v3;
	v4 =	vand.u32 $0xFFFFFFF0, v54  }
0x35: {  	v3 =	vor.u32 v3, v4  }
0x36: {  	v4 =	vperm.xlane v3, v0;
	_ =	sdelay $0x1  }
0x37: {  	v3 =	vperm.xlane v3, v2;
	v4 =	vadd.s32 v1, v4;
	_ =	sdelay $0x1  }
0x38: {  	v3 =	vadd.s32 v1, v3;
	_ =	sdelay $0x1  }
0x39: {  	s1 =	simm.s32 $0x2580  }
0x3a: {  	[tilespmem:s1], [sflag:$0x1] =	stream.indirect_vreg.gather [hbm4b:s3+s2], $0x80, v4, vm0, $0xb8;
	[tilespmem:$0xC580] =	vst v63  }
0x3b: {  	s6 =	simm.s32 $0x2D80  }
0x3c: {  	[tilespmem:s6], [sflag:$0x1] =	stream.indirect_vreg.gather [hbm4b:s3+s2], $0x80, v3, vm0, $0xb8;
	[tilespmem:$0xC580] =	vst v63  }
0x3d: {  	v3 =	vld [tilespmem:$0x30];
	_ =	sdelay $0x4  }
0x3e: {  	v55 =	vshll.u32 v3, $0x1  }
0x3f: {  	v3 =	vand.u32 $0x7, v3;
	v4 =	vand.u32 $0xFFFFFFF0, v55  }
0x40: {  	v3 =	vor.u32 v3, v4  }
0x41: {  	v4 =	vperm.xlane v3, v0;
	_ =	sdelay $0x1  }
0x42: {  	v3 =	vperm.xlane v3, v2;
	v4 =	vadd.s32 v1, v4;
	_ =	sdelay $0x1  }
0x43: {  	v3 =	vadd.s32 v1, v3;
	_ =	sdelay $0x2  }
0x44: {  	[tilespmem:s16], [sflag:$0x2] =	stream.indirect_vreg.gather [hbm4b:s3+s2], $0x80, v4, vm0, $0xb8;
	[tilespmem:$0xC580] =	vst v63  }
0x45: {  	s11 =	simm.s32 $0x3D80  }
0x46: {  	[tilespmem:s11], [sflag:$0x2] =	stream.indirect_vreg.gather [hbm4b:s3+s2], $0x80, v3, vm0, $0xb8;
	[tilespmem:$0xC580] =	vst v63  }
0x47: {  	v3 =	vld [tilespmem:$0x40];
	_ =	sdelay $0x4  }
0x48: {  	v56 =	vshll.u32 v3, $0x1  }
0x49: {  	v3 =	vand.u32 $0x7, v3;
	v4 =	vand.u32 $0xFFFFFFF0, v56  }
0x4a: {  	v3 =	vor.u32 v3, v4  }
0x4b: {  	v4 =	vperm.xlane v3, v0;
	_ =	sdelay $0x1  }
0x4c: {  	v3 =	vperm.xlane v3, v2;
	v4 =	vadd.s32 v1, v4;
	_ =	sdelay $0x1  }
0x4d: {  	v3 =	vadd.s32 v1, v3;
	_ =	sdelay $0x1  }
0x4e: {  	s1 =	simm.s32 $0x4580  }
0x4f: {  	[tilespmem:s1], [sflag:$0x2] =	stream.indirect_vreg.gather [hbm4b:s3+s2], $0x80, v4, vm0, $0xb8;
	[tilespmem:$0xC580] =	vst v63  }
0x50: {  	s6 =	simm.s32 $0x4D80  }
0x51: {  	[tilespmem:s6], [sflag:$0x2] =	stream.indirect_vreg.gather [hbm4b:s3+s2], $0x80, v3, vm0, $0xb8;
	[tilespmem:$0xC580] =	vst v63  }
0x52: {  	v3 =	vld [tilespmem:$0x50];
	_ =	sdelay $0x4  }
0x53: {  	v57 =	vshll.u32 v3, $0x1  }
0x54: {  	v3 =	vand.u32 $0x7, v3;
	v4 =	vand.u32 $0xFFFFFFF0, v57  }
0x55: {  	v3 =	vor.u32 v3, v4  }
0x56: {  	v4 =	vperm.xlane v3, v0;
	_ =	sdelay $0x1  }
0x57: {  	v3 =	vperm.xlane v3, v2;
	v4 =	vadd.s32 v1, v4;
	_ =	sdelay $0x1  }
0x58: {  	v3 =	vadd.s32 v1, v3;
	_ =	sdelay $0x1  }
0x59: {  	s11 =	simm.s32 $0x5580  }
0x5a: {  	[tilespmem:s11], [sflag:$0x2] =	stream.indirect_vreg.gather [hbm4b:s3+s2], $0x80, v4, vm0, $0xb8;
	[tilespmem:$0xC580] =	vst v63  }
0x5b: {  	s1 =	simm.s32 $0x5D80  }
0x5c: {  	[tilespmem:s1], [sflag:$0x2] =	stream.indirect_vreg.gather [hbm4b:s3+s2], $0x80, v3, vm0, $0xb8;
	[tilespmem:$0xC580] =	vst v63  }
0x5d: {  	v3 =	vld [tilespmem:$0x60];
	_ =	sdelay $0x4  }
0x5e: {  	v58 =	vshll.u32 v3, $0x1  }
0x5f: {  	v3 =	vand.u32 $0x7, v3;
	v4 =	vand.u32 $0xFFFFFFF0, v58  }
0x60: {  	v3 =	vor.u32 v3, v4  }
0x61: {  	v4 =	vperm.xlane v3, v0;
	_ =	sdelay $0x1  }
0x62: {  	v3 =	vperm.xlane v3, v2;
	v4 =	vadd.s32 v1, v4;
	_ =	sdelay $0x1  }
0x63: {  	v3 =	vadd.s32 v1, v3;
	_ =	sdelay $0x2  }
0x64: {  	[tilespmem:s22], [sflag:$0x3] =	stream.indirect_vreg.gather [hbm4b:s3+s2], $0x80, v4, vm0, $0xb8;
	[tilespmem:$0xC580] =	vst v63  }
0x65: {  	_ = 	snop  }
0x66: {  	[tilespmem:s23], [sflag:$0x3] =	stream.indirect_vreg.gather [hbm4b:s3+s2], $0x80, v3, vm0, $0xb8;
	[tilespmem:$0xC580] =	vst v63  }
0x67: {  	v3 =	vld [tilespmem:$0x70];
	_ =	sdelay $0x4  }
0x68: {  	v59 =	vshll.u32 v3, $0x1  }
0x69: {  	v3 =	vand.u32 $0x7, v3;
	v4 =	vand.u32 $0xFFFFFFF0, v59  }
0x6a: {  	v3 =	vor.u32 v3, v4  }
0x6b: {  	v4 =	vperm.xlane v3, v0;
	_ =	sdelay $0x1  }
0x6c: {  	v3 =	vperm.xlane v3, v2;
	v4 =	vadd.s32 v1, v4;
	_ =	sdelay $0x1  }
0x6d: {  	v3 =	vadd.s32 v1, v3;
	_ =	sdelay $0x2  }
0x6e: {  	[tilespmem:s24], [sflag:$0x3] =	stream.indirect_vreg.gather [hbm4b:s3+s2], $0x80, v4, vm0, $0xb8;
	[tilespmem:$0xC580] =	vst v63  }
0x6f: {  	_ = 	snop  }
0x70: {  	[tilespmem:s25], [sflag:$0x3] =	stream.indirect_vreg.gather [hbm4b:s3+s2], $0x80, v3, vm0, $0xb8;
	[tilespmem:$0xC580] =	vst v63  }
0x71: {  	v3 =	vld [tilespmem:$0x80];
	_ =	sdelay $0x4  }
0x72: {  	v60 =	vshll.u32 v3, $0x1  }
0x73: {  	v3 =	vand.u32 $0x7, v3;
	v4 =	vand.u32 $0xFFFFFFF0, v60  }
0x74: {  	v3 =	vor.u32 v3, v4  }
0x75: {  	v4 =	vperm.xlane v3, v0;
	_ =	sdelay $0x1  }
0x76: {  	v3 =	vperm.xlane v3, v2;
	v4 =	vadd.s32 v1, v4;
	_ =	sdelay $0x1  }
0x77: {  	v3 =	vadd.s32 v1, v3;
	_ =	sdelay $0x2  }
0x78: {  	[tilespmem:s26], [sflag:$0x3] =	stream.indirect_vreg.gather [hbm4b:s3+s2], $0x80, v4, vm0, $0xb8;
	[tilespmem:$0xC580] =	vst v63  }
0x79: {  	_ = 	snop  }
0x7a: {  	[tilespmem:s28], [sflag:$0x3] =	stream.indirect_vreg.gather [hbm4b:s3+s2], $0x80, v3, vm0, $0xb8;
	[tilespmem:$0xC580] =	vst v63  }
0x7b: {  	v3 =	vld [tilespmem:$0x90];
	_ =	sdelay $0x4  }
0x7c: {  	v61 =	vshll.u32 v3, $0x1  }
0x7d: {  	v3 =	vand.u32 $0x7, v3;
	v4 =	vand.u32 $0xFFFFFFF0, v61  }
0x7e: {  	v3 =	vor.u32 v3, v4  }
0x7f: {  	v4 =	vperm.xlane v3, v0;
	_ =	sdelay $0x1  }
0x80: {  	v3 =	vperm.xlane v3, v2;
	v4 =	vadd.s32 v1, v4;
	_ =	sdelay $0x1  }
0x81: {  	v3 =	vadd.s32 v1, v3;
	_ =	sdelay $0x2  }
0x82: {  	[tilespmem:s29], [sflag:$0x4] =	stream.indirect_vreg.gather [hbm4b:s3+s2], $0x80, v4, vm0, $0xb8;
	[tilespmem:$0xC580] =	vst v63  }
0x83: {  	s6 =	simm.s32 $0x9D80  }
0x84: {  	[tilespmem:s6], [sflag:$0x4] =	stream.indirect_vreg.gather [hbm4b:s3+s2], $0x80, v3, vm0, $0xb8;
	[tilespmem:$0xC580] =	vst v63  }
0x85: {  	v3 =	vld [tilespmem:$0xA0];
	_ =	sdelay $0x4  }
0x86: {  	v62 =	vshll.u32 v3, $0x1  }
0x87: {  	v3 =	vand.u32 $0x7, v3;
	v4 =	vand.u32 $0xFFFFFFF0, v62  }
0x88: {  	v3 =	vor.u32 v3, v4  }
0x89: {  	v4 =	vperm.xlane v3, v0;
	_ =	sdelay $0x1  }
0x8a: {  	v3 =	vperm.xlane v3, v2;
	v4 =	vadd.s32 v1, v4;
	_ =	sdelay $0x1  }
0x8b: {  	v3 =	vadd.s32 v1, v3;
	_ =	sdelay $0x1  }
0x8c: {  	s11 =	simm.s32 $0xA580  }
0x8d: {  	[tilespmem:s11], [sflag:$0x4] =	stream.indirect_vreg.gather [hbm4b:s3+s2], $0x80, v4, vm0, $0xb8;
	[tilespmem:$0xC580] =	vst v63  }
0x8e: {  	s1 =	simm.s32 $0xAD80  }
0x8f: {  	[tilespmem:s1], [sflag:$0x4] =	stream.indirect_vreg.gather [hbm4b:s3+s2], $0x80, v3, vm0, $0xb8;
	[tilespmem:$0xC580] =	vst v63  }
0x90: {  	v3 =	vld [tilespmem:$0xB0];
	_ =	sdelay $0x4  }
0x91: {  	v63 =	vshll.u32 v3, $0x1  }
0x92: {  	v3 =	vand.u32 $0x7, v3;
	v4 =	vand.u32 $0xFFFFFFF0, v63  }
0x93: {  	v3 =	vor.u32 v3, v4  }
0x94: {  	v4 =	vperm.xlane v3, v0;
	_ =	sdelay $0x1  }
0x95: {  	v3 =	vperm.xlane v3, v2;
	v4 =	vadd.s32 v1, v4;
	_ =	sdelay $0x1  }
0x96: {  	v3 =	vadd.s32 v1, v3;
	_ =	sdelay $0x1  }
0x97: {  	s30 =	simm.s32 $0xA0;
	s6 =	simm.s32 $0xB580  }
0x98: {  	[tilespmem:s6], [sflag:$0x4] =	stream.indirect_vreg.gather [hbm4b:s3+s2], $0x80, v4, vm0, $0xb8;
	[tilespmem:$0xC580] =	vst v63  }
0x99: {  	s31 =	simm.s32 $0x90;
	s0 =	simm.s32 $0x0;
	s11 =	simm.s32 $0xBD80  }
0x9a: {  	[tilespmem:s11], [sflag:$0x4] =	stream.indirect_vreg.gather [hbm4b:s3+s2], $0x80, v3, vm0, $0xb8;
	[tilespmem:$0xC580] =	vst v63  }
.LBB2_2:
0x9b: {  	_ =	swait.ge [sflag:s12], $0x3000  }
0x9c: {  	p0 =	seq.s32 s0, $0x0;
	[sflag:s12] =	ssyncset.done $0x0  }
0x9d: {  	s1 =	sadd.s32 s0, s8;
	s11 =	simm.s32 @!p0 $0x8;
	[sflag:s12] =	ssyncadd.s32 $0xFFFFD000  }
0x9e: {  	[hbm4b:s1+s2] =	stream.linear.scatter [tilespmem:s10], [sflag:$0x5], $0x3000, $0x38;
	[tilespmem:$0xC580] =	vst v63  }
0x9f: {  	_ =	swait.ge @!p0 [sflag:s11], $0x3000  }
0xa0: {  	[sflag:s11] =	ssyncset.done @!p0 $0x0  }
0xa1: {  	[sflag:s11] =	ssyncadd.s32 @!p0 $0xFFFFD000  }
0xa2: {  	v3 =	vld @!p0 [tilespmem:s30+$0xFFFFFFF0];
	_ =	sdelay $0x4  }
0xa3: {  	v4 =	vshll.u32 @!p0 v3, $0x1  }
0xa4: {  	v5 =	vlaneseq.u32 @!p0;
	v3 =	vand.u32 @!p0 $0x7, v3;
	v4 =	vand.u32 @!p0 $0xFFFFFFF0, v4  }
0xa5: {  	v6 =	vshrl.u32 @!p0 v5, $0x3;
	v3 =	vor.u32 @!p0 v3, v4;
	v4 =	vand.u32 @!p0 $0x7, v5  }
0xa6: {  	v6 =	vmul.u32 @!p0 $0x8, v6;
	v7 =	vperm.xlane @!p0 v3, v4  }
0xa7: {  	v5 =	vor.u32 @!p0 $0x8, v5  }
0xa8: {  	v3 =	vperm.xlane @!p0 v3, v5;
	v7 =	vadd.s32 @!p0 v6, v7;
	_ =	sdelay $0x1  }
0xa9: {  	v3 =	vadd.s32 @!p0 v6, v3;
	_ =	sdelay $0x1  }
0xaa: {  	vm1 =	vmmov @!p0 $0xffff;
	s6 =	simm.s32 @!p0 $0x9580;
	s11 =	simm.s32 @!p0 $0x0  }
0xab: {  	[tilespmem:s6], [sflag:$0x4] =	stream.indirect_vreg.gather @!p0 [hbm4b:s3+s11], $0x80, v7, vm1, $0xb8;
	[tilespmem:$0xC580] =	vst v63  }
0xac: {  	s6 =	simm.s32 @!p0 $0x9D80  }
0xad: {  	[tilespmem:s6], [sflag:$0x4] =	stream.indirect_vreg.gather @!p0 [hbm4b:s3+s11], $0x80, v3, vm1, $0xb8;
	[tilespmem:$0xC580] =	vst v63  }
0xae: {  	v3 =	vld @!p0 [tilespmem:s30+$0x0];
	_ =	sdelay $0x4  }
0xaf: {  	v7 =	vshll.u32 @!p0 v3, $0x1  }
0xb0: {  	v3 =	vand.u32 @!p0 $0x7, v3;
	v7 =	vand.u32 @!p0 $0xFFFFFFF0, v7  }
0xb1: {  	v3 =	vor.u32 @!p0 v3, v7  }
0xb2: {  	v7 =	vperm.xlane @!p0 v3, v4;
	_ =	sdelay $0x1  }
0xb3: {  	v3 =	vperm.xlane @!p0 v3, v5;
	v7 =	vadd.s32 @!p0 v6, v7;
	_ =	sdelay $0x1  }
0xb4: {  	v3 =	vadd.s32 @!p0 v6, v3;
	_ =	sdelay $0x1  }
0xb5: {  	s6 =	simm.s32 @!p0 $0xA580  }
0xb6: {  	[tilespmem:s6], [sflag:$0x4] =	stream.indirect_vreg.gather @!p0 [hbm4b:s3+s11], $0x80, v7, vm1, $0xb8;
	[tilespmem:$0xC580] =	vst v63  }
0xb7: {  	s6 =	simm.s32 @!p0 $0xAD80  }
0xb8: {  	[tilespmem:s6], [sflag:$0x4] =	stream.indirect_vreg.gather @!p0 [hbm4b:s3+s11], $0x80, v3, vm1, $0xb8;
	[tilespmem:$0xC580] =	vst v63  }
0xb9: {  	v3 =	vld @!p0 [tilespmem:s30+$0x10];
	_ =	sdelay $0x4  }
0xba: {  	v7 =	vshll.u32 @!p0 v3, $0x1  }
0xbb: {  	v3 =	vand.u32 @!p0 $0x7, v3;
	v7 =	vand.u32 @!p0 $0xFFFFFFF0, v7  }
0xbc: {  	v3 =	vor.u32 @!p0 v3, v7  }
0xbd: {  	v4 =	vperm.xlane @!p0 v3, v4;
	_ =	sdelay $0x1  }
0xbe: {  	v3 =	vperm.xlane @!p0 v3, v5;
	v4 =	vadd.s32 @!p0 v6, v4;
	_ =	sdelay $0x1  }
0xbf: {  	v3 =	vadd.s32 @!p0 v6, v3;
	_ =	sdelay $0x1  }
0xc0: {  	s6 =	simm.s32 @!p0 $0xB580  }
0xc1: {  	[tilespmem:s6], [sflag:$0x4] =	stream.indirect_vreg.gather @!p0 [hbm4b:s3+s11], $0x80, v4, vm1, $0xb8;
	[tilespmem:$0xC580] =	vst v63  }
0xc2: {  	s6 =	simm.s32 @!p0 $0xBD80  }
0xc3: {  	[tilespmem:s6], [sflag:$0x4] =	stream.indirect_vreg.gather @!p0 [hbm4b:s3+s11], $0x80, v3, vm1, $0xb8;
	[tilespmem:$0xC580] =	vst v63  }
0xc4: {  	_ =	swait.ge [sflag:s13], $0x3000  }
0xc5: {  	[sflag:s13] =	ssyncset.done $0x0  }
0xc6: {  	s11 =	sadd.s32 $0x600, s1;
	[sflag:s13] =	ssyncadd.s32 $0xFFFFD000  }
0xc7: {  	[hbm4b:s11+s2] =	stream.linear.scatter [tilespmem:s16], [sflag:$0x6], $0x3000, $0x38;
	[tilespmem:$0xC580] =	vst v63  }
0xc8: {  	_ =	swait.ge [sflag:s14], $0x3000  }
0xc9: {  	[sflag:s14] =	ssyncset.done $0x0  }
0xca: {  	p1 =	seq.s32 s0, $0x9000;
	[sflag:s14] =	ssyncadd.s32 $0xFFFFD000  }
0xcb: {  	v3 =	vld @!p1 [tilespmem:s30+$0x20];
	_ =	sdelay $0x4  }
0xcc: {  	v4 =	vshll.u32 @!p1 v3, $0x1  }
0xcd: {  	v5 =	vlaneseq.u32 @!p1;
	v3 =	vand.u32 @!p1 $0x7, v3;
	v4 =	vand.u32 @!p1 $0xFFFFFFF0, v4  }
0xce: {  	v6 =	vshrl.u32 @!p1 v5, $0x3;
	v3 =	vor.u32 @!p1 v3, v4;
	v4 =	vand.u32 @!p1 $0x7, v5  }
0xcf: {  	v6 =	vmul.u32 @!p1 $0x8, v6;
	v7 =	vperm.xlane @!p1 v3, v4  }
0xd0: {  	v5 =	vor.u32 @!p1 $0x8, v5  }
0xd1: {  	v3 =	vperm.xlane @!p1 v3, v5;
	v7 =	vadd.s32 @!p1 v6, v7;
	_ =	sdelay $0x1  }
0xd2: {  	v3 =	vadd.s32 @!p1 v6, v3;
	_ =	sdelay $0x1  }
0xd3: {  	vm1 =	vmmov @!p1 $0xffff;
	s6 =	simm.s32 @!p1 $0x580;
	s11 =	simm.s32 @!p1 $0x0  }
0xd4: {  	[tilespmem:s6], [sflag:$0x1] =	stream.indirect_vreg.gather @!p1 [hbm4b:s3+s11], $0x80, v7, vm1, $0xb8;
	[tilespmem:$0xC580] =	vst v63  }
0xd5: {  	s6 =	simm.s32 @!p1 $0xD80  }
0xd6: {  	[tilespmem:s6], [sflag:$0x1] =	stream.indirect_vreg.gather @!p1 [hbm4b:s3+s11], $0x80, v3, vm1, $0xb8;
	[tilespmem:$0xC580] =	vst v63  }
0xd7: {  	v3 =	vld @!p1 [tilespmem:s30+$0x30];
	_ =	sdelay $0x4  }
0xd8: {  	v7 =	vshll.u32 @!p1 v3, $0x1  }
0xd9: {  	v3 =	vand.u32 @!p1 $0x7, v3;
	v7 =	vand.u32 @!p1 $0xFFFFFFF0, v7  }
0xda: {  	v3 =	vor.u32 @!p1 v3, v7  }
0xdb: {  	v7 =	vperm.xlane @!p1 v3, v4;
	_ =	sdelay $0x1  }
0xdc: {  	v3 =	vperm.xlane @!p1 v3, v5;
	v7 =	vadd.s32 @!p1 v6, v7;
	_ =	sdelay $0x1  }
0xdd: {  	v3 =	vadd.s32 @!p1 v6, v3;
	_ =	sdelay $0x1  }
0xde: {  	s6 =	simm.s32 @!p1 $0x1580  }
0xdf: {  	[tilespmem:s6], [sflag:$0x1] =	stream.indirect_vreg.gather @!p1 [hbm4b:s3+s11], $0x80, v7, vm1, $0xb8;
	[tilespmem:$0xC580] =	vst v63  }
0xe0: {  	s6 =	simm.s32 @!p1 $0x1D80  }
0xe1: {  	[tilespmem:s6], [sflag:$0x1] =	stream.indirect_vreg.gather @!p1 [hbm4b:s3+s11], $0x80, v3, vm1, $0xb8;
	[tilespmem:$0xC580] =	vst v63  }
0xe2: {  	v3 =	vld @!p1 [tilespmem:s30+$0x40];
	_ =	sdelay $0x4  }
0xe3: {  	v7 =	vshll.u32 @!p1 v3, $0x1  }
0xe4: {  	v3 =	vand.u32 @!p1 $0x7, v3;
	v7 =	vand.u32 @!p1 $0xFFFFFFF0, v7  }
0xe5: {  	v3 =	vor.u32 @!p1 v3, v7  }
0xe6: {  	v7 =	vperm.xlane @!p1 v3, v4;
	_ =	sdelay $0x1  }
0xe7: {  	v3 =	vperm.xlane @!p1 v3, v5;
	v7 =	vadd.s32 @!p1 v6, v7;
	_ =	sdelay $0x1  }
0xe8: {  	v3 =	vadd.s32 @!p1 v6, v3;
	_ =	sdelay $0x1  }
0xe9: {  	s6 =	simm.s32 @!p1 $0x2580  }
0xea: {  	[tilespmem:s6], [sflag:$0x1] =	stream.indirect_vreg.gather @!p1 [hbm4b:s3+s11], $0x80, v7, vm1, $0xb8;
	[tilespmem:$0xC580] =	vst v63  }
0xeb: {  	s6 =	simm.s32 @!p1 $0x2D80  }
0xec: {  	[tilespmem:s6], [sflag:$0x1] =	stream.indirect_vreg.gather @!p1 [hbm4b:s3+s11], $0x80, v3, vm1, $0xb8;
	[tilespmem:$0xC580] =	vst v63  }
0xed: {  	_ =	swait.ge [sflag:s15], $0x3000  }
0xee: {  	[sflag:s15] =	ssyncset.done $0x0  }
0xef: {  	s1 =	sadd.s32 $0xC00, s1;
	[sflag:s15] =	ssyncadd.s32 $0xFFFFD000  }
0xf0: {  	[hbm4b:s1+s2] =	stream.linear.scatter [tilespmem:s22], [sflag:$0x7], $0x3000, $0x38;
	[tilespmem:$0xC580] =	vst v63  }
0xf1: {  	_ =	swait.ge [sflag:s17], $0x3000  }
0xf2: {  	[sflag:s17] =	ssyncset.done $0x0  }
0xf3: {  	[sflag:s17] =	ssyncadd.s32 $0xFFFFD000  }
0xf4: {  	v3 =	vld @!p1 [tilespmem:s30+$0x50];
	_ =	sdelay $0x4  }
0xf5: {  	v7 =	vshll.u32 @!p1 v3, $0x1  }
0xf6: {  	v3 =	vand.u32 @!p1 $0x7, v3;
	v7 =	vand.u32 @!p1 $0xFFFFFFF0, v7  }
0xf7: {  	v3 =	vor.u32 @!p1 v3, v7  }
0xf8: {  	v7 =	vperm.xlane @!p1 v3, v4;
	_ =	sdelay $0x1  }
0xf9: {  	v3 =	vperm.xlane @!p1 v3, v5;
	v7 =	vadd.s32 @!p1 v6, v7;
	_ =	sdelay $0x1  }
0xfa: {  	v3 =	vadd.s32 @!p1 v6, v3;
	_ =	sdelay $0x1  }
0xfb: {  	s1 =	simm.s32 @!p1 $0x3580  }
0xfc: {  	[tilespmem:s1], [sflag:$0x2] =	stream.indirect_vreg.gather @!p1 [hbm4b:s3+s11], $0x80, v7, vm1, $0xb8;
	[tilespmem:$0xC580] =	vst v63  }
0xfd: {  	s1 =	simm.s32 @!p1 $0x3D80  }
0xfe: {  	[tilespmem:s1], [sflag:$0x2] =	stream.indirect_vreg.gather @!p1 [hbm4b:s3+s11], $0x80, v3, vm1, $0xb8;
	[tilespmem:$0xC580] =	vst v63  }
0xff: {  	v3 =	vld @!p1 [tilespmem:s30+$0x60];
	_ =	sdelay $0x4  }
0x100: {  	v7 =	vshll.u32 @!p1 v3, $0x1  }
0x101: {  	v3 =	vand.u32 @!p1 $0x7, v3;
	v7 =	vand.u32 @!p1 $0xFFFFFFF0, v7  }
0x102: {  	v3 =	vor.u32 @!p1 v3, v7  }
0x103: {  	v7 =	vperm.xlane @!p1 v3, v4;
	_ =	sdelay $0x1  }
0x104: {  	v3 =	vperm.xlane @!p1 v3, v5;
	v7 =	vadd.s32 @!p1 v6, v7;
	_ =	sdelay $0x1  }
0x105: {  	v3 =	vadd.s32 @!p1 v6, v3;
	_ =	sdelay $0x1  }
0x106: {  	s1 =	simm.s32 @!p1 $0x4580  }
0x107: {  	[tilespmem:s1], [sflag:$0x2] =	stream.indirect_vreg.gather @!p1 [hbm4b:s3+s11], $0x80, v7, vm1, $0xb8;
	[tilespmem:$0xC580] =	vst v63  }
0x108: {  	s1 =	simm.s32 @!p1 $0x4D80  }
0x109: {  	[tilespmem:s1], [sflag:$0x2] =	stream.indirect_vreg.gather @!p1 [hbm4b:s3+s11], $0x80, v3, vm1, $0xb8;
	[tilespmem:$0xC580] =	vst v63  }
0x10a: {  	v3 =	vld @!p1 [tilespmem:s30+$0x70];
	_ =	sdelay $0x4  }
0x10b: {  	v7 =	vshll.u32 @!p1 v3, $0x1  }
0x10c: {  	v3 =	vand.u32 @!p1 $0x7, v3;
	v7 =	vand.u32 @!p1 $0xFFFFFFF0, v7  }
0x10d: {  	v3 =	vor.u32 @!p1 v3, v7  }
0x10e: {  	v4 =	vperm.xlane @!p1 v3, v4;
	_ =	sdelay $0x1  }
0x10f: {  	v3 =	vperm.xlane @!p1 v3, v5;
	v4 =	vadd.s32 @!p1 v6, v4;
	_ =	sdelay $0x1  }
0x110: {  	v3 =	vadd.s32 @!p1 v6, v3;
	_ =	sdelay $0x1  }
0x111: {  	s6 =	smov.u32 s31;
	s1 =	simm.s32 @!p1 $0x5580  }
0x112: {  	[tilespmem:s1], [sflag:$0x2] =	stream.indirect_vreg.gather @!p1 [hbm4b:s3+s11], $0x80, v4, vm1, $0xb8;
	[tilespmem:$0xC580] =	vst v63  }
0x113: {  	s6 =	simm.s32 @p0 $0x90;
	s1 =	simm.s32 @!p1 $0x5D80  }
0x114: {  	[tilespmem:s1], [sflag:$0x2] =	stream.indirect_vreg.gather @!p1 [hbm4b:s3+s11], $0x80, v3, vm1, $0xb8;
	[tilespmem:$0xC580] =	vst v63  }
0x115: {  	s11 =	sadd.s32 s4, s6;
	_ =	swait.ge [sflag:s18], $0x3000  }
0x116: {  	s1 =	sshll.u32 s11, $0x5;
	[sflag:s18] =	ssyncset.done $0x0  }
.Ltmp2:
0x117: {  	s1 =	sadd.s32 s5, s1;
	[sflag:s18] =	ssyncadd.s32 $0xFFFFD000;
	(pc) =	sbr.rel @p1 .LBB2_4-.Ltmp2, $4  }
0x118: {  	[hbm4b:s1+s2] =	stream.linear.scatter [tilespmem:s29], [sflag:$0x8], $0x3000, $0x38;
	[tilespmem:$0xC580] =	vst v63  }
0x119: {  	_ =	swait.ge [sflag:s19], $0x3000  }
0x11a: {  	[sflag:s19] =	ssyncset.done $0x0  }
0x11b: {  	[sflag:s19] =	ssyncadd.s32 $0xFFFFD000  }
0x11c: {  	v3 =	vld [tilespmem:s30+$0x80];
	_ =	sdelay $0x4  }
0x11d: {  	v4 =	vshll.u32 v3, $0x1  }
0x11e: {  	v3 =	vand.u32 $0x7, v3;
	v4 =	vand.u32 $0xFFFFFFF0, v4  }
0x11f: {  	v3 =	vor.u32 v3, v4  }
0x120: {  	v4 =	vperm.xlane v3, v0;
	_ =	sdelay $0x1  }
0x121: {  	v3 =	vperm.xlane v3, v2;
	v4 =	vadd.s32 v1, v4;
	_ =	sdelay $0x1  }
0x122: {  	v3 =	vadd.s32 v1, v3;
	_ =	sdelay $0x2  }
0x123: {  	[tilespmem:s22], [sflag:$0x3] =	stream.indirect_vreg.gather [hbm4b:s3+s2], $0x80, v4, vm0, $0xb8;
	[tilespmem:$0xC580] =	vst v63  }
0x124: {  	_ = 	snop  }
0x125: {  	[tilespmem:s23], [sflag:$0x3] =	stream.indirect_vreg.gather [hbm4b:s3+s2], $0x80, v3, vm0, $0xb8;
	[tilespmem:$0xC580] =	vst v63  }
0x126: {  	v3 =	vld [tilespmem:s30+$0x90];
	_ =	sdelay $0x4  }
0x127: {  	v62 =	vshll.u32 v3, $0x1  }
0x128: {  	v3 =	vand.u32 $0x7, v3;
	v4 =	vand.u32 $0xFFFFFFF0, v62  }
0x129: {  	v3 =	vor.u32 v3, v4  }
0x12a: {  	v4 =	vperm.xlane v3, v0;
	_ =	sdelay $0x1  }
0x12b: {  	v3 =	vperm.xlane v3, v2;
	v4 =	vadd.s32 v1, v4;
	_ =	sdelay $0x1  }
0x12c: {  	v3 =	vadd.s32 v1, v3;
	_ =	sdelay $0x2  }
0x12d: {  	[tilespmem:s24], [sflag:$0x3] =	stream.indirect_vreg.gather [hbm4b:s3+s2], $0x80, v4, vm0, $0xb8;
	[tilespmem:$0xC580] =	vst v63  }
0x12e: {  	_ = 	snop  }
0x12f: {  	[tilespmem:s25], [sflag:$0x3] =	stream.indirect_vreg.gather [hbm4b:s3+s2], $0x80, v3, vm0, $0xb8;
	[tilespmem:$0xC580] =	vst v63  }
0x130: {  	v3 =	vld [tilespmem:s30+$0xA0];
	_ =	sdelay $0x4  }
0x131: {  	v63 =	vshll.u32 v3, $0x1  }
0x132: {  	v3 =	vand.u32 $0x7, v3;
	v4 =	vand.u32 $0xFFFFFFF0, v63  }
0x133: {  	v3 =	vor.u32 v3, v4  }
0x134: {  	v4 =	vperm.xlane v3, v0;
	_ =	sdelay $0x1  }
0x135: {  	v3 =	vperm.xlane v3, v2;
	v4 =	vadd.s32 v1, v4;
	_ =	sdelay $0x1  }
0x136: {  	v3 =	vadd.s32 v1, v3  }
.Ltmp3:
0x137: {  	_ = 	snop;
	(pc) =	sbr.rel .LBB2_2-.Ltmp3, $4  }
0x138: {  	_ = 	snop  }
0x139: {  	[tilespmem:s26], [sflag:$0x3] =	stream.indirect_vreg.gather [hbm4b:s3+s2], $0x80, v4, vm0, $0xb8;
	[tilespmem:$0xC580] =	vst v63  }
0x13a: {  	s0 =	sadd.s32 $0x1800, s0;
	s31 =	sadd.s32 $0xC0, s31;
	s30 =	sadd.s32 $0xC0, s30  }
0x13b: {  	[tilespmem:s28], [sflag:$0x3] =	stream.indirect_vreg.gather [hbm4b:s3+s2], $0x80, v3, vm0, $0xb8;
	[tilespmem:$0xC580] =	vst v63  }
.LBB2_5:
0x13c: {  	_ =	sfence.sel $0x180000  }
0x13d: {  	[bflag:$0x0] =	sbarrier.arrive $0xFFFF  }
0x13e: {  	_ =	strace $0x90000047  }
0x13f: {  	s0 =	stileid.u32;
	[bflag:$0x2] =	sbarrier.arrive $0xFFFF  }
0x140: {  	p0 =	sne.s32 s0, $0x0;
	s0 =	rddreg [dreg:$0x2]  }
0x141: {  	s0 =	sadd.s32 @!p0 $0x100000, s0  }
0x142: {  	[sflag:s0] =	ssyncadd.tile.s32 @!p0 $0x1;
	_ =	shalt  }
.Lfunc_end2:
_tile_overlayer_lowered:
.L_overlay_start_2:
0x143: {  	(tag) =	ssettag $0x2  }
0x144: {  	s0 =	rddreg [dreg:$0x0];
	s2 =	stileid.u32  }
0x145: {  	s1 =	rddreg [dreg:$0x1];
	p0 =	sne.s32 s2, $0x0  }
0x146: {  	s3 =	rddreg [dreg:$0x2];
	[bflag:$0x3] =	sbarrier.arrive $0xFFFF;
	s2 =	simm.s32 @!p0 $0x1C09  }
0x147: {  	[timem:s3], [sflag:s2] =	dma.local @!p0 [hbm:s0], s1  }
0x148: {  	s0 =	simm.s32 @!p0 $0x9  }
0x149: {  	_ =	swait.ge @!p0 [sflag:s0], s1  }
0x14a: {  	s1 =	ssub.s32 @!p0 $0x0, s1;
	[sflag:s0] =	ssyncset.done @!p0 $0x0  }
0x14b: {  	[sflag:s0] =	ssyncadd.s32 @!p0 s1  }
0x14c: {  	[bflag:$0x3] =	sbarrier.arrive $0xFFFF  }
0x14d: {  	_ =	shalt  }

// kernel: kernel.15.cloned.1.call-start
scs
__scs_entry_jumppad:
0x0: {  	(pc) =	sbr.rel $0x88, $3  }
0x1: {  	(tag) =	ssettag $0x0;
	lr =	simm.s32 $0x1  }
0x2: {  	[smem:$0x3F99] =	sst lr;
	_ =	strace $0xD0000000  }
0x3: {  	_ = 	snop  }
0x4: {  	_ = 	snop  }
0x5: {  	_ = 	snop  }
0x6: {  	_ = 	snop  }
0x7: {  	_ = 	snop  }
__scs_overlays_trampoline_lowered:
0x8: {  	[smem:$0x3FA8] =	sst s0  }
0x9: {  	[smem:$0x3FA9] =	sst s1  }
0xa: {  	[smem:$0x3FAA] =	sst s2  }
0xb: {  	[smem:$0x3FAB] =	sst s3  }
0xc: {  	[smem:$0x3FAC] =	sst s4  }
0xd: {  	[smem:$0x3FAD] =	sst s5  }
0xe: {  	[smem:$0x3FAE] =	sst s6  }
0xf: {  	[smem:$0x3FAF] =	sst s7  }
0x10: {  	[smem:$0x3FB0] =	sst s8  }
0x11: {  	[smem:$0x3FB1] =	sst s9;
	s0 =	simm.s32 @!p0 $0x0  }
0x12: {  	s1 =	sld [smem:$0x3F97];
	s0 =	simm.s32 @p0 $0x1  }
0x13: {  	[smem:$0x3FB2] =	sst s0;
	s0 =	simm.s32 @!p1 $0x0  }
0x14: {  	s2 =	sld [smem:$0x3F96];
	s0 =	simm.s32 @p1 $0x1  }
0x15: {  	[smem:$0x3FB3] =	sst s0;
	s0 =	simm.s32 @!p2 $0x0  }
0x16: {  	s3 =	sld [smem:$0x3FDB];
	s0 =	simm.s32 @p2 $0x1  }
0x17: {  	s4 =	simm.s32 $0x1BF5;
	[smem:$0x3FB5] =	sst s0  }
0x18: {  	s0 =	sld [smem:$0x3F98];
	_ =	swait.ge [sflag:s4], $0x0  }
0x19: {  	s7 =	sld [smem:$0x3F99]  }
0x1a: {  	s8 =	sadd.s32 $0xFFFFE003, lr  }
0x1b: {  	s9 =	sadd.s32 $0xFFFFFEF7, lr;
	s5 =	simm.s32 $0xFFFFFFFF;
	p2 =	slt.u32 s8, $0xFFFFF086  }
0x1c: {  	p1 =	slt.u32 s9, $0xF7A;
	s5 =	simm.s32 @!p2 $0x0  }
0x1d: {  	s5 =	simm.s32 @p1 $0x1;
	p0 =	seq.s32 s7, s2  }
0x1e: {  	s7 =	smul.u32 @!p0 $0xF7A, s2;
	p2 =	seq.s32 @!p0 s5, $0x0  }
0x1f: {  	s9 =	smul.u32 $0xF7A, s1;
	s8 =	simm.s32 @!p0 $0x1BF5;
	p2 =	por !p2, p0  }
0x20: {  	[sflag:s8] =	ssyncset.s32 @!p0 $0xFFFFF086;
	s6 =	sadd.s32 @!p0 s3, s7;
	s7 =	simm.s32 @!p0 $0x108  }
0x21: {  	s3 =	sadd.s32 s3, s9;
	s6 =	sadd.s32 @!p0 $0x88, s6;
	s7 =	simm.s32 @p2 $0x1082  }
0x22: {  	[simem:s7], [sflag:s8] =	dma.local @!p0 [hbm:s6], $0xF7A  }
0x23: {  	s9 =	sor.u32 $0xD0000000, s2;
	s6 =	simm.s32 $0x108;
	_ =	swait.ge @!p0 [sflag:s8], $0x0  }
0x24: {  	s3 =	sadd.s32 $0x88, s3;
	s6 =	simm.s32 @!p1 $0x1082;
	[sflag:s4] =	ssyncset.s32 $0xFFFFF086  }
0x25: {  	[simem:s6], [sflag:s4] =	dma.local [hbm:s3], $0xF7A  }
0x26: {  	[smem:$0x3F99] =	sst s1;
	(tag) =	ssettag s2;
	_ =	strace s9  }
0x27: {  	s1 =	sld [smem:$0x3FA9]  }
0x28: {  	s2 =	sld [smem:$0x3FAA]  }
0x29: {  	s4 =	sld [smem:$0x3FAC]  }
0x2a: {  	p0 =	seq.s32 s5, $0x0;
	s5 =	sld [smem:$0x3FAD]  }
0x2b: {  	s6 =	sld [smem:$0x3FAE]  }
0x2c: {  	s7 =	sld [smem:$0x3FAF]  }
0x2d: {  	s3 =	simm.s32 $0x108;
	s8 =	sld [smem:$0x3FB0]  }
0x2e: {  	s3 =	simm.s32 @!p0 $0x1082;
	s9 =	sld [smem:$0x3FB1]  }
0x2f: {  	lr =	sadd.s32 s0, s3;
	s0 =	sld [smem:$0x3FA8]  }
0x30: {  	s3 =	sld [smem:$0x3FAB]  }
0x31: {  	[smem:$0x3FB4] =	sst s10  }
0x32: {  	s10 =	sld [smem:$0x3FB2];
	_ =	sdelay $0x3  }
0x33: {  	p0 =	seq.s32 s10, $0x1;
	s10 =	sld [smem:$0x3FB4];
	_ =	sdelay $0x3  }
0x34: {  	[smem:$0x3FB4] =	sst s10  }
0x35: {  	s10 =	sld [smem:$0x3FB3];
	_ =	sdelay $0x3  }
0x36: {  	p1 =	seq.s32 s10, $0x1;
	s10 =	sld [smem:$0x3FB4];
	_ =	sdelay $0x3  }
0x37: {  	[smem:$0x3FB4] =	sst s10  }
0x38: {  	s10 =	sld [smem:$0x3FB5]  }
0x39: {  	_ = 	snop;
	(pc) =	sbr.ind lr, $3  }
0x3a: {  	_ = 	snop  }
0x3b: {  	_ = 	snop  }
0x3c: {  	p2 =	seq.s32 s10, $0x1;
	s10 =	sld [smem:$0x3FB4]  }
0x3d: {  	_ =	shalt  }
0x3e: {  	_ =	shalt  }
0x3f: {  	_ =	shalt  }
0x40: {  	_ =	shalt  }
0x41: {  	_ =	shalt  }
0x42: {  	_ =	shalt  }
0x43: {  	_ =	shalt  }
0x44: {  	_ =	shalt  }
0x45: {  	_ =	shalt  }
0x46: {  	_ =	shalt  }
0x47: {  	_ =	shalt  }
0x48: {  	_ =	shalt  }
0x49: {  	_ =	shalt  }
0x4a: {  	_ =	shalt  }
0x4b: {  	_ =	shalt  }
0x4c: {  	_ =	shalt  }
0x4d: {  	_ =	shalt  }
0x4e: {  	_ =	shalt  }
0x4f: {  	_ =	shalt  }
0x50: {  	_ =	shalt  }
0x51: {  	_ =	shalt  }
0x52: {  	_ =	shalt  }
0x53: {  	_ =	shalt  }
0x54: {  	_ =	shalt  }
0x55: {  	_ =	shalt  }
0x56: {  	_ =	shalt  }
0x57: {  	_ =	shalt  }
0x58: {  	_ =	shalt  }
0x59: {  	_ =	shalt  }
0x5a: {  	_ =	shalt  }
0x5b: {  	_ =	shalt  }
0x5c: {  	_ =	shalt  }
0x5d: {  	_ =	shalt  }
0x5e: {  	_ =	shalt  }
0x5f: {  	_ =	shalt  }
0x60: {  	_ =	shalt  }
0x61: {  	_ =	shalt  }
0x62: {  	_ =	shalt  }
0x63: {  	_ =	shalt  }
0x64: {  	_ =	shalt  }
0x65: {  	_ =	shalt  }
0x66: {  	_ =	shalt  }
0x67: {  	_ =	shalt  }
0x68: {  	_ =	shalt  }
0x69: {  	_ =	shalt  }
0x6a: {  	_ =	shalt  }
0x6b: {  	_ =	shalt  }
0x6c: {  	_ =	shalt  }
0x6d: {  	_ =	shalt  }
0x6e: {  	_ =	shalt  }
0x6f: {  	_ =	shalt  }
0x70: {  	_ =	shalt  }
0x71: {  	_ =	shalt  }
0x72: {  	_ =	shalt  }
0x73: {  	_ =	shalt  }
0x74: {  	_ =	shalt  }
0x75: {  	_ =	shalt  }
0x76: {  	_ =	shalt  }
0x77: {  	_ =	shalt  }
0x78: {  	_ =	shalt  }
0x79: {  	_ =	shalt  }
0x7a: {  	_ =	shalt  }
0x7b: {  	_ =	shalt  }
0x7c: {  	_ =	shalt  }
0x7d: {  	_ =	shalt  }
0x7e: {  	_ =	shalt  }
0x7f: {  	_ =	shalt  }
0x80: {  	_ =	shalt  }
0x81: {  	_ =	shalt  }
0x82: {  	_ =	shalt  }
0x83: {  	_ =	shalt  }
0x84: {  	_ =	shalt  }
0x85: {  	_ =	shalt  }
0x86: {  	_ =	shalt  }
0x87: {  	_ =	shalt  }
.Lfunc_end0:
.L_simem_size_0:
called_computation.1_lowered:
.L_overlay_start_0:
0x88: {  	s2 =	sld [smem:$0x3FD9]  }
0x89: {  	s3 =	sld [smem:$0x3FFE];
	_ =	sdelay $0x1  }
0x8a: {  	s1 =	srdreg.scid  }
0x8b: {  	s0 =	sand.u32 $0x1, s1  }
0x8c: {  	s17 =	sshll.u32 s0, $0xA;
	s2 =	sadd.s32 s3, s2  }
0x8d: {  	s2 =	sadd.s32 s2, s17  }
0x8e: {  	[smem:$0x3FC0] =	sst s2  }
0x8f: {  	_ = 	snop  }
0x90: {  	(tm) =	ssettm $0x1  }
0x91: {  	s18 =	sld [smem:$0x3FFB];
	_ =	sdelay $0x3  }
0x92: {  	_ =	strace s18  }
0x93: {  	s2 =	sld [smem:$0x3FFC];
	_ =	sdelay $0x3  }
0x94: {  	_ =	strace s2  }
0x95: {  	s2 =	sld [smem:$0x3FFD];
	_ =	sdelay $0x3  }
0x96: {  	_ =	strace s2  }
0x97: {  	_ =	strace $0x8FFFFFFF  }
0x98: {  	s19 =	sld [smem:$0x3FDB];
	_ =	sdelay $0x1  }
0x99: {  	s20 =	simm.s32 $_scs_section_size  }
0x9a: {  	s4 =	simm.s32 $_size__tile_overlayer_lowered;
	s5 =	simm.s32 $_tile_overlayer_lowered  }
0x9b: {  	s6 =	simm.s32 $0x1BFF;
	s21 =	sshll.u32 s5, $0x1;
	s3 =	sadd.s32 s20, s19  }
0x9c: {  	s22 =	simm.s32 $0x0;
	s4 =	sshll.u32 s4, $0x1;
	s5 =	sadd.s32 s21, s3  }
0x9d: {  	[timem:s22], [sflag:s6] =	dma.local [hbm:s5], s4  }
0x9e: {  	_ =	swait.ge [sflag:s6], s4  }
0x9f: {  	s4 =	ssub.s32 $0x0, s4;
	[sflag:s6] =	ssyncset.done $0x0  }
0xa0: {  	[sflag:s6] =	ssyncadd.s32 s4;
	_ =	sdelay $0x1  }
0xa1: {  	s23 =	simm.s32 $0x1B8B  }
0xa2: {  	_ =	swait.ge [sflag:s23], $0x1  }
0xa3: {  	[sflag:s23] =	ssyncset.done $0x0  }
0xa4: {  	[sflag:s23] =	ssyncadd.s32 $0xFFFFFFFF  }
0xa5: {  	s4 =	sld [smem:$0x0]  }
0xa6: {  	s5 =	sand.u32 $0xFFFFFFFE, s1  }
0xa7: {  	p0 =	sne.s32 s1, s5  }
0xa8: {  	s5 =	sshll.u32 @p0 s5, $0xE  }
0xa9: {  	s5 =	sadd.s32 @p0 $0x11B8D, s5;
	s6 =	sshll.u32 @p0 s4, $0x11  }
0xaa: {  	s5 =	sor.u32 @p0 s6, s5  }
0xab: {  	[sflag:s5] =	ssyncadd.remote.s32 @p0 $0x1;
	_ =	sdelay $0x1  }
0xac: {  	s5 =	simm.s32 @p0 $0x1B8D  }
0xad: {  	_ =	swait.eq @p0 [sflag:s5], $0x1  }
0xae: {  	[sflag:s5] =	ssyncadd.s32 @p0 $0xFFFFFFFF  }
0xaf: {  	s6 =	sshll.u32 @!p0 s1, $0xE  }
0xb0: {  	s6 =	sor.u32 @!p0 $0x4000, s6;
	s5 =	simm.s32 @!p0 $0x1B8D  }
0xb1: {  	s4 =	sshll.u32 @!p0 s4, $0x11;
	s6 =	sadd.s32 @!p0 $0x11B8D, s6;
	_ =	swait.eq @!p0 [sflag:s5], $0x1  }
0xb2: {  	s4 =	sor.u32 @!p0 s4, s6;
	[sflag:s5] =	ssyncadd.s32 @!p0 $0xFFFFFFFF  }
0xb3: {  	s25 =	simm.s32 $0x1B8E;
	s24 =	sld [smem:$0x3FFE];
	[sflag:s4] =	ssyncadd.remote.s32 @!p0 $0x1  }
0xb4: {  	s26 =	simm.s32 $execute0_lowered;
	[smem:$0x3FD2] =	sst s25  }
0xb5: {  	s5 =	sshll.u32 s26, $0x1;
	_ =	strace $0x80000049;
	[dreg:$0x1] =	wrdreg $0xFFFFFFFF  }
0xb6: {  	s28 =	simm.s32 $_size_execute0_lowered;
	s3 =	sadd.s32 s3, s5;
	[dreg:$0x0] =	wrdreg $0x0  }
0xb7: {  	s5 =	sshll.u32 s28, $0x1;
	[dreg:$0x2] =	wrdreg s3  }
0xb8: {  	[dreg:$0x3] =	wrdreg s5  }
0xb9: {  	[dreg:$0x4] =	wrdreg $0xC0  }
0xba: {  	_ =	task [dreg:s22], $0x5FFFF  }
0xbb: {  	[dreg:$0x1] =	wrdreg $0xFFFFFFFF  }
0xbc: {  	[dreg:$0x0] =	wrdreg $0x60  }
0xbd: {  	[dreg:$0x2] =	wrdreg s24  }
0xbe: {  	[dreg:$0x3] =	wrdreg $0xA  }
0xbf: {  	_ =	task.clear_ibuf [dreg:s22], $0x4FFFF;
	_ =	strace $0x90000049  }
0xc0: {  	s29 =	simm.s32 $0xA;
	_ =	strace $0x8000004B  }
0xc1: {  	_ =	swait.ge [sflag:s29], $0x1  }
0xc2: {  	[sflag:s29] =	ssyncadd.s32 $0xFFFFFFFF  }
0xc3: {  	_ =	strace $0x9000004B  }
0xc4: {  	_ =	sfence  }
0xc5: {  	s30 =	sld [smem:$0x0];
	_ =	sdelay $0x2  }
0xc6: {  	s31 =	sshll.u32 s1, $0xD;
	s1 =	sshrl.u32 s1, $0x2  }
0xc7: {  	s4 =	sand.u32 $0x4000, s31;
	s1 =	sadd.s32 s1, s30  }
0xc8: {  	s0 =	sor.u32 s4, s0;
	s1 =	sshll.u32 s1, $0x11  }
0xc9: {  	s0 =	sor.u32 s1, s0  }
0xca: {  	s0 =	sadd.s32 $0x8F2B, s0  }
0xcb: {  	[sflag:s0] =	ssyncadd.remote.s32 $0x1  }
0xcc: {  	_ =	sfence.sel $0xFFFF  }
0xcd: {  	[dreg:$0x0] =	wrdreg $0xFFFFFFFF;
	(pc) =	sbr.abs _section_cstart, $3  }
0xce: {  	[dreg:$0x1] =	wrdreg $0xFFFFFFFF  }
0xcf: {  	_ =	task.clear_ibuf [dreg:s22], $0x2FFFF;
	_ =	strace $0x9FFFFFFF  }
0xd0: {  	(tm) =	ssettm $0x7FFFFFFF  }
0xd1: {  	_ =	shalt  }
tec
execute0_lowered:
.L_overlay_start_1:
0x0: {  	(tag) =	ssettag $0x1  }
0x1: {  	s0 =	srdreg.scid;
	s7 =	stileid.u32  }
0x2: {  	s5 =	rddreg [dreg:$0x0];
	s3 =	simm.s32 $0x0;
	s9 =	simm.s32 $0x9  }
0x3: {  	s10 =	simm.s32 $0x580;
	s16 =	simm.s32 $0x3580;
	s22 =	simm.s32 $0x6580  }
0x4: {  	s23 =	simm.s32 $0x6D80;
	s24 =	simm.s32 $0x7580;
	s25 =	simm.s32 $0x7D80  }
0x5: {  	s26 =	simm.s32 $0x8580;
	s28 =	simm.s32 $0x8D80;
	s29 =	simm.s32 $0x9580  }
0x6: {  	s12 =	simm.s32 $0x1;
	s13 =	simm.s32 $0x2;
	s14 =	simm.s32 $0x5  }
0x7: {  	s15 =	simm.s32 $0x3;
	s17 =	simm.s32 $0x6;
	s18 =	simm.s32 $0x4  }
0x8: {  	s19 =	simm.s32 $0x7;
	s0 =	sand.u32 $0x1, s0;
	s1 =	sshll.u32 s7, $0x1  }
0x9: {  	s20 =	simm.s32 $0x8;
	s7 =	smul.u32 $0x15000, s7;
	s1 =	sor.u32 s0, s1  }
0xa: {  	s21 =	simm.s32 $0x0;
	[smem:$0x7FF] =	sst s3;
	s2 =	smul.u32 $0x540, s1  }
.Ltmp0:
0xb: {  	s4 =	sadd.s32 $0x1C00, s5;
	_ =	strace $0x8000004A;
	(pc) =	sbr.rel .LBB2_1-.Ltmp0, $4  }
0xc: {  	s6 =	ssub.s32 $0x2, s0;
	s0 =	smul.u32 $0xA800, s0;
	s1 =	sshrl.u32 s2, $0x3  }
0xd: {  	v2 =	vlaneseq.u32;
	s8 =	sshrl.u32 s6, $0x1;
	s1 =	sadd.s32 s1, s5;
	s5 =	sadd.s32 $0x194E00, s5  }
0xe: {  	vm0 =	vmmov $0xffff;
	v1 =	vshrl.u32 v2, $0x3;
	s8 =	ssub.s32 s6, s8;
	s1 =	sadd.s32 $0x190C00, s1;
	s31 =	sadd.s32 s7, s5  }
0xf: {  	v0 =	vand.u32 $0x7, v2;
	v2 =	vor.u32 $0x8, v2;
	v1 =	vmul.u32 $0x8, v1;
	s7 =	smax.u32 s8, $0x1;
	[dreg:$0x2] =	wrdreg s1;
	s8 =	sadd.s32 s0, s31  }
.LBB2_4:
0x10: {  	s21 =	sadd.s32 $0x1, s21  }
0x11: {  	p0 =	sne.s32 s21, s7  }
.Ltmp1:
0x12: {  	_ = 	snop;
	(pc) =	sbr.rel @!p0 .LBB2_5-.Ltmp1, $4  }
0x13: {  	_ = 	snop  }
0x14: {  	_ =	swait.ge [sflag:s20], $0x3000  }
0x15: {  	[sflag:s20] =	ssyncset.done $0x0  }
0x16: {  	[sflag:s20] =	ssyncadd.s32 $0xFFFFD000  }
.LBB2_1:
0x17: {  	s0 =	rddreg [dreg:$0x2]  }
0x18: {  	[tilespmem:s3], [sflag:$0x9] =	stream.linear.gather [hbm4b:s0+s3], $0x540, $0x38;
	[tilespmem:$0xC580] =	vst v63  }
0x19: {  	_ =	swait.ge [sflag:s9], $0x540  }
0x1a: {  	[sflag:s9] =	ssyncset.done $0x0  }
0x1b: {  	[sflag:s9] =	ssyncadd.s32 $0xFFFFFAC0  }
0x1c: {  	v3 =	vld [tilespmem:$0x0];
	_ =	sdelay $0x4  }
0x1d: {  	v4 =	vshll.u32 v3, $0x1  }
0x1e: {  	v3 =	vand.u32 $0x7, v3;
	v4 =	vand.u32 $0xFFFFFFF0, v4  }
0x1f: {  	v3 =	vor.u32 v3, v4  }
0x20: {  	v4 =	vperm.xlane v3, v0;
	_ =	sdelay $0x1  }
0x21: {  	v3 =	vperm.xlane v3, v2;
	v4 =	vadd.s32 v1, v4;
	_ =	sdelay $0x1  }
0x22: {  	v3 =	vadd.s32 v1, v3;
	_ =	sdelay $0x2  }
0x23: {  	[tilespmem:s10], [sflag:$0x1] =	stream.indirect_vreg.gather [hbm4b:s4+s3], $0x80, v4, vm0, $0xb8;
	[tilespmem:$0xC580] =	vst v63  }
0x24: {  	s1 =	simm.s32 $0xD80  }
0x25: {  	[tilespmem:s1], [sflag:$0x1] =	stream.indirect_vreg.gather [hbm4b:s4+s3], $0x80, v3, vm0, $0xb8;
	[tilespmem:$0xC580] =	vst v63  }
0x26: {  	v3 =	vld [tilespmem:$0x10];
	_ =	sdelay $0x4  }
0x27: {  	v53 =	vshll.u32 v3, $0x1  }
0x28: {  	v3 =	vand.u32 $0x7, v3;
	v4 =	vand.u32 $0xFFFFFFF0, v53  }
0x29: {  	v3 =	vor.u32 v3, v4  }
0x2a: {  	v4 =	vperm.xlane v3, v0;
	_ =	sdelay $0x1  }
0x2b: {  	v3 =	vperm.xlane v3, v2;
	v4 =	vadd.s32 v1, v4;
	_ =	sdelay $0x1  }
0x2c: {  	v3 =	vadd.s32 v1, v3;
	_ =	sdelay $0x1  }
0x2d: {  	s6 =	simm.s32 $0x1580  }
0x2e: {  	[tilespmem:s6], [sflag:$0x1] =	stream.indirect_vreg.gather [hbm4b:s4+s3], $0x80, v4, vm0, $0xb8;
	[tilespmem:$0xC580] =	vst v63  }
0x2f: {  	s11 =	simm.s32 $0x1D80  }
0x30: {  	[tilespmem:s11], [sflag:$0x1] =	stream.indirect_vreg.gather [hbm4b:s4+s3], $0x80, v3, vm0, $0xb8;
	[tilespmem:$0xC580] =	vst v63  }
0x31: {  	v3 =	vld [tilespmem:$0x20];
	_ =	sdelay $0x4  }
0x32: {  	v54 =	vshll.u32 v3, $0x1  }
0x33: {  	v3 =	vand.u32 $0x7, v3;
	v4 =	vand.u32 $0xFFFFFFF0, v54  }
0x34: {  	v3 =	vor.u32 v3, v4  }
0x35: {  	v4 =	vperm.xlane v3, v0;
	_ =	sdelay $0x1  }
0x36: {  	v3 =	vperm.xlane v3, v2;
	v4 =	vadd.s32 v1, v4;
	_ =	sdelay $0x1  }
0x37: {  	v3 =	vadd.s32 v1, v3;
	_ =	sdelay $0x1  }
0x38: {  	s1 =	simm.s32 $0x2580  }
0x39: {  	[tilespmem:s1], [sflag:$0x1] =	stream.indirect_vreg.gather [hbm4b:s4+s3], $0x80, v4, vm0, $0xb8;
	[tilespmem:$0xC580] =	vst v63  }
0x3a: {  	s6 =	simm.s32 $0x2D80  }
0x3b: {  	[tilespmem:s6], [sflag:$0x1] =	stream.indirect_vreg.gather [hbm4b:s4+s3], $0x80, v3, vm0, $0xb8;
	[tilespmem:$0xC580] =	vst v63  }
0x3c: {  	v3 =	vld [tilespmem:$0x30];
	_ =	sdelay $0x4  }
0x3d: {  	v55 =	vshll.u32 v3, $0x1  }
0x3e: {  	v3 =	vand.u32 $0x7, v3;
	v4 =	vand.u32 $0xFFFFFFF0, v55  }
0x3f: {  	v3 =	vor.u32 v3, v4  }
0x40: {  	v4 =	vperm.xlane v3, v0;
	_ =	sdelay $0x1  }
0x41: {  	v3 =	vperm.xlane v3, v2;
	v4 =	vadd.s32 v1, v4;
	_ =	sdelay $0x1  }
0x42: {  	v3 =	vadd.s32 v1, v3;
	_ =	sdelay $0x2  }
0x43: {  	[tilespmem:s16], [sflag:$0x2] =	stream.indirect_vreg.gather [hbm4b:s4+s3], $0x80, v4, vm0, $0xb8;
	[tilespmem:$0xC580] =	vst v63  }
0x44: {  	s11 =	simm.s32 $0x3D80  }
0x45: {  	[tilespmem:s11], [sflag:$0x2] =	stream.indirect_vreg.gather [hbm4b:s4+s3], $0x80, v3, vm0, $0xb8;
	[tilespmem:$0xC580] =	vst v63  }
0x46: {  	v3 =	vld [tilespmem:$0x40];
	_ =	sdelay $0x4  }
0x47: {  	v56 =	vshll.u32 v3, $0x1  }
0x48: {  	v3 =	vand.u32 $0x7, v3;
	v4 =	vand.u32 $0xFFFFFFF0, v56  }
0x49: {  	v3 =	vor.u32 v3, v4  }
0x4a: {  	v4 =	vperm.xlane v3, v0;
	_ =	sdelay $0x1  }
0x4b: {  	v3 =	vperm.xlane v3, v2;
	v4 =	vadd.s32 v1, v4;
	_ =	sdelay $0x1  }
0x4c: {  	v3 =	vadd.s32 v1, v3;
	_ =	sdelay $0x1  }
0x4d: {  	s1 =	simm.s32 $0x4580  }
0x4e: {  	[tilespmem:s1], [sflag:$0x2] =	stream.indirect_vreg.gather [hbm4b:s4+s3], $0x80, v4, vm0, $0xb8;
	[tilespmem:$0xC580] =	vst v63  }
0x4f: {  	s6 =	simm.s32 $0x4D80  }
0x50: {  	[tilespmem:s6], [sflag:$0x2] =	stream.indirect_vreg.gather [hbm4b:s4+s3], $0x80, v3, vm0, $0xb8;
	[tilespmem:$0xC580] =	vst v63  }
0x51: {  	v3 =	vld [tilespmem:$0x50];
	_ =	sdelay $0x4  }
0x52: {  	v57 =	vshll.u32 v3, $0x1  }
0x53: {  	v3 =	vand.u32 $0x7, v3;
	v4 =	vand.u32 $0xFFFFFFF0, v57  }
0x54: {  	v3 =	vor.u32 v3, v4  }
0x55: {  	v4 =	vperm.xlane v3, v0;
	_ =	sdelay $0x1  }
0x56: {  	v3 =	vperm.xlane v3, v2;
	v4 =	vadd.s32 v1, v4;
	_ =	sdelay $0x1  }
0x57: {  	v3 =	vadd.s32 v1, v3;
	_ =	sdelay $0x1  }
0x58: {  	s11 =	simm.s32 $0x5580  }
0x59: {  	[tilespmem:s11], [sflag:$0x2] =	stream.indirect_vreg.gather [hbm4b:s4+s3], $0x80, v4, vm0, $0xb8;
	[tilespmem:$0xC580] =	vst v63  }
0x5a: {  	s1 =	simm.s32 $0x5D80  }
0x5b: {  	[tilespmem:s1], [sflag:$0x2] =	stream.indirect_vreg.gather [hbm4b:s4+s3], $0x80, v3, vm0, $0xb8;
	[tilespmem:$0xC580] =	vst v63  }
0x5c: {  	v3 =	vld [tilespmem:$0x60];
	_ =	sdelay $0x4  }
0x5d: {  	v58 =	vshll.u32 v3, $0x1  }
0x5e: {  	v3 =	vand.u32 $0x7, v3;
	v4 =	vand.u32 $0xFFFFFFF0, v58  }
0x5f: {  	v3 =	vor.u32 v3, v4  }
0x60: {  	v4 =	vperm.xlane v3, v0;
	_ =	sdelay $0x1  }
0x61: {  	v3 =	vperm.xlane v3, v2;
	v4 =	vadd.s32 v1, v4;
	_ =	sdelay $0x1  }
0x62: {  	v3 =	vadd.s32 v1, v3;
	_ =	sdelay $0x2  }
0x63: {  	[tilespmem:s22], [sflag:$0x3] =	stream.indirect_vreg.gather [hbm4b:s4+s3], $0x80, v4, vm0, $0xb8;
	[tilespmem:$0xC580] =	vst v63  }
0x64: {  	_ = 	snop  }
0x65: {  	[tilespmem:s23], [sflag:$0x3] =	stream.indirect_vreg.gather [hbm4b:s4+s3], $0x80, v3, vm0, $0xb8;
	[tilespmem:$0xC580] =	vst v63  }
0x66: {  	v3 =	vld [tilespmem:$0x70];
	_ =	sdelay $0x4  }
0x67: {  	v59 =	vshll.u32 v3, $0x1  }
0x68: {  	v3 =	vand.u32 $0x7, v3;
	v4 =	vand.u32 $0xFFFFFFF0, v59  }
0x69: {  	v3 =	vor.u32 v3, v4  }
0x6a: {  	v4 =	vperm.xlane v3, v0;
	_ =	sdelay $0x1  }
0x6b: {  	v3 =	vperm.xlane v3, v2;
	v4 =	vadd.s32 v1, v4;
	_ =	sdelay $0x1  }
0x6c: {  	v3 =	vadd.s32 v1, v3;
	_ =	sdelay $0x2  }
0x6d: {  	[tilespmem:s24], [sflag:$0x3] =	stream.indirect_vreg.gather [hbm4b:s4+s3], $0x80, v4, vm0, $0xb8;
	[tilespmem:$0xC580] =	vst v63  }
0x6e: {  	_ = 	snop  }
0x6f: {  	[tilespmem:s25], [sflag:$0x3] =	stream.indirect_vreg.gather [hbm4b:s4+s3], $0x80, v3, vm0, $0xb8;
	[tilespmem:$0xC580] =	vst v63  }
0x70: {  	v3 =	vld [tilespmem:$0x80];
	_ =	sdelay $0x4  }
0x71: {  	v60 =	vshll.u32 v3, $0x1  }
0x72: {  	v3 =	vand.u32 $0x7, v3;
	v4 =	vand.u32 $0xFFFFFFF0, v60  }
0x73: {  	v3 =	vor.u32 v3, v4  }
0x74: {  	v4 =	vperm.xlane v3, v0;
	_ =	sdelay $0x1  }
0x75: {  	v3 =	vperm.xlane v3, v2;
	v4 =	vadd.s32 v1, v4;
	_ =	sdelay $0x1  }
0x76: {  	v3 =	vadd.s32 v1, v3;
	_ =	sdelay $0x2  }
0x77: {  	[tilespmem:s26], [sflag:$0x3] =	stream.indirect_vreg.gather [hbm4b:s4+s3], $0x80, v4, vm0, $0xb8;
	[tilespmem:$0xC580] =	vst v63  }
0x78: {  	_ = 	snop  }
0x79: {  	[tilespmem:s28], [sflag:$0x3] =	stream.indirect_vreg.gather [hbm4b:s4+s3], $0x80, v3, vm0, $0xb8;
	[tilespmem:$0xC580] =	vst v63  }
0x7a: {  	v3 =	vld [tilespmem:$0x90];
	_ =	sdelay $0x4  }
0x7b: {  	v61 =	vshll.u32 v3, $0x1  }
0x7c: {  	v3 =	vand.u32 $0x7, v3;
	v4 =	vand.u32 $0xFFFFFFF0, v61  }
0x7d: {  	v3 =	vor.u32 v3, v4  }
0x7e: {  	v4 =	vperm.xlane v3, v0;
	_ =	sdelay $0x1  }
0x7f: {  	v3 =	vperm.xlane v3, v2;
	v4 =	vadd.s32 v1, v4;
	_ =	sdelay $0x1  }
0x80: {  	v3 =	vadd.s32 v1, v3;
	_ =	sdelay $0x2  }
0x81: {  	[tilespmem:s29], [sflag:$0x4] =	stream.indirect_vreg.gather [hbm4b:s4+s3], $0x80, v4, vm0, $0xb8;
	[tilespmem:$0xC580] =	vst v63  }
0x82: {  	s6 =	simm.s32 $0x9D80  }
0x83: {  	[tilespmem:s6], [sflag:$0x4] =	stream.indirect_vreg.gather [hbm4b:s4+s3], $0x80, v3, vm0, $0xb8;
	[tilespmem:$0xC580] =	vst v63  }
0x84: {  	v3 =	vld [tilespmem:$0xA0];
	_ =	sdelay $0x4  }
0x85: {  	v62 =	vshll.u32 v3, $0x1  }
0x86: {  	v3 =	vand.u32 $0x7, v3;
	v4 =	vand.u32 $0xFFFFFFF0, v62  }
0x87: {  	v3 =	vor.u32 v3, v4  }
0x88: {  	v4 =	vperm.xlane v3, v0;
	_ =	sdelay $0x1  }
0x89: {  	v3 =	vperm.xlane v3, v2;
	v4 =	vadd.s32 v1, v4;
	_ =	sdelay $0x1  }
0x8a: {  	v3 =	vadd.s32 v1, v3;
	_ =	sdelay $0x1  }
0x8b: {  	s11 =	simm.s32 $0xA580  }
0x8c: {  	[tilespmem:s11], [sflag:$0x4] =	stream.indirect_vreg.gather [hbm4b:s4+s3], $0x80, v4, vm0, $0xb8;
	[tilespmem:$0xC580] =	vst v63  }
0x8d: {  	s1 =	simm.s32 $0xAD80  }
0x8e: {  	[tilespmem:s1], [sflag:$0x4] =	stream.indirect_vreg.gather [hbm4b:s4+s3], $0x80, v3, vm0, $0xb8;
	[tilespmem:$0xC580] =	vst v63  }
0x8f: {  	v3 =	vld [tilespmem:$0xB0];
	_ =	sdelay $0x4  }
0x90: {  	v63 =	vshll.u32 v3, $0x1  }
0x91: {  	v3 =	vand.u32 $0x7, v3;
	v4 =	vand.u32 $0xFFFFFFF0, v63  }
0x92: {  	v3 =	vor.u32 v3, v4  }
0x93: {  	v4 =	vperm.xlane v3, v0;
	_ =	sdelay $0x1  }
0x94: {  	v3 =	vperm.xlane v3, v2;
	v4 =	vadd.s32 v1, v4;
	_ =	sdelay $0x1  }
0x95: {  	v3 =	vadd.s32 v1, v3;
	_ =	sdelay $0x1  }
0x96: {  	s30 =	simm.s32 $0xA0;
	s6 =	simm.s32 $0xB580  }
0x97: {  	[tilespmem:s6], [sflag:$0x4] =	stream.indirect_vreg.gather [hbm4b:s4+s3], $0x80, v4, vm0, $0xb8;
	[tilespmem:$0xC580] =	vst v63  }
0x98: {  	s31 =	simm.s32 $0x90;
	s11 =	simm.s32 $0xBD80;
	s1 =	simm.s32 $0x0  }
0x99: {  	[tilespmem:s11], [sflag:$0x4] =	stream.indirect_vreg.gather [hbm4b:s4+s3], $0x80, v3, vm0, $0xb8;
	[tilespmem:$0xC580] =	vst v63  }
.LBB2_2:
0x9a: {  	_ =	swait.ge [sflag:s12], $0x3000  }
0x9b: {  	p0 =	seq.s32 s1, $0x0;
	[sflag:s12] =	ssyncset.done $0x0  }
0x9c: {  	s0 =	sadd.s32 s1, s8;
	s11 =	simm.s32 @!p0 $0x8;
	[sflag:s12] =	ssyncadd.s32 $0xFFFFD000  }
0x9d: {  	[hbm4b:s0+s3] =	stream.linear.scatter [tilespmem:s10], [sflag:$0x5], $0x3000, $0x38;
	[tilespmem:$0xC580] =	vst v63  }
0x9e: {  	_ =	swait.ge @!p0 [sflag:s11], $0x3000  }
0x9f: {  	[sflag:s11] =	ssyncset.done @!p0 $0x0  }
0xa0: {  	[sflag:s11] =	ssyncadd.s32 @!p0 $0xFFFFD000  }
0xa1: {  	v3 =	vld @!p0 [tilespmem:s30+$0xFFFFFFF0];
	_ =	sdelay $0x4  }
0xa2: {  	v4 =	vshll.u32 @!p0 v3, $0x1  }
0xa3: {  	v5 =	vlaneseq.u32 @!p0;
	v3 =	vand.u32 @!p0 $0x7, v3;
	v4 =	vand.u32 @!p0 $0xFFFFFFF0, v4  }
0xa4: {  	v6 =	vshrl.u32 @!p0 v5, $0x3;
	v3 =	vor.u32 @!p0 v3, v4;
	v4 =	vand.u32 @!p0 $0x7, v5  }
0xa5: {  	v6 =	vmul.u32 @!p0 $0x8, v6;
	v7 =	vperm.xlane @!p0 v3, v4  }
0xa6: {  	v5 =	vor.u32 @!p0 $0x8, v5  }
0xa7: {  	v3 =	vperm.xlane @!p0 v3, v5;
	v7 =	vadd.s32 @!p0 v6, v7;
	_ =	sdelay $0x1  }
0xa8: {  	v3 =	vadd.s32 @!p0 v6, v3;
	_ =	sdelay $0x1  }
0xa9: {  	vm1 =	vmmov @!p0 $0xffff;
	s6 =	simm.s32 @!p0 $0x9580;
	s11 =	simm.s32 @!p0 $0x0  }
0xaa: {  	[tilespmem:s6], [sflag:$0x4] =	stream.indirect_vreg.gather @!p0 [hbm4b:s4+s11], $0x80, v7, vm1, $0xb8;
	[tilespmem:$0xC580] =	vst v63  }
0xab: {  	s6 =	simm.s32 @!p0 $0x9D80  }
0xac: {  	[tilespmem:s6], [sflag:$0x4] =	stream.indirect_vreg.gather @!p0 [hbm4b:s4+s11], $0x80, v3, vm1, $0xb8;
	[tilespmem:$0xC580] =	vst v63  }
0xad: {  	v3 =	vld @!p0 [tilespmem:s30+$0x0];
	_ =	sdelay $0x4  }
0xae: {  	v7 =	vshll.u32 @!p0 v3, $0x1  }
0xaf: {  	v3 =	vand.u32 @!p0 $0x7, v3;
	v7 =	vand.u32 @!p0 $0xFFFFFFF0, v7  }
0xb0: {  	v3 =	vor.u32 @!p0 v3, v7  }
0xb1: {  	v7 =	vperm.xlane @!p0 v3, v4;
	_ =	sdelay $0x1  }
0xb2: {  	v3 =	vperm.xlane @!p0 v3, v5;
	v7 =	vadd.s32 @!p0 v6, v7;
	_ =	sdelay $0x1  }
0xb3: {  	v3 =	vadd.s32 @!p0 v6, v3;
	_ =	sdelay $0x1  }
0xb4: {  	s6 =	simm.s32 @!p0 $0xA580  }
0xb5: {  	[tilespmem:s6], [sflag:$0x4] =	stream.indirect_vreg.gather @!p0 [hbm4b:s4+s11], $0x80, v7, vm1, $0xb8;
	[tilespmem:$0xC580] =	vst v63  }
0xb6: {  	s6 =	simm.s32 @!p0 $0xAD80  }
0xb7: {  	[tilespmem:s6], [sflag:$0x4] =	stream.indirect_vreg.gather @!p0 [hbm4b:s4+s11], $0x80, v3, vm1, $0xb8;
	[tilespmem:$0xC580] =	vst v63  }
0xb8: {  	v3 =	vld @!p0 [tilespmem:s30+$0x10];
	_ =	sdelay $0x4  }
0xb9: {  	v7 =	vshll.u32 @!p0 v3, $0x1  }
0xba: {  	v3 =	vand.u32 @!p0 $0x7, v3;
	v7 =	vand.u32 @!p0 $0xFFFFFFF0, v7  }
0xbb: {  	v3 =	vor.u32 @!p0 v3, v7  }
0xbc: {  	v4 =	vperm.xlane @!p0 v3, v4;
	_ =	sdelay $0x1  }
0xbd: {  	v3 =	vperm.xlane @!p0 v3, v5;
	v4 =	vadd.s32 @!p0 v6, v4;
	_ =	sdelay $0x1  }
0xbe: {  	v3 =	vadd.s32 @!p0 v6, v3;
	_ =	sdelay $0x1  }
0xbf: {  	s6 =	simm.s32 @!p0 $0xB580  }
0xc0: {  	[tilespmem:s6], [sflag:$0x4] =	stream.indirect_vreg.gather @!p0 [hbm4b:s4+s11], $0x80, v4, vm1, $0xb8;
	[tilespmem:$0xC580] =	vst v63  }
0xc1: {  	s6 =	simm.s32 @!p0 $0xBD80  }
0xc2: {  	[tilespmem:s6], [sflag:$0x4] =	stream.indirect_vreg.gather @!p0 [hbm4b:s4+s11], $0x80, v3, vm1, $0xb8;
	[tilespmem:$0xC580] =	vst v63  }
0xc3: {  	_ =	swait.ge [sflag:s13], $0x3000  }
0xc4: {  	[sflag:s13] =	ssyncset.done $0x0  }
0xc5: {  	s11 =	sadd.s32 $0x600, s0;
	[sflag:s13] =	ssyncadd.s32 $0xFFFFD000  }
0xc6: {  	[hbm4b:s11+s3] =	stream.linear.scatter [tilespmem:s16], [sflag:$0x6], $0x3000, $0x38;
	[tilespmem:$0xC580] =	vst v63  }
0xc7: {  	_ =	swait.ge [sflag:s14], $0x3000  }
0xc8: {  	[sflag:s14] =	ssyncset.done $0x0  }
0xc9: {  	p1 =	seq.s32 s1, $0x9000;
	[sflag:s14] =	ssyncadd.s32 $0xFFFFD000  }
0xca: {  	v3 =	vld @!p1 [tilespmem:s30+$0x20];
	_ =	sdelay $0x4  }
0xcb: {  	v4 =	vshll.u32 @!p1 v3, $0x1  }
0xcc: {  	v5 =	vlaneseq.u32 @!p1;
	v3 =	vand.u32 @!p1 $0x7, v3;
	v4 =	vand.u32 @!p1 $0xFFFFFFF0, v4  }
0xcd: {  	v6 =	vshrl.u32 @!p1 v5, $0x3;
	v3 =	vor.u32 @!p1 v3, v4;
	v4 =	vand.u32 @!p1 $0x7, v5  }
0xce: {  	v6 =	vmul.u32 @!p1 $0x8, v6;
	v7 =	vperm.xlane @!p1 v3, v4  }
0xcf: {  	v5 =	vor.u32 @!p1 $0x8, v5  }
0xd0: {  	v3 =	vperm.xlane @!p1 v3, v5;
	v7 =	vadd.s32 @!p1 v6, v7;
	_ =	sdelay $0x1  }
0xd1: {  	v3 =	vadd.s32 @!p1 v6, v3;
	_ =	sdelay $0x1  }
0xd2: {  	vm1 =	vmmov @!p1 $0xffff;
	s6 =	simm.s32 @!p1 $0x580;
	s11 =	simm.s32 @!p1 $0x0  }
0xd3: {  	[tilespmem:s6], [sflag:$0x1] =	stream.indirect_vreg.gather @!p1 [hbm4b:s4+s11], $0x80, v7, vm1, $0xb8;
	[tilespmem:$0xC580] =	vst v63  }
0xd4: {  	s6 =	simm.s32 @!p1 $0xD80  }
0xd5: {  	[tilespmem:s6], [sflag:$0x1] =	stream.indirect_vreg.gather @!p1 [hbm4b:s4+s11], $0x80, v3, vm1, $0xb8;
	[tilespmem:$0xC580] =	vst v63  }
0xd6: {  	v3 =	vld @!p1 [tilespmem:s30+$0x30];
	_ =	sdelay $0x4  }
0xd7: {  	v7 =	vshll.u32 @!p1 v3, $0x1  }
0xd8: {  	v3 =	vand.u32 @!p1 $0x7, v3;
	v7 =	vand.u32 @!p1 $0xFFFFFFF0, v7  }
0xd9: {  	v3 =	vor.u32 @!p1 v3, v7  }
0xda: {  	v7 =	vperm.xlane @!p1 v3, v4;
	_ =	sdelay $0x1  }
0xdb: {  	v3 =	vperm.xlane @!p1 v3, v5;
	v7 =	vadd.s32 @!p1 v6, v7;
	_ =	sdelay $0x1  }
0xdc: {  	v3 =	vadd.s32 @!p1 v6, v3;
	_ =	sdelay $0x1  }
0xdd: {  	s6 =	simm.s32 @!p1 $0x1580  }
0xde: {  	[tilespmem:s6], [sflag:$0x1] =	stream.indirect_vreg.gather @!p1 [hbm4b:s4+s11], $0x80, v7, vm1, $0xb8;
	[tilespmem:$0xC580] =	vst v63  }
0xdf: {  	s6 =	simm.s32 @!p1 $0x1D80  }
0xe0: {  	[tilespmem:s6], [sflag:$0x1] =	stream.indirect_vreg.gather @!p1 [hbm4b:s4+s11], $0x80, v3, vm1, $0xb8;
	[tilespmem:$0xC580] =	vst v63  }
0xe1: {  	v3 =	vld @!p1 [tilespmem:s30+$0x40];
	_ =	sdelay $0x4  }
0xe2: {  	v7 =	vshll.u32 @!p1 v3, $0x1  }
0xe3: {  	v3 =	vand.u32 @!p1 $0x7, v3;
	v7 =	vand.u32 @!p1 $0xFFFFFFF0, v7  }
0xe4: {  	v3 =	vor.u32 @!p1 v3, v7  }
0xe5: {  	v7 =	vperm.xlane @!p1 v3, v4;
	_ =	sdelay $0x1  }
0xe6: {  	v3 =	vperm.xlane @!p1 v3, v5;
	v7 =	vadd.s32 @!p1 v6, v7;
	_ =	sdelay $0x1  }
0xe7: {  	v3 =	vadd.s32 @!p1 v6, v3;
	_ =	sdelay $0x1  }
0xe8: {  	s6 =	simm.s32 @!p1 $0x2580  }
0xe9: {  	[tilespmem:s6], [sflag:$0x1] =	stream.indirect_vreg.gather @!p1 [hbm4b:s4+s11], $0x80, v7, vm1, $0xb8;
	[tilespmem:$0xC580] =	vst v63  }
0xea: {  	s6 =	simm.s32 @!p1 $0x2D80  }
0xeb: {  	[tilespmem:s6], [sflag:$0x1] =	stream.indirect_vreg.gather @!p1 [hbm4b:s4+s11], $0x80, v3, vm1, $0xb8;
	[tilespmem:$0xC580] =	vst v63  }
0xec: {  	_ =	swait.ge [sflag:s15], $0x3000  }
0xed: {  	[sflag:s15] =	ssyncset.done $0x0  }
0xee: {  	s0 =	sadd.s32 $0xC00, s0;
	[sflag:s15] =	ssyncadd.s32 $0xFFFFD000  }
0xef: {  	[hbm4b:s0+s3] =	stream.linear.scatter [tilespmem:s22], [sflag:$0x7], $0x3000, $0x38;
	[tilespmem:$0xC580] =	vst v63  }
0xf0: {  	_ =	swait.ge [sflag:s17], $0x3000  }
0xf1: {  	[sflag:s17] =	ssyncset.done $0x0  }
0xf2: {  	[sflag:s17] =	ssyncadd.s32 $0xFFFFD000  }
0xf3: {  	v3 =	vld @!p1 [tilespmem:s30+$0x50];
	_ =	sdelay $0x4  }
0xf4: {  	v7 =	vshll.u32 @!p1 v3, $0x1  }
0xf5: {  	v3 =	vand.u32 @!p1 $0x7, v3;
	v7 =	vand.u32 @!p1 $0xFFFFFFF0, v7  }
0xf6: {  	v3 =	vor.u32 @!p1 v3, v7  }
0xf7: {  	v7 =	vperm.xlane @!p1 v3, v4;
	_ =	sdelay $0x1  }
0xf8: {  	v3 =	vperm.xlane @!p1 v3, v5;
	v7 =	vadd.s32 @!p1 v6, v7;
	_ =	sdelay $0x1  }
0xf9: {  	v3 =	vadd.s32 @!p1 v6, v3;
	_ =	sdelay $0x1  }
0xfa: {  	s0 =	simm.s32 @!p1 $0x3580  }
0xfb: {  	[tilespmem:s0], [sflag:$0x2] =	stream.indirect_vreg.gather @!p1 [hbm4b:s4+s11], $0x80, v7, vm1, $0xb8;
	[tilespmem:$0xC580] =	vst v63  }
0xfc: {  	s0 =	simm.s32 @!p1 $0x3D80  }
0xfd: {  	[tilespmem:s0], [sflag:$0x2] =	stream.indirect_vreg.gather @!p1 [hbm4b:s4+s11], $0x80, v3, vm1, $0xb8;
	[tilespmem:$0xC580] =	vst v63  }
0xfe: {  	v3 =	vld @!p1 [tilespmem:s30+$0x60];
	_ =	sdelay $0x4  }
0xff: {  	v7 =	vshll.u32 @!p1 v3, $0x1  }
0x100: {  	v3 =	vand.u32 @!p1 $0x7, v3;
	v7 =	vand.u32 @!p1 $0xFFFFFFF0, v7  }
0x101: {  	v3 =	vor.u32 @!p1 v3, v7  }
0x102: {  	v7 =	vperm.xlane @!p1 v3, v4;
	_ =	sdelay $0x1  }
0x103: {  	v3 =	vperm.xlane @!p1 v3, v5;
	v7 =	vadd.s32 @!p1 v6, v7;
	_ =	sdelay $0x1  }
0x104: {  	v3 =	vadd.s32 @!p1 v6, v3;
	_ =	sdelay $0x1  }
0x105: {  	s0 =	simm.s32 @!p1 $0x4580  }
0x106: {  	[tilespmem:s0], [sflag:$0x2] =	stream.indirect_vreg.gather @!p1 [hbm4b:s4+s11], $0x80, v7, vm1, $0xb8;
	[tilespmem:$0xC580] =	vst v63  }
0x107: {  	s0 =	simm.s32 @!p1 $0x4D80  }
0x108: {  	[tilespmem:s0], [sflag:$0x2] =	stream.indirect_vreg.gather @!p1 [hbm4b:s4+s11], $0x80, v3, vm1, $0xb8;
	[tilespmem:$0xC580] =	vst v63  }
0x109: {  	v3 =	vld @!p1 [tilespmem:s30+$0x70];
	_ =	sdelay $0x4  }
0x10a: {  	v7 =	vshll.u32 @!p1 v3, $0x1  }
0x10b: {  	v3 =	vand.u32 @!p1 $0x7, v3;
	v7 =	vand.u32 @!p1 $0xFFFFFFF0, v7  }
0x10c: {  	v3 =	vor.u32 @!p1 v3, v7  }
0x10d: {  	v4 =	vperm.xlane @!p1 v3, v4;
	_ =	sdelay $0x1  }
0x10e: {  	v3 =	vperm.xlane @!p1 v3, v5;
	v4 =	vadd.s32 @!p1 v6, v4;
	_ =	sdelay $0x1  }
0x10f: {  	v3 =	vadd.s32 @!p1 v6, v3;
	_ =	sdelay $0x1  }
0x110: {  	s6 =	smov.u32 s31;
	s0 =	simm.s32 @!p1 $0x5580  }
0x111: {  	[tilespmem:s0], [sflag:$0x2] =	stream.indirect_vreg.gather @!p1 [hbm4b:s4+s11], $0x80, v4, vm1, $0xb8;
	[tilespmem:$0xC580] =	vst v63  }
0x112: {  	s6 =	simm.s32 @p0 $0x90;
	s0 =	simm.s32 @!p1 $0x5D80  }
0x113: {  	[tilespmem:s0], [sflag:$0x2] =	stream.indirect_vreg.gather @!p1 [hbm4b:s4+s11], $0x80, v3, vm1, $0xb8;
	[tilespmem:$0xC580] =	vst v63  }
0x114: {  	s11 =	sadd.s32 s2, s6;
	_ =	swait.ge [sflag:s18], $0x3000  }
0x115: {  	s0 =	sshll.u32 s11, $0x5;
	[sflag:s18] =	ssyncset.done $0x0  }
.Ltmp2:
0x116: {  	s0 =	sadd.s32 s5, s0;
	[sflag:s18] =	ssyncadd.s32 $0xFFFFD000;
	(pc) =	sbr.rel @p1 .LBB2_4-.Ltmp2, $4  }
0x117: {  	[hbm4b:s0+s3] =	stream.linear.scatter [tilespmem:s29], [sflag:$0x8], $0x3000, $0x38;
	[tilespmem:$0xC580] =	vst v63  }
0x118: {  	_ =	swait.ge [sflag:s19], $0x3000  }
0x119: {  	[sflag:s19] =	ssyncset.done $0x0  }
0x11a: {  	[sflag:s19] =	ssyncadd.s32 $0xFFFFD000  }
0x11b: {  	v3 =	vld [tilespmem:s30+$0x80];
	_ =	sdelay $0x4  }
0x11c: {  	v4 =	vshll.u32 v3, $0x1  }
0x11d: {  	v3 =	vand.u32 $0x7, v3;
	v4 =	vand.u32 $0xFFFFFFF0, v4  }
0x11e: {  	v3 =	vor.u32 v3, v4  }
0x11f: {  	v4 =	vperm.xlane v3, v0;
	_ =	sdelay $0x1  }
0x120: {  	v3 =	vperm.xlane v3, v2;
	v4 =	vadd.s32 v1, v4;
	_ =	sdelay $0x1  }
0x121: {  	v3 =	vadd.s32 v1, v3;
	_ =	sdelay $0x2  }
0x122: {  	[tilespmem:s22], [sflag:$0x3] =	stream.indirect_vreg.gather [hbm4b:s4+s3], $0x80, v4, vm0, $0xb8;
	[tilespmem:$0xC580] =	vst v63  }
0x123: {  	_ = 	snop  }
0x124: {  	[tilespmem:s23], [sflag:$0x3] =	stream.indirect_vreg.gather [hbm4b:s4+s3], $0x80, v3, vm0, $0xb8;
	[tilespmem:$0xC580] =	vst v63  }
0x125: {  	v3 =	vld [tilespmem:s30+$0x90];
	_ =	sdelay $0x4  }
0x126: {  	v62 =	vshll.u32 v3, $0x1  }
0x127: {  	v3 =	vand.u32 $0x7, v3;
	v4 =	vand.u32 $0xFFFFFFF0, v62  }
0x128: {  	v3 =	vor.u32 v3, v4  }
0x129: {  	v4 =	vperm.xlane v3, v0;
	_ =	sdelay $0x1  }
0x12a: {  	v3 =	vperm.xlane v3, v2;
	v4 =	vadd.s32 v1, v4;
	_ =	sdelay $0x1  }
0x12b: {  	v3 =	vadd.s32 v1, v3;
	_ =	sdelay $0x2  }
0x12c: {  	[tilespmem:s24], [sflag:$0x3] =	stream.indirect_vreg.gather [hbm4b:s4+s3], $0x80, v4, vm0, $0xb8;
	[tilespmem:$0xC580] =	vst v63  }
0x12d: {  	_ = 	snop  }
0x12e: {  	[tilespmem:s25], [sflag:$0x3] =	stream.indirect_vreg.gather [hbm4b:s4+s3], $0x80, v3, vm0, $0xb8;
	[tilespmem:$0xC580] =	vst v63  }
0x12f: {  	v3 =	vld [tilespmem:s30+$0xA0];
	_ =	sdelay $0x4  }
0x130: {  	v63 =	vshll.u32 v3, $0x1  }
0x131: {  	v3 =	vand.u32 $0x7, v3;
	v4 =	vand.u32 $0xFFFFFFF0, v63  }
0x132: {  	v3 =	vor.u32 v3, v4  }
0x133: {  	v4 =	vperm.xlane v3, v0;
	_ =	sdelay $0x1  }
0x134: {  	v3 =	vperm.xlane v3, v2;
	v4 =	vadd.s32 v1, v4;
	_ =	sdelay $0x1  }
0x135: {  	v3 =	vadd.s32 v1, v3  }
.Ltmp3:
0x136: {  	_ = 	snop;
	(pc) =	sbr.rel .LBB2_2-.Ltmp3, $4  }
0x137: {  	_ = 	snop  }
0x138: {  	[tilespmem:s26], [sflag:$0x3] =	stream.indirect_vreg.gather [hbm4b:s4+s3], $0x80, v4, vm0, $0xb8;
	[tilespmem:$0xC580] =	vst v63  }
0x139: {  	s1 =	sadd.s32 $0x1800, s1;
	s31 =	sadd.s32 $0xC0, s31;
	s30 =	sadd.s32 $0xC0, s30  }
0x13a: {  	[tilespmem:s28], [sflag:$0x3] =	stream.indirect_vreg.gather [hbm4b:s4+s3], $0x80, v3, vm0, $0xb8;
	[tilespmem:$0xC580] =	vst v63  }
.LBB2_5:
0x13b: {  	_ =	sfence.sel $0x180000  }
0x13c: {  	[bflag:$0x0] =	sbarrier.arrive $0xFFFF  }
0x13d: {  	_ =	strace $0x9000004A  }
0x13e: {  	s0 =	stileid.u32;
	[bflag:$0x2] =	sbarrier.arrive $0xFFFF  }
0x13f: {  	p0 =	sne.s32 s0, $0x0;
	s0 =	rddreg [dreg:$0x1]  }
0x140: {  	s0 =	sadd.s32 @!p0 $0x100000, s0  }
0x141: {  	[sflag:s0] =	ssyncadd.tile.s32 @!p0 $0x1;
	_ =	shalt  }
.Lfunc_end2:
_tile_overlayer_lowered:
.L_overlay_start_2:
0x142: {  	(tag) =	ssettag $0x2  }
0x143: {  	s0 =	rddreg [dreg:$0x0];
	s2 =	stileid.u32  }
0x144: {  	s1 =	rddreg [dreg:$0x1];
	p0 =	sne.s32 s2, $0x0  }
0x145: {  	s3 =	rddreg [dreg:$0x2];
	[bflag:$0x3] =	sbarrier.arrive $0xFFFF;
	s2 =	simm.s32 @!p0 $0x1C09  }
0x146: {  	[timem:s3], [sflag:s2] =	dma.local @!p0 [hbm:s0], s1  }
0x147: {  	s0 =	simm.s32 @!p0 $0x9  }
0x148: {  	_ =	swait.ge @!p0 [sflag:s0], s1  }
0x149: {  	s1 =	ssub.s32 @!p0 $0x0, s1;
	[sflag:s0] =	ssyncset.done @!p0 $0x0  }
0x14a: {  	[sflag:s0] =	ssyncadd.s32 @!p0 s1  }
0x14b: {  	[bflag:$0x3] =	sbarrier.arrive $0xFFFF  }
0x14c: {  	_ =	shalt  }

// kernel: kernel.18.cloned.1.call-start
scs
__scs_entry_jumppad:
0x0: {  	(pc) =	sbr.rel $0x88, $3  }
0x1: {  	(tag) =	ssettag $0x0;
	lr =	simm.s32 $0x1  }
0x2: {  	[smem:$0x3F99] =	sst lr;
	_ =	strace $0xD0000000  }
0x3: {  	_ = 	snop  }
0x4: {  	_ = 	snop  }
0x5: {  	_ = 	snop  }
0x6: {  	_ = 	snop  }
0x7: {  	_ = 	snop  }
__scs_overlays_trampoline_lowered:
0x8: {  	[smem:$0x3FA8] =	sst s0  }
0x9: {  	[smem:$0x3FA9] =	sst s1  }
0xa: {  	[smem:$0x3FAA] =	sst s2  }
0xb: {  	[smem:$0x3FAB] =	sst s3  }
0xc: {  	[smem:$0x3FAC] =	sst s4  }
0xd: {  	[smem:$0x3FAD] =	sst s5  }
0xe: {  	[smem:$0x3FAE] =	sst s6  }
0xf: {  	[smem:$0x3FAF] =	sst s7  }
0x10: {  	[smem:$0x3FB0] =	sst s8  }
0x11: {  	[smem:$0x3FB1] =	sst s9;
	s0 =	simm.s32 @!p0 $0x0  }
0x12: {  	s1 =	sld [smem:$0x3F97];
	s0 =	simm.s32 @p0 $0x1  }
0x13: {  	[smem:$0x3FB2] =	sst s0;
	s0 =	simm.s32 @!p1 $0x0  }
0x14: {  	s2 =	sld [smem:$0x3F96];
	s0 =	simm.s32 @p1 $0x1  }
0x15: {  	[smem:$0x3FB3] =	sst s0;
	s0 =	simm.s32 @!p2 $0x0  }
0x16: {  	s3 =	sld [smem:$0x3FDB];
	s0 =	simm.s32 @p2 $0x1  }
0x17: {  	s4 =	simm.s32 $0x1BF5;
	[smem:$0x3FB5] =	sst s0  }
0x18: {  	s0 =	sld [smem:$0x3F98];
	_ =	swait.ge [sflag:s4], $0x0  }
0x19: {  	s7 =	sld [smem:$0x3F99]  }
0x1a: {  	s8 =	sadd.s32 $0xFFFFE003, lr  }
0x1b: {  	s9 =	sadd.s32 $0xFFFFFEF7, lr;
	s5 =	simm.s32 $0xFFFFFFFF;
	p2 =	slt.u32 s8, $0xFFFFF086  }
0x1c: {  	p1 =	slt.u32 s9, $0xF7A;
	s5 =	simm.s32 @!p2 $0x0  }
0x1d: {  	s5 =	simm.s32 @p1 $0x1;
	p0 =	seq.s32 s7, s2  }
0x1e: {  	s7 =	smul.u32 @!p0 $0xF7A, s2;
	p2 =	seq.s32 @!p0 s5, $0x0  }
0x1f: {  	s9 =	smul.u32 $0xF7A, s1;
	s8 =	simm.s32 @!p0 $0x1BF5;
	p2 =	por !p2, p0  }
0x20: {  	[sflag:s8] =	ssyncset.s32 @!p0 $0xFFFFF086;
	s6 =	sadd.s32 @!p0 s3, s7;
	s7 =	simm.s32 @!p0 $0x108  }
0x21: {  	s3 =	sadd.s32 s3, s9;
	s6 =	sadd.s32 @!p0 $0x88, s6;
	s7 =	simm.s32 @p2 $0x1082  }
0x22: {  	[simem:s7], [sflag:s8] =	dma.local @!p0 [hbm:s6], $0xF7A  }
0x23: {  	s9 =	sor.u32 $0xD0000000, s2;
	s6 =	simm.s32 $0x108;
	_ =	swait.ge @!p0 [sflag:s8], $0x0  }
0x24: {  	s3 =	sadd.s32 $0x88, s3;
	s6 =	simm.s32 @!p1 $0x1082;
	[sflag:s4] =	ssyncset.s32 $0xFFFFF086  }
0x25: {  	[simem:s6], [sflag:s4] =	dma.local [hbm:s3], $0xF7A  }
0x26: {  	[smem:$0x3F99] =	sst s1;
	(tag) =	ssettag s2;
	_ =	strace s9  }
0x27: {  	s1 =	sld [smem:$0x3FA9]  }
0x28: {  	s2 =	sld [smem:$0x3FAA]  }
0x29: {  	s4 =	sld [smem:$0x3FAC]  }
0x2a: {  	p0 =	seq.s32 s5, $0x0;
	s5 =	sld [smem:$0x3FAD]  }
0x2b: {  	s6 =	sld [smem:$0x3FAE]  }
0x2c: {  	s7 =	sld [smem:$0x3FAF]  }
0x2d: {  	s3 =	simm.s32 $0x108;
	s8 =	sld [smem:$0x3FB0]  }
0x2e: {  	s3 =	simm.s32 @!p0 $0x1082;
	s9 =	sld [smem:$0x3FB1]  }
0x2f: {  	lr =	sadd.s32 s0, s3;
	s0 =	sld [smem:$0x3FA8]  }
0x30: {  	s3 =	sld [smem:$0x3FAB]  }
0x31: {  	[smem:$0x3FB4] =	sst s10  }
0x32: {  	s10 =	sld [smem:$0x3FB2];
	_ =	sdelay $0x3  }
0x33: {  	p0 =	seq.s32 s10, $0x1;
	s10 =	sld [smem:$0x3FB4];
	_ =	sdelay $0x3  }
0x34: {  	[smem:$0x3FB4] =	sst s10  }
0x35: {  	s10 =	sld [smem:$0x3FB3];
	_ =	sdelay $0x3  }
0x36: {  	p1 =	seq.s32 s10, $0x1;
	s10 =	sld [smem:$0x3FB4];
	_ =	sdelay $0x3  }
0x37: {  	[smem:$0x3FB4] =	sst s10  }
0x38: {  	s10 =	sld [smem:$0x3FB5]  }
0x39: {  	_ = 	snop;
	(pc) =	sbr.ind lr, $3  }
0x3a: {  	_ = 	snop  }
0x3b: {  	_ = 	snop  }
0x3c: {  	p2 =	seq.s32 s10, $0x1;
	s10 =	sld [smem:$0x3FB4]  }
0x3d: {  	_ =	shalt  }
0x3e: {  	_ =	shalt  }
0x3f: {  	_ =	shalt  }
0x40: {  	_ =	shalt  }
0x41: {  	_ =	shalt  }
0x42: {  	_ =	shalt  }
0x43: {  	_ =	shalt  }
0x44: {  	_ =	shalt  }
0x45: {  	_ =	shalt  }
0x46: {  	_ =	shalt  }
0x47: {  	_ =	shalt  }
0x48: {  	_ =	shalt  }
0x49: {  	_ =	shalt  }
0x4a: {  	_ =	shalt  }
0x4b: {  	_ =	shalt  }
0x4c: {  	_ =	shalt  }
0x4d: {  	_ =	shalt  }
0x4e: {  	_ =	shalt  }
0x4f: {  	_ =	shalt  }
0x50: {  	_ =	shalt  }
0x51: {  	_ =	shalt  }
0x52: {  	_ =	shalt  }
0x53: {  	_ =	shalt  }
0x54: {  	_ =	shalt  }
0x55: {  	_ =	shalt  }
0x56: {  	_ =	shalt  }
0x57: {  	_ =	shalt  }
0x58: {  	_ =	shalt  }
0x59: {  	_ =	shalt  }
0x5a: {  	_ =	shalt  }
0x5b: {  	_ =	shalt  }
0x5c: {  	_ =	shalt  }
0x5d: {  	_ =	shalt  }
0x5e: {  	_ =	shalt  }
0x5f: {  	_ =	shalt  }
0x60: {  	_ =	shalt  }
0x61: {  	_ =	shalt  }
0x62: {  	_ =	shalt  }
0x63: {  	_ =	shalt  }
0x64: {  	_ =	shalt  }
0x65: {  	_ =	shalt  }
0x66: {  	_ =	shalt  }
0x67: {  	_ =	shalt  }
0x68: {  	_ =	shalt  }
0x69: {  	_ =	shalt  }
0x6a: {  	_ =	shalt  }
0x6b: {  	_ =	shalt  }
0x6c: {  	_ =	shalt  }
0x6d: {  	_ =	shalt  }
0x6e: {  	_ =	shalt  }
0x6f: {  	_ =	shalt  }
0x70: {  	_ =	shalt  }
0x71: {  	_ =	shalt  }
0x72: {  	_ =	shalt  }
0x73: {  	_ =	shalt  }
0x74: {  	_ =	shalt  }
0x75: {  	_ =	shalt  }
0x76: {  	_ =	shalt  }
0x77: {  	_ =	shalt  }
0x78: {  	_ =	shalt  }
0x79: {  	_ =	shalt  }
0x7a: {  	_ =	shalt  }
0x7b: {  	_ =	shalt  }
0x7c: {  	_ =	shalt  }
0x7d: {  	_ =	shalt  }
0x7e: {  	_ =	shalt  }
0x7f: {  	_ =	shalt  }
0x80: {  	_ =	shalt  }
0x81: {  	_ =	shalt  }
0x82: {  	_ =	shalt  }
0x83: {  	_ =	shalt  }
0x84: {  	_ =	shalt  }
0x85: {  	_ =	shalt  }
0x86: {  	_ =	shalt  }
0x87: {  	_ =	shalt  }
.Lfunc_end0:
.L_simem_size_0:
called_computation.2_lowered:
.L_overlay_start_0:
0x88: {  	s2 =	sld [smem:$0x3FD9]  }
0x89: {  	s3 =	sld [smem:$0x3FFE];
	_ =	sdelay $0x1  }
0x8a: {  	s1 =	srdreg.scid  }
0x8b: {  	s0 =	sand.u32 $0x1, s1  }
0x8c: {  	s17 =	sshll.u32 s0, $0xA;
	s2 =	sadd.s32 s3, s2  }
0x8d: {  	s2 =	sadd.s32 s2, s17  }
0x8e: {  	[smem:$0x3FC0] =	sst s2  }
0x8f: {  	_ = 	snop  }
0x90: {  	(tm) =	ssettm $0x1  }
0x91: {  	s18 =	sld [smem:$0x3FFB];
	_ =	sdelay $0x3  }
0x92: {  	_ =	strace s18  }
0x93: {  	s2 =	sld [smem:$0x3FFC];
	_ =	sdelay $0x3  }
0x94: {  	_ =	strace s2  }
0x95: {  	s2 =	sld [smem:$0x3FFD];
	_ =	sdelay $0x3  }
0x96: {  	_ =	strace s2  }
0x97: {  	_ =	strace $0x8FFFFFFF  }
0x98: {  	s19 =	sld [smem:$0x3FDB];
	_ =	sdelay $0x1  }
0x99: {  	s20 =	simm.s32 $_scs_section_size  }
0x9a: {  	s4 =	simm.s32 $_size__tile_overlayer_lowered;
	s5 =	simm.s32 $_tile_overlayer_lowered  }
0x9b: {  	s6 =	simm.s32 $0x1BFF;
	s21 =	sshll.u32 s5, $0x1;
	s3 =	sadd.s32 s20, s19  }
0x9c: {  	s22 =	simm.s32 $0x0;
	s4 =	sshll.u32 s4, $0x1;
	s5 =	sadd.s32 s21, s3  }
0x9d: {  	[timem:s22], [sflag:s6] =	dma.local [hbm:s5], s4  }
0x9e: {  	_ =	swait.ge [sflag:s6], s4  }
0x9f: {  	s4 =	ssub.s32 $0x0, s4;
	[sflag:s6] =	ssyncset.done $0x0  }
0xa0: {  	[sflag:s6] =	ssyncadd.s32 s4;
	_ =	sdelay $0x1  }
0xa1: {  	s23 =	simm.s32 $0x1B8B  }
0xa2: {  	_ =	swait.ge [sflag:s23], $0x1  }
0xa3: {  	[sflag:s23] =	ssyncset.done $0x0  }
0xa4: {  	[sflag:s23] =	ssyncadd.s32 $0xFFFFFFFF  }
0xa5: {  	s4 =	sld [smem:$0x0]  }
0xa6: {  	s5 =	sand.u32 $0xFFFFFFFE, s1  }
0xa7: {  	p0 =	sne.s32 s1, s5  }
0xa8: {  	s5 =	sshll.u32 @p0 s5, $0xE  }
0xa9: {  	s5 =	sadd.s32 @p0 $0x11B8D, s5;
	s6 =	sshll.u32 @p0 s4, $0x11  }
0xaa: {  	s5 =	sor.u32 @p0 s6, s5  }
0xab: {  	[sflag:s5] =	ssyncadd.remote.s32 @p0 $0x1;
	_ =	sdelay $0x1  }
0xac: {  	s5 =	simm.s32 @p0 $0x1B8D  }
0xad: {  	_ =	swait.eq @p0 [sflag:s5], $0x1  }
0xae: {  	[sflag:s5] =	ssyncadd.s32 @p0 $0xFFFFFFFF  }
0xaf: {  	s6 =	sshll.u32 @!p0 s1, $0xE  }
0xb0: {  	s6 =	sor.u32 @!p0 $0x4000, s6;
	s5 =	simm.s32 @!p0 $0x1B8D  }
0xb1: {  	s4 =	sshll.u32 @!p0 s4, $0x11;
	s6 =	sadd.s32 @!p0 $0x11B8D, s6;
	_ =	swait.eq @!p0 [sflag:s5], $0x1  }
0xb2: {  	s4 =	sor.u32 @!p0 s4, s6;
	[sflag:s5] =	ssyncadd.s32 @!p0 $0xFFFFFFFF  }
0xb3: {  	s25 =	simm.s32 $0x1B8E;
	s24 =	sld [smem:$0x3FFE];
	[sflag:s4] =	ssyncadd.remote.s32 @!p0 $0x1  }
0xb4: {  	s26 =	simm.s32 $execute0_lowered;
	[smem:$0x3FD2] =	sst s25  }
0xb5: {  	s5 =	sshll.u32 s26, $0x1;
	_ =	strace $0x8000004C;
	[dreg:$0x1] =	wrdreg $0xFFFFFFFF  }
0xb6: {  	s28 =	simm.s32 $_size_execute0_lowered;
	s3 =	sadd.s32 s3, s5;
	[dreg:$0x0] =	wrdreg $0x0  }
0xb7: {  	s5 =	sshll.u32 s28, $0x1;
	[dreg:$0x2] =	wrdreg s3  }
0xb8: {  	[dreg:$0x3] =	wrdreg s5  }
0xb9: {  	[dreg:$0x4] =	wrdreg $0xC0  }
0xba: {  	_ =	task [dreg:s22], $0x5FFFF  }
0xbb: {  	[dreg:$0x1] =	wrdreg $0xFFFFFFFF  }
0xbc: {  	[dreg:$0x0] =	wrdreg $0x60  }
0xbd: {  	[dreg:$0x2] =	wrdreg s24  }
0xbe: {  	[dreg:$0x3] =	wrdreg $0xB  }
0xbf: {  	_ =	task.clear_ibuf [dreg:s22], $0x4FFFF;
	_ =	strace $0x9000004C  }
0xc0: {  	s29 =	simm.s32 $0xB;
	_ =	strace $0x8000004E  }
0xc1: {  	_ =	swait.ge [sflag:s29], $0x1  }
0xc2: {  	[sflag:s29] =	ssyncadd.s32 $0xFFFFFFFF  }
0xc3: {  	_ =	strace $0x9000004E  }
0xc4: {  	_ =	sfence  }
0xc5: {  	s30 =	sld [smem:$0x0];
	_ =	sdelay $0x2  }
0xc6: {  	s31 =	sshll.u32 s1, $0xD;
	s1 =	sshrl.u32 s1, $0x2  }
0xc7: {  	s4 =	sand.u32 $0x4000, s31;
	s1 =	sadd.s32 s1, s30  }
0xc8: {  	s0 =	sor.u32 s4, s0;
	s1 =	sshll.u32 s1, $0x11  }
0xc9: {  	s0 =	sor.u32 s1, s0  }
0xca: {  	s0 =	sadd.s32 $0x8F2B, s0  }
0xcb: {  	[sflag:s0] =	ssyncadd.remote.s32 $0x1  }
0xcc: {  	_ =	sfence.sel $0xFFFF  }
0xcd: {  	[dreg:$0x0] =	wrdreg $0xFFFFFFFF;
	(pc) =	sbr.abs _section_cstart, $3  }
0xce: {  	[dreg:$0x1] =	wrdreg $0xFFFFFFFF  }
0xcf: {  	_ =	task.clear_ibuf [dreg:s22], $0x2FFFF;
	_ =	strace $0x9FFFFFFF  }
0xd0: {  	(tm) =	ssettm $0x7FFFFFFF  }
0xd1: {  	_ =	shalt  }
tec
execute0_lowered:
.L_overlay_start_1:
0x0: {  	(tag) =	ssettag $0x1  }
0x1: {  	s0 =	srdreg.scid;
	s7 =	stileid.u32  }
0x2: {  	s5 =	rddreg [dreg:$0x0];
	s3 =	simm.s32 $0x0;
	s9 =	simm.s32 $0x9  }
0x3: {  	s10 =	simm.s32 $0x580;
	s16 =	simm.s32 $0x3580;
	s22 =	simm.s32 $0x6580  }
0x4: {  	s23 =	simm.s32 $0x6D80;
	s24 =	simm.s32 $0x7580;
	s25 =	simm.s32 $0x7D80  }
0x5: {  	s26 =	simm.s32 $0x8580;
	s28 =	simm.s32 $0x8D80;
	s29 =	simm.s32 $0x9580  }
0x6: {  	s12 =	simm.s32 $0x1;
	s13 =	simm.s32 $0x2;
	s14 =	simm.s32 $0x5  }
0x7: {  	s15 =	simm.s32 $0x3;
	s17 =	simm.s32 $0x6;
	s18 =	simm.s32 $0x4  }
0x8: {  	s19 =	simm.s32 $0x7;
	s0 =	sand.u32 $0x1, s0;
	s1 =	sshll.u32 s7, $0x1  }
0x9: {  	s20 =	simm.s32 $0x8;
	s7 =	smul.u32 $0x15000, s7;
	s1 =	sor.u32 s0, s1  }
0xa: {  	s21 =	simm.s32 $0x0;
	[smem:$0x7FF] =	sst s3;
	s2 =	smul.u32 $0x540, s1  }
.Ltmp0:
0xb: {  	s4 =	sadd.s32 $0x1C00, s5;
	_ =	strace $0x8000004D;
	(pc) =	sbr.rel .LBB2_1-.Ltmp0, $4  }
0xc: {  	s6 =	ssub.s32 $0x2, s0;
	s0 =	smul.u32 $0xA800, s0;
	s1 =	sshrl.u32 s2, $0x3  }
0xd: {  	v2 =	vlaneseq.u32;
	s8 =	sshrl.u32 s6, $0x1;
	s1 =	sadd.s32 s1, s5;
	s5 =	sadd.s32 $0x2E4E00, s5  }
0xe: {  	vm0 =	vmmov $0xffff;
	v1 =	vshrl.u32 v2, $0x3;
	s8 =	ssub.s32 s6, s8;
	s1 =	sadd.s32 $0x192200, s1;
	s31 =	sadd.s32 s7, s5  }
0xf: {  	v0 =	vand.u32 $0x7, v2;
	v2 =	vor.u32 $0x8, v2;
	v1 =	vmul.u32 $0x8, v1;
	s7 =	smax.u32 s8, $0x1;
	[dreg:$0x2] =	wrdreg s1;
	s8 =	sadd.s32 s0, s31  }
.LBB2_4:
0x10: {  	s21 =	sadd.s32 $0x1, s21  }
0x11: {  	p0 =	sne.s32 s21, s7  }
.Ltmp1:
0x12: {  	_ = 	snop;
	(pc) =	sbr.rel @!p0 .LBB2_5-.Ltmp1, $4  }
0x13: {  	_ = 	snop  }
0x14: {  	_ =	swait.ge [sflag:s20], $0x3000  }
0x15: {  	[sflag:s20] =	ssyncset.done $0x0  }
0x16: {  	[sflag:s20] =	ssyncadd.s32 $0xFFFFD000  }
.LBB2_1:
0x17: {  	s0 =	rddreg [dreg:$0x2]  }
0x18: {  	[tilespmem:s3], [sflag:$0x9] =	stream.linear.gather [hbm4b:s0+s3], $0x540, $0x38;
	[tilespmem:$0xC580] =	vst v63  }
0x19: {  	_ =	swait.ge [sflag:s9], $0x540  }
0x1a: {  	[sflag:s9] =	ssyncset.done $0x0  }
0x1b: {  	[sflag:s9] =	ssyncadd.s32 $0xFFFFFAC0  }
0x1c: {  	v3 =	vld [tilespmem:$0x0];
	_ =	sdelay $0x4  }
0x1d: {  	v4 =	vshll.u32 v3, $0x1  }
0x1e: {  	v3 =	vand.u32 $0x7, v3;
	v4 =	vand.u32 $0xFFFFFFF0, v4  }
0x1f: {  	v3 =	vor.u32 v3, v4  }
0x20: {  	v4 =	vperm.xlane v3, v0;
	_ =	sdelay $0x1  }
0x21: {  	v3 =	vperm.xlane v3, v2;
	v4 =	vadd.s32 v1, v4;
	_ =	sdelay $0x1  }
0x22: {  	v3 =	vadd.s32 v1, v3;
	_ =	sdelay $0x2  }
0x23: {  	[tilespmem:s10], [sflag:$0x1] =	stream.indirect_vreg.gather [hbm4b:s4+s3], $0x80, v4, vm0, $0xb8;
	[tilespmem:$0xC580] =	vst v63  }
0x24: {  	s1 =	simm.s32 $0xD80  }
0x25: {  	[tilespmem:s1], [sflag:$0x1] =	stream.indirect_vreg.gather [hbm4b:s4+s3], $0x80, v3, vm0, $0xb8;
	[tilespmem:$0xC580] =	vst v63  }
0x26: {  	v3 =	vld [tilespmem:$0x10];
	_ =	sdelay $0x4  }
0x27: {  	v53 =	vshll.u32 v3, $0x1  }
0x28: {  	v3 =	vand.u32 $0x7, v3;
	v4 =	vand.u32 $0xFFFFFFF0, v53  }
0x29: {  	v3 =	vor.u32 v3, v4  }
0x2a: {  	v4 =	vperm.xlane v3, v0;
	_ =	sdelay $0x1  }
0x2b: {  	v3 =	vperm.xlane v3, v2;
	v4 =	vadd.s32 v1, v4;
	_ =	sdelay $0x1  }
0x2c: {  	v3 =	vadd.s32 v1, v3;
	_ =	sdelay $0x1  }
0x2d: {  	s6 =	simm.s32 $0x1580  }
0x2e: {  	[tilespmem:s6], [sflag:$0x1] =	stream.indirect_vreg.gather [hbm4b:s4+s3], $0x80, v4, vm0, $0xb8;
	[tilespmem:$0xC580] =	vst v63  }
0x2f: {  	s11 =	simm.s32 $0x1D80  }
0x30: {  	[tilespmem:s11], [sflag:$0x1] =	stream.indirect_vreg.gather [hbm4b:s4+s3], $0x80, v3, vm0, $0xb8;
	[tilespmem:$0xC580] =	vst v63  }
0x31: {  	v3 =	vld [tilespmem:$0x20];
	_ =	sdelay $0x4  }
0x32: {  	v54 =	vshll.u32 v3, $0x1  }
0x33: {  	v3 =	vand.u32 $0x7, v3;
	v4 =	vand.u32 $0xFFFFFFF0, v54  }
0x34: {  	v3 =	vor.u32 v3, v4  }
0x35: {  	v4 =	vperm.xlane v3, v0;
	_ =	sdelay $0x1  }
0x36: {  	v3 =	vperm.xlane v3, v2;
	v4 =	vadd.s32 v1, v4;
	_ =	sdelay $0x1  }
0x37: {  	v3 =	vadd.s32 v1, v3;
	_ =	sdelay $0x1  }
0x38: {  	s1 =	simm.s32 $0x2580  }
0x39: {  	[tilespmem:s1], [sflag:$0x1] =	stream.indirect_vreg.gather [hbm4b:s4+s3], $0x80, v4, vm0, $0xb8;
	[tilespmem:$0xC580] =	vst v63  }
0x3a: {  	s6 =	simm.s32 $0x2D80  }
0x3b: {  	[tilespmem:s6], [sflag:$0x1] =	stream.indirect_vreg.gather [hbm4b:s4+s3], $0x80, v3, vm0, $0xb8;
	[tilespmem:$0xC580] =	vst v63  }
0x3c: {  	v3 =	vld [tilespmem:$0x30];
	_ =	sdelay $0x4  }
0x3d: {  	v55 =	vshll.u32 v3, $0x1  }
0x3e: {  	v3 =	vand.u32 $0x7, v3;
	v4 =	vand.u32 $0xFFFFFFF0, v55  }
0x3f: {  	v3 =	vor.u32 v3, v4  }
0x40: {  	v4 =	vperm.xlane v3, v0;
	_ =	sdelay $0x1  }
0x41: {  	v3 =	vperm.xlane v3, v2;
	v4 =	vadd.s32 v1, v4;
	_ =	sdelay $0x1  }
0x42: {  	v3 =	vadd.s32 v1, v3;
	_ =	sdelay $0x2  }
0x43: {  	[tilespmem:s16], [sflag:$0x2] =	stream.indirect_vreg.gather [hbm4b:s4+s3], $0x80, v4, vm0, $0xb8;
	[tilespmem:$0xC580] =	vst v63  }
0x44: {  	s11 =	simm.s32 $0x3D80  }
0x45: {  	[tilespmem:s11], [sflag:$0x2] =	stream.indirect_vreg.gather [hbm4b:s4+s3], $0x80, v3, vm0, $0xb8;
	[tilespmem:$0xC580] =	vst v63  }
0x46: {  	v3 =	vld [tilespmem:$0x40];
	_ =	sdelay $0x4  }
0x47: {  	v56 =	vshll.u32 v3, $0x1  }
0x48: {  	v3 =	vand.u32 $0x7, v3;
	v4 =	vand.u32 $0xFFFFFFF0, v56  }
0x49: {  	v3 =	vor.u32 v3, v4  }
0x4a: {  	v4 =	vperm.xlane v3, v0;
	_ =	sdelay $0x1  }
0x4b: {  	v3 =	vperm.xlane v3, v2;
	v4 =	vadd.s32 v1, v4;
	_ =	sdelay $0x1  }
0x4c: {  	v3 =	vadd.s32 v1, v3;
	_ =	sdelay $0x1  }
0x4d: {  	s1 =	simm.s32 $0x4580  }
0x4e: {  	[tilespmem:s1], [sflag:$0x2] =	stream.indirect_vreg.gather [hbm4b:s4+s3], $0x80, v4, vm0, $0xb8;
	[tilespmem:$0xC580] =	vst v63  }
0x4f: {  	s6 =	simm.s32 $0x4D80  }
0x50: {  	[tilespmem:s6], [sflag:$0x2] =	stream.indirect_vreg.gather [hbm4b:s4+s3], $0x80, v3, vm0, $0xb8;
	[tilespmem:$0xC580] =	vst v63  }
0x51: {  	v3 =	vld [tilespmem:$0x50];
	_ =	sdelay $0x4  }
0x52: {  	v57 =	vshll.u32 v3, $0x1  }
0x53: {  	v3 =	vand.u32 $0x7, v3;
	v4 =	vand.u32 $0xFFFFFFF0, v57  }
0x54: {  	v3 =	vor.u32 v3, v4  }
0x55: {  	v4 =	vperm.xlane v3, v0;
	_ =	sdelay $0x1  }
0x56: {  	v3 =	vperm.xlane v3, v2;
	v4 =	vadd.s32 v1, v4;
	_ =	sdelay $0x1  }
0x57: {  	v3 =	vadd.s32 v1, v3;
	_ =	sdelay $0x1  }
0x58: {  	s11 =	simm.s32 $0x5580  }
0x59: {  	[tilespmem:s11], [sflag:$0x2] =	stream.indirect_vreg.gather [hbm4b:s4+s3], $0x80, v4, vm0, $0xb8;
	[tilespmem:$0xC580] =	vst v63  }
0x5a: {  	s1 =	simm.s32 $0x5D80  }
0x5b: {  	[tilespmem:s1], [sflag:$0x2] =	stream.indirect_vreg.gather [hbm4b:s4+s3], $0x80, v3, vm0, $0xb8;
	[tilespmem:$0xC580] =	vst v63  }
0x5c: {  	v3 =	vld [tilespmem:$0x60];
	_ =	sdelay $0x4  }
0x5d: {  	v58 =	vshll.u32 v3, $0x1  }
0x5e: {  	v3 =	vand.u32 $0x7, v3;
	v4 =	vand.u32 $0xFFFFFFF0, v58  }
0x5f: {  	v3 =	vor.u32 v3, v4  }
0x60: {  	v4 =	vperm.xlane v3, v0;
	_ =	sdelay $0x1  }
0x61: {  	v3 =	vperm.xlane v3, v2;
	v4 =	vadd.s32 v1, v4;
	_ =	sdelay $0x1  }
0x62: {  	v3 =	vadd.s32 v1, v3;
	_ =	sdelay $0x2  }
0x63: {  	[tilespmem:s22], [sflag:$0x3] =	stream.indirect_vreg.gather [hbm4b:s4+s3], $0x80, v4, vm0, $0xb8;
	[tilespmem:$0xC580] =	vst v63  }
0x64: {  	_ = 	snop  }
0x65: {  	[tilespmem:s23], [sflag:$0x3] =	stream.indirect_vreg.gather [hbm4b:s4+s3], $0x80, v3, vm0, $0xb8;
	[tilespmem:$0xC580] =	vst v63  }
0x66: {  	v3 =	vld [tilespmem:$0x70];
	_ =	sdelay $0x4  }
0x67: {  	v59 =	vshll.u32 v3, $0x1  }
0x68: {  	v3 =	vand.u32 $0x7, v3;
	v4 =	vand.u32 $0xFFFFFFF0, v59  }
0x69: {  	v3 =	vor.u32 v3, v4  }
0x6a: {  	v4 =	vperm.xlane v3, v0;
	_ =	sdelay $0x1  }
0x6b: {  	v3 =	vperm.xlane v3, v2;
	v4 =	vadd.s32 v1, v4;
	_ =	sdelay $0x1  }
0x6c: {  	v3 =	vadd.s32 v1, v3;
	_ =	sdelay $0x2  }
0x6d: {  	[tilespmem:s24], [sflag:$0x3] =	stream.indirect_vreg.gather [hbm4b:s4+s3], $0x80, v4, vm0, $0xb8;
	[tilespmem:$0xC580] =	vst v63  }
0x6e: {  	_ = 	snop  }
0x6f: {  	[tilespmem:s25], [sflag:$0x3] =	stream.indirect_vreg.gather [hbm4b:s4+s3], $0x80, v3, vm0, $0xb8;
	[tilespmem:$0xC580] =	vst v63  }
0x70: {  	v3 =	vld [tilespmem:$0x80];
	_ =	sdelay $0x4  }
0x71: {  	v60 =	vshll.u32 v3, $0x1  }
0x72: {  	v3 =	vand.u32 $0x7, v3;
	v4 =	vand.u32 $0xFFFFFFF0, v60  }
0x73: {  	v3 =	vor.u32 v3, v4  }
0x74: {  	v4 =	vperm.xlane v3, v0;
	_ =	sdelay $0x1  }
0x75: {  	v3 =	vperm.xlane v3, v2;
	v4 =	vadd.s32 v1, v4;
	_ =	sdelay $0x1  }
0x76: {  	v3 =	vadd.s32 v1, v3;
	_ =	sdelay $0x2  }
0x77: {  	[tilespmem:s26], [sflag:$0x3] =	stream.indirect_vreg.gather [hbm4b:s4+s3], $0x80, v4, vm0, $0xb8;
	[tilespmem:$0xC580] =	vst v63  }
0x78: {  	_ = 	snop  }
0x79: {  	[tilespmem:s28], [sflag:$0x3] =	stream.indirect_vreg.gather [hbm4b:s4+s3], $0x80, v3, vm0, $0xb8;
	[tilespmem:$0xC580] =	vst v63  }
0x7a: {  	v3 =	vld [tilespmem:$0x90];
	_ =	sdelay $0x4  }
0x7b: {  	v61 =	vshll.u32 v3, $0x1  }
0x7c: {  	v3 =	vand.u32 $0x7, v3;
	v4 =	vand.u32 $0xFFFFFFF0, v61  }
0x7d: {  	v3 =	vor.u32 v3, v4  }
0x7e: {  	v4 =	vperm.xlane v3, v0;
	_ =	sdelay $0x1  }
0x7f: {  	v3 =	vperm.xlane v3, v2;
	v4 =	vadd.s32 v1, v4;
	_ =	sdelay $0x1  }
0x80: {  	v3 =	vadd.s32 v1, v3;
	_ =	sdelay $0x2  }
0x81: {  	[tilespmem:s29], [sflag:$0x4] =	stream.indirect_vreg.gather [hbm4b:s4+s3], $0x80, v4, vm0, $0xb8;
	[tilespmem:$0xC580] =	vst v63  }
0x82: {  	s6 =	simm.s32 $0x9D80  }
0x83: {  	[tilespmem:s6], [sflag:$0x4] =	stream.indirect_vreg.gather [hbm4b:s4+s3], $0x80, v3, vm0, $0xb8;
	[tilespmem:$0xC580] =	vst v63  }
0x84: {  	v3 =	vld [tilespmem:$0xA0];
	_ =	sdelay $0x4  }
0x85: {  	v62 =	vshll.u32 v3, $0x1  }
0x86: {  	v3 =	vand.u32 $0x7, v3;
	v4 =	vand.u32 $0xFFFFFFF0, v62  }
0x87: {  	v3 =	vor.u32 v3, v4  }
0x88: {  	v4 =	vperm.xlane v3, v0;
	_ =	sdelay $0x1  }
0x89: {  	v3 =	vperm.xlane v3, v2;
	v4 =	vadd.s32 v1, v4;
	_ =	sdelay $0x1  }
0x8a: {  	v3 =	vadd.s32 v1, v3;
	_ =	sdelay $0x1  }
0x8b: {  	s11 =	simm.s32 $0xA580  }
0x8c: {  	[tilespmem:s11], [sflag:$0x4] =	stream.indirect_vreg.gather [hbm4b:s4+s3], $0x80, v4, vm0, $0xb8;
	[tilespmem:$0xC580] =	vst v63  }
0x8d: {  	s1 =	simm.s32 $0xAD80  }
0x8e: {  	[tilespmem:s1], [sflag:$0x4] =	stream.indirect_vreg.gather [hbm4b:s4+s3], $0x80, v3, vm0, $0xb8;
	[tilespmem:$0xC580] =	vst v63  }
0x8f: {  	v3 =	vld [tilespmem:$0xB0];
	_ =	sdelay $0x4  }
0x90: {  	v63 =	vshll.u32 v3, $0x1  }
0x91: {  	v3 =	vand.u32 $0x7, v3;
	v4 =	vand.u32 $0xFFFFFFF0, v63  }
0x92: {  	v3 =	vor.u32 v3, v4  }
0x93: {  	v4 =	vperm.xlane v3, v0;
	_ =	sdelay $0x1  }
0x94: {  	v3 =	vperm.xlane v3, v2;
	v4 =	vadd.s32 v1, v4;
	_ =	sdelay $0x1  }
0x95: {  	v3 =	vadd.s32 v1, v3;
	_ =	sdelay $0x1  }
0x96: {  	s30 =	simm.s32 $0xA0;
	s6 =	simm.s32 $0xB580  }
0x97: {  	[tilespmem:s6], [sflag:$0x4] =	stream.indirect_vreg.gather [hbm4b:s4+s3], $0x80, v4, vm0, $0xb8;
	[tilespmem:$0xC580] =	vst v63  }
0x98: {  	s31 =	simm.s32 $0x90;
	s11 =	simm.s32 $0xBD80;
	s1 =	simm.s32 $0x0  }
0x99: {  	[tilespmem:s11], [sflag:$0x4] =	stream.indirect_vreg.gather [hbm4b:s4+s3], $0x80, v3, vm0, $0xb8;
	[tilespmem:$0xC580] =	vst v63  }
.LBB2_2:
0x9a: {  	_ =	swait.ge [sflag:s12], $0x3000  }
0x9b: {  	p0 =	seq.s32 s1, $0x0;
	[sflag:s12] =	ssyncset.done $0x0  }
0x9c: {  	s0 =	sadd.s32 s1, s8;
	s11 =	simm.s32 @!p0 $0x8;
	[sflag:s12] =	ssyncadd.s32 $0xFFFFD000  }
0x9d: {  	[hbm4b:s0+s3] =	stream.linear.scatter [tilespmem:s10], [sflag:$0x5], $0x3000, $0x38;
	[tilespmem:$0xC580] =	vst v63  }
0x9e: {  	_ =	swait.ge @!p0 [sflag:s11], $0x3000  }
0x9f: {  	[sflag:s11] =	ssyncset.done @!p0 $0x0  }
0xa0: {  	[sflag:s11] =	ssyncadd.s32 @!p0 $0xFFFFD000  }
0xa1: {  	v3 =	vld @!p0 [tilespmem:s30+$0xFFFFFFF0];
	_ =	sdelay $0x4  }
0xa2: {  	v4 =	vshll.u32 @!p0 v3, $0x1  }
0xa3: {  	v5 =	vlaneseq.u32 @!p0;
	v3 =	vand.u32 @!p0 $0x7, v3;
	v4 =	vand.u32 @!p0 $0xFFFFFFF0, v4  }
0xa4: {  	v6 =	vshrl.u32 @!p0 v5, $0x3;
	v3 =	vor.u32 @!p0 v3, v4;
	v4 =	vand.u32 @!p0 $0x7, v5  }
0xa5: {  	v6 =	vmul.u32 @!p0 $0x8, v6;
	v7 =	vperm.xlane @!p0 v3, v4  }
0xa6: {  	v5 =	vor.u32 @!p0 $0x8, v5  }
0xa7: {  	v3 =	vperm.xlane @!p0 v3, v5;
	v7 =	vadd.s32 @!p0 v6, v7;
	_ =	sdelay $0x1  }
0xa8: {  	v3 =	vadd.s32 @!p0 v6, v3;
	_ =	sdelay $0x1  }
0xa9: {  	vm1 =	vmmov @!p0 $0xffff;
	s6 =	simm.s32 @!p0 $0x9580;
	s11 =	simm.s32 @!p0 $0x0  }
0xaa: {  	[tilespmem:s6], [sflag:$0x4] =	stream.indirect_vreg.gather @!p0 [hbm4b:s4+s11], $0x80, v7, vm1, $0xb8;
	[tilespmem:$0xC580] =	vst v63  }
0xab: {  	s6 =	simm.s32 @!p0 $0x9D80  }
0xac: {  	[tilespmem:s6], [sflag:$0x4] =	stream.indirect_vreg.gather @!p0 [hbm4b:s4+s11], $0x80, v3, vm1, $0xb8;
	[tilespmem:$0xC580] =	vst v63  }
0xad: {  	v3 =	vld @!p0 [tilespmem:s30+$0x0];
	_ =	sdelay $0x4  }
0xae: {  	v7 =	vshll.u32 @!p0 v3, $0x1  }
0xaf: {  	v3 =	vand.u32 @!p0 $0x7, v3;
	v7 =	vand.u32 @!p0 $0xFFFFFFF0, v7  }
0xb0: {  	v3 =	vor.u32 @!p0 v3, v7  }
0xb1: {  	v7 =	vperm.xlane @!p0 v3, v4;
	_ =	sdelay $0x1  }
0xb2: {  	v3 =	vperm.xlane @!p0 v3, v5;
	v7 =	vadd.s32 @!p0 v6, v7;
	_ =	sdelay $0x1  }
0xb3: {  	v3 =	vadd.s32 @!p0 v6, v3;
	_ =	sdelay $0x1  }
0xb4: {  	s6 =	simm.s32 @!p0 $0xA580  }
0xb5: {  	[tilespmem:s6], [sflag:$0x4] =	stream.indirect_vreg.gather @!p0 [hbm4b:s4+s11], $0x80, v7, vm1, $0xb8;
	[tilespmem:$0xC580] =	vst v63  }
0xb6: {  	s6 =	simm.s32 @!p0 $0xAD80  }
0xb7: {  	[tilespmem:s6], [sflag:$0x4] =	stream.indirect_vreg.gather @!p0 [hbm4b:s4+s11], $0x80, v3, vm1, $0xb8;
	[tilespmem:$0xC580] =	vst v63  }
0xb8: {  	v3 =	vld @!p0 [tilespmem:s30+$0x10];
	_ =	sdelay $0x4  }
0xb9: {  	v7 =	vshll.u32 @!p0 v3, $0x1  }
0xba: {  	v3 =	vand.u32 @!p0 $0x7, v3;
	v7 =	vand.u32 @!p0 $0xFFFFFFF0, v7  }
0xbb: {  	v3 =	vor.u32 @!p0 v3, v7  }
0xbc: {  	v4 =	vperm.xlane @!p0 v3, v4;
	_ =	sdelay $0x1  }
0xbd: {  	v3 =	vperm.xlane @!p0 v3, v5;
	v4 =	vadd.s32 @!p0 v6, v4;
	_ =	sdelay $0x1  }
0xbe: {  	v3 =	vadd.s32 @!p0 v6, v3;
	_ =	sdelay $0x1  }
0xbf: {  	s6 =	simm.s32 @!p0 $0xB580  }
0xc0: {  	[tilespmem:s6], [sflag:$0x4] =	stream.indirect_vreg.gather @!p0 [hbm4b:s4+s11], $0x80, v4, vm1, $0xb8;
	[tilespmem:$0xC580] =	vst v63  }
0xc1: {  	s6 =	simm.s32 @!p0 $0xBD80  }
0xc2: {  	[tilespmem:s6], [sflag:$0x4] =	stream.indirect_vreg.gather @!p0 [hbm4b:s4+s11], $0x80, v3, vm1, $0xb8;
	[tilespmem:$0xC580] =	vst v63  }
0xc3: {  	_ =	swait.ge [sflag:s13], $0x3000  }
0xc4: {  	[sflag:s13] =	ssyncset.done $0x0  }
0xc5: {  	s11 =	sadd.s32 $0x600, s0;
	[sflag:s13] =	ssyncadd.s32 $0xFFFFD000  }
0xc6: {  	[hbm4b:s11+s3] =	stream.linear.scatter [tilespmem:s16], [sflag:$0x6], $0x3000, $0x38;
	[tilespmem:$0xC580] =	vst v63  }
0xc7: {  	_ =	swait.ge [sflag:s14], $0x3000  }
0xc8: {  	[sflag:s14] =	ssyncset.done $0x0  }
0xc9: {  	p1 =	seq.s32 s1, $0x9000;
	[sflag:s14] =	ssyncadd.s32 $0xFFFFD000  }
0xca: {  	v3 =	vld @!p1 [tilespmem:s30+$0x20];
	_ =	sdelay $0x4  }
0xcb: {  	v4 =	vshll.u32 @!p1 v3, $0x1  }
0xcc: {  	v5 =	vlaneseq.u32 @!p1;
	v3 =	vand.u32 @!p1 $0x7, v3;
	v4 =	vand.u32 @!p1 $0xFFFFFFF0, v4  }
0xcd: {  	v6 =	vshrl.u32 @!p1 v5, $0x3;
	v3 =	vor.u32 @!p1 v3, v4;
	v4 =	vand.u32 @!p1 $0x7, v5  }
0xce: {  	v6 =	vmul.u32 @!p1 $0x8, v6;
	v7 =	vperm.xlane @!p1 v3, v4  }
0xcf: {  	v5 =	vor.u32 @!p1 $0x8, v5  }
0xd0: {  	v3 =	vperm.xlane @!p1 v3, v5;
	v7 =	vadd.s32 @!p1 v6, v7;
	_ =	sdelay $0x1  }
0xd1: {  	v3 =	vadd.s32 @!p1 v6, v3;
	_ =	sdelay $0x1  }
0xd2: {  	vm1 =	vmmov @!p1 $0xffff;
	s6 =	simm.s32 @!p1 $0x580;
	s11 =	simm.s32 @!p1 $0x0  }
0xd3: {  	[tilespmem:s6], [sflag:$0x1] =	stream.indirect_vreg.gather @!p1 [hbm4b:s4+s11], $0x80, v7, vm1, $0xb8;
	[tilespmem:$0xC580] =	vst v63  }
0xd4: {  	s6 =	simm.s32 @!p1 $0xD80  }
0xd5: {  	[tilespmem:s6], [sflag:$0x1] =	stream.indirect_vreg.gather @!p1 [hbm4b:s4+s11], $0x80, v3, vm1, $0xb8;
	[tilespmem:$0xC580] =	vst v63  }
0xd6: {  	v3 =	vld @!p1 [tilespmem:s30+$0x30];
	_ =	sdelay $0x4  }
0xd7: {  	v7 =	vshll.u32 @!p1 v3, $0x1  }
0xd8: {  	v3 =	vand.u32 @!p1 $0x7, v3;
	v7 =	vand.u32 @!p1 $0xFFFFFFF0, v7  }
0xd9: {  	v3 =	vor.u32 @!p1 v3, v7  }
0xda: {  	v7 =	vperm.xlane @!p1 v3, v4;
	_ =	sdelay $0x1  }
0xdb: {  	v3 =	vperm.xlane @!p1 v3, v5;
	v7 =	vadd.s32 @!p1 v6, v7;
	_ =	sdelay $0x1  }
0xdc: {  	v3 =	vadd.s32 @!p1 v6, v3;
	_ =	sdelay $0x1  }
0xdd: {  	s6 =	simm.s32 @!p1 $0x1580  }
0xde: {  	[tilespmem:s6], [sflag:$0x1] =	stream.indirect_vreg.gather @!p1 [hbm4b:s4+s11], $0x80, v7, vm1, $0xb8;
	[tilespmem:$0xC580] =	vst v63  }
0xdf: {  	s6 =	simm.s32 @!p1 $0x1D80  }
0xe0: {  	[tilespmem:s6], [sflag:$0x1] =	stream.indirect_vreg.gather @!p1 [hbm4b:s4+s11], $0x80, v3, vm1, $0xb8;
	[tilespmem:$0xC580] =	vst v63  }
0xe1: {  	v3 =	vld @!p1 [tilespmem:s30+$0x40];
	_ =	sdelay $0x4  }
0xe2: {  	v7 =	vshll.u32 @!p1 v3, $0x1  }
0xe3: {  	v3 =	vand.u32 @!p1 $0x7, v3;
	v7 =	vand.u32 @!p1 $0xFFFFFFF0, v7  }
0xe4: {  	v3 =	vor.u32 @!p1 v3, v7  }
0xe5: {  	v7 =	vperm.xlane @!p1 v3, v4;
	_ =	sdelay $0x1  }
0xe6: {  	v3 =	vperm.xlane @!p1 v3, v5;
	v7 =	vadd.s32 @!p1 v6, v7;
	_ =	sdelay $0x1  }
0xe7: {  	v3 =	vadd.s32 @!p1 v6, v3;
	_ =	sdelay $0x1  }
0xe8: {  	s6 =	simm.s32 @!p1 $0x2580  }
0xe9: {  	[tilespmem:s6], [sflag:$0x1] =	stream.indirect_vreg.gather @!p1 [hbm4b:s4+s11], $0x80, v7, vm1, $0xb8;
	[tilespmem:$0xC580] =	vst v63  }
0xea: {  	s6 =	simm.s32 @!p1 $0x2D80  }
0xeb: {  	[tilespmem:s6], [sflag:$0x1] =	stream.indirect_vreg.gather @!p1 [hbm4b:s4+s11], $0x80, v3, vm1, $0xb8;
	[tilespmem:$0xC580] =	vst v63  }
0xec: {  	_ =	swait.ge [sflag:s15], $0x3000  }
0xed: {  	[sflag:s15] =	ssyncset.done $0x0  }
0xee: {  	s0 =	sadd.s32 $0xC00, s0;
	[sflag:s15] =	ssyncadd.s32 $0xFFFFD000  }
0xef: {  	[hbm4b:s0+s3] =	stream.linear.scatter [tilespmem:s22], [sflag:$0x7], $0x3000, $0x38;
	[tilespmem:$0xC580] =	vst v63  }
0xf0: {  	_ =	swait.ge [sflag:s17], $0x3000  }
0xf1: {  	[sflag:s17] =	ssyncset.done $0x0  }
0xf2: {  	[sflag:s17] =	ssyncadd.s32 $0xFFFFD000  }
0xf3: {  	v3 =	vld @!p1 [tilespmem:s30+$0x50];
	_ =	sdelay $0x4  }
0xf4: {  	v7 =	vshll.u32 @!p1 v3, $0x1  }
0xf5: {  	v3 =	vand.u32 @!p1 $0x7, v3;
	v7 =	vand.u32 @!p1 $0xFFFFFFF0, v7  }
0xf6: {  	v3 =	vor.u32 @!p1 v3, v7  }
0xf7: {  	v7 =	vperm.xlane @!p1 v3, v4;
	_ =	sdelay $0x1  }
0xf8: {  	v3 =	vperm.xlane @!p1 v3, v5;
	v7 =	vadd.s32 @!p1 v6, v7;
	_ =	sdelay $0x1  }
0xf9: {  	v3 =	vadd.s32 @!p1 v6, v3;
	_ =	sdelay $0x1  }
0xfa: {  	s0 =	simm.s32 @!p1 $0x3580  }
0xfb: {  	[tilespmem:s0], [sflag:$0x2] =	stream.indirect_vreg.gather @!p1 [hbm4b:s4+s11], $0x80, v7, vm1, $0xb8;
	[tilespmem:$0xC580] =	vst v63  }
0xfc: {  	s0 =	simm.s32 @!p1 $0x3D80  }
0xfd: {  	[tilespmem:s0], [sflag:$0x2] =	stream.indirect_vreg.gather @!p1 [hbm4b:s4+s11], $0x80, v3, vm1, $0xb8;
	[tilespmem:$0xC580] =	vst v63  }
0xfe: {  	v3 =	vld @!p1 [tilespmem:s30+$0x60];
	_ =	sdelay $0x4  }
0xff: {  	v7 =	vshll.u32 @!p1 v3, $0x1  }
0x100: {  	v3 =	vand.u32 @!p1 $0x7, v3;
	v7 =	vand.u32 @!p1 $0xFFFFFFF0, v7  }
0x101: {  	v3 =	vor.u32 @!p1 v3, v7  }
0x102: {  	v7 =	vperm.xlane @!p1 v3, v4;
	_ =	sdelay $0x1  }
0x103: {  	v3 =	vperm.xlane @!p1 v3, v5;
	v7 =	vadd.s32 @!p1 v6, v7;
	_ =	sdelay $0x1  }
0x104: {  	v3 =	vadd.s32 @!p1 v6, v3;
	_ =	sdelay $0x1  }
0x105: {  	s0 =	simm.s32 @!p1 $0x4580  }
0x106: {  	[tilespmem:s0], [sflag:$0x2] =	stream.indirect_vreg.gather @!p1 [hbm4b:s4+s11], $0x80, v7, vm1, $0xb8;
	[tilespmem:$0xC580] =	vst v63  }
0x107: {  	s0 =	simm.s32 @!p1 $0x4D80  }
0x108: {  	[tilespmem:s0], [sflag:$0x2] =	stream.indirect_vreg.gather @!p1 [hbm4b:s4+s11], $0x80, v3, vm1, $0xb8;
	[tilespmem:$0xC580] =	vst v63  }
0x109: {  	v3 =	vld @!p1 [tilespmem:s30+$0x70];
	_ =	sdelay $0x4  }
0x10a: {  	v7 =	vshll.u32 @!p1 v3, $0x1  }
0x10b: {  	v3 =	vand.u32 @!p1 $0x7, v3;
	v7 =	vand.u32 @!p1 $0xFFFFFFF0, v7  }
0x10c: {  	v3 =	vor.u32 @!p1 v3, v7  }
0x10d: {  	v4 =	vperm.xlane @!p1 v3, v4;
	_ =	sdelay $0x1  }
0x10e: {  	v3 =	vperm.xlane @!p1 v3, v5;
	v4 =	vadd.s32 @!p1 v6, v4;
	_ =	sdelay $0x1  }
0x10f: {  	v3 =	vadd.s32 @!p1 v6, v3;
	_ =	sdelay $0x1  }
0x110: {  	s6 =	smov.u32 s31;
	s0 =	simm.s32 @!p1 $0x5580  }
0x111: {  	[tilespmem:s0], [sflag:$0x2] =	stream.indirect_vreg.gather @!p1 [hbm4b:s4+s11], $0x80, v4, vm1, $0xb8;
	[tilespmem:$0xC580] =	vst v63  }
0x112: {  	s6 =	simm.s32 @p0 $0x90;
	s0 =	simm.s32 @!p1 $0x5D80  }
0x113: {  	[tilespmem:s0], [sflag:$0x2] =	stream.indirect_vreg.gather @!p1 [hbm4b:s4+s11], $0x80, v3, vm1, $0xb8;
	[tilespmem:$0xC580] =	vst v63  }
0x114: {  	s11 =	sadd.s32 s2, s6;
	_ =	swait.ge [sflag:s18], $0x3000  }
0x115: {  	s0 =	sshll.u32 s11, $0x5;
	[sflag:s18] =	ssyncset.done $0x0  }
.Ltmp2:
0x116: {  	s0 =	sadd.s32 s5, s0;
	[sflag:s18] =	ssyncadd.s32 $0xFFFFD000;
	(pc) =	sbr.rel @p1 .LBB2_4-.Ltmp2, $4  }
0x117: {  	[hbm4b:s0+s3] =	stream.linear.scatter [tilespmem:s29], [sflag:$0x8], $0x3000, $0x38;
	[tilespmem:$0xC580] =	vst v63  }
0x118: {  	_ =	swait.ge [sflag:s19], $0x3000  }
0x119: {  	[sflag:s19] =	ssyncset.done $0x0  }
0x11a: {  	[sflag:s19] =	ssyncadd.s32 $0xFFFFD000  }
0x11b: {  	v3 =	vld [tilespmem:s30+$0x80];
	_ =	sdelay $0x4  }
0x11c: {  	v4 =	vshll.u32 v3, $0x1  }
0x11d: {  	v3 =	vand.u32 $0x7, v3;
	v4 =	vand.u32 $0xFFFFFFF0, v4  }
0x11e: {  	v3 =	vor.u32 v3, v4  }
0x11f: {  	v4 =	vperm.xlane v3, v0;
	_ =	sdelay $0x1  }
0x120: {  	v3 =	vperm.xlane v3, v2;
	v4 =	vadd.s32 v1, v4;
	_ =	sdelay $0x1  }
0x121: {  	v3 =	vadd.s32 v1, v3;
	_ =	sdelay $0x2  }
0x122: {  	[tilespmem:s22], [sflag:$0x3] =	stream.indirect_vreg.gather [hbm4b:s4+s3], $0x80, v4, vm0, $0xb8;
	[tilespmem:$0xC580] =	vst v63  }
0x123: {  	_ = 	snop  }
0x124: {  	[tilespmem:s23], [sflag:$0x3] =	stream.indirect_vreg.gather [hbm4b:s4+s3], $0x80, v3, vm0, $0xb8;
	[tilespmem:$0xC580] =	vst v63  }
0x125: {  	v3 =	vld [tilespmem:s30+$0x90];
	_ =	sdelay $0x4  }
0x126: {  	v62 =	vshll.u32 v3, $0x1  }
0x127: {  	v3 =	vand.u32 $0x7, v3;
	v4 =	vand.u32 $0xFFFFFFF0, v62  }
0x128: {  	v3 =	vor.u32 v3, v4  }
0x129: {  	v4 =	vperm.xlane v3, v0;
	_ =	sdelay $0x1  }
0x12a: {  	v3 =	vperm.xlane v3, v2;
	v4 =	vadd.s32 v1, v4;
	_ =	sdelay $0x1  }
0x12b: {  	v3 =	vadd.s32 v1, v3;
	_ =	sdelay $0x2  }
0x12c: {  	[tilespmem:s24], [sflag:$0x3] =	stream.indirect_vreg.gather [hbm4b:s4+s3], $0x80, v4, vm0, $0xb8;
	[tilespmem:$0xC580] =	vst v63  }
0x12d: {  	_ = 	snop  }
0x12e: {  	[tilespmem:s25], [sflag:$0x3] =	stream.indirect_vreg.gather [hbm4b:s4+s3], $0x80, v3, vm0, $0xb8;
	[tilespmem:$0xC580] =	vst v63  }
0x12f: {  	v3 =	vld [tilespmem:s30+$0xA0];
	_ =	sdelay $0x4  }
0x130: {  	v63 =	vshll.u32 v3, $0x1  }
0x131: {  	v3 =	vand.u32 $0x7, v3;
	v4 =	vand.u32 $0xFFFFFFF0, v63  }
0x132: {  	v3 =	vor.u32 v3, v4  }
0x133: {  	v4 =	vperm.xlane v3, v0;
	_ =	sdelay $0x1  }
0x134: {  	v3 =	vperm.xlane v3, v2;
	v4 =	vadd.s32 v1, v4;
	_ =	sdelay $0x1  }
0x135: {  	v3 =	vadd.s32 v1, v3  }
.Ltmp3:
0x136: {  	_ = 	snop;
	(pc) =	sbr.rel .LBB2_2-.Ltmp3, $4  }
0x137: {  	_ = 	snop  }
0x138: {  	[tilespmem:s26], [sflag:$0x3] =	stream.indirect_vreg.gather [hbm4b:s4+s3], $0x80, v4, vm0, $0xb8;
	[tilespmem:$0xC580] =	vst v63  }
0x139: {  	s1 =	sadd.s32 $0x1800, s1;
	s31 =	sadd.s32 $0xC0, s31;
	s30 =	sadd.s32 $0xC0, s30  }
0x13a: {  	[tilespmem:s28], [sflag:$0x3] =	stream.indirect_vreg.gather [hbm4b:s4+s3], $0x80, v3, vm0, $0xb8;
	[tilespmem:$0xC580] =	vst v63  }
.LBB2_5:
0x13b: {  	_ =	sfence.sel $0x180000  }
0x13c: {  	[bflag:$0x0] =	sbarrier.arrive $0xFFFF  }
0x13d: {  	_ =	strace $0x9000004D  }
0x13e: {  	s0 =	stileid.u32;
	[bflag:$0x2] =	sbarrier.arrive $0xFFFF  }
0x13f: {  	p0 =	sne.s32 s0, $0x0;
	s0 =	rddreg [dreg:$0x1]  }
0x140: {  	s0 =	sadd.s32 @!p0 $0x100000, s0  }
0x141: {  	[sflag:s0] =	ssyncadd.tile.s32 @!p0 $0x1;
	_ =	shalt  }
.Lfunc_end2:
_tile_overlayer_lowered:
.L_overlay_start_2:
0x142: {  	(tag) =	ssettag $0x2  }
0x143: {  	s0 =	rddreg [dreg:$0x0];
	s2 =	stileid.u32  }
0x144: {  	s1 =	rddreg [dreg:$0x1];
	p0 =	sne.s32 s2, $0x0  }
0x145: {  	s3 =	rddreg [dreg:$0x2];
	[bflag:$0x3] =	sbarrier.arrive $0xFFFF;
	s2 =	simm.s32 @!p0 $0x1C09  }
0x146: {  	[timem:s3], [sflag:s2] =	dma.local @!p0 [hbm:s0], s1  }
0x147: {  	s0 =	simm.s32 @!p0 $0x9  }
0x148: {  	_ =	swait.ge @!p0 [sflag:s0], s1  }
0x149: {  	s1 =	ssub.s32 @!p0 $0x0, s1;
	[sflag:s0] =	ssyncset.done @!p0 $0x0  }
0x14a: {  	[sflag:s0] =	ssyncadd.s32 @!p0 s1  }
0x14b: {  	[bflag:$0x3] =	sbarrier.arrive $0xFFFF  }
0x14c: {  	_ =	shalt  }

// kernel: kernel.21.cloned.1.call-start
scs
__scs_entry_jumppad:
0x0: {  	(pc) =	sbr.rel $0x88, $3  }
0x1: {  	(tag) =	ssettag $0x0;
	lr =	simm.s32 $0x1  }
0x2: {  	[smem:$0x3F99] =	sst lr;
	_ =	strace $0xD0000000  }
0x3: {  	_ = 	snop  }
0x4: {  	_ = 	snop  }
0x5: {  	_ = 	snop  }
0x6: {  	_ = 	snop  }
0x7: {  	_ = 	snop  }
__scs_overlays_trampoline_lowered:
0x8: {  	[smem:$0x3FA8] =	sst s0  }
0x9: {  	[smem:$0x3FA9] =	sst s1  }
0xa: {  	[smem:$0x3FAA] =	sst s2  }
0xb: {  	[smem:$0x3FAB] =	sst s3  }
0xc: {  	[smem:$0x3FAC] =	sst s4  }
0xd: {  	[smem:$0x3FAD] =	sst s5  }
0xe: {  	[smem:$0x3FAE] =	sst s6  }
0xf: {  	[smem:$0x3FAF] =	sst s7  }
0x10: {  	[smem:$0x3FB0] =	sst s8  }
0x11: {  	[smem:$0x3FB1] =	sst s9;
	s0 =	simm.s32 @!p0 $0x0  }
0x12: {  	s1 =	sld [smem:$0x3F97];
	s0 =	simm.s32 @p0 $0x1  }
0x13: {  	[smem:$0x3FB2] =	sst s0;
	s0 =	simm.s32 @!p1 $0x0  }
0x14: {  	s2 =	sld [smem:$0x3F96];
	s0 =	simm.s32 @p1 $0x1  }
0x15: {  	[smem:$0x3FB3] =	sst s0;
	s0 =	simm.s32 @!p2 $0x0  }
0x16: {  	s3 =	sld [smem:$0x3FDB];
	s0 =	simm.s32 @p2 $0x1  }
0x17: {  	s4 =	simm.s32 $0x1BF5;
	[smem:$0x3FB5] =	sst s0  }
0x18: {  	s0 =	sld [smem:$0x3F98];
	_ =	swait.ge [sflag:s4], $0x0  }
0x19: {  	s7 =	sld [smem:$0x3F99]  }
0x1a: {  	s8 =	sadd.s32 $0xFFFFE003, lr  }
0x1b: {  	s9 =	sadd.s32 $0xFFFFFEF7, lr;
	s5 =	simm.s32 $0xFFFFFFFF;
	p2 =	slt.u32 s8, $0xFFFFF086  }
0x1c: {  	p1 =	slt.u32 s9, $0xF7A;
	s5 =	simm.s32 @!p2 $0x0  }
0x1d: {  	s5 =	simm.s32 @p1 $0x1;
	p0 =	seq.s32 s7, s2  }
0x1e: {  	s7 =	smul.u32 @!p0 $0xF7A, s2;
	p2 =	seq.s32 @!p0 s5, $0x0  }
0x1f: {  	s9 =	smul.u32 $0xF7A, s1;
	s8 =	simm.s32 @!p0 $0x1BF5;
	p2 =	por !p2, p0  }
0x20: {  	[sflag:s8] =	ssyncset.s32 @!p0 $0xFFFFF086;
	s6 =	sadd.s32 @!p0 s3, s7;
	s7 =	simm.s32 @!p0 $0x108  }
0x21: {  	s3 =	sadd.s32 s3, s9;
	s6 =	sadd.s32 @!p0 $0x88, s6;
	s7 =	simm.s32 @p2 $0x1082  }
0x22: {  	[simem:s7], [sflag:s8] =	dma.local @!p0 [hbm:s6], $0xF7A  }
0x23: {  	s9 =	sor.u32 $0xD0000000, s2;
	s6 =	simm.s32 $0x108;
	_ =	swait.ge @!p0 [sflag:s8], $0x0  }
0x24: {  	s3 =	sadd.s32 $0x88, s3;
	s6 =	simm.s32 @!p1 $0x1082;
	[sflag:s4] =	ssyncset.s32 $0xFFFFF086  }
0x25: {  	[simem:s6], [sflag:s4] =	dma.local [hbm:s3], $0xF7A  }
0x26: {  	[smem:$0x3F99] =	sst s1;
	(tag) =	ssettag s2;
	_ =	strace s9  }
0x27: {  	s1 =	sld [smem:$0x3FA9]  }
0x28: {  	s2 =	sld [smem:$0x3FAA]  }
0x29: {  	s4 =	sld [smem:$0x3FAC]  }
0x2a: {  	p0 =	seq.s32 s5, $0x0;
	s5 =	sld [smem:$0x3FAD]  }
0x2b: {  	s6 =	sld [smem:$0x3FAE]  }
0x2c: {  	s7 =	sld [smem:$0x3FAF]  }
0x2d: {  	s3 =	simm.s32 $0x108;
	s8 =	sld [smem:$0x3FB0]  }
0x2e: {  	s3 =	simm.s32 @!p0 $0x1082;
	s9 =	sld [smem:$0x3FB1]  }
0x2f: {  	lr =	sadd.s32 s0, s3;
	s0 =	sld [smem:$0x3FA8]  }
0x30: {  	s3 =	sld [smem:$0x3FAB]  }
0x31: {  	[smem:$0x3FB4] =	sst s10  }
0x32: {  	s10 =	sld [smem:$0x3FB2];
	_ =	sdelay $0x3  }
0x33: {  	p0 =	seq.s32 s10, $0x1;
	s10 =	sld [smem:$0x3FB4];
	_ =	sdelay $0x3  }
0x34: {  	[smem:$0x3FB4] =	sst s10  }
0x35: {  	s10 =	sld [smem:$0x3FB3];
	_ =	sdelay $0x3  }
0x36: {  	p1 =	seq.s32 s10, $0x1;
	s10 =	sld [smem:$0x3FB4];
	_ =	sdelay $0x3  }
0x37: {  	[smem:$0x3FB4] =	sst s10  }
0x38: {  	s10 =	sld [smem:$0x3FB5]  }
0x39: {  	_ = 	snop;
	(pc) =	sbr.ind lr, $3  }
0x3a: {  	_ = 	snop  }
0x3b: {  	_ = 	snop  }
0x3c: {  	p2 =	seq.s32 s10, $0x1;
	s10 =	sld [smem:$0x3FB4]  }
0x3d: {  	_ =	shalt  }
0x3e: {  	_ =	shalt  }
0x3f: {  	_ =	shalt  }
0x40: {  	_ =	shalt  }
0x41: {  	_ =	shalt  }
0x42: {  	_ =	shalt  }
0x43: {  	_ =	shalt  }
0x44: {  	_ =	shalt  }
0x45: {  	_ =	shalt  }
0x46: {  	_ =	shalt  }
0x47: {  	_ =	shalt  }
0x48: {  	_ =	shalt  }
0x49: {  	_ =	shalt  }
0x4a: {  	_ =	shalt  }
0x4b: {  	_ =	shalt  }
0x4c: {  	_ =	shalt  }
0x4d: {  	_ =	shalt  }
0x4e: {  	_ =	shalt  }
0x4f: {  	_ =	shalt  }
0x50: {  	_ =	shalt  }
0x51: {  	_ =	shalt  }
0x52: {  	_ =	shalt  }
0x53: {  	_ =	shalt  }
0x54: {  	_ =	shalt  }
0x55: {  	_ =	shalt  }
0x56: {  	_ =	shalt  }
0x57: {  	_ =	shalt  }
0x58: {  	_ =	shalt  }
0x59: {  	_ =	shalt  }
0x5a: {  	_ =	shalt  }
0x5b: {  	_ =	shalt  }
0x5c: {  	_ =	shalt  }
0x5d: {  	_ =	shalt  }
0x5e: {  	_ =	shalt  }
0x5f: {  	_ =	shalt  }
0x60: {  	_ =	shalt  }
0x61: {  	_ =	shalt  }
0x62: {  	_ =	shalt  }
0x63: {  	_ =	shalt  }
0x64: {  	_ =	shalt  }
0x65: {  	_ =	shalt  }
0x66: {  	_ =	shalt  }
0x67: {  	_ =	shalt  }
0x68: {  	_ =	shalt  }
0x69: {  	_ =	shalt  }
0x6a: {  	_ =	shalt  }
0x6b: {  	_ =	shalt  }
0x6c: {  	_ =	shalt  }
0x6d: {  	_ =	shalt  }
0x6e: {  	_ =	shalt  }
0x6f: {  	_ =	shalt  }
0x70: {  	_ =	shalt  }
0x71: {  	_ =	shalt  }
0x72: {  	_ =	shalt  }
0x73: {  	_ =	shalt  }
0x74: {  	_ =	shalt  }
0x75: {  	_ =	shalt  }
0x76: {  	_ =	shalt  }
0x77: {  	_ =	shalt  }
0x78: {  	_ =	shalt  }
0x79: {  	_ =	shalt  }
0x7a: {  	_ =	shalt  }
0x7b: {  	_ =	shalt  }
0x7c: {  	_ =	shalt  }
0x7d: {  	_ =	shalt  }
0x7e: {  	_ =	shalt  }
0x7f: {  	_ =	shalt  }
0x80: {  	_ =	shalt  }
0x81: {  	_ =	shalt  }
0x82: {  	_ =	shalt  }
0x83: {  	_ =	shalt  }
0x84: {  	_ =	shalt  }
0x85: {  	_ =	shalt  }
0x86: {  	_ =	shalt  }
0x87: {  	_ =	shalt  }
.Lfunc_end0:
.L_simem_size_0:
called_computation.3_lowered:
.L_overlay_start_0:
0x88: {  	s2 =	sld [smem:$0x3FD9]  }
0x89: {  	s3 =	sld [smem:$0x3FFE];
	_ =	sdelay $0x1  }
0x8a: {  	s1 =	srdreg.scid  }
0x8b: {  	s0 =	sand.u32 $0x1, s1  }
0x8c: {  	s17 =	sshll.u32 s0, $0xA;
	s2 =	sadd.s32 s3, s2  }
0x8d: {  	s2 =	sadd.s32 s2, s17  }
0x8e: {  	[smem:$0x3FC0] =	sst s2  }
0x8f: {  	_ = 	snop  }
0x90: {  	(tm) =	ssettm $0x1  }
0x91: {  	s18 =	sld [smem:$0x3FFB];
	_ =	sdelay $0x3  }
0x92: {  	_ =	strace s18  }
0x93: {  	s2 =	sld [smem:$0x3FFC];
	_ =	sdelay $0x3  }
0x94: {  	_ =	strace s2  }
0x95: {  	s2 =	sld [smem:$0x3FFD];
	_ =	sdelay $0x3  }
0x96: {  	_ =	strace s2  }
0x97: {  	_ =	strace $0x8FFFFFFF  }
0x98: {  	s19 =	sld [smem:$0x3FDB];
	_ =	sdelay $0x1  }
0x99: {  	s20 =	simm.s32 $_scs_section_size  }
0x9a: {  	s4 =	simm.s32 $_size__tile_overlayer_lowered;
	s5 =	simm.s32 $_tile_overlayer_lowered  }
0x9b: {  	s6 =	simm.s32 $0x1BFF;
	s21 =	sshll.u32 s5, $0x1;
	s3 =	sadd.s32 s20, s19  }
0x9c: {  	s22 =	simm.s32 $0x0;
	s4 =	sshll.u32 s4, $0x1;
	s5 =	sadd.s32 s21, s3  }
0x9d: {  	[timem:s22], [sflag:s6] =	dma.local [hbm:s5], s4  }
0x9e: {  	_ =	swait.ge [sflag:s6], s4  }
0x9f: {  	s4 =	ssub.s32 $0x0, s4;
	[sflag:s6] =	ssyncset.done $0x0  }
0xa0: {  	[sflag:s6] =	ssyncadd.s32 s4;
	_ =	sdelay $0x1  }
0xa1: {  	s23 =	simm.s32 $0x1B8B  }
0xa2: {  	_ =	swait.ge [sflag:s23], $0x1  }
0xa3: {  	[sflag:s23] =	ssyncset.done $0x0  }
0xa4: {  	[sflag:s23] =	ssyncadd.s32 $0xFFFFFFFF  }
0xa5: {  	s4 =	sld [smem:$0x0]  }
0xa6: {  	s5 =	sand.u32 $0xFFFFFFFE, s1  }
0xa7: {  	p0 =	sne.s32 s1, s5  }
0xa8: {  	s5 =	sshll.u32 @p0 s5, $0xE  }
0xa9: {  	s5 =	sadd.s32 @p0 $0x11B8D, s5;
	s6 =	sshll.u32 @p0 s4, $0x11  }
0xaa: {  	s5 =	sor.u32 @p0 s6, s5  }
0xab: {  	[sflag:s5] =	ssyncadd.remote.s32 @p0 $0x1;
	_ =	sdelay $0x1  }
0xac: {  	s5 =	simm.s32 @p0 $0x1B8D  }
0xad: {  	_ =	swait.eq @p0 [sflag:s5], $0x1  }
0xae: {  	[sflag:s5] =	ssyncadd.s32 @p0 $0xFFFFFFFF  }
0xaf: {  	s6 =	sshll.u32 @!p0 s1, $0xE  }
0xb0: {  	s6 =	sor.u32 @!p0 $0x4000, s6;
	s5 =	simm.s32 @!p0 $0x1B8D  }
0xb1: {  	s4 =	sshll.u32 @!p0 s4, $0x11;
	s6 =	sadd.s32 @!p0 $0x11B8D, s6;
	_ =	swait.eq @!p0 [sflag:s5], $0x1  }
0xb2: {  	s4 =	sor.u32 @!p0 s4, s6;
	[sflag:s5] =	ssyncadd.s32 @!p0 $0xFFFFFFFF  }
0xb3: {  	s25 =	simm.s32 $0x1B8E;
	s24 =	sld [smem:$0x3FFE];
	[sflag:s4] =	ssyncadd.remote.s32 @!p0 $0x1  }
0xb4: {  	s26 =	simm.s32 $execute0_lowered;
	[smem:$0x3FD2] =	sst s25  }
0xb5: {  	s5 =	sshll.u32 s26, $0x1;
	_ =	strace $0x8000004F;
	[dreg:$0x1] =	wrdreg $0xFFFFFFFF  }
0xb6: {  	s28 =	simm.s32 $_size_execute0_lowered;
	s3 =	sadd.s32 s3, s5;
	[dreg:$0x0] =	wrdreg $0x0  }
0xb7: {  	s5 =	sshll.u32 s28, $0x1;
	[dreg:$0x2] =	wrdreg s3  }
0xb8: {  	[dreg:$0x3] =	wrdreg s5  }
0xb9: {  	[dreg:$0x4] =	wrdreg $0xC0  }
0xba: {  	_ =	task [dreg:s22], $0x5FFFF  }
0xbb: {  	[dreg:$0x1] =	wrdreg $0xFFFFFFFF  }
0xbc: {  	[dreg:$0x0] =	wrdreg $0x60  }
0xbd: {  	[dreg:$0x2] =	wrdreg s24  }
0xbe: {  	[dreg:$0x3] =	wrdreg $0xC  }
0xbf: {  	_ =	task.clear_ibuf [dreg:s22], $0x4FFFF;
	_ =	strace $0x9000004F  }
0xc0: {  	s29 =	simm.s32 $0xC;
	_ =	strace $0x80000051  }
0xc1: {  	_ =	swait.ge [sflag:s29], $0x1  }
0xc2: {  	[sflag:s29] =	ssyncadd.s32 $0xFFFFFFFF  }
0xc3: {  	_ =	strace $0x90000051  }
0xc4: {  	_ =	sfence  }
0xc5: {  	s30 =	sld [smem:$0x0];
	_ =	sdelay $0x2  }
0xc6: {  	s31 =	sshll.u32 s1, $0xD;
	s1 =	sshrl.u32 s1, $0x2  }
0xc7: {  	s4 =	sand.u32 $0x4000, s31;
	s1 =	sadd.s32 s1, s30  }
0xc8: {  	s0 =	sor.u32 s4, s0;
	s1 =	sshll.u32 s1, $0x11  }
0xc9: {  	s0 =	sor.u32 s1, s0  }
0xca: {  	s0 =	sadd.s32 $0x8F2B, s0  }
0xcb: {  	[sflag:s0] =	ssyncadd.remote.s32 $0x1  }
0xcc: {  	_ =	sfence.sel $0xFFFF  }
0xcd: {  	[dreg:$0x0] =	wrdreg $0xFFFFFFFF;
	(pc) =	sbr.abs _section_cstart, $3  }
0xce: {  	[dreg:$0x1] =	wrdreg $0xFFFFFFFF  }
0xcf: {  	_ =	task.clear_ibuf [dreg:s22], $0x2FFFF;
	_ =	strace $0x9FFFFFFF  }
0xd0: {  	(tm) =	ssettm $0x7FFFFFFF  }
0xd1: {  	_ =	shalt  }
tec
execute0_lowered:
.L_overlay_start_1:
0x0: {  	(tag) =	ssettag $0x1  }
0x1: {  	s0 =	srdreg.scid;
	s7 =	stileid.u32  }
0x2: {  	s5 =	rddreg [dreg:$0x0];
	s3 =	simm.s32 $0x0;
	s9 =	simm.s32 $0x9  }
0x3: {  	s10 =	simm.s32 $0x580;
	s16 =	simm.s32 $0x3580;
	s22 =	simm.s32 $0x6580  }
0x4: {  	s23 =	simm.s32 $0x6D80;
	s24 =	simm.s32 $0x7580;
	s25 =	simm.s32 $0x7D80  }
0x5: {  	s26 =	simm.s32 $0x8580;
	s28 =	simm.s32 $0x8D80;
	s29 =	simm.s32 $0x9580  }
0x6: {  	s12 =	simm.s32 $0x1;
	s13 =	simm.s32 $0x2;
	s14 =	simm.s32 $0x5  }
0x7: {  	s15 =	simm.s32 $0x3;
	s17 =	simm.s32 $0x6;
	s18 =	simm.s32 $0x4  }
0x8: {  	s19 =	simm.s32 $0x7;
	s0 =	sand.u32 $0x1, s0;
	s1 =	sshll.u32 s7, $0x1  }
0x9: {  	s20 =	simm.s32 $0x8;
	s7 =	smul.u32 $0x15000, s7;
	s1 =	sor.u32 s0, s1  }
0xa: {  	s21 =	simm.s32 $0x0;
	[smem:$0x7FF] =	sst s3;
	s2 =	smul.u32 $0x540, s1  }
.Ltmp0:
0xb: {  	s4 =	sadd.s32 $0x1C00, s5;
	_ =	strace $0x80000050;
	(pc) =	sbr.rel .LBB2_1-.Ltmp0, $4  }
0xc: {  	s6 =	ssub.s32 $0x2, s0;
	s0 =	smul.u32 $0xA800, s0;
	s1 =	sshrl.u32 s2, $0x3  }
0xd: {  	v2 =	vlaneseq.u32;
	s8 =	sshrl.u32 s6, $0x1;
	s1 =	sadd.s32 s1, s5;
	s5 =	sadd.s32 $0x434E00, s5  }
0xe: {  	vm0 =	vmmov $0xffff;
	v1 =	vshrl.u32 v2, $0x3;
	s8 =	ssub.s32 s6, s8;
	s1 =	sadd.s32 $0x193800, s1;
	s31 =	sadd.s32 s7, s5  }
0xf: {  	v0 =	vand.u32 $0x7, v2;
	v2 =	vor.u32 $0x8, v2;
	v1 =	vmul.u32 $0x8, v1;
	s7 =	smax.u32 s8, $0x1;
	[dreg:$0x2] =	wrdreg s1;
	s8 =	sadd.s32 s0, s31  }
.LBB2_4:
0x10: {  	s21 =	sadd.s32 $0x1, s21  }
0x11: {  	p0 =	sne.s32 s21, s7  }
.Ltmp1:
0x12: {  	_ = 	snop;
	(pc) =	sbr.rel @!p0 .LBB2_5-.Ltmp1, $4  }
0x13: {  	_ = 	snop  }
0x14: {  	_ =	swait.ge [sflag:s20], $0x3000  }
0x15: {  	[sflag:s20] =	ssyncset.done $0x0  }
0x16: {  	[sflag:s20] =	ssyncadd.s32 $0xFFFFD000  }
.LBB2_1:
0x17: {  	s0 =	rddreg [dreg:$0x2]  }
0x18: {  	[tilespmem:s3], [sflag:$0x9] =	stream.linear.gather [hbm4b:s0+s3], $0x540, $0x38;
	[tilespmem:$0xC580] =	vst v63  }
0x19: {  	_ =	swait.ge [sflag:s9], $0x540  }
0x1a: {  	[sflag:s9] =	ssyncset.done $0x0  }
0x1b: {  	[sflag:s9] =	ssyncadd.s32 $0xFFFFFAC0  }
0x1c: {  	v3 =	vld [tilespmem:$0x0];
	_ =	sdelay $0x4  }
0x1d: {  	v4 =	vshll.u32 v3, $0x1  }
0x1e: {  	v3 =	vand.u32 $0x7, v3;
	v4 =	vand.u32 $0xFFFFFFF0, v4  }
0x1f: {  	v3 =	vor.u32 v3, v4  }
0x20: {  	v4 =	vperm.xlane v3, v0;
	_ =	sdelay $0x1  }
0x21: {  	v3 =	vperm.xlane v3, v2;
	v4 =	vadd.s32 v1, v4;
	_ =	sdelay $0x1  }
0x22: {  	v3 =	vadd.s32 v1, v3;
	_ =	sdelay $0x2  }
0x23: {  	[tilespmem:s10], [sflag:$0x1] =	stream.indirect_vreg.gather [hbm4b:s4+s3], $0x80, v4, vm0, $0xb8;
	[tilespmem:$0xC580] =	vst v63  }
0x24: {  	s1 =	simm.s32 $0xD80  }
0x25: {  	[tilespmem:s1], [sflag:$0x1] =	stream.indirect_vreg.gather [hbm4b:s4+s3], $0x80, v3, vm0, $0xb8;
	[tilespmem:$0xC580] =	vst v63  }
0x26: {  	v3 =	vld [tilespmem:$0x10];
	_ =	sdelay $0x4  }
0x27: {  	v53 =	vshll.u32 v3, $0x1  }
0x28: {  	v3 =	vand.u32 $0x7, v3;
	v4 =	vand.u32 $0xFFFFFFF0, v53  }
0x29: {  	v3 =	vor.u32 v3, v4  }
0x2a: {  	v4 =	vperm.xlane v3, v0;
	_ =	sdelay $0x1  }
0x2b: {  	v3 =	vperm.xlane v3, v2;
	v4 =	vadd.s32 v1, v4;
	_ =	sdelay $0x1  }
0x2c: {  	v3 =	vadd.s32 v1, v3;
	_ =	sdelay $0x1  }
0x2d: {  	s6 =	simm.s32 $0x1580  }
0x2e: {  	[tilespmem:s6], [sflag:$0x1] =	stream.indirect_vreg.gather [hbm4b:s4+s3], $0x80, v4, vm0, $0xb8;
	[tilespmem:$0xC580] =	vst v63  }
0x2f: {  	s11 =	simm.s32 $0x1D80  }
0x30: {  	[tilespmem:s11], [sflag:$0x1] =	stream.indirect_vreg.gather [hbm4b:s4+s3], $0x80, v3, vm0, $0xb8;
	[tilespmem:$0xC580] =	vst v63  }
0x31: {  	v3 =	vld [tilespmem:$0x20];
	_ =	sdelay $0x4  }
0x32: {  	v54 =	vshll.u32 v3, $0x1  }
0x33: {  	v3 =	vand.u32 $0x7, v3;
	v4 =	vand.u32 $0xFFFFFFF0, v54  }
0x34: {  	v3 =	vor.u32 v3, v4  }
0x35: {  	v4 =	vperm.xlane v3, v0;
	_ =	sdelay $0x1  }
0x36: {  	v3 =	vperm.xlane v3, v2;
	v4 =	vadd.s32 v1, v4;
	_ =	sdelay $0x1  }
0x37: {  	v3 =	vadd.s32 v1, v3;
	_ =	sdelay $0x1  }
0x38: {  	s1 =	simm.s32 $0x2580  }
0x39: {  	[tilespmem:s1], [sflag:$0x1] =	stream.indirect_vreg.gather [hbm4b:s4+s3], $0x80, v4, vm0, $0xb8;
	[tilespmem:$0xC580] =	vst v63  }
0x3a: {  	s6 =	simm.s32 $0x2D80  }
0x3b: {  	[tilespmem:s6], [sflag:$0x1] =	stream.indirect_vreg.gather [hbm4b:s4+s3], $0x80, v3, vm0, $0xb8;
	[tilespmem:$0xC580] =	vst v63  }
0x3c: {  	v3 =	vld [tilespmem:$0x30];
	_ =	sdelay $0x4  }
0x3d: {  	v55 =	vshll.u32 v3, $0x1  }
0x3e: {  	v3 =	vand.u32 $0x7, v3;
	v4 =	vand.u32 $0xFFFFFFF0, v55  }
0x3f: {  	v3 =	vor.u32 v3, v4  }
0x40: {  	v4 =	vperm.xlane v3, v0;
	_ =	sdelay $0x1  }
0x41: {  	v3 =	vperm.xlane v3, v2;
	v4 =	vadd.s32 v1, v4;
	_ =	sdelay $0x1  }
0x42: {  	v3 =	vadd.s32 v1, v3;
	_ =	sdelay $0x2  }
0x43: {  	[tilespmem:s16], [sflag:$0x2] =	stream.indirect_vreg.gather [hbm4b:s4+s3], $0x80, v4, vm0, $0xb8;
	[tilespmem:$0xC580] =	vst v63  }
0x44: {  	s11 =	simm.s32 $0x3D80  }
0x45: {  	[tilespmem:s11], [sflag:$0x2] =	stream.indirect_vreg.gather [hbm4b:s4+s3], $0x80, v3, vm0, $0xb8;
	[tilespmem:$0xC580] =	vst v63  }
0x46: {  	v3 =	vld [tilespmem:$0x40];
	_ =	sdelay $0x4  }
0x47: {  	v56 =	vshll.u32 v3, $0x1  }
0x48: {  	v3 =	vand.u32 $0x7, v3;
	v4 =	vand.u32 $0xFFFFFFF0, v56  }
0x49: {  	v3 =	vor.u32 v3, v4  }
0x4a: {  	v4 =	vperm.xlane v3, v0;
	_ =	sdelay $0x1  }
0x4b: {  	v3 =	vperm.xlane v3, v2;
	v4 =	vadd.s32 v1, v4;
	_ =	sdelay $0x1  }
0x4c: {  	v3 =	vadd.s32 v1, v3;
	_ =	sdelay $0x1  }
0x4d: {  	s1 =	simm.s32 $0x4580  }
0x4e: {  	[tilespmem:s1], [sflag:$0x2] =	stream.indirect_vreg.gather [hbm4b:s4+s3], $0x80, v4, vm0, $0xb8;
	[tilespmem:$0xC580] =	vst v63  }
0x4f: {  	s6 =	simm.s32 $0x4D80  }
0x50: {  	[tilespmem:s6], [sflag:$0x2] =	stream.indirect_vreg.gather [hbm4b:s4+s3], $0x80, v3, vm0, $0xb8;
	[tilespmem:$0xC580] =	vst v63  }
0x51: {  	v3 =	vld [tilespmem:$0x50];
	_ =	sdelay $0x4  }
0x52: {  	v57 =	vshll.u32 v3, $0x1  }
0x53: {  	v3 =	vand.u32 $0x7, v3;
	v4 =	vand.u32 $0xFFFFFFF0, v57  }
0x54: {  	v3 =	vor.u32 v3, v4  }
0x55: {  	v4 =	vperm.xlane v3, v0;
	_ =	sdelay $0x1  }
0x56: {  	v3 =	vperm.xlane v3, v2;
	v4 =	vadd.s32 v1, v4;
	_ =	sdelay $0x1  }
0x57: {  	v3 =	vadd.s32 v1, v3;
	_ =	sdelay $0x1  }
0x58: {  	s11 =	simm.s32 $0x5580  }
0x59: {  	[tilespmem:s11], [sflag:$0x2] =	stream.indirect_vreg.gather [hbm4b:s4+s3], $0x80, v4, vm0, $0xb8;
	[tilespmem:$0xC580] =	vst v63  }
0x5a: {  	s1 =	simm.s32 $0x5D80  }
0x5b: {  	[tilespmem:s1], [sflag:$0x2] =	stream.indirect_vreg.gather [hbm4b:s4+s3], $0x80, v3, vm0, $0xb8;
	[tilespmem:$0xC580] =	vst v63  }
0x5c: {  	v3 =	vld [tilespmem:$0x60];
	_ =	sdelay $0x4  }
0x5d: {  	v58 =	vshll.u32 v3, $0x1  }
0x5e: {  	v3 =	vand.u32 $0x7, v3;
	v4 =	vand.u32 $0xFFFFFFF0, v58  }
0x5f: {  	v3 =	vor.u32 v3, v4  }
0x60: {  	v4 =	vperm.xlane v3, v0;
	_ =	sdelay $0x1  }
0x61: {  	v3 =	vperm.xlane v3, v2;
	v4 =	vadd.s32 v1, v4;
	_ =	sdelay $0x1  }
0x62: {  	v3 =	vadd.s32 v1, v3;
	_ =	sdelay $0x2  }
0x63: {  	[tilespmem:s22], [sflag:$0x3] =	stream.indirect_vreg.gather [hbm4b:s4+s3], $0x80, v4, vm0, $0xb8;
	[tilespmem:$0xC580] =	vst v63  }
0x64: {  	_ = 	snop  }
0x65: {  	[tilespmem:s23], [sflag:$0x3] =	stream.indirect_vreg.gather [hbm4b:s4+s3], $0x80, v3, vm0, $0xb8;
	[tilespmem:$0xC580] =	vst v63  }
0x66: {  	v3 =	vld [tilespmem:$0x70];
	_ =	sdelay $0x4  }
0x67: {  	v59 =	vshll.u32 v3, $0x1  }
0x68: {  	v3 =	vand.u32 $0x7, v3;
	v4 =	vand.u32 $0xFFFFFFF0, v59  }
0x69: {  	v3 =	vor.u32 v3, v4  }
0x6a: {  	v4 =	vperm.xlane v3, v0;
	_ =	sdelay $0x1  }
0x6b: {  	v3 =	vperm.xlane v3, v2;
	v4 =	vadd.s32 v1, v4;
	_ =	sdelay $0x1  }
0x6c: {  	v3 =	vadd.s32 v1, v3;
	_ =	sdelay $0x2  }
0x6d: {  	[tilespmem:s24], [sflag:$0x3] =	stream.indirect_vreg.gather [hbm4b:s4+s3], $0x80, v4, vm0, $0xb8;
	[tilespmem:$0xC580] =	vst v63  }
0x6e: {  	_ = 	snop  }
0x6f: {  	[tilespmem:s25], [sflag:$0x3] =	stream.indirect_vreg.gather [hbm4b:s4+s3], $0x80, v3, vm0, $0xb8;
	[tilespmem:$0xC580] =	vst v63  }
0x70: {  	v3 =	vld [tilespmem:$0x80];
	_ =	sdelay $0x4  }
0x71: {  	v60 =	vshll.u32 v3, $0x1  }
0x72: {  	v3 =	vand.u32 $0x7, v3;
	v4 =	vand.u32 $0xFFFFFFF0, v60  }
0x73: {  	v3 =	vor.u32 v3, v4  }
0x74: {  	v4 =	vperm.xlane v3, v0;
	_ =	sdelay $0x1  }
0x75: {  	v3 =	vperm.xlane v3, v2;
	v4 =	vadd.s32 v1, v4;
	_ =	sdelay $0x1  }
0x76: {  	v3 =	vadd.s32 v1, v3;
	_ =	sdelay $0x2  }
0x77: {  	[tilespmem:s26], [sflag:$0x3] =	stream.indirect_vreg.gather [hbm4b:s4+s3], $0x80, v4, vm0, $0xb8;
	[tilespmem:$0xC580] =	vst v63  }
0x78: {  	_ = 	snop  }
0x79: {  	[tilespmem:s28], [sflag:$0x3] =	stream.indirect_vreg.gather [hbm4b:s4+s3], $0x80, v3, vm0, $0xb8;
	[tilespmem:$0xC580] =	vst v63  }
0x7a: {  	v3 =	vld [tilespmem:$0x90];
	_ =	sdelay $0x4  }
0x7b: {  	v61 =	vshll.u32 v3, $0x1  }
0x7c: {  	v3 =	vand.u32 $0x7, v3;
	v4 =	vand.u32 $0xFFFFFFF0, v61  }
0x7d: {  	v3 =	vor.u32 v3, v4  }
0x7e: {  	v4 =	vperm.xlane v3, v0;
	_ =	sdelay $0x1  }
0x7f: {  	v3 =	vperm.xlane v3, v2;
	v4 =	vadd.s32 v1, v4;
	_ =	sdelay $0x1  }
0x80: {  	v3 =	vadd.s32 v1, v3;
	_ =	sdelay $0x2  }
0x81: {  	[tilespmem:s29], [sflag:$0x4] =	stream.indirect_vreg.gather [hbm4b:s4+s3], $0x80, v4, vm0, $0xb8;
	[tilespmem:$0xC580] =	vst v63  }
0x82: {  	s6 =	simm.s32 $0x9D80  }
0x83: {  	[tilespmem:s6], [sflag:$0x4] =	stream.indirect_vreg.gather [hbm4b:s4+s3], $0x80, v3, vm0, $0xb8;
	[tilespmem:$0xC580] =	vst v63  }
0x84: {  	v3 =	vld [tilespmem:$0xA0];
	_ =	sdelay $0x4  }
0x85: {  	v62 =	vshll.u32 v3, $0x1  }
0x86: {  	v3 =	vand.u32 $0x7, v3;
	v4 =	vand.u32 $0xFFFFFFF0, v62  }
0x87: {  	v3 =	vor.u32 v3, v4  }
0x88: {  	v4 =	vperm.xlane v3, v0;
	_ =	sdelay $0x1  }
0x89: {  	v3 =	vperm.xlane v3, v2;
	v4 =	vadd.s32 v1, v4;
	_ =	sdelay $0x1  }
0x8a: {  	v3 =	vadd.s32 v1, v3;
	_ =	sdelay $0x1  }
0x8b: {  	s11 =	simm.s32 $0xA580  }
0x8c: {  	[tilespmem:s11], [sflag:$0x4] =	stream.indirect_vreg.gather [hbm4b:s4+s3], $0x80, v4, vm0, $0xb8;
	[tilespmem:$0xC580] =	vst v63  }
0x8d: {  	s1 =	simm.s32 $0xAD80  }
0x8e: {  	[tilespmem:s1], [sflag:$0x4] =	stream.indirect_vreg.gather [hbm4b:s4+s3], $0x80, v3, vm0, $0xb8;
	[tilespmem:$0xC580] =	vst v63  }
0x8f: {  	v3 =	vld [tilespmem:$0xB0];
	_ =	sdelay $0x4  }
0x90: {  	v63 =	vshll.u32 v3, $0x1  }
0x91: {  	v3 =	vand.u32 $0x7, v3;
	v4 =	vand.u32 $0xFFFFFFF0, v63  }
0x92: {  	v3 =	vor.u32 v3, v4  }
0x93: {  	v4 =	vperm.xlane v3, v0;
	_ =	sdelay $0x1  }
0x94: {  	v3 =	vperm.xlane v3, v2;
	v4 =	vadd.s32 v1, v4;
	_ =	sdelay $0x1  }
0x95: {  	v3 =	vadd.s32 v1, v3;
	_ =	sdelay $0x1  }
0x96: {  	s30 =	simm.s32 $0xA0;
	s6 =	simm.s32 $0xB580  }
0x97: {  	[tilespmem:s6], [sflag:$0x4] =	stream.indirect_vreg.gather [hbm4b:s4+s3], $0x80, v4, vm0, $0xb8;
	[tilespmem:$0xC580] =	vst v63  }
0x98: {  	s31 =	simm.s32 $0x90;
	s11 =	simm.s32 $0xBD80;
	s1 =	simm.s32 $0x0  }
0x99: {  	[tilespmem:s11], [sflag:$0x4] =	stream.indirect_vreg.gather [hbm4b:s4+s3], $0x80, v3, vm0, $0xb8;
	[tilespmem:$0xC580] =	vst v63  }
.LBB2_2:
0x9a: {  	_ =	swait.ge [sflag:s12], $0x3000  }
0x9b: {  	p0 =	seq.s32 s1, $0x0;
	[sflag:s12] =	ssyncset.done $0x0  }
0x9c: {  	s0 =	sadd.s32 s1, s8;
	s11 =	simm.s32 @!p0 $0x8;
	[sflag:s12] =	ssyncadd.s32 $0xFFFFD000  }
0x9d: {  	[hbm4b:s0+s3] =	stream.linear.scatter [tilespmem:s10], [sflag:$0x5], $0x3000, $0x38;
	[tilespmem:$0xC580] =	vst v63  }
0x9e: {  	_ =	swait.ge @!p0 [sflag:s11], $0x3000  }
0x9f: {  	[sflag:s11] =	ssyncset.done @!p0 $0x0  }
0xa0: {  	[sflag:s11] =	ssyncadd.s32 @!p0 $0xFFFFD000  }
0xa1: {  	v3 =	vld @!p0 [tilespmem:s30+$0xFFFFFFF0];
	_ =	sdelay $0x4  }
0xa2: {  	v4 =	vshll.u32 @!p0 v3, $0x1  }
0xa3: {  	v5 =	vlaneseq.u32 @!p0;
	v3 =	vand.u32 @!p0 $0x7, v3;
	v4 =	vand.u32 @!p0 $0xFFFFFFF0, v4  }
0xa4: {  	v6 =	vshrl.u32 @!p0 v5, $0x3;
	v3 =	vor.u32 @!p0 v3, v4;
	v4 =	vand.u32 @!p0 $0x7, v5  }
0xa5: {  	v6 =	vmul.u32 @!p0 $0x8, v6;
	v7 =	vperm.xlane @!p0 v3, v4  }
0xa6: {  	v5 =	vor.u32 @!p0 $0x8, v5  }
0xa7: {  	v3 =	vperm.xlane @!p0 v3, v5;
	v7 =	vadd.s32 @!p0 v6, v7;
	_ =	sdelay $0x1  }
0xa8: {  	v3 =	vadd.s32 @!p0 v6, v3;
	_ =	sdelay $0x1  }
0xa9: {  	vm1 =	vmmov @!p0 $0xffff;
	s6 =	simm.s32 @!p0 $0x9580;
	s11 =	simm.s32 @!p0 $0x0  }
0xaa: {  	[tilespmem:s6], [sflag:$0x4] =	stream.indirect_vreg.gather @!p0 [hbm4b:s4+s11], $0x80, v7, vm1, $0xb8;
	[tilespmem:$0xC580] =	vst v63  }
0xab: {  	s6 =	simm.s32 @!p0 $0x9D80  }
0xac: {  	[tilespmem:s6], [sflag:$0x4] =	stream.indirect_vreg.gather @!p0 [hbm4b:s4+s11], $0x80, v3, vm1, $0xb8;
	[tilespmem:$0xC580] =	vst v63  }
0xad: {  	v3 =	vld @!p0 [tilespmem:s30+$0x0];
	_ =	sdelay $0x4  }
0xae: {  	v7 =	vshll.u32 @!p0 v3, $0x1  }
0xaf: {  	v3 =	vand.u32 @!p0 $0x7, v3;
	v7 =	vand.u32 @!p0 $0xFFFFFFF0, v7  }
0xb0: {  	v3 =	vor.u32 @!p0 v3, v7  }
0xb1: {  	v7 =	vperm.xlane @!p0 v3, v4;
	_ =	sdelay $0x1  }
0xb2: {  	v3 =	vperm.xlane @!p0 v3, v5;
	v7 =	vadd.s32 @!p0 v6, v7;
	_ =	sdelay $0x1  }
0xb3: {  	v3 =	vadd.s32 @!p0 v6, v3;
	_ =	sdelay $0x1  }
0xb4: {  	s6 =	simm.s32 @!p0 $0xA580  }
0xb5: {  	[tilespmem:s6], [sflag:$0x4] =	stream.indirect_vreg.gather @!p0 [hbm4b:s4+s11], $0x80, v7, vm1, $0xb8;
	[tilespmem:$0xC580] =	vst v63  }
0xb6: {  	s6 =	simm.s32 @!p0 $0xAD80  }
0xb7: {  	[tilespmem:s6], [sflag:$0x4] =	stream.indirect_vreg.gather @!p0 [hbm4b:s4+s11], $0x80, v3, vm1, $0xb8;
	[tilespmem:$0xC580] =	vst v63  }
0xb8: {  	v3 =	vld @!p0 [tilespmem:s30+$0x10];
	_ =	sdelay $0x4  }
0xb9: {  	v7 =	vshll.u32 @!p0 v3, $0x1  }
0xba: {  	v3 =	vand.u32 @!p0 $0x7, v3;
	v7 =	vand.u32 @!p0 $0xFFFFFFF0, v7  }
0xbb: {  	v3 =	vor.u32 @!p0 v3, v7  }
0xbc: {  	v4 =	vperm.xlane @!p0 v3, v4;
	_ =	sdelay $0x1  }
0xbd: {  	v3 =	vperm.xlane @!p0 v3, v5;
	v4 =	vadd.s32 @!p0 v6, v4;
	_ =	sdelay $0x1  }
0xbe: {  	v3 =	vadd.s32 @!p0 v6, v3;
	_ =	sdelay $0x1  }
0xbf: {  	s6 =	simm.s32 @!p0 $0xB580  }
0xc0: {  	[tilespmem:s6], [sflag:$0x4] =	stream.indirect_vreg.gather @!p0 [hbm4b:s4+s11], $0x80, v4, vm1, $0xb8;
	[tilespmem:$0xC580] =	vst v63  }
0xc1: {  	s6 =	simm.s32 @!p0 $0xBD80  }
0xc2: {  	[tilespmem:s6], [sflag:$0x4] =	stream.indirect_vreg.gather @!p0 [hbm4b:s4+s11], $0x80, v3, vm1, $0xb8;
	[tilespmem:$0xC580] =	vst v63  }
0xc3: {  	_ =	swait.ge [sflag:s13], $0x3000  }
0xc4: {  	[sflag:s13] =	ssyncset.done $0x0  }
0xc5: {  	s11 =	sadd.s32 $0x600, s0;
	[sflag:s13] =	ssyncadd.s32 $0xFFFFD000  }
0xc6: {  	[hbm4b:s11+s3] =	stream.linear.scatter [tilespmem:s16], [sflag:$0x6], $0x3000, $0x38;
	[tilespmem:$0xC580] =	vst v63  }
0xc7: {  	_ =	swait.ge [sflag:s14], $0x3000  }
0xc8: {  	[sflag:s14] =	ssyncset.done $0x0  }
0xc9: {  	p1 =	seq.s32 s1, $0x9000;
	[sflag:s14] =	ssyncadd.s32 $0xFFFFD000  }
0xca: {  	v3 =	vld @!p1 [tilespmem:s30+$0x20];
	_ =	sdelay $0x4  }
0xcb: {  	v4 =	vshll.u32 @!p1 v3, $0x1  }
0xcc: {  	v5 =	vlaneseq.u32 @!p1;
	v3 =	vand.u32 @!p1 $0x7, v3;
	v4 =	vand.u32 @!p1 $0xFFFFFFF0, v4  }
0xcd: {  	v6 =	vshrl.u32 @!p1 v5, $0x3;
	v3 =	vor.u32 @!p1 v3, v4;
	v4 =	vand.u32 @!p1 $0x7, v5  }
0xce: {  	v6 =	vmul.u32 @!p1 $0x8, v6;
	v7 =	vperm.xlane @!p1 v3, v4  }
0xcf: {  	v5 =	vor.u32 @!p1 $0x8, v5  }
0xd0: {  	v3 =	vperm.xlane @!p1 v3, v5;
	v7 =	vadd.s32 @!p1 v6, v7;
	_ =	sdelay $0x1  }
0xd1: {  	v3 =	vadd.s32 @!p1 v6, v3;
	_ =	sdelay $0x1  }
0xd2: {  	vm1 =	vmmov @!p1 $0xffff;
	s6 =	simm.s32 @!p1 $0x580;
	s11 =	simm.s32 @!p1 $0x0  }
0xd3: {  	[tilespmem:s6], [sflag:$0x1] =	stream.indirect_vreg.gather @!p1 [hbm4b:s4+s11], $0x80, v7, vm1, $0xb8;
	[tilespmem:$0xC580] =	vst v63  }
0xd4: {  	s6 =	simm.s32 @!p1 $0xD80  }
0xd5: {  	[tilespmem:s6], [sflag:$0x1] =	stream.indirect_vreg.gather @!p1 [hbm4b:s4+s11], $0x80, v3, vm1, $0xb8;
	[tilespmem:$0xC580] =	vst v63  }
0xd6: {  	v3 =	vld @!p1 [tilespmem:s30+$0x30];
	_ =	sdelay $0x4  }
0xd7: {  	v7 =	vshll.u32 @!p1 v3, $0x1  }
0xd8: {  	v3 =	vand.u32 @!p1 $0x7, v3;
	v7 =	vand.u32 @!p1 $0xFFFFFFF0, v7  }
0xd9: {  	v3 =	vor.u32 @!p1 v3, v7  }
0xda: {  	v7 =	vperm.xlane @!p1 v3, v4;
	_ =	sdelay $0x1  }
0xdb: {  	v3 =	vperm.xlane @!p1 v3, v5;
	v7 =	vadd.s32 @!p1 v6, v7;
	_ =	sdelay $0x1  }
0xdc: {  	v3 =	vadd.s32 @!p1 v6, v3;
	_ =	sdelay $0x1  }
0xdd: {  	s6 =	simm.s32 @!p1 $0x1580  }
0xde: {  	[tilespmem:s6], [sflag:$0x1] =	stream.indirect_vreg.gather @!p1 [hbm4b:s4+s11], $0x80, v7, vm1, $0xb8;
	[tilespmem:$0xC580] =	vst v63  }
0xdf: {  	s6 =	simm.s32 @!p1 $0x1D80  }
0xe0: {  	[tilespmem:s6], [sflag:$0x1] =	stream.indirect_vreg.gather @!p1 [hbm4b:s4+s11], $0x80, v3, vm1, $0xb8;
	[tilespmem:$0xC580] =	vst v63  }
0xe1: {  	v3 =	vld @!p1 [tilespmem:s30+$0x40];
	_ =	sdelay $0x4  }
0xe2: {  	v7 =	vshll.u32 @!p1 v3, $0x1  }
0xe3: {  	v3 =	vand.u32 @!p1 $0x7, v3;
	v7 =	vand.u32 @!p1 $0xFFFFFFF0, v7  }
0xe4: {  	v3 =	vor.u32 @!p1 v3, v7  }
0xe5: {  	v7 =	vperm.xlane @!p1 v3, v4;
	_ =	sdelay $0x1  }
0xe6: {  	v3 =	vperm.xlane @!p1 v3, v5;
	v7 =	vadd.s32 @!p1 v6, v7;
	_ =	sdelay $0x1  }
0xe7: {  	v3 =	vadd.s32 @!p1 v6, v3;
	_ =	sdelay $0x1  }
0xe8: {  	s6 =	simm.s32 @!p1 $0x2580  }
0xe9: {  	[tilespmem:s6], [sflag:$0x1] =	stream.indirect_vreg.gather @!p1 [hbm4b:s4+s11], $0x80, v7, vm1, $0xb8;
	[tilespmem:$0xC580] =	vst v63  }
0xea: {  	s6 =	simm.s32 @!p1 $0x2D80  }
0xeb: {  	[tilespmem:s6], [sflag:$0x1] =	stream.indirect_vreg.gather @!p1 [hbm4b:s4+s11], $0x80, v3, vm1, $0xb8;
	[tilespmem:$0xC580] =	vst v63  }
0xec: {  	_ =	swait.ge [sflag:s15], $0x3000  }
0xed: {  	[sflag:s15] =	ssyncset.done $0x0  }
0xee: {  	s0 =	sadd.s32 $0xC00, s0;
	[sflag:s15] =	ssyncadd.s32 $0xFFFFD000  }
0xef: {  	[hbm4b:s0+s3] =	stream.linear.scatter [tilespmem:s22], [sflag:$0x7], $0x3000, $0x38;
	[tilespmem:$0xC580] =	vst v63  }
0xf0: {  	_ =	swait.ge [sflag:s17], $0x3000  }
0xf1: {  	[sflag:s17] =	ssyncset.done $0x0  }
0xf2: {  	[sflag:s17] =	ssyncadd.s32 $0xFFFFD000  }
0xf3: {  	v3 =	vld @!p1 [tilespmem:s30+$0x50];
	_ =	sdelay $0x4  }
0xf4: {  	v7 =	vshll.u32 @!p1 v3, $0x1  }
0xf5: {  	v3 =	vand.u32 @!p1 $0x7, v3;
	v7 =	vand.u32 @!p1 $0xFFFFFFF0, v7  }
0xf6: {  	v3 =	vor.u32 @!p1 v3, v7  }
0xf7: {  	v7 =	vperm.xlane @!p1 v3, v4;
	_ =	sdelay $0x1  }
0xf8: {  	v3 =	vperm.xlane @!p1 v3, v5;
	v7 =	vadd.s32 @!p1 v6, v7;
	_ =	sdelay $0x1  }
0xf9: {  	v3 =	vadd.s32 @!p1 v6, v3;
	_ =	sdelay $0x1  }
0xfa: {  	s0 =	simm.s32 @!p1 $0x3580  }
0xfb: {  	[tilespmem:s0], [sflag:$0x2] =	stream.indirect_vreg.gather @!p1 [hbm4b:s4+s11], $0x80, v7, vm1, $0xb8;
	[tilespmem:$0xC580] =	vst v63  }
0xfc: {  	s0 =	simm.s32 @!p1 $0x3D80  }
0xfd: {  	[tilespmem:s0], [sflag:$0x2] =	stream.indirect_vreg.gather @!p1 [hbm4b:s4+s11], $0x80, v3, vm1, $0xb8;
	[tilespmem:$0xC580] =	vst v63  }
0xfe: {  	v3 =	vld @!p1 [tilespmem:s30+$0x60];
	_ =	sdelay $0x4  }
0xff: {  	v7 =	vshll.u32 @!p1 v3, $0x1  }
0x100: {  	v3 =	vand.u32 @!p1 $0x7, v3;
	v7 =	vand.u32 @!p1 $0xFFFFFFF0, v7  }
0x101: {  	v3 =	vor.u32 @!p1 v3, v7  }
0x102: {  	v7 =	vperm.xlane @!p1 v3, v4;
	_ =	sdelay $0x1  }
0x103: {  	v3 =	vperm.xlane @!p1 v3, v5;
	v7 =	vadd.s32 @!p1 v6, v7;
	_ =	sdelay $0x1  }
0x104: {  	v3 =	vadd.s32 @!p1 v6, v3;
	_ =	sdelay $0x1  }
0x105: {  	s0 =	simm.s32 @!p1 $0x4580  }
0x106: {  	[tilespmem:s0], [sflag:$0x2] =	stream.indirect_vreg.gather @!p1 [hbm4b:s4+s11], $0x80, v7, vm1, $0xb8;
	[tilespmem:$0xC580] =	vst v63  }
0x107: {  	s0 =	simm.s32 @!p1 $0x4D80  }
0x108: {  	[tilespmem:s0], [sflag:$0x2] =	stream.indirect_vreg.gather @!p1 [hbm4b:s4+s11], $0x80, v3, vm1, $0xb8;
	[tilespmem:$0xC580] =	vst v63  }
0x109: {  	v3 =	vld @!p1 [tilespmem:s30+$0x70];
	_ =	sdelay $0x4  }
0x10a: {  	v7 =	vshll.u32 @!p1 v3, $0x1  }
0x10b: {  	v3 =	vand.u32 @!p1 $0x7, v3;
	v7 =	vand.u32 @!p1 $0xFFFFFFF0, v7  }
0x10c: {  	v3 =	vor.u32 @!p1 v3, v7  }
0x10d: {  	v4 =	vperm.xlane @!p1 v3, v4;
	_ =	sdelay $0x1  }
0x10e: {  	v3 =	vperm.xlane @!p1 v3, v5;
	v4 =	vadd.s32 @!p1 v6, v4;
	_ =	sdelay $0x1  }
0x10f: {  	v3 =	vadd.s32 @!p1 v6, v3;
	_ =	sdelay $0x1  }
0x110: {  	s6 =	smov.u32 s31;
	s0 =	simm.s32 @!p1 $0x5580  }
0x111: {  	[tilespmem:s0], [sflag:$0x2] =	stream.indirect_vreg.gather @!p1 [hbm4b:s4+s11], $0x80, v4, vm1, $0xb8;
	[tilespmem:$0xC580] =	vst v63  }
0x112: {  	s6 =	simm.s32 @p0 $0x90;
	s0 =	simm.s32 @!p1 $0x5D80  }
0x113: {  	[tilespmem:s0], [sflag:$0x2] =	stream.indirect_vreg.gather @!p1 [hbm4b:s4+s11], $0x80, v3, vm1, $0xb8;
	[tilespmem:$0xC580] =	vst v63  }
0x114: {  	s11 =	sadd.s32 s2, s6;
	_ =	swait.ge [sflag:s18], $0x3000  }
0x115: {  	s0 =	sshll.u32 s11, $0x5;
	[sflag:s18] =	ssyncset.done $0x0  }
.Ltmp2:
0x116: {  	s0 =	sadd.s32 s5, s0;
	[sflag:s18] =	ssyncadd.s32 $0xFFFFD000;
	(pc) =	sbr.rel @p1 .LBB2_4-.Ltmp2, $4  }
0x117: {  	[hbm4b:s0+s3] =	stream.linear.scatter [tilespmem:s29], [sflag:$0x8], $0x3000, $0x38;
	[tilespmem:$0xC580] =	vst v63  }
0x118: {  	_ =	swait.ge [sflag:s19], $0x3000  }
0x119: {  	[sflag:s19] =	ssyncset.done $0x0  }
0x11a: {  	[sflag:s19] =	ssyncadd.s32 $0xFFFFD000  }
0x11b: {  	v3 =	vld [tilespmem:s30+$0x80];
	_ =	sdelay $0x4  }
0x11c: {  	v4 =	vshll.u32 v3, $0x1  }
0x11d: {  	v3 =	vand.u32 $0x7, v3;
	v4 =	vand.u32 $0xFFFFFFF0, v4  }
0x11e: {  	v3 =	vor.u32 v3, v4  }
0x11f: {  	v4 =	vperm.xlane v3, v0;
	_ =	sdelay $0x1  }
0x120: {  	v3 =	vperm.xlane v3, v2;
	v4 =	vadd.s32 v1, v4;
	_ =	sdelay $0x1  }
0x121: {  	v3 =	vadd.s32 v1, v3;
	_ =	sdelay $0x2  }
0x122: {  	[tilespmem:s22], [sflag:$0x3] =	stream.indirect_vreg.gather [hbm4b:s4+s3], $0x80, v4, vm0, $0xb8;
	[tilespmem:$0xC580] =	vst v63  }
0x123: {  	_ = 	snop  }
0x124: {  	[tilespmem:s23], [sflag:$0x3] =	stream.indirect_vreg.gather [hbm4b:s4+s3], $0x80, v3, vm0, $0xb8;
	[tilespmem:$0xC580] =	vst v63  }
0x125: {  	v3 =	vld [tilespmem:s30+$0x90];
	_ =	sdelay $0x4  }
0x126: {  	v62 =	vshll.u32 v3, $0x1  }
0x127: {  	v3 =	vand.u32 $0x7, v3;
	v4 =	vand.u32 $0xFFFFFFF0, v62  }
0x128: {  	v3 =	vor.u32 v3, v4  }
0x129: {  	v4 =	vperm.xlane v3, v0;
	_ =	sdelay $0x1  }
0x12a: {  	v3 =	vperm.xlane v3, v2;
	v4 =	vadd.s32 v1, v4;
	_ =	sdelay $0x1  }
0x12b: {  	v3 =	vadd.s32 v1, v3;
	_ =	sdelay $0x2  }
0x12c: {  	[tilespmem:s24], [sflag:$0x3] =	stream.indirect_vreg.gather [hbm4b:s4+s3], $0x80, v4, vm0, $0xb8;
	[tilespmem:$0xC580] =	vst v63  }
0x12d: {  	_ = 	snop  }
0x12e: {  	[tilespmem:s25], [sflag:$0x3] =	stream.indirect_vreg.gather [hbm4b:s4+s3], $0x80, v3, vm0, $0xb8;
	[tilespmem:$0xC580] =	vst v63  }
0x12f: {  	v3 =	vld [tilespmem:s30+$0xA0];
	_ =	sdelay $0x4  }
0x130: {  	v63 =	vshll.u32 v3, $0x1  }
0x131: {  	v3 =	vand.u32 $0x7, v3;
	v4 =	vand.u32 $0xFFFFFFF0, v63  }
0x132: {  	v3 =	vor.u32 v3, v4  }
0x133: {  	v4 =	vperm.xlane v3, v0;
	_ =	sdelay $0x1  }
0x134: {  	v3 =	vperm.xlane v3, v2;
	v4 =	vadd.s32 v1, v4;
	_ =	sdelay $0x1  }
0x135: {  	v3 =	vadd.s32 v1, v3  }
.Ltmp3:
0x136: {  	_ = 	snop;
	(pc) =	sbr.rel .LBB2_2-.Ltmp3, $4  }
0x137: {  	_ = 	snop  }
0x138: {  	[tilespmem:s26], [sflag:$0x3] =	stream.indirect_vreg.gather [hbm4b:s4+s3], $0x80, v4, vm0, $0xb8;
	[tilespmem:$0xC580] =	vst v63  }
0x139: {  	s1 =	sadd.s32 $0x1800, s1;
	s31 =	sadd.s32 $0xC0, s31;
	s30 =	sadd.s32 $0xC0, s30  }
0x13a: {  	[tilespmem:s28], [sflag:$0x3] =	stream.indirect_vreg.gather [hbm4b:s4+s3], $0x80, v3, vm0, $0xb8;
	[tilespmem:$0xC580] =	vst v63  }
.LBB2_5:
0x13b: {  	_ =	sfence.sel $0x180000  }
0x13c: {  	[bflag:$0x0] =	sbarrier.arrive $0xFFFF  }
0x13d: {  	_ =	strace $0x90000050  }
0x13e: {  	s0 =	stileid.u32;
	[bflag:$0x2] =	sbarrier.arrive $0xFFFF  }
0x13f: {  	p0 =	sne.s32 s0, $0x0;
	s0 =	rddreg [dreg:$0x1]  }
0x140: {  	s0 =	sadd.s32 @!p0 $0x100000, s0  }
0x141: {  	[sflag:s0] =	ssyncadd.tile.s32 @!p0 $0x1;
	_ =	shalt  }
.Lfunc_end2:
_tile_overlayer_lowered:
.L_overlay_start_2:
0x142: {  	(tag) =	ssettag $0x2  }
0x143: {  	s0 =	rddreg [dreg:$0x0];
	s2 =	stileid.u32  }
0x144: {  	s1 =	rddreg [dreg:$0x1];
	p0 =	sne.s32 s2, $0x0  }
0x145: {  	s3 =	rddreg [dreg:$0x2];
	[bflag:$0x3] =	sbarrier.arrive $0xFFFF;
	s2 =	simm.s32 @!p0 $0x1C09  }
0x146: {  	[timem:s3], [sflag:s2] =	dma.local @!p0 [hbm:s0], s1  }
0x147: {  	s0 =	simm.s32 @!p0 $0x9  }
0x148: {  	_ =	swait.ge @!p0 [sflag:s0], s1  }
0x149: {  	s1 =	ssub.s32 @!p0 $0x0, s1;
	[sflag:s0] =	ssyncset.done @!p0 $0x0  }
0x14a: {  	[sflag:s0] =	ssyncadd.s32 @!p0 s1  }
0x14b: {  	[bflag:$0x3] =	sbarrier.arrive $0xFFFF  }
0x14c: {  	_ =	shalt  }

</sc_bundles>
